<compile_context>
chip_gen: v7x
topology: tpu7x:2x2x1
jax: 0.10.2.dev20260603
libtpu: 0.0.44.dev20260713+nightly
codegen_flags: <defaults>
</compile_context>

<pallas_src>
import jax
import jax.numpy as jnp
from jax import lax
from jax.experimental import pallas as pl
from jax.experimental.pallas import tpu as pltpu
from jax.experimental.pallas import tpu_sc as plsc

_VOCAB = 4096
_N = 8192
_NC = 2
_NS = 16
_NW = _NC * _NS
_BPW = _N // _NW
_C = 8
_NB = 3
_NCHUNK = _BPW // _C
_L = 16

_TRB = 512


def _lse_body(table_ref, lse_ref):
    blk = table_ref[...]
    mx = jnp.max(blk, axis=1, keepdims=True)
    se = jnp.sum(jnp.exp(blk - mx), axis=1, keepdims=True)
    lse_ref[...] = mx + jnp.log(se)


def _sc_gather_body(
    table_ref,
    idx_ref,
    tgt_ref,
    out_ref,
    part_ref,
    hist_ref,
    idx_v,
    tgt_v,
    part_v,
    counts_v,
    rows0,
    rows1,
    rows2,
    gsem0,
    gsem1,
    gsem2,
    osem0,
    osem1,
    osem2,
):
    c = lax.axis_index("c")
    s = lax.axis_index("s")
    wid = s * _NC + c
    base = wid * _BPW
    bi = wid // (idx_ref.shape[1] // _BPW)
    off = (wid % (idx_ref.shape[1] // _BPW)) * _BPW

    pltpu.sync_copy(idx_ref.at[bi, pl.ds(off, _BPW)], idx_v)
    pltpu.sync_copy(tgt_ref.at[bi, pl.ds(off, _BPW)], tgt_v.at[pl.ds(0, _BPW)])

    rows = (rows0, rows1, rows2)
    gsem = (gsem0, gsem1, gsem2)
    osem = (osem0, osem1, osem2)
    g_cp = [None] * _NB
    o_cp = [None] * _NB

    lanes = lax.broadcasted_iota(jnp.int32, (_L,), 0)
    row_idx = lanes & (_C - 1)
    lo_mask = lanes < _C
    zero = jnp.zeros((_L,), jnp.float32)
    acc_pick = zero

    def start_gather(k):
        b = k % _NB
        g_cp[b] = pltpu.async_copy(
            table_ref.at[idx_v.at[pl.ds(k * _C, _C)]], rows[b], gsem[b]
        )

    for k in range(_NB):
        start_gather(k)

    for j in range(_NCHUNK):
        b = j % _NB
        g_cp[b].wait()
        o_cp[b] = pltpu.async_copy(
            rows[b], out_ref.at[pl.ds(base + j * _C, _C)], osem[b]
        )
        col = tgt_v[pl.ds(j * _C, _L)] & (_VOCAB - 1)
        g = plsc.load_gather(rows[b], [row_idx, col], mask=lo_mask)
        acc_pick = acc_pick + jnp.where(lo_mask, g, zero)
        k = j + _NB
        if k < _NCHUNK:
            o_cp[b].wait()
            start_gather(k)
    for cp in o_cp:
        cp.wait()
    part_v[...] = acc_pick
    pltpu.sync_copy(part_v, part_ref.at[pl.ds(wid * _L, _L)])

    for j in range(_VOCAB // _L):
        counts_v[pl.ds(j * _L, _L)] = zero
    ones = jnp.ones((_L,), jnp.float32)
    for j in range(_BPW // _L):
        iv = idx_v[pl.ds(j * _L, _L)]
        plsc.addupdate_scatter(counts_v, [iv], ones)
    pltpu.sync_copy(counts_v, hist_ref.at[wid])


def _combine_body(hist_ref, lse_ref, pick_ref, loss_ref):
    tot = jnp.sum(
        jax.lax.dot_general(
            hist_ref[...], lse_ref[...], (((1,), (0,)), ((), ())),
            preferred_element_type=jnp.float32,
            precision=jax.lax.Precision.HIGHEST,
        )
    )
    loss_ref[...] = ((tot - jnp.sum(pick_ref[...])) / _N).reshape(1, 1)


@jax.jit
def kernel(index, target, table):
    b, s = index.shape
    v = table.shape[1]

    mesh = plsc.VectorSubcoreMesh(core_axis_name="c", subcore_axis_name="s")
    sc_gather = pl.kernel(
        _sc_gather_body,
        out_type=(
            jax.ShapeDtypeStruct((_N, v), jnp.float32),
            jax.ShapeDtypeStruct((_NW * _L,), jnp.float32),
            jax.ShapeDtypeStruct((_NW, _VOCAB), jnp.float32),
        ),
        mesh=mesh,
        compiler_params=pltpu.CompilerParams(needs_layout_passes=False),
        scratch_types=[
            pltpu.VMEM((_BPW,), jnp.int32),
            pltpu.VMEM((_BPW + _L,), jnp.int32),
            pltpu.VMEM((_L,), jnp.float32),
            pltpu.VMEM((_VOCAB,), jnp.float32),
            pltpu.VMEM((_C, _VOCAB), jnp.float32),
            pltpu.VMEM((_C, _VOCAB), jnp.float32),
            pltpu.VMEM((_C, _VOCAB), jnp.float32),
            pltpu.SemaphoreType.DMA,
            pltpu.SemaphoreType.DMA,
            pltpu.SemaphoreType.DMA,
            pltpu.SemaphoreType.DMA,
            pltpu.SemaphoreType.DMA,
            pltpu.SemaphoreType.DMA,
        ],
    )
    logits_flat, pick_parts, hist = sc_gather(table, index, target)

    lse = pl.pallas_call(
        _lse_body,
        grid=(_VOCAB // _TRB,),
        in_specs=[pl.BlockSpec((_TRB, v), lambda i: (i, 0))],
        out_specs=pl.BlockSpec((_TRB, 1), lambda i: (i, 0)),
        out_shape=jax.ShapeDtypeStruct((_VOCAB, 1), jnp.float32),
    )(table)

    loss = pl.pallas_call(
        _combine_body,
        out_shape=jax.ShapeDtypeStruct((1, 1), jnp.float32),
    )(hist, lse, pick_parts.reshape(1, _NW * _L))

    return logits_flat.reshape(b, s, v), loss[0, 0]

# --- scband reference (transcript-rebuilt; emitter-appended) ---
"""Pipeline reference for scband-chicken-simple-49435073577760 (READ-ONLY COPY).

The authoritative reference and input builder live on the scoring server;
editing this copy changes nothing except your own understanding.
"""

import jax, jax.numpy as jnp
import numpy as np

VOCAB = 4096
BATCH = 4
SEQ = 2048


def setup_inputs(seed: int = 0) -> dict:
    key = jax.random.key(seed)
    k1, k2, k3 = jax.random.split(key, 3)
    index = jax.random.randint(k1, (BATCH, SEQ), 0, VOCAB).astype(jnp.int32)
    target = jax.random.randint(k2, (BATCH, SEQ), 0, VOCAB).astype(jnp.int32)
    # nn.Embedding(num_embeddings=VOCAB, embedding_dim=VOCAB) weight, N(0,1) init like torch
    table = jax.random.normal(k3, (VOCAB, VOCAB), dtype=jnp.float32)
    return {"index": index, "target": target, "table": table}


def reference(index, target, table):
    # logits = self.token_embedding_table(index)
    logits = jnp.take(table, index, axis=0)  # [B, S, VOCAB]
    b, s, d = logits.shape
    flat_logits = logits.reshape(b * s, d)
    flat_target = target.reshape(b * s)
    # F.cross_entropy with default reduction='mean'
    logp = jax.nn.log_softmax(flat_logits, axis=-1)
    nll = -jnp.take_along_axis(logp, flat_target[:, None], axis=1)[:, 0]
    loss = jnp.mean(nll)
    return (logits, loss)

if __name__ == "__main__":
    import jax
    _d = setup_inputs()
    print(jax.jit(kernel)(*tuple(_d.values())))

</pallas_src>

<mosaic_0001>
#map = affine_map<(d0, d1) -> (0, 0)>
#map1 = affine_map<(d0, d1) -> (0)>
module attributes {stable_mosaic.version = 14 : i64} {
  func.func @_sc_gather_body(%arg0: i32, %arg1: i32, %arg2: memref<4096x4096xf32, #tpu.memory_space<hbm>>, %arg3: memref<4x2048xi32, #tpu.memory_space<hbm>>, %arg4: memref<4x2048xi32, #tpu.memory_space<hbm>>, %arg5: memref<8192x4096xf32, #tpu.memory_space<hbm>>, %arg6: memref<512xf32, #tpu.memory_space<hbm>>, %arg7: memref<32x4096xf32, #tpu.memory_space<hbm>>, %arg8: memref<256xi32, #tpu.memory_space<vmem>>, %arg9: memref<272xi32, #tpu.memory_space<vmem>>, %arg10: memref<16xf32, #tpu.memory_space<vmem>>, %arg11: memref<4096xf32, #tpu.memory_space<vmem>>, %arg12: memref<8x4096xf32, #tpu.memory_space<vmem>>, %arg13: memref<8x4096xf32, #tpu.memory_space<vmem>>, %arg14: memref<8x4096xf32, #tpu.memory_space<vmem>>, %arg15: memref<!tpu.dma_semaphore, #tpu.memory_space<semaphore_mem>>, %arg16: memref<!tpu.dma_semaphore, #tpu.memory_space<semaphore_mem>>, %arg17: memref<!tpu.dma_semaphore, #tpu.memory_space<semaphore_mem>>, %arg18: memref<!tpu.dma_semaphore, #tpu.memory_space<semaphore_mem>>, %arg19: memref<!tpu.dma_semaphore, #tpu.memory_space<semaphore_mem>>, %arg20: memref<!tpu.dma_semaphore, #tpu.memory_space<semaphore_mem>>) attributes {dimension_semantics = [#tpu.dimension_semantics<core_parallel>, #tpu.dimension_semantics<subcore_parallel>], iteration_bounds = array<i64: 2, 16>, scalar_prefetch = 0 : i64, scratch_operands = 13 : i64, tpu.core_type = #tpu.core_type<sc_vector_subcore>, window_params = [{transform_indices = #map}, {transform_indices = #map}, {transform_indices = #map}, {transform_indices = #map}, {transform_indices = #map1}, {transform_indices = #map}]} {
    %mul3A = arith.constant 2 : i32
    %mul3A_0 = arith.muli %arg1, %mul3A : i32
    %add3A = arith.addi %mul3A_0, %arg0 : i32
    %mul3A_1 = arith.constant 256 : i32
    %mul3A_2 = arith.muli %add3A, %mul3A_1 : i32
    %jit3A = arith.constant 8 : i32
    %div3A = arith.divsi %add3A, %jit3A : i32
    %sign3A = arith.constant 0 : i32
    %sign3A_3 = arith.cmpi sgt, %add3A, %sign3A : i32
    %sign3A_4 = arith.extui %sign3A_3 : i1 to i32
    %sign3A_5 = arith.constant 0 : i32
    %sign3A_6 = arith.cmpi slt, %add3A, %sign3A_5 : i32
    %sign3A_7 = arith.extui %sign3A_6 : i1 to i32
    %sign3A_8 = arith.subi %sign3A_4, %sign3A_7 : i32
    %sign3A_9 = arith.constant 0 : i32
    %sign3A_10 = arith.cmpi sgt, %jit3A, %sign3A_9 : i32
    %sign3A_11 = arith.extui %sign3A_10 : i1 to i32
    %sign3A_12 = arith.constant 0 : i32
    %sign3A_13 = arith.cmpi slt, %jit3A, %sign3A_12 : i32
    %sign3A_14 = arith.extui %sign3A_13 : i1 to i32
    %sign3A_15 = arith.subi %sign3A_11, %sign3A_14 : i32
    %ne3A = arith.cmpi ne, %sign3A_8, %sign3A_15 : i32
    %rem3A = arith.remsi %add3A, %jit3A : i32
    %ne3A_16 = arith.constant 0 : i32
    %ne3A_17 = arith.cmpi ne, %rem3A, %ne3A_16 : i32
    %and3A = arith.andi %ne3A, %ne3A_17 : i1
    %sub3A = arith.constant 1 : i32
    %sub3A_18 = arith.subi %div3A, %sub3A : i32
    %select_n3A = arith.select %and3A, %sub3A_18, %div3A : i32
    %jit3A_19 = arith.constant 8 : i32
    %eq3A = arith.constant 0 : i32
    %eq3A_20 = arith.cmpi eq, %jit3A_19, %eq3A : i32
    %jit3A_21 = arith.constant 1 : i32
    %select_n3A_22 = arith.select %eq3A_20, %jit3A_21, %jit3A_19 : i32
    %rem3A_23 = arith.remsi %add3A, %select_n3A_22 : i32
    %ne3A_24 = arith.constant 0 : i32
    %ne3A_25 = arith.cmpi ne, %rem3A_23, %ne3A_24 : i32
    %lt3A = arith.constant 0 : i32
    %lt3A_26 = arith.cmpi slt, %rem3A_23, %lt3A : i32
    %lt3A_27 = arith.constant 0 : i32
    %lt3A_28 = arith.cmpi slt, %select_n3A_22, %lt3A_27 : i32
    %ne3A_29 = arith.xori %lt3A_26, %lt3A_28 : i1
    %and3A_30 = arith.andi %ne3A_29, %ne3A_25 : i1
    %add3A_31 = arith.addi %rem3A_23, %select_n3A_22 : i32
    %select_n3A_32 = arith.select %and3A_30, %add3A_31, %rem3A_23 : i32
    %mul3A_33 = arith.constant 256 : i32
    %mul3A_34 = arith.muli %select_n3A_32, %mul3A_33 : i32
    "tpu.region"() ({
      %run_scoped3A = tpu.sem_alloc : memref<!tpu.dma_semaphore, #tpu.memory_space<semaphore_mem>>
      %dma_start3A_1483 = tpu.memref_slice %arg3[%select_n3A, %mul3A_34] : memref<4x2048xi32, #tpu.memory_space<hbm>> -> memref<1x256xi32, #tpu.memory_space<hbm>>
      %dma_start3A_1484 = tpu.memref_squeeze %dma_start3A_1483 : memref<1x256xi32, #tpu.memory_space<hbm>> -> memref<256xi32, #tpu.memory_space<hbm>>
      %dma_start3A_1485 = tpu.memref_slice %arg3[%select_n3A, %mul3A_34] : memref<4x2048xi32, #tpu.memory_space<hbm>> -> memref<1x256xi32, #tpu.memory_space<hbm>>
      %dma_start3A_1486 = tpu.memref_squeeze %dma_start3A_1485 : memref<1x256xi32, #tpu.memory_space<hbm>> -> memref<256xi32, #tpu.memory_space<hbm>>
      tpu.enqueue_dma source(%dma_start3A_1486 : memref<256xi32, #tpu.memory_space<hbm>>) target(%arg8 : memref<256xi32, #tpu.memory_space<vmem>>) target_semaphore(%run_scoped3A : memref<!tpu.dma_semaphore, #tpu.memory_space<semaphore_mem>>)
      %dma_wait3A_1487 = tpu.memref_slice %arg3[%select_n3A, %mul3A_34] : memref<4x2048xi32, #tpu.memory_space<hbm>> -> memref<1x256xi32, #tpu.memory_space<hbm>>
      %dma_wait3A_1488 = tpu.memref_squeeze %dma_wait3A_1487 : memref<1x256xi32, #tpu.memory_space<hbm>> -> memref<256xi32, #tpu.memory_space<hbm>>
      %dma_wait3A_1489 = tpu.memref_slice %arg3[%select_n3A, %mul3A_34] : memref<4x2048xi32, #tpu.memory_space<hbm>> -> memref<1x256xi32, #tpu.memory_space<hbm>>
      %dma_wait3A_1490 = tpu.memref_squeeze %dma_wait3A_1489 : memref<1x256xi32, #tpu.memory_space<hbm>> -> memref<256xi32, #tpu.memory_space<hbm>>
      tpu.wait_dma2 semaphore(%run_scoped3A : memref<!tpu.dma_semaphore, #tpu.memory_space<semaphore_mem>>) src(%dma_wait3A_1490 : memref<256xi32, #tpu.memory_space<hbm>>) dst(%arg8 : memref<256xi32, #tpu.memory_space<vmem>>)
      tpu.yield
    }) : () -> ()
    "tpu.region"() ({
      %run_scoped3A = tpu.sem_alloc : memref<!tpu.dma_semaphore, #tpu.memory_space<semaphore_mem>>
      %dma_start3A_1483 = arith.constant 0 : i32
      %dma_start3A_1484 = tpu.memref_slice %arg9[%dma_start3A_1483] : memref<272xi32, #tpu.memory_space<vmem>> -> memref<256xi32, #tpu.memory_space<vmem>>
      %dma_start3A_1485 = tpu.memref_slice %arg4[%select_n3A, %mul3A_34] : memref<4x2048xi32, #tpu.memory_space<hbm>> -> memref<1x256xi32, #tpu.memory_space<hbm>>
      %dma_start3A_1486 = tpu.memref_squeeze %dma_start3A_1485 : memref<1x256xi32, #tpu.memory_space<hbm>> -> memref<256xi32, #tpu.memory_space<hbm>>
      %dma_start3A_1487 = arith.constant 0 : i32
      %dma_start3A_1488 = tpu.memref_slice %arg9[%dma_start3A_1487] : memref<272xi32, #tpu.memory_space<vmem>> -> memref<256xi32, #tpu.memory_space<vmem>>
      %dma_start3A_1489 = tpu.memref_slice %arg4[%select_n3A, %mul3A_34] : memref<4x2048xi32, #tpu.memory_space<hbm>> -> memref<1x256xi32, #tpu.memory_space<hbm>>
      %dma_start3A_1490 = tpu.memref_squeeze %dma_start3A_1489 : memref<1x256xi32, #tpu.memory_space<hbm>> -> memref<256xi32, #tpu.memory_space<hbm>>
      tpu.enqueue_dma source(%dma_start3A_1490 : memref<256xi32, #tpu.memory_space<hbm>>) target(%dma_start3A_1488 : memref<256xi32, #tpu.memory_space<vmem>>) target_semaphore(%run_scoped3A : memref<!tpu.dma_semaphore, #tpu.memory_space<semaphore_mem>>)
      %dma_wait3A_1491 = arith.constant 0 : i32
      %dma_wait3A_1492 = tpu.memref_slice %arg9[%dma_wait3A_1491] : memref<272xi32, #tpu.memory_space<vmem>> -> memref<256xi32, #tpu.memory_space<vmem>>
      %dma_wait3A_1493 = tpu.memref_slice %arg4[%select_n3A, %mul3A_34] : memref<4x2048xi32, #tpu.memory_space<hbm>> -> memref<1x256xi32, #tpu.memory_space<hbm>>
      %dma_wait3A_1494 = tpu.memref_squeeze %dma_wait3A_1493 : memref<1x256xi32, #tpu.memory_space<hbm>> -> memref<256xi32, #tpu.memory_space<hbm>>
      %dma_wait3A_1495 = arith.constant 0 : i32
      %dma_wait3A_1496 = tpu.memref_slice %arg9[%dma_wait3A_1495] : memref<272xi32, #tpu.memory_space<vmem>> -> memref<256xi32, #tpu.memory_space<vmem>>
      %dma_wait3A_1497 = tpu.memref_slice %arg4[%select_n3A, %mul3A_34] : memref<4x2048xi32, #tpu.memory_space<hbm>> -> memref<1x256xi32, #tpu.memory_space<hbm>>
      %dma_wait3A_1498 = tpu.memref_squeeze %dma_wait3A_1497 : memref<1x256xi32, #tpu.memory_space<hbm>> -> memref<256xi32, #tpu.memory_space<hbm>>
      tpu.wait_dma2 semaphore(%run_scoped3A : memref<!tpu.dma_semaphore, #tpu.memory_space<semaphore_mem>>) src(%dma_wait3A_1498 : memref<256xi32, #tpu.memory_space<hbm>>) dst(%dma_wait3A_1496 : memref<256xi32, #tpu.memory_space<vmem>>)
      tpu.yield
    }) : () -> ()
    %iota3A = tpu.iota {dimensions = array<i32: 0>} : vector<16xi32>
    %and3A_35 = arith.constant 7 : i32
    %and3A_36 = vector.broadcast %and3A_35 : i32 to vector<16xi32>
    %and3A_37 = arith.andi %iota3A, %and3A_36 : vector<16xi32>
    %lt3A_38 = arith.constant 8 : i32
    %lt3A_39 = vector.broadcast %lt3A_38 : i32 to vector<16xi32>
    %lt3A_40 = arith.cmpi slt, %iota3A, %lt3A_39 : vector<16xi32>
    %broadcast_in_dim3A = arith.constant 0.000000e+00 : f32
    %broadcast_in_dim3A_41 = vector.broadcast %broadcast_in_dim3A : f32 to vector<16xf32>
    %dma_start3A = arith.constant 0 : i32
    %dma_start3A_42 = tpu.memref_slice %arg8[%dma_start3A] : memref<256xi32, #tpu.memory_space<vmem>> -> memref<8xi32, #tpu.memory_space<vmem>>
    %dma_start3A_43 = arith.constant 0 : i32
    %dma_start3A_44 = arith.constant 0 : i32
    %dma_start3A_45 = tpu.memref_slice %arg2[%dma_start3A_43, %dma_start3A_44] : memref<4096x4096xf32, #tpu.memory_space<hbm>> -> memref<4096x4096xf32, #tpu.memory_space<hbm>>
    tpu.enqueue_indirect_dma source(%dma_start3A_45 : memref<4096x4096xf32, #tpu.memory_space<hbm>>) target(%arg12 : memref<8x4096xf32, #tpu.memory_space<vmem>>) offsets(%dma_start3A_42 : memref<8xi32, #tpu.memory_space<vmem>>) semaphore(%arg15 : memref<!tpu.dma_semaphore, #tpu.memory_space<semaphore_mem>>)
    %dma_start3A_46 = arith.constant 8 : i32
    %dma_start3A_47 = tpu.memref_slice %arg8[%dma_start3A_46] : memref<256xi32, #tpu.memory_space<vmem>> -> memref<8xi32, #tpu.memory_space<vmem>>
    %dma_start3A_48 = arith.constant 0 : i32
    %dma_start3A_49 = arith.constant 0 : i32
    %dma_start3A_50 = tpu.memref_slice %arg2[%dma_start3A_48, %dma_start3A_49] : memref<4096x4096xf32, #tpu.memory_space<hbm>> -> memref<4096x4096xf32, #tpu.memory_space<hbm>>
    tpu.enqueue_indirect_dma source(%dma_start3A_50 : memref<4096x4096xf32, #tpu.memory_space<hbm>>) target(%arg13 : memref<8x4096xf32, #tpu.memory_space<vmem>>) offsets(%dma_start3A_47 : memref<8xi32, #tpu.memory_space<vmem>>) semaphore(%arg16 : memref<!tpu.dma_semaphore, #tpu.memory_space<semaphore_mem>>)
    %dma_start3A_51 = arith.constant 16 : i32
    %dma_start3A_52 = tpu.memref_slice %arg8[%dma_start3A_51] : memref<256xi32, #tpu.memory_space<vmem>> -> memref<8xi32, #tpu.memory_space<vmem>>
    %dma_start3A_53 = arith.constant 0 : i32
    %dma_start3A_54 = arith.constant 0 : i32
    %dma_start3A_55 = tpu.memref_slice %arg2[%dma_start3A_53, %dma_start3A_54] : memref<4096x4096xf32, #tpu.memory_space<hbm>> -> memref<4096x4096xf32, #tpu.memory_space<hbm>>
    tpu.enqueue_indirect_dma source(%dma_start3A_55 : memref<4096x4096xf32, #tpu.memory_space<hbm>>) target(%arg14 : memref<8x4096xf32, #tpu.memory_space<vmem>>) offsets(%dma_start3A_52 : memref<8xi32, #tpu.memory_space<vmem>>) semaphore(%arg17 : memref<!tpu.dma_semaphore, #tpu.memory_space<semaphore_mem>>)
    %dma_wait3A = arith.constant 0 : i32
    %dma_wait3A_56 = tpu.memref_slice %arg8[%dma_wait3A] : memref<256xi32, #tpu.memory_space<vmem>> -> memref<8xi32, #tpu.memory_space<vmem>>
    %dma_wait3A_57 = arith.constant 0 : i32
    %dma_wait3A_58 = arith.constant 0 : i32
    %dma_wait3A_59 = tpu.memref_slice %arg2[%dma_wait3A_57, %dma_wait3A_58] : memref<4096x4096xf32, #tpu.memory_space<hbm>> -> memref<4096x4096xf32, #tpu.memory_space<hbm>>
    tpu.wait_indirect_dma semaphore(%arg15 : memref<!tpu.dma_semaphore, #tpu.memory_space<semaphore_mem>>) src(%dma_wait3A_59 : memref<4096x4096xf32, #tpu.memory_space<hbm>>) dst(%arg12 : memref<8x4096xf32, #tpu.memory_space<vmem>>)
    %add3A_60 = arith.constant 0 : i32
    %add3A_61 = arith.addi %mul3A_2, %add3A_60 : i32
    %dma_start3A_62 = arith.constant 0 : i32
    %dma_start3A_63 = tpu.memref_slice %arg5[%add3A_61, %dma_start3A_62] : memref<8192x4096xf32, #tpu.memory_space<hbm>> -> memref<8x4096xf32, #tpu.memory_space<hbm>>
    %dma_start3A_64 = arith.constant 0 : i32
    %dma_start3A_65 = tpu.memref_slice %arg5[%add3A_61, %dma_start3A_64] : memref<8192x4096xf32, #tpu.memory_space<hbm>> -> memref<8x4096xf32, #tpu.memory_space<hbm>>
    tpu.enqueue_dma source(%arg12 : memref<8x4096xf32, #tpu.memory_space<vmem>>) target(%dma_start3A_65 : memref<8x4096xf32, #tpu.memory_space<hbm>>) target_semaphore(%arg18 : memref<!tpu.dma_semaphore, #tpu.memory_space<semaphore_mem>>)
    %get3A = arith.constant 0 : index
    %get3A_66 = tpu.vector_load %arg9[%get3A] {strides = array<i32>} : memref<272xi32, #tpu.memory_space<vmem>>, vector<16xi32>,
    %and3A_67 = arith.constant 4095 : i32
    %and3A_68 = vector.broadcast %and3A_67 : i32 to vector<16xi32>
    %and3A_69 = arith.andi %get3A_66, %and3A_68 : vector<16xi32>
    %gather3A = tpu.vector_load_idx %arg12[%and3A_37, %and3A_69] masked %lt3A_40 : memref<8x4096xf32, #tpu.memory_space<vmem>>[vector<16xi32>, vector<16xi32>], vector<16xf32>, vector<16xi1>
    %select_n3A_70 = arith.select %lt3A_40, %gather3A, %broadcast_in_dim3A_41 : vector<16xi1>, vector<16xf32>
    %add3A_71 = arith.addf %broadcast_in_dim3A_41, %select_n3A_70 : vector<16xf32>
    %dma_wait3A_72 = arith.constant 0 : i32
    %dma_wait3A_73 = tpu.memref_slice %arg5[%add3A_61, %dma_wait3A_72] : memref<8192x4096xf32, #tpu.memory_space<hbm>> -> memref<8x4096xf32, #tpu.memory_space<hbm>>
    %dma_wait3A_74 = arith.constant 0 : i32
    %dma_wait3A_75 = tpu.memref_slice %arg5[%add3A_61, %dma_wait3A_74] : memref<8192x4096xf32, #tpu.memory_space<hbm>> -> memref<8x4096xf32, #tpu.memory_space<hbm>>
    tpu.wait_dma2 semaphore(%arg18 : memref<!tpu.dma_semaphore, #tpu.memory_space<semaphore_mem>>) src(%arg12 : memref<8x4096xf32, #tpu.memory_space<vmem>>) dst(%dma_wait3A_75 : memref<8x4096xf32, #tpu.memory_space<hbm>>)
    %dma_start3A_76 = arith.constant 24 : i32
    %dma_start3A_77 = tpu.memref_slice %arg8[%dma_start3A_76] : memref<256xi32, #tpu.memory_space<vmem>> -> memref<8xi32, #tpu.memory_space<vmem>>
    %dma_start3A_78 = arith.constant 0 : i32
    %dma_start3A_79 = arith.constant 0 : i32
    %dma_start3A_80 = tpu.memref_slice %arg2[%dma_start3A_78, %dma_start3A_79] : memref<4096x4096xf32, #tpu.memory_space<hbm>> -> memref<4096x4096xf32, #tpu.memory_space<hbm>>
    tpu.enqueue_indirect_dma source(%dma_start3A_80 : memref<4096x4096xf32, #tpu.memory_space<hbm>>) target(%arg12 : memref<8x4096xf32, #tpu.memory_space<vmem>>) offsets(%dma_start3A_77 : memref<8xi32, #tpu.memory_space<vmem>>) semaphore(%arg15 : memref<!tpu.dma_semaphore, #tpu.memory_space<semaphore_mem>>)
    %dma_wait3A_81 = arith.constant 8 : i32
    %dma_wait3A_82 = tpu.memref_slice %arg8[%dma_wait3A_81] : memref<256xi32, #tpu.memory_space<vmem>> -> memref<8xi32, #tpu.memory_space<vmem>>
    %dma_wait3A_83 = arith.constant 0 : i32
    %dma_wait3A_84 = arith.constant 0 : i32
    %dma_wait3A_85 = tpu.memref_slice %arg2[%dma_wait3A_83, %dma_wait3A_84] : memref<4096x4096xf32, #tpu.memory_space<hbm>> -> memref<4096x4096xf32, #tpu.memory_space<hbm>>
    tpu.wait_indirect_dma semaphore(%arg16 : memref<!tpu.dma_semaphore, #tpu.memory_space<semaphore_mem>>) src(%dma_wait3A_85 : memref<4096x4096xf32, #tpu.memory_space<hbm>>) dst(%arg13 : memref<8x4096xf32, #tpu.memory_space<vmem>>)
    %add3A_86 = arith.constant 8 : i32
    %add3A_87 = arith.addi %mul3A_2, %add3A_86 : i32
    %dma_start3A_88 = arith.constant 0 : i32
    %dma_start3A_89 = tpu.memref_slice %arg5[%add3A_87, %dma_start3A_88] : memref<8192x4096xf32, #tpu.memory_space<hbm>> -> memref<8x4096xf32, #tpu.memory_space<hbm>>
    %dma_start3A_90 = arith.constant 0 : i32
    %dma_start3A_91 = tpu.memref_slice %arg5[%add3A_87, %dma_start3A_90] : memref<8192x4096xf32, #tpu.memory_space<hbm>> -> memref<8x4096xf32, #tpu.memory_space<hbm>>
    tpu.enqueue_dma source(%arg13 : memref<8x4096xf32, #tpu.memory_space<vmem>>) target(%dma_start3A_91 : memref<8x4096xf32, #tpu.memory_space<hbm>>) target_semaphore(%arg19 : memref<!tpu.dma_semaphore, #tpu.memory_space<semaphore_mem>>)
    %get3A_92 = arith.constant 8 : index
    %get3A_93 = tpu.vector_load %arg9[%get3A_92] {strides = array<i32>} : memref<272xi32, #tpu.memory_space<vmem>>, vector<16xi32>,
    %and3A_94 = arith.constant 4095 : i32
    %and3A_95 = vector.broadcast %and3A_94 : i32 to vector<16xi32>
    %and3A_96 = arith.andi %get3A_93, %and3A_95 : vector<16xi32>
    %gather3A_97 = tpu.vector_load_idx %arg13[%and3A_37, %and3A_96] masked %lt3A_40 : memref<8x4096xf32, #tpu.memory_space<vmem>>[vector<16xi32>, vector<16xi32>], vector<16xf32>, vector<16xi1>
    %select_n3A_98 = arith.select %lt3A_40, %gather3A_97, %broadcast_in_dim3A_41 : vector<16xi1>, vector<16xf32>
    %add3A_99 = arith.addf %add3A_71, %select_n3A_98 : vector<16xf32>
    %dma_wait3A_100 = arith.constant 0 : i32
    %dma_wait3A_101 = tpu.memref_slice %arg5[%add3A_87, %dma_wait3A_100] : memref<8192x4096xf32, #tpu.memory_space<hbm>> -> memref<8x4096xf32, #tpu.memory_space<hbm>>
    %dma_wait3A_102 = arith.constant 0 : i32
    %dma_wait3A_103 = tpu.memref_slice %arg5[%add3A_87, %dma_wait3A_102] : memref<8192x4096xf32, #tpu.memory_space<hbm>> -> memref<8x4096xf32, #tpu.memory_space<hbm>>
    tpu.wait_dma2 semaphore(%arg19 : memref<!tpu.dma_semaphore, #tpu.memory_space<semaphore_mem>>) src(%arg13 : memref<8x4096xf32, #tpu.memory_space<vmem>>) dst(%dma_wait3A_103 : memref<8x4096xf32, #tpu.memory_space<hbm>>)
    %dma_start3A_104 = arith.constant 32 : i32
    %dma_start3A_105 = tpu.memref_slice %arg8[%dma_start3A_104] : memref<256xi32, #tpu.memory_space<vmem>> -> memref<8xi32, #tpu.memory_space<vmem>>
    %dma_start3A_106 = arith.constant 0 : i32
    %dma_start3A_107 = arith.constant 0 : i32
    %dma_start3A_108 = tpu.memref_slice %arg2[%dma_start3A_106, %dma_start3A_107] : memref<4096x4096xf32, #tpu.memory_space<hbm>> -> memref<4096x4096xf32, #tpu.memory_space<hbm>>
    tpu.enqueue_indirect_dma source(%dma_start3A_108 : memref<4096x4096xf32, #tpu.memory_space<hbm>>) target(%arg13 : memref<8x4096xf32, #tpu.memory_space<vmem>>) offsets(%dma_start3A_105 : memref<8xi32, #tpu.memory_space<vmem>>) semaphore(%arg16 : memref<!tpu.dma_semaphore, #tpu.memory_space<semaphore_mem>>)
    %dma_wait3A_109 = arith.constant 16 : i32
    %dma_wait3A_110 = tpu.memref_slice %arg8[%dma_wait3A_109] : memref<256xi32, #tpu.memory_space<vmem>> -> memref<8xi32, #tpu.memory_space<vmem>>
    %dma_wait3A_111 = arith.constant 0 : i32
    %dma_wait3A_112 = arith.constant 0 : i32
    %dma_wait3A_113 = tpu.memref_slice %arg2[%dma_wait3A_111, %dma_wait3A_112] : memref<4096x4096xf32, #tpu.memory_space<hbm>> -> memref<4096x4096xf32, #tpu.memory_space<hbm>>
    tpu.wait_indirect_dma semaphore(%arg17 : memref<!tpu.dma_semaphore, #tpu.memory_space<semaphore_mem>>) src(%dma_wait3A_113 : memref<4096x4096xf32, #tpu.memory_space<hbm>>) dst(%arg14 : memref<8x4096xf32, #tpu.memory_space<vmem>>)
    %add3A_114 = arith.constant 16 : i32
    %add3A_115 = arith.addi %mul3A_2, %add3A_114 : i32
    %dma_start3A_116 = arith.constant 0 : i32
    %dma_start3A_117 = tpu.memref_slice %arg5[%add3A_115, %dma_start3A_116] : memref<8192x4096xf32, #tpu.memory_space<hbm>> -> memref<8x4096xf32, #tpu.memory_space<hbm>>
    %dma_start3A_118 = arith.constant 0 : i32
    %dma_start3A_119 = tpu.memref_slice %arg5[%add3A_115, %dma_start3A_118] : memref<8192x4096xf32, #tpu.memory_space<hbm>> -> memref<8x4096xf32, #tpu.memory_space<hbm>>
    tpu.enqueue_dma source(%arg14 : memref<8x4096xf32, #tpu.memory_space<vmem>>) target(%dma_start3A_119 : memref<8x4096xf32, #tpu.memory_space<hbm>>) target_semaphore(%arg20 : memref<!tpu.dma_semaphore, #tpu.memory_space<semaphore_mem>>)
    %get3A_120 = arith.constant 16 : index
    %get3A_121 = tpu.vector_load %arg9[%get3A_120] {strides = array<i32>} : memref<272xi32, #tpu.memory_space<vmem>>, vector<16xi32>,
    %and3A_122 = arith.constant 4095 : i32
    %and3A_123 = vector.broadcast %and3A_122 : i32 to vector<16xi32>
    %and3A_124 = arith.andi %get3A_121, %and3A_123 : vector<16xi32>
    %gather3A_125 = tpu.vector_load_idx %arg14[%and3A_37, %and3A_124] masked %lt3A_40 : memref<8x4096xf32, #tpu.memory_space<vmem>>[vector<16xi32>, vector<16xi32>], vector<16xf32>, vector<16xi1>
    %select_n3A_126 = arith.select %lt3A_40, %gather3A_125, %broadcast_in_dim3A_41 : vector<16xi1>, vector<16xf32>
    %add3A_127 = arith.addf %add3A_99, %select_n3A_126 : vector<16xf32>
    %dma_wait3A_128 = arith.constant 0 : i32
    %dma_wait3A_129 = tpu.memref_slice %arg5[%add3A_115, %dma_wait3A_128] : memref<8192x4096xf32, #tpu.memory_space<hbm>> -> memref<8x4096xf32, #tpu.memory_space<hbm>>
    %dma_wait3A_130 = arith.constant 0 : i32
    %dma_wait3A_131 = tpu.memref_slice %arg5[%add3A_115, %dma_wait3A_130] : memref<8192x4096xf32, #tpu.memory_space<hbm>> -> memref<8x4096xf32, #tpu.memory_space<hbm>>
    tpu.wait_dma2 semaphore(%arg20 : memref<!tpu.dma_semaphore, #tpu.memory_space<semaphore_mem>>) src(%arg14 : memref<8x4096xf32, #tpu.memory_space<vmem>>) dst(%dma_wait3A_131 : memref<8x4096xf32, #tpu.memory_space<hbm>>)
    %dma_start3A_132 = arith.constant 40 : i32
    %dma_start3A_133 = tpu.memref_slice %arg8[%dma_start3A_132] : memref<256xi32, #tpu.memory_space<vmem>> -> memref<8xi32, #tpu.memory_space<vmem>>
    %dma_start3A_134 = arith.constant 0 : i32
    %dma_start3A_135 = arith.constant 0 : i32
    %dma_start3A_136 = tpu.memref_slice %arg2[%dma_start3A_134, %dma_start3A_135] : memref<4096x4096xf32, #tpu.memory_space<hbm>> -> memref<4096x4096xf32, #tpu.memory_space<hbm>>
    tpu.enqueue_indirect_dma source(%dma_start3A_136 : memref<4096x4096xf32, #tpu.memory_space<hbm>>) target(%arg14 : memref<8x4096xf32, #tpu.memory_space<vmem>>) offsets(%dma_start3A_133 : memref<8xi32, #tpu.memory_space<vmem>>) semaphore(%arg17 : memref<!tpu.dma_semaphore, #tpu.memory_space<semaphore_mem>>)
    %dma_wait3A_137 = arith.constant 24 : i32
    %dma_wait3A_138 = tpu.memref_slice %arg8[%dma_wait3A_137] : memref<256xi32, #tpu.memory_space<vmem>> -> memref<8xi32, #tpu.memory_space<vmem>>
    %dma_wait3A_139 = arith.constant 0 : i32
    %dma_wait3A_140 = arith.constant 0 : i32
    %dma_wait3A_141 = tpu.memref_slice %arg2[%dma_wait3A_139, %dma_wait3A_140] : memref<4096x4096xf32, #tpu.memory_space<hbm>> -> memref<4096x4096xf32, #tpu.memory_space<hbm>>
    tpu.wait_indirect_dma semaphore(%arg15 : memref<!tpu.dma_semaphore, #tpu.memory_space<semaphore_mem>>) src(%dma_wait3A_141 : memref<4096x4096xf32, #tpu.memory_space<hbm>>) dst(%arg12 : memref<8x4096xf32, #tpu.memory_space<vmem>>)
    %add3A_142 = arith.constant 24 : i32
    %add3A_143 = arith.addi %mul3A_2, %add3A_142 : i32
    %dma_start3A_144 = arith.constant 0 : i32
    %dma_start3A_145 = tpu.memref_slice %arg5[%add3A_143, %dma_start3A_144] : memref<8192x4096xf32, #tpu.memory_space<hbm>> -> memref<8x4096xf32, #tpu.memory_space<hbm>>
    %dma_start3A_146 = arith.constant 0 : i32
    %dma_start3A_147 = tpu.memref_slice %arg5[%add3A_143, %dma_start3A_146] : memref<8192x4096xf32, #tpu.memory_space<hbm>> -> memref<8x4096xf32, #tpu.memory_space<hbm>>
    tpu.enqueue_dma source(%arg12 : memref<8x4096xf32, #tpu.memory_space<vmem>>) target(%dma_start3A_147 : memref<8x4096xf32, #tpu.memory_space<hbm>>) target_semaphore(%arg18 : memref<!tpu.dma_semaphore, #tpu.memory_space<semaphore_mem>>)
    %get3A_148 = arith.constant 24 : index
    %get3A_149 = tpu.vector_load %arg9[%get3A_148] {strides = array<i32>} : memref<272xi32, #tpu.memory_space<vmem>>, vector<16xi32>,
    %and3A_150 = arith.constant 4095 : i32
    %and3A_151 = vector.broadcast %and3A_150 : i32 to vector<16xi32>
    %and3A_152 = arith.andi %get3A_149, %and3A_151 : vector<16xi32>
    %gather3A_153 = tpu.vector_load_idx %arg12[%and3A_37, %and3A_152] masked %lt3A_40 : memref<8x4096xf32, #tpu.memory_space<vmem>>[vector<16xi32>, vector<16xi32>], vector<16xf32>, vector<16xi1>
    %select_n3A_154 = arith.select %lt3A_40, %gather3A_153, %broadcast_in_dim3A_41 : vector<16xi1>, vector<16xf32>
    %add3A_155 = arith.addf %add3A_127, %select_n3A_154 : vector<16xf32>
    %dma_wait3A_156 = arith.constant 0 : i32
    %dma_wait3A_157 = tpu.memref_slice %arg5[%add3A_143, %dma_wait3A_156] : memref<8192x4096xf32, #tpu.memory_space<hbm>> -> memref<8x4096xf32, #tpu.memory_space<hbm>>
    %dma_wait3A_158 = arith.constant 0 : i32
    %dma_wait3A_159 = tpu.memref_slice %arg5[%add3A_143, %dma_wait3A_158] : memref<8192x4096xf32, #tpu.memory_space<hbm>> -> memref<8x4096xf32, #tpu.memory_space<hbm>>
    tpu.wait_dma2 semaphore(%arg18 : memref<!tpu.dma_semaphore, #tpu.memory_space<semaphore_mem>>) src(%arg12 : memref<8x4096xf32, #tpu.memory_space<vmem>>) dst(%dma_wait3A_159 : memref<8x4096xf32, #tpu.memory_space<hbm>>)
    %dma_start3A_160 = arith.constant 48 : i32
    %dma_start3A_161 = tpu.memref_slice %arg8[%dma_start3A_160] : memref<256xi32, #tpu.memory_space<vmem>> -> memref<8xi32, #tpu.memory_space<vmem>>
    %dma_start3A_162 = arith.constant 0 : i32
    %dma_start3A_163 = arith.constant 0 : i32
    %dma_start3A_164 = tpu.memref_slice %arg2[%dma_start3A_162, %dma_start3A_163] : memref<4096x4096xf32, #tpu.memory_space<hbm>> -> memref<4096x4096xf32, #tpu.memory_space<hbm>>
    tpu.enqueue_indirect_dma source(%dma_start3A_164 : memref<4096x4096xf32, #tpu.memory_space<hbm>>) target(%arg12 : memref<8x4096xf32, #tpu.memory_space<vmem>>) offsets(%dma_start3A_161 : memref<8xi32, #tpu.memory_space<vmem>>) semaphore(%arg15 : memref<!tpu.dma_semaphore, #tpu.memory_space<semaphore_mem>>)
    %dma_wait3A_165 = arith.constant 32 : i32
    %dma_wait3A_166 = tpu.memref_slice %arg8[%dma_wait3A_165] : memref<256xi32, #tpu.memory_space<vmem>> -> memref<8xi32, #tpu.memory_space<vmem>>
    %dma_wait3A_167 = arith.constant 0 : i32
    %dma_wait3A_168 = arith.constant 0 : i32
    %dma_wait3A_169 = tpu.memref_slice %arg2[%dma_wait3A_167, %dma_wait3A_168] : memref<4096x4096xf32, #tpu.memory_space<hbm>> -> memref<4096x4096xf32, #tpu.memory_space<hbm>>
    tpu.wait_indirect_dma semaphore(%arg16 : memref<!tpu.dma_semaphore, #tpu.memory_space<semaphore_mem>>) src(%dma_wait3A_169 : memref<4096x4096xf32, #tpu.memory_space<hbm>>) dst(%arg13 : memref<8x4096xf32, #tpu.memory_space<vmem>>)
    %add3A_170 = arith.constant 32 : i32
    %add3A_171 = arith.addi %mul3A_2, %add3A_170 : i32
    %dma_start3A_172 = arith.constant 0 : i32
    %dma_start3A_173 = tpu.memref_slice %arg5[%add3A_171, %dma_start3A_172] : memref<8192x4096xf32, #tpu.memory_space<hbm>> -> memref<8x4096xf32, #tpu.memory_space<hbm>>
    %dma_start3A_174 = arith.constant 0 : i32
    %dma_start3A_175 = tpu.memref_slice %arg5[%add3A_171, %dma_start3A_174] : memref<8192x4096xf32, #tpu.memory_space<hbm>> -> memref<8x4096xf32, #tpu.memory_space<hbm>>
    tpu.enqueue_dma source(%arg13 : memref<8x4096xf32, #tpu.memory_space<vmem>>) target(%dma_start3A_175 : memref<8x4096xf32, #tpu.memory_space<hbm>>) target_semaphore(%arg19 : memref<!tpu.dma_semaphore, #tpu.memory_space<semaphore_mem>>)
    %get3A_176 = arith.constant 32 : index
    %get3A_177 = tpu.vector_load %arg9[%get3A_176] {strides = array<i32>} : memref<272xi32, #tpu.memory_space<vmem>>, vector<16xi32>,
    %and3A_178 = arith.constant 4095 : i32
    %and3A_179 = vector.broadcast %and3A_178 : i32 to vector<16xi32>
    %and3A_180 = arith.andi %get3A_177, %and3A_179 : vector<16xi32>
    %gather3A_181 = tpu.vector_load_idx %arg13[%and3A_37, %and3A_180] masked %lt3A_40 : memref<8x4096xf32, #tpu.memory_space<vmem>>[vector<16xi32>, vector<16xi32>], vector<16xf32>, vector<16xi1>
    %select_n3A_182 = arith.select %lt3A_40, %gather3A_181, %broadcast_in_dim3A_41 : vector<16xi1>, vector<16xf32>
    %add3A_183 = arith.addf %add3A_155, %select_n3A_182 : vector<16xf32>
    %dma_wait3A_184 = arith.constant 0 : i32
    %dma_wait3A_185 = tpu.memref_slice %arg5[%add3A_171, %dma_wait3A_184] : memref<8192x4096xf32, #tpu.memory_space<hbm>> -> memref<8x4096xf32, #tpu.memory_space<hbm>>
    %dma_wait3A_186 = arith.constant 0 : i32
    %dma_wait3A_187 = tpu.memref_slice %arg5[%add3A_171, %dma_wait3A_186] : memref<8192x4096xf32, #tpu.memory_space<hbm>> -> memref<8x4096xf32, #tpu.memory_space<hbm>>
    tpu.wait_dma2 semaphore(%arg19 : memref<!tpu.dma_semaphore, #tpu.memory_space<semaphore_mem>>) src(%arg13 : memref<8x4096xf32, #tpu.memory_space<vmem>>) dst(%dma_wait3A_187 : memref<8x4096xf32, #tpu.memory_space<hbm>>)
    %dma_start3A_188 = arith.constant 56 : i32
    %dma_start3A_189 = tpu.memref_slice %arg8[%dma_start3A_188] : memref<256xi32, #tpu.memory_space<vmem>> -> memref<8xi32, #tpu.memory_space<vmem>>
    %dma_start3A_190 = arith.constant 0 : i32
    %dma_start3A_191 = arith.constant 0 : i32
    %dma_start3A_192 = tpu.memref_slice %arg2[%dma_start3A_190, %dma_start3A_191] : memref<4096x4096xf32, #tpu.memory_space<hbm>> -> memref<4096x4096xf32, #tpu.memory_space<hbm>>
    tpu.enqueue_indirect_dma source(%dma_start3A_192 : memref<4096x4096xf32, #tpu.memory_space<hbm>>) target(%arg13 : memref<8x4096xf32, #tpu.memory_space<vmem>>) offsets(%dma_start3A_189 : memref<8xi32, #tpu.memory_space<vmem>>) semaphore(%arg16 : memref<!tpu.dma_semaphore, #tpu.memory_space<semaphore_mem>>)
    %dma_wait3A_193 = arith.constant 40 : i32
    %dma_wait3A_194 = tpu.memref_slice %arg8[%dma_wait3A_193] : memref<256xi32, #tpu.memory_space<vmem>> -> memref<8xi32, #tpu.memory_space<vmem>>
    %dma_wait3A_195 = arith.constant 0 : i32
    %dma_wait3A_196 = arith.constant 0 : i32
    %dma_wait3A_197 = tpu.memref_slice %arg2[%dma_wait3A_195, %dma_wait3A_196] : memref<4096x4096xf32, #tpu.memory_space<hbm>> -> memref<4096x4096xf32, #tpu.memory_space<hbm>>
    tpu.wait_indirect_dma semaphore(%arg17 : memref<!tpu.dma_semaphore, #tpu.memory_space<semaphore_mem>>) src(%dma_wait3A_197 : memref<4096x4096xf32, #tpu.memory_space<hbm>>) dst(%arg14 : memref<8x4096xf32, #tpu.memory_space<vmem>>)
    %add3A_198 = arith.constant 40 : i32
    %add3A_199 = arith.addi %mul3A_2, %add3A_198 : i32
    %dma_start3A_200 = arith.constant 0 : i32
    %dma_start3A_201 = tpu.memref_slice %arg5[%add3A_199, %dma_start3A_200] : memref<8192x4096xf32, #tpu.memory_space<hbm>> -> memref<8x4096xf32, #tpu.memory_space<hbm>>
    %dma_start3A_202 = arith.constant 0 : i32
    %dma_start3A_203 = tpu.memref_slice %arg5[%add3A_199, %dma_start3A_202] : memref<8192x4096xf32, #tpu.memory_space<hbm>> -> memref<8x4096xf32, #tpu.memory_space<hbm>>
    tpu.enqueue_dma source(%arg14 : memref<8x4096xf32, #tpu.memory_space<vmem>>) target(%dma_start3A_203 : memref<8x4096xf32, #tpu.memory_space<hbm>>) target_semaphore(%arg20 : memref<!tpu.dma_semaphore, #tpu.memory_space<semaphore_mem>>)
    %get3A_204 = arith.constant 40 : index
    %get3A_205 = tpu.vector_load %arg9[%get3A_204] {strides = array<i32>} : memref<272xi32, #tpu.memory_space<vmem>>, vector<16xi32>,
    %and3A_206 = arith.constant 4095 : i32
    %and3A_207 = vector.broadcast %and3A_206 : i32 to vector<16xi32>
    %and3A_208 = arith.andi %get3A_205, %and3A_207 : vector<16xi32>
    %gather3A_209 = tpu.vector_load_idx %arg14[%and3A_37, %and3A_208] masked %lt3A_40 : memref<8x4096xf32, #tpu.memory_space<vmem>>[vector<16xi32>, vector<16xi32>], vector<16xf32>, vector<16xi1>
    %select_n3A_210 = arith.select %lt3A_40, %gather3A_209, %broadcast_in_dim3A_41 : vector<16xi1>, vector<16xf32>
    %add3A_211 = arith.addf %add3A_183, %select_n3A_210 : vector<16xf32>
    %dma_wait3A_212 = arith.constant 0 : i32
    %dma_wait3A_213 = tpu.memref_slice %arg5[%add3A_199, %dma_wait3A_212] : memref<8192x4096xf32, #tpu.memory_space<hbm>> -> memref<8x4096xf32, #tpu.memory_space<hbm>>
    %dma_wait3A_214 = arith.constant 0 : i32
    %dma_wait3A_215 = tpu.memref_slice %arg5[%add3A_199, %dma_wait3A_214] : memref<8192x4096xf32, #tpu.memory_space<hbm>> -> memref<8x4096xf32, #tpu.memory_space<hbm>>
    tpu.wait_dma2 semaphore(%arg20 : memref<!tpu.dma_semaphore, #tpu.memory_space<semaphore_mem>>) src(%arg14 : memref<8x4096xf32, #tpu.memory_space<vmem>>) dst(%dma_wait3A_215 : memref<8x4096xf32, #tpu.memory_space<hbm>>)
    %dma_start3A_216 = arith.constant 64 : i32
    %dma_start3A_217 = tpu.memref_slice %arg8[%dma_start3A_216] : memref<256xi32, #tpu.memory_space<vmem>> -> memref<8xi32, #tpu.memory_space<vmem>>
    %dma_start3A_218 = arith.constant 0 : i32
    %dma_start3A_219 = arith.constant 0 : i32
    %dma_start3A_220 = tpu.memref_slice %arg2[%dma_start3A_218, %dma_start3A_219] : memref<4096x4096xf32, #tpu.memory_space<hbm>> -> memref<4096x4096xf32, #tpu.memory_space<hbm>>
    tpu.enqueue_indirect_dma source(%dma_start3A_220 : memref<4096x4096xf32, #tpu.memory_space<hbm>>) target(%arg14 : memref<8x4096xf32, #tpu.memory_space<vmem>>) offsets(%dma_start3A_217 : memref<8xi32, #tpu.memory_space<vmem>>) semaphore(%arg17 : memref<!tpu.dma_semaphore, #tpu.memory_space<semaphore_mem>>)
    %dma_wait3A_221 = arith.constant 48 : i32
    %dma_wait3A_222 = tpu.memref_slice %arg8[%dma_wait3A_221] : memref<256xi32, #tpu.memory_space<vmem>> -> memref<8xi32, #tpu.memory_space<vmem>>
    %dma_wait3A_223 = arith.constant 0 : i32
    %dma_wait3A_224 = arith.constant 0 : i32
    %dma_wait3A_225 = tpu.memref_slice %arg2[%dma_wait3A_223, %dma_wait3A_224] : memref<4096x4096xf32, #tpu.memory_space<hbm>> -> memref<4096x4096xf32, #tpu.memory_space<hbm>>
    tpu.wait_indirect_dma semaphore(%arg15 : memref<!tpu.dma_semaphore, #tpu.memory_space<semaphore_mem>>) src(%dma_wait3A_225 : memref<4096x4096xf32, #tpu.memory_space<hbm>>) dst(%arg12 : memref<8x4096xf32, #tpu.memory_space<vmem>>)
    %add3A_226 = arith.constant 48 : i32
    %add3A_227 = arith.addi %mul3A_2, %add3A_226 : i32
    %dma_start3A_228 = arith.constant 0 : i32
    %dma_start3A_229 = tpu.memref_slice %arg5[%add3A_227, %dma_start3A_228] : memref<8192x4096xf32, #tpu.memory_space<hbm>> -> memref<8x4096xf32, #tpu.memory_space<hbm>>
    %dma_start3A_230 = arith.constant 0 : i32
    %dma_start3A_231 = tpu.memref_slice %arg5[%add3A_227, %dma_start3A_230] : memref<8192x4096xf32, #tpu.memory_space<hbm>> -> memref<8x4096xf32, #tpu.memory_space<hbm>>
    tpu.enqueue_dma source(%arg12 : memref<8x4096xf32, #tpu.memory_space<vmem>>) target(%dma_start3A_231 : memref<8x4096xf32, #tpu.memory_space<hbm>>) target_semaphore(%arg18 : memref<!tpu.dma_semaphore, #tpu.memory_space<semaphore_mem>>)
    %get3A_232 = arith.constant 48 : index
    %get3A_233 = tpu.vector_load %arg9[%get3A_232] {strides = array<i32>} : memref<272xi32, #tpu.memory_space<vmem>>, vector<16xi32>,
    %and3A_234 = arith.constant 4095 : i32
    %and3A_235 = vector.broadcast %and3A_234 : i32 to vector<16xi32>
    %and3A_236 = arith.andi %get3A_233, %and3A_235 : vector<16xi32>
    %gather3A_237 = tpu.vector_load_idx %arg12[%and3A_37, %and3A_236] masked %lt3A_40 : memref<8x4096xf32, #tpu.memory_space<vmem>>[vector<16xi32>, vector<16xi32>], vector<16xf32>, vector<16xi1>
    %select_n3A_238 = arith.select %lt3A_40, %gather3A_237, %broadcast_in_dim3A_41 : vector<16xi1>, vector<16xf32>
    %add3A_239 = arith.addf %add3A_211, %select_n3A_238 : vector<16xf32>
    %dma_wait3A_240 = arith.constant 0 : i32
    %dma_wait3A_241 = tpu.memref_slice %arg5[%add3A_227, %dma_wait3A_240] : memref<8192x4096xf32, #tpu.memory_space<hbm>> -> memref<8x4096xf32, #tpu.memory_space<hbm>>
    %dma_wait3A_242 = arith.constant 0 : i32
    %dma_wait3A_243 = tpu.memref_slice %arg5[%add3A_227, %dma_wait3A_242] : memref<8192x4096xf32, #tpu.memory_space<hbm>> -> memref<8x4096xf32, #tpu.memory_space<hbm>>
    tpu.wait_dma2 semaphore(%arg18 : memref<!tpu.dma_semaphore, #tpu.memory_space<semaphore_mem>>) src(%arg12 : memref<8x4096xf32, #tpu.memory_space<vmem>>) dst(%dma_wait3A_243 : memref<8x4096xf32, #tpu.memory_space<hbm>>)
    %dma_start3A_244 = arith.constant 72 : i32
    %dma_start3A_245 = tpu.memref_slice %arg8[%dma_start3A_244] : memref<256xi32, #tpu.memory_space<vmem>> -> memref<8xi32, #tpu.memory_space<vmem>>
    %dma_start3A_246 = arith.constant 0 : i32
    %dma_start3A_247 = arith.constant 0 : i32
    %dma_start3A_248 = tpu.memref_slice %arg2[%dma_start3A_246, %dma_start3A_247] : memref<4096x4096xf32, #tpu.memory_space<hbm>> -> memref<4096x4096xf32, #tpu.memory_space<hbm>>
    tpu.enqueue_indirect_dma source(%dma_start3A_248 : memref<4096x4096xf32, #tpu.memory_space<hbm>>) target(%arg12 : memref<8x4096xf32, #tpu.memory_space<vmem>>) offsets(%dma_start3A_245 : memref<8xi32, #tpu.memory_space<vmem>>) semaphore(%arg15 : memref<!tpu.dma_semaphore, #tpu.memory_space<semaphore_mem>>)
    %dma_wait3A_249 = arith.constant 56 : i32
    %dma_wait3A_250 = tpu.memref_slice %arg8[%dma_wait3A_249] : memref<256xi32, #tpu.memory_space<vmem>> -> memref<8xi32, #tpu.memory_space<vmem>>
    %dma_wait3A_251 = arith.constant 0 : i32
    %dma_wait3A_252 = arith.constant 0 : i32
    %dma_wait3A_253 = tpu.memref_slice %arg2[%dma_wait3A_251, %dma_wait3A_252] : memref<4096x4096xf32, #tpu.memory_space<hbm>> -> memref<4096x4096xf32, #tpu.memory_space<hbm>>
    tpu.wait_indirect_dma semaphore(%arg16 : memref<!tpu.dma_semaphore, #tpu.memory_space<semaphore_mem>>) src(%dma_wait3A_253 : memref<4096x4096xf32, #tpu.memory_space<hbm>>) dst(%arg13 : memref<8x4096xf32, #tpu.memory_space<vmem>>)
    %add3A_254 = arith.constant 56 : i32
    %add3A_255 = arith.addi %mul3A_2, %add3A_254 : i32
    %dma_start3A_256 = arith.constant 0 : i32
    %dma_start3A_257 = tpu.memref_slice %arg5[%add3A_255, %dma_start3A_256] : memref<8192x4096xf32, #tpu.memory_space<hbm>> -> memref<8x4096xf32, #tpu.memory_space<hbm>>
    %dma_start3A_258 = arith.constant 0 : i32
    %dma_start3A_259 = tpu.memref_slice %arg5[%add3A_255, %dma_start3A_258] : memref<8192x4096xf32, #tpu.memory_space<hbm>> -> memref<8x4096xf32, #tpu.memory_space<hbm>>
    tpu.enqueue_dma source(%arg13 : memref<8x4096xf32, #tpu.memory_space<vmem>>) target(%dma_start3A_259 : memref<8x4096xf32, #tpu.memory_space<hbm>>) target_semaphore(%arg19 : memref<!tpu.dma_semaphore, #tpu.memory_space<semaphore_mem>>)
    %get3A_260 = arith.constant 56 : index
    %get3A_261 = tpu.vector_load %arg9[%get3A_260] {strides = array<i32>} : memref<272xi32, #tpu.memory_space<vmem>>, vector<16xi32>,
    %and3A_262 = arith.constant 4095 : i32
    %and3A_263 = vector.broadcast %and3A_262 : i32 to vector<16xi32>
    %and3A_264 = arith.andi %get3A_261, %and3A_263 : vector<16xi32>
    %gather3A_265 = tpu.vector_load_idx %arg13[%and3A_37, %and3A_264] masked %lt3A_40 : memref<8x4096xf32, #tpu.memory_space<vmem>>[vector<16xi32>, vector<16xi32>], vector<16xf32>, vector<16xi1>
    %select_n3A_266 = arith.select %lt3A_40, %gather3A_265, %broadcast_in_dim3A_41 : vector<16xi1>, vector<16xf32>
    %add3A_267 = arith.addf %add3A_239, %select_n3A_266 : vector<16xf32>
    %dma_wait3A_268 = arith.constant 0 : i32
    %dma_wait3A_269 = tpu.memref_slice %arg5[%add3A_255, %dma_wait3A_268] : memref<8192x4096xf32, #tpu.memory_space<hbm>> -> memref<8x4096xf32, #tpu.memory_space<hbm>>
    %dma_wait3A_270 = arith.constant 0 : i32
    %dma_wait3A_271 = tpu.memref_slice %arg5[%add3A_255, %dma_wait3A_270] : memref<8192x4096xf32, #tpu.memory_space<hbm>> -> memref<8x4096xf32, #tpu.memory_space<hbm>>
    tpu.wait_dma2 semaphore(%arg19 : memref<!tpu.dma_semaphore, #tpu.memory_space<semaphore_mem>>) src(%arg13 : memref<8x4096xf32, #tpu.memory_space<vmem>>) dst(%dma_wait3A_271 : memref<8x4096xf32, #tpu.memory_space<hbm>>)
    %dma_start3A_272 = arith.constant 80 : i32
    %dma_start3A_273 = tpu.memref_slice %arg8[%dma_start3A_272] : memref<256xi32, #tpu.memory_space<vmem>> -> memref<8xi32, #tpu.memory_space<vmem>>
    %dma_start3A_274 = arith.constant 0 : i32
    %dma_start3A_275 = arith.constant 0 : i32
    %dma_start3A_276 = tpu.memref_slice %arg2[%dma_start3A_274, %dma_start3A_275] : memref<4096x4096xf32, #tpu.memory_space<hbm>> -> memref<4096x4096xf32, #tpu.memory_space<hbm>>
    tpu.enqueue_indirect_dma source(%dma_start3A_276 : memref<4096x4096xf32, #tpu.memory_space<hbm>>) target(%arg13 : memref<8x4096xf32, #tpu.memory_space<vmem>>) offsets(%dma_start3A_273 : memref<8xi32, #tpu.memory_space<vmem>>) semaphore(%arg16 : memref<!tpu.dma_semaphore, #tpu.memory_space<semaphore_mem>>)
    %dma_wait3A_277 = arith.constant 64 : i32
    %dma_wait3A_278 = tpu.memref_slice %arg8[%dma_wait3A_277] : memref<256xi32, #tpu.memory_space<vmem>> -> memref<8xi32, #tpu.memory_space<vmem>>
    %dma_wait3A_279 = arith.constant 0 : i32
    %dma_wait3A_280 = arith.constant 0 : i32
    %dma_wait3A_281 = tpu.memref_slice %arg2[%dma_wait3A_279, %dma_wait3A_280] : memref<4096x4096xf32, #tpu.memory_space<hbm>> -> memref<4096x4096xf32, #tpu.memory_space<hbm>>
    tpu.wait_indirect_dma semaphore(%arg17 : memref<!tpu.dma_semaphore, #tpu.memory_space<semaphore_mem>>) src(%dma_wait3A_281 : memref<4096x4096xf32, #tpu.memory_space<hbm>>) dst(%arg14 : memref<8x4096xf32, #tpu.memory_space<vmem>>)
    %add3A_282 = arith.constant 64 : i32
    %add3A_283 = arith.addi %mul3A_2, %add3A_282 : i32
    %dma_start3A_284 = arith.constant 0 : i32
    %dma_start3A_285 = tpu.memref_slice %arg5[%add3A_283, %dma_start3A_284] : memref<8192x4096xf32, #tpu.memory_space<hbm>> -> memref<8x4096xf32, #tpu.memory_space<hbm>>
    %dma_start3A_286 = arith.constant 0 : i32
    %dma_start3A_287 = tpu.memref_slice %arg5[%add3A_283, %dma_start3A_286] : memref<8192x4096xf32, #tpu.memory_space<hbm>> -> memref<8x4096xf32, #tpu.memory_space<hbm>>
    tpu.enqueue_dma source(%arg14 : memref<8x4096xf32, #tpu.memory_space<vmem>>) target(%dma_start3A_287 : memref<8x4096xf32, #tpu.memory_space<hbm>>) target_semaphore(%arg20 : memref<!tpu.dma_semaphore, #tpu.memory_space<semaphore_mem>>)
    %get3A_288 = arith.constant 64 : index
    %get3A_289 = tpu.vector_load %arg9[%get3A_288] {strides = array<i32>} : memref<272xi32, #tpu.memory_space<vmem>>, vector<16xi32>,
    %and3A_290 = arith.constant 4095 : i32
    %and3A_291 = vector.broadcast %and3A_290 : i32 to vector<16xi32>
    %and3A_292 = arith.andi %get3A_289, %and3A_291 : vector<16xi32>
    %gather3A_293 = tpu.vector_load_idx %arg14[%and3A_37, %and3A_292] masked %lt3A_40 : memref<8x4096xf32, #tpu.memory_space<vmem>>[vector<16xi32>, vector<16xi32>], vector<16xf32>, vector<16xi1>
    %select_n3A_294 = arith.select %lt3A_40, %gather3A_293, %broadcast_in_dim3A_41 : vector<16xi1>, vector<16xf32>
    %add3A_295 = arith.addf %add3A_267, %select_n3A_294 : vector<16xf32>
    %dma_wait3A_296 = arith.constant 0 : i32
    %dma_wait3A_297 = tpu.memref_slice %arg5[%add3A_283, %dma_wait3A_296] : memref<8192x4096xf32, #tpu.memory_space<hbm>> -> memref<8x4096xf32, #tpu.memory_space<hbm>>
    %dma_wait3A_298 = arith.constant 0 : i32
    %dma_wait3A_299 = tpu.memref_slice %arg5[%add3A_283, %dma_wait3A_298] : memref<8192x4096xf32, #tpu.memory_space<hbm>> -> memref<8x4096xf32, #tpu.memory_space<hbm>>
    tpu.wait_dma2 semaphore(%arg20 : memref<!tpu.dma_semaphore, #tpu.memory_space<semaphore_mem>>) src(%arg14 : memref<8x4096xf32, #tpu.memory_space<vmem>>) dst(%dma_wait3A_299 : memref<8x4096xf32, #tpu.memory_space<hbm>>)
    %dma_start3A_300 = arith.constant 88 : i32
    %dma_start3A_301 = tpu.memref_slice %arg8[%dma_start3A_300] : memref<256xi32, #tpu.memory_space<vmem>> -> memref<8xi32, #tpu.memory_space<vmem>>
    %dma_start3A_302 = arith.constant 0 : i32
    %dma_start3A_303 = arith.constant 0 : i32
    %dma_start3A_304 = tpu.memref_slice %arg2[%dma_start3A_302, %dma_start3A_303] : memref<4096x4096xf32, #tpu.memory_space<hbm>> -> memref<4096x4096xf32, #tpu.memory_space<hbm>>
    tpu.enqueue_indirect_dma source(%dma_start3A_304 : memref<4096x4096xf32, #tpu.memory_space<hbm>>) target(%arg14 : memref<8x4096xf32, #tpu.memory_space<vmem>>) offsets(%dma_start3A_301 : memref<8xi32, #tpu.memory_space<vmem>>) semaphore(%arg17 : memref<!tpu.dma_semaphore, #tpu.memory_space<semaphore_mem>>)
    %dma_wait3A_305 = arith.constant 72 : i32
    %dma_wait3A_306 = tpu.memref_slice %arg8[%dma_wait3A_305] : memref<256xi32, #tpu.memory_space<vmem>> -> memref<8xi32, #tpu.memory_space<vmem>>
    %dma_wait3A_307 = arith.constant 0 : i32
    %dma_wait3A_308 = arith.constant 0 : i32
    %dma_wait3A_309 = tpu.memref_slice %arg2[%dma_wait3A_307, %dma_wait3A_308] : memref<4096x4096xf32, #tpu.memory_space<hbm>> -> memref<4096x4096xf32, #tpu.memory_space<hbm>>
    tpu.wait_indirect_dma semaphore(%arg15 : memref<!tpu.dma_semaphore, #tpu.memory_space<semaphore_mem>>) src(%dma_wait3A_309 : memref<4096x4096xf32, #tpu.memory_space<hbm>>) dst(%arg12 : memref<8x4096xf32, #tpu.memory_space<vmem>>)
    %add3A_310 = arith.constant 72 : i32
    %add3A_311 = arith.addi %mul3A_2, %add3A_310 : i32
    %dma_start3A_312 = arith.constant 0 : i32
    %dma_start3A_313 = tpu.memref_slice %arg5[%add3A_311, %dma_start3A_312] : memref<8192x4096xf32, #tpu.memory_space<hbm>> -> memref<8x4096xf32, #tpu.memory_space<hbm>>
    %dma_start3A_314 = arith.constant 0 : i32
    %dma_start3A_315 = tpu.memref_slice %arg5[%add3A_311, %dma_start3A_314] : memref<8192x4096xf32, #tpu.memory_space<hbm>> -> memref<8x4096xf32, #tpu.memory_space<hbm>>
    tpu.enqueue_dma source(%arg12 : memref<8x4096xf32, #tpu.memory_space<vmem>>) target(%dma_start3A_315 : memref<8x4096xf32, #tpu.memory_space<hbm>>) target_semaphore(%arg18 : memref<!tpu.dma_semaphore, #tpu.memory_space<semaphore_mem>>)
    %get3A_316 = arith.constant 72 : index
    %get3A_317 = tpu.vector_load %arg9[%get3A_316] {strides = array<i32>} : memref<272xi32, #tpu.memory_space<vmem>>, vector<16xi32>,
    %and3A_318 = arith.constant 4095 : i32
    %and3A_319 = vector.broadcast %and3A_318 : i32 to vector<16xi32>
    %and3A_320 = arith.andi %get3A_317, %and3A_319 : vector<16xi32>
    %gather3A_321 = tpu.vector_load_idx %arg12[%and3A_37, %and3A_320] masked %lt3A_40 : memref<8x4096xf32, #tpu.memory_space<vmem>>[vector<16xi32>, vector<16xi32>], vector<16xf32>, vector<16xi1>
    %select_n3A_322 = arith.select %lt3A_40, %gather3A_321, %broadcast_in_dim3A_41 : vector<16xi1>, vector<16xf32>
    %add3A_323 = arith.addf %add3A_295, %select_n3A_322 : vector<16xf32>
    %dma_wait3A_324 = arith.constant 0 : i32
    %dma_wait3A_325 = tpu.memref_slice %arg5[%add3A_311, %dma_wait3A_324] : memref<8192x4096xf32, #tpu.memory_space<hbm>> -> memref<8x4096xf32, #tpu.memory_space<hbm>>
    %dma_wait3A_326 = arith.constant 0 : i32
    %dma_wait3A_327 = tpu.memref_slice %arg5[%add3A_311, %dma_wait3A_326] : memref<8192x4096xf32, #tpu.memory_space<hbm>> -> memref<8x4096xf32, #tpu.memory_space<hbm>>
    tpu.wait_dma2 semaphore(%arg18 : memref<!tpu.dma_semaphore, #tpu.memory_space<semaphore_mem>>) src(%arg12 : memref<8x4096xf32, #tpu.memory_space<vmem>>) dst(%dma_wait3A_327 : memref<8x4096xf32, #tpu.memory_space<hbm>>)
    %dma_start3A_328 = arith.constant 96 : i32
    %dma_start3A_329 = tpu.memref_slice %arg8[%dma_start3A_328] : memref<256xi32, #tpu.memory_space<vmem>> -> memref<8xi32, #tpu.memory_space<vmem>>
    %dma_start3A_330 = arith.constant 0 : i32
    %dma_start3A_331 = arith.constant 0 : i32
    %dma_start3A_332 = tpu.memref_slice %arg2[%dma_start3A_330, %dma_start3A_331] : memref<4096x4096xf32, #tpu.memory_space<hbm>> -> memref<4096x4096xf32, #tpu.memory_space<hbm>>
    tpu.enqueue_indirect_dma source(%dma_start3A_332 : memref<4096x4096xf32, #tpu.memory_space<hbm>>) target(%arg12 : memref<8x4096xf32, #tpu.memory_space<vmem>>) offsets(%dma_start3A_329 : memref<8xi32, #tpu.memory_space<vmem>>) semaphore(%arg15 : memref<!tpu.dma_semaphore, #tpu.memory_space<semaphore_mem>>)
    %dma_wait3A_333 = arith.constant 80 : i32
    %dma_wait3A_334 = tpu.memref_slice %arg8[%dma_wait3A_333] : memref<256xi32, #tpu.memory_space<vmem>> -> memref<8xi32, #tpu.memory_space<vmem>>
    %dma_wait3A_335 = arith.constant 0 : i32
    %dma_wait3A_336 = arith.constant 0 : i32
    %dma_wait3A_337 = tpu.memref_slice %arg2[%dma_wait3A_335, %dma_wait3A_336] : memref<4096x4096xf32, #tpu.memory_space<hbm>> -> memref<4096x4096xf32, #tpu.memory_space<hbm>>
    tpu.wait_indirect_dma semaphore(%arg16 : memref<!tpu.dma_semaphore, #tpu.memory_space<semaphore_mem>>) src(%dma_wait3A_337 : memref<4096x4096xf32, #tpu.memory_space<hbm>>) dst(%arg13 : memref<8x4096xf32, #tpu.memory_space<vmem>>)
    %add3A_338 = arith.constant 80 : i32
    %add3A_339 = arith.addi %mul3A_2, %add3A_338 : i32
    %dma_start3A_340 = arith.constant 0 : i32
    %dma_start3A_341 = tpu.memref_slice %arg5[%add3A_339, %dma_start3A_340] : memref<8192x4096xf32, #tpu.memory_space<hbm>> -> memref<8x4096xf32, #tpu.memory_space<hbm>>
    %dma_start3A_342 = arith.constant 0 : i32
    %dma_start3A_343 = tpu.memref_slice %arg5[%add3A_339, %dma_start3A_342] : memref<8192x4096xf32, #tpu.memory_space<hbm>> -> memref<8x4096xf32, #tpu.memory_space<hbm>>
    tpu.enqueue_dma source(%arg13 : memref<8x4096xf32, #tpu.memory_space<vmem>>) target(%dma_start3A_343 : memref<8x4096xf32, #tpu.memory_space<hbm>>) target_semaphore(%arg19 : memref<!tpu.dma_semaphore, #tpu.memory_space<semaphore_mem>>)
    %get3A_344 = arith.constant 80 : index
    %get3A_345 = tpu.vector_load %arg9[%get3A_344] {strides = array<i32>} : memref<272xi32, #tpu.memory_space<vmem>>, vector<16xi32>,
    %and3A_346 = arith.constant 4095 : i32
    %and3A_347 = vector.broadcast %and3A_346 : i32 to vector<16xi32>
    %and3A_348 = arith.andi %get3A_345, %and3A_347 : vector<16xi32>
    %gather3A_349 = tpu.vector_load_idx %arg13[%and3A_37, %and3A_348] masked %lt3A_40 : memref<8x4096xf32, #tpu.memory_space<vmem>>[vector<16xi32>, vector<16xi32>], vector<16xf32>, vector<16xi1>
    %select_n3A_350 = arith.select %lt3A_40, %gather3A_349, %broadcast_in_dim3A_41 : vector<16xi1>, vector<16xf32>
    %add3A_351 = arith.addf %add3A_323, %select_n3A_350 : vector<16xf32>
    %dma_wait3A_352 = arith.constant 0 : i32
    %dma_wait3A_353 = tpu.memref_slice %arg5[%add3A_339, %dma_wait3A_352] : memref<8192x4096xf32, #tpu.memory_space<hbm>> -> memref<8x4096xf32, #tpu.memory_space<hbm>>
    %dma_wait3A_354 = arith.constant 0 : i32
    %dma_wait3A_355 = tpu.memref_slice %arg5[%add3A_339, %dma_wait3A_354] : memref<8192x4096xf32, #tpu.memory_space<hbm>> -> memref<8x4096xf32, #tpu.memory_space<hbm>>
    tpu.wait_dma2 semaphore(%arg19 : memref<!tpu.dma_semaphore, #tpu.memory_space<semaphore_mem>>) src(%arg13 : memref<8x4096xf32, #tpu.memory_space<vmem>>) dst(%dma_wait3A_355 : memref<8x4096xf32, #tpu.memory_space<hbm>>)
    %dma_start3A_356 = arith.constant 104 : i32
    %dma_start3A_357 = tpu.memref_slice %arg8[%dma_start3A_356] : memref<256xi32, #tpu.memory_space<vmem>> -> memref<8xi32, #tpu.memory_space<vmem>>
    %dma_start3A_358 = arith.constant 0 : i32
    %dma_start3A_359 = arith.constant 0 : i32
    %dma_start3A_360 = tpu.memref_slice %arg2[%dma_start3A_358, %dma_start3A_359] : memref<4096x4096xf32, #tpu.memory_space<hbm>> -> memref<4096x4096xf32, #tpu.memory_space<hbm>>
    tpu.enqueue_indirect_dma source(%dma_start3A_360 : memref<4096x4096xf32, #tpu.memory_space<hbm>>) target(%arg13 : memref<8x4096xf32, #tpu.memory_space<vmem>>) offsets(%dma_start3A_357 : memref<8xi32, #tpu.memory_space<vmem>>) semaphore(%arg16 : memref<!tpu.dma_semaphore, #tpu.memory_space<semaphore_mem>>)
    %dma_wait3A_361 = arith.constant 88 : i32
    %dma_wait3A_362 = tpu.memref_slice %arg8[%dma_wait3A_361] : memref<256xi32, #tpu.memory_space<vmem>> -> memref<8xi32, #tpu.memory_space<vmem>>
    %dma_wait3A_363 = arith.constant 0 : i32
    %dma_wait3A_364 = arith.constant 0 : i32
    %dma_wait3A_365 = tpu.memref_slice %arg2[%dma_wait3A_363, %dma_wait3A_364] : memref<4096x4096xf32, #tpu.memory_space<hbm>> -> memref<4096x4096xf32, #tpu.memory_space<hbm>>
    tpu.wait_indirect_dma semaphore(%arg17 : memref<!tpu.dma_semaphore, #tpu.memory_space<semaphore_mem>>) src(%dma_wait3A_365 : memref<4096x4096xf32, #tpu.memory_space<hbm>>) dst(%arg14 : memref<8x4096xf32, #tpu.memory_space<vmem>>)
    %add3A_366 = arith.constant 88 : i32
    %add3A_367 = arith.addi %mul3A_2, %add3A_366 : i32
    %dma_start3A_368 = arith.constant 0 : i32
    %dma_start3A_369 = tpu.memref_slice %arg5[%add3A_367, %dma_start3A_368] : memref<8192x4096xf32, #tpu.memory_space<hbm>> -> memref<8x4096xf32, #tpu.memory_space<hbm>>
    %dma_start3A_370 = arith.constant 0 : i32
    %dma_start3A_371 = tpu.memref_slice %arg5[%add3A_367, %dma_start3A_370] : memref<8192x4096xf32, #tpu.memory_space<hbm>> -> memref<8x4096xf32, #tpu.memory_space<hbm>>
    tpu.enqueue_dma source(%arg14 : memref<8x4096xf32, #tpu.memory_space<vmem>>) target(%dma_start3A_371 : memref<8x4096xf32, #tpu.memory_space<hbm>>) target_semaphore(%arg20 : memref<!tpu.dma_semaphore, #tpu.memory_space<semaphore_mem>>)
    %get3A_372 = arith.constant 88 : index
    %get3A_373 = tpu.vector_load %arg9[%get3A_372] {strides = array<i32>} : memref<272xi32, #tpu.memory_space<vmem>>, vector<16xi32>,
    %and3A_374 = arith.constant 4095 : i32
    %and3A_375 = vector.broadcast %and3A_374 : i32 to vector<16xi32>
    %and3A_376 = arith.andi %get3A_373, %and3A_375 : vector<16xi32>
    %gather3A_377 = tpu.vector_load_idx %arg14[%and3A_37, %and3A_376] masked %lt3A_40 : memref<8x4096xf32, #tpu.memory_space<vmem>>[vector<16xi32>, vector<16xi32>], vector<16xf32>, vector<16xi1>
    %select_n3A_378 = arith.select %lt3A_40, %gather3A_377, %broadcast_in_dim3A_41 : vector<16xi1>, vector<16xf32>
    %add3A_379 = arith.addf %add3A_351, %select_n3A_378 : vector<16xf32>
    %dma_wait3A_380 = arith.constant 0 : i32
    %dma_wait3A_381 = tpu.memref_slice %arg5[%add3A_367, %dma_wait3A_380] : memref<8192x4096xf32, #tpu.memory_space<hbm>> -> memref<8x4096xf32, #tpu.memory_space<hbm>>
    %dma_wait3A_382 = arith.constant 0 : i32
    %dma_wait3A_383 = tpu.memref_slice %arg5[%add3A_367, %dma_wait3A_382] : memref<8192x4096xf32, #tpu.memory_space<hbm>> -> memref<8x4096xf32, #tpu.memory_space<hbm>>
    tpu.wait_dma2 semaphore(%arg20 : memref<!tpu.dma_semaphore, #tpu.memory_space<semaphore_mem>>) src(%arg14 : memref<8x4096xf32, #tpu.memory_space<vmem>>) dst(%dma_wait3A_383 : memref<8x4096xf32, #tpu.memory_space<hbm>>)
    %dma_start3A_384 = arith.constant 112 : i32
    %dma_start3A_385 = tpu.memref_slice %arg8[%dma_start3A_384] : memref<256xi32, #tpu.memory_space<vmem>> -> memref<8xi32, #tpu.memory_space<vmem>>
    %dma_start3A_386 = arith.constant 0 : i32
    %dma_start3A_387 = arith.constant 0 : i32
    %dma_start3A_388 = tpu.memref_slice %arg2[%dma_start3A_386, %dma_start3A_387] : memref<4096x4096xf32, #tpu.memory_space<hbm>> -> memref<4096x4096xf32, #tpu.memory_space<hbm>>
    tpu.enqueue_indirect_dma source(%dma_start3A_388 : memref<4096x4096xf32, #tpu.memory_space<hbm>>) target(%arg14 : memref<8x4096xf32, #tpu.memory_space<vmem>>) offsets(%dma_start3A_385 : memref<8xi32, #tpu.memory_space<vmem>>) semaphore(%arg17 : memref<!tpu.dma_semaphore, #tpu.memory_space<semaphore_mem>>)
    %dma_wait3A_389 = arith.constant 96 : i32
    %dma_wait3A_390 = tpu.memref_slice %arg8[%dma_wait3A_389] : memref<256xi32, #tpu.memory_space<vmem>> -> memref<8xi32, #tpu.memory_space<vmem>>
    %dma_wait3A_391 = arith.constant 0 : i32
    %dma_wait3A_392 = arith.constant 0 : i32
    %dma_wait3A_393 = tpu.memref_slice %arg2[%dma_wait3A_391, %dma_wait3A_392] : memref<4096x4096xf32, #tpu.memory_space<hbm>> -> memref<4096x4096xf32, #tpu.memory_space<hbm>>
    tpu.wait_indirect_dma semaphore(%arg15 : memref<!tpu.dma_semaphore, #tpu.memory_space<semaphore_mem>>) src(%dma_wait3A_393 : memref<4096x4096xf32, #tpu.memory_space<hbm>>) dst(%arg12 : memref<8x4096xf32, #tpu.memory_space<vmem>>)
    %add3A_394 = arith.constant 96 : i32
    %add3A_395 = arith.addi %mul3A_2, %add3A_394 : i32
    %dma_start3A_396 = arith.constant 0 : i32
    %dma_start3A_397 = tpu.memref_slice %arg5[%add3A_395, %dma_start3A_396] : memref<8192x4096xf32, #tpu.memory_space<hbm>> -> memref<8x4096xf32, #tpu.memory_space<hbm>>
    %dma_start3A_398 = arith.constant 0 : i32
    %dma_start3A_399 = tpu.memref_slice %arg5[%add3A_395, %dma_start3A_398] : memref<8192x4096xf32, #tpu.memory_space<hbm>> -> memref<8x4096xf32, #tpu.memory_space<hbm>>
    tpu.enqueue_dma source(%arg12 : memref<8x4096xf32, #tpu.memory_space<vmem>>) target(%dma_start3A_399 : memref<8x4096xf32, #tpu.memory_space<hbm>>) target_semaphore(%arg18 : memref<!tpu.dma_semaphore, #tpu.memory_space<semaphore_mem>>)
    %get3A_400 = arith.constant 96 : index
    %get3A_401 = tpu.vector_load %arg9[%get3A_400] {strides = array<i32>} : memref<272xi32, #tpu.memory_space<vmem>>, vector<16xi32>,
    %and3A_402 = arith.constant 4095 : i32
    %and3A_403 = vector.broadcast %and3A_402 : i32 to vector<16xi32>
    %and3A_404 = arith.andi %get3A_401, %and3A_403 : vector<16xi32>
    %gather3A_405 = tpu.vector_load_idx %arg12[%and3A_37, %and3A_404] masked %lt3A_40 : memref<8x4096xf32, #tpu.memory_space<vmem>>[vector<16xi32>, vector<16xi32>], vector<16xf32>, vector<16xi1>
    %select_n3A_406 = arith.select %lt3A_40, %gather3A_405, %broadcast_in_dim3A_41 : vector<16xi1>, vector<16xf32>
    %add3A_407 = arith.addf %add3A_379, %select_n3A_406 : vector<16xf32>
    %dma_wait3A_408 = arith.constant 0 : i32
    %dma_wait3A_409 = tpu.memref_slice %arg5[%add3A_395, %dma_wait3A_408] : memref<8192x4096xf32, #tpu.memory_space<hbm>> -> memref<8x4096xf32, #tpu.memory_space<hbm>>
    %dma_wait3A_410 = arith.constant 0 : i32
    %dma_wait3A_411 = tpu.memref_slice %arg5[%add3A_395, %dma_wait3A_410] : memref<8192x4096xf32, #tpu.memory_space<hbm>> -> memref<8x4096xf32, #tpu.memory_space<hbm>>
    tpu.wait_dma2 semaphore(%arg18 : memref<!tpu.dma_semaphore, #tpu.memory_space<semaphore_mem>>) src(%arg12 : memref<8x4096xf32, #tpu.memory_space<vmem>>) dst(%dma_wait3A_411 : memref<8x4096xf32, #tpu.memory_space<hbm>>)
    %dma_start3A_412 = arith.constant 120 : i32
    %dma_start3A_413 = tpu.memref_slice %arg8[%dma_start3A_412] : memref<256xi32, #tpu.memory_space<vmem>> -> memref<8xi32, #tpu.memory_space<vmem>>
    %dma_start3A_414 = arith.constant 0 : i32
    %dma_start3A_415 = arith.constant 0 : i32
    %dma_start3A_416 = tpu.memref_slice %arg2[%dma_start3A_414, %dma_start3A_415] : memref<4096x4096xf32, #tpu.memory_space<hbm>> -> memref<4096x4096xf32, #tpu.memory_space<hbm>>
    tpu.enqueue_indirect_dma source(%dma_start3A_416 : memref<4096x4096xf32, #tpu.memory_space<hbm>>) target(%arg12 : memref<8x4096xf32, #tpu.memory_space<vmem>>) offsets(%dma_start3A_413 : memref<8xi32, #tpu.memory_space<vmem>>) semaphore(%arg15 : memref<!tpu.dma_semaphore, #tpu.memory_space<semaphore_mem>>)
    %dma_wait3A_417 = arith.constant 104 : i32
    %dma_wait3A_418 = tpu.memref_slice %arg8[%dma_wait3A_417] : memref<256xi32, #tpu.memory_space<vmem>> -> memref<8xi32, #tpu.memory_space<vmem>>
    %dma_wait3A_419 = arith.constant 0 : i32
    %dma_wait3A_420 = arith.constant 0 : i32
    %dma_wait3A_421 = tpu.memref_slice %arg2[%dma_wait3A_419, %dma_wait3A_420] : memref<4096x4096xf32, #tpu.memory_space<hbm>> -> memref<4096x4096xf32, #tpu.memory_space<hbm>>
    tpu.wait_indirect_dma semaphore(%arg16 : memref<!tpu.dma_semaphore, #tpu.memory_space<semaphore_mem>>) src(%dma_wait3A_421 : memref<4096x4096xf32, #tpu.memory_space<hbm>>) dst(%arg13 : memref<8x4096xf32, #tpu.memory_space<vmem>>)
    %add3A_422 = arith.constant 104 : i32
    %add3A_423 = arith.addi %mul3A_2, %add3A_422 : i32
    %dma_start3A_424 = arith.constant 0 : i32
    %dma_start3A_425 = tpu.memref_slice %arg5[%add3A_423, %dma_start3A_424] : memref<8192x4096xf32, #tpu.memory_space<hbm>> -> memref<8x4096xf32, #tpu.memory_space<hbm>>
    %dma_start3A_426 = arith.constant 0 : i32
    %dma_start3A_427 = tpu.memref_slice %arg5[%add3A_423, %dma_start3A_426] : memref<8192x4096xf32, #tpu.memory_space<hbm>> -> memref<8x4096xf32, #tpu.memory_space<hbm>>
    tpu.enqueue_dma source(%arg13 : memref<8x4096xf32, #tpu.memory_space<vmem>>) target(%dma_start3A_427 : memref<8x4096xf32, #tpu.memory_space<hbm>>) target_semaphore(%arg19 : memref<!tpu.dma_semaphore, #tpu.memory_space<semaphore_mem>>)
    %get3A_428 = arith.constant 104 : index
    %get3A_429 = tpu.vector_load %arg9[%get3A_428] {strides = array<i32>} : memref<272xi32, #tpu.memory_space<vmem>>, vector<16xi32>,
    %and3A_430 = arith.constant 4095 : i32
    %and3A_431 = vector.broadcast %and3A_430 : i32 to vector<16xi32>
    %and3A_432 = arith.andi %get3A_429, %and3A_431 : vector<16xi32>
    %gather3A_433 = tpu.vector_load_idx %arg13[%and3A_37, %and3A_432] masked %lt3A_40 : memref<8x4096xf32, #tpu.memory_space<vmem>>[vector<16xi32>, vector<16xi32>], vector<16xf32>, vector<16xi1>
    %select_n3A_434 = arith.select %lt3A_40, %gather3A_433, %broadcast_in_dim3A_41 : vector<16xi1>, vector<16xf32>
    %add3A_435 = arith.addf %add3A_407, %select_n3A_434 : vector<16xf32>
    %dma_wait3A_436 = arith.constant 0 : i32
    %dma_wait3A_437 = tpu.memref_slice %arg5[%add3A_423, %dma_wait3A_436] : memref<8192x4096xf32, #tpu.memory_space<hbm>> -> memref<8x4096xf32, #tpu.memory_space<hbm>>
    %dma_wait3A_438 = arith.constant 0 : i32
    %dma_wait3A_439 = tpu.memref_slice %arg5[%add3A_423, %dma_wait3A_438] : memref<8192x4096xf32, #tpu.memory_space<hbm>> -> memref<8x4096xf32, #tpu.memory_space<hbm>>
    tpu.wait_dma2 semaphore(%arg19 : memref<!tpu.dma_semaphore, #tpu.memory_space<semaphore_mem>>) src(%arg13 : memref<8x4096xf32, #tpu.memory_space<vmem>>) dst(%dma_wait3A_439 : memref<8x4096xf32, #tpu.memory_space<hbm>>)
    %dma_start3A_440 = arith.constant 128 : i32
    %dma_start3A_441 = tpu.memref_slice %arg8[%dma_start3A_440] : memref<256xi32, #tpu.memory_space<vmem>> -> memref<8xi32, #tpu.memory_space<vmem>>
    %dma_start3A_442 = arith.constant 0 : i32
    %dma_start3A_443 = arith.constant 0 : i32
    %dma_start3A_444 = tpu.memref_slice %arg2[%dma_start3A_442, %dma_start3A_443] : memref<4096x4096xf32, #tpu.memory_space<hbm>> -> memref<4096x4096xf32, #tpu.memory_space<hbm>>
    tpu.enqueue_indirect_dma source(%dma_start3A_444 : memref<4096x4096xf32, #tpu.memory_space<hbm>>) target(%arg13 : memref<8x4096xf32, #tpu.memory_space<vmem>>) offsets(%dma_start3A_441 : memref<8xi32, #tpu.memory_space<vmem>>) semaphore(%arg16 : memref<!tpu.dma_semaphore, #tpu.memory_space<semaphore_mem>>)
    %dma_wait3A_445 = arith.constant 112 : i32
    %dma_wait3A_446 = tpu.memref_slice %arg8[%dma_wait3A_445] : memref<256xi32, #tpu.memory_space<vmem>> -> memref<8xi32, #tpu.memory_space<vmem>>
    %dma_wait3A_447 = arith.constant 0 : i32
    %dma_wait3A_448 = arith.constant 0 : i32
    %dma_wait3A_449 = tpu.memref_slice %arg2[%dma_wait3A_447, %dma_wait3A_448] : memref<4096x4096xf32, #tpu.memory_space<hbm>> -> memref<4096x4096xf32, #tpu.memory_space<hbm>>
    tpu.wait_indirect_dma semaphore(%arg17 : memref<!tpu.dma_semaphore, #tpu.memory_space<semaphore_mem>>) src(%dma_wait3A_449 : memref<4096x4096xf32, #tpu.memory_space<hbm>>) dst(%arg14 : memref<8x4096xf32, #tpu.memory_space<vmem>>)
    %add3A_450 = arith.constant 112 : i32
    %add3A_451 = arith.addi %mul3A_2, %add3A_450 : i32
    %dma_start3A_452 = arith.constant 0 : i32
    %dma_start3A_453 = tpu.memref_slice %arg5[%add3A_451, %dma_start3A_452] : memref<8192x4096xf32, #tpu.memory_space<hbm>> -> memref<8x4096xf32, #tpu.memory_space<hbm>>
    %dma_start3A_454 = arith.constant 0 : i32
    %dma_start3A_455 = tpu.memref_slice %arg5[%add3A_451, %dma_start3A_454] : memref<8192x4096xf32, #tpu.memory_space<hbm>> -> memref<8x4096xf32, #tpu.memory_space<hbm>>
    tpu.enqueue_dma source(%arg14 : memref<8x4096xf32, #tpu.memory_space<vmem>>) target(%dma_start3A_455 : memref<8x4096xf32, #tpu.memory_space<hbm>>) target_semaphore(%arg20 : memref<!tpu.dma_semaphore, #tpu.memory_space<semaphore_mem>>)
    %get3A_456 = arith.constant 112 : index
    %get3A_457 = tpu.vector_load %arg9[%get3A_456] {strides = array<i32>} : memref<272xi32, #tpu.memory_space<vmem>>, vector<16xi32>,
    %and3A_458 = arith.constant 4095 : i32
    %and3A_459 = vector.broadcast %and3A_458 : i32 to vector<16xi32>
    %and3A_460 = arith.andi %get3A_457, %and3A_459 : vector<16xi32>
    %gather3A_461 = tpu.vector_load_idx %arg14[%and3A_37, %and3A_460] masked %lt3A_40 : memref<8x4096xf32, #tpu.memory_space<vmem>>[vector<16xi32>, vector<16xi32>], vector<16xf32>, vector<16xi1>
    %select_n3A_462 = arith.select %lt3A_40, %gather3A_461, %broadcast_in_dim3A_41 : vector<16xi1>, vector<16xf32>
    %add3A_463 = arith.addf %add3A_435, %select_n3A_462 : vector<16xf32>
    %dma_wait3A_464 = arith.constant 0 : i32
    %dma_wait3A_465 = tpu.memref_slice %arg5[%add3A_451, %dma_wait3A_464] : memref<8192x4096xf32, #tpu.memory_space<hbm>> -> memref<8x4096xf32, #tpu.memory_space<hbm>>
    %dma_wait3A_466 = arith.constant 0 : i32
    %dma_wait3A_467 = tpu.memref_slice %arg5[%add3A_451, %dma_wait3A_466] : memref<8192x4096xf32, #tpu.memory_space<hbm>> -> memref<8x4096xf32, #tpu.memory_space<hbm>>
    tpu.wait_dma2 semaphore(%arg20 : memref<!tpu.dma_semaphore, #tpu.memory_space<semaphore_mem>>) src(%arg14 : memref<8x4096xf32, #tpu.memory_space<vmem>>) dst(%dma_wait3A_467 : memref<8x4096xf32, #tpu.memory_space<hbm>>)
    %dma_start3A_468 = arith.constant 136 : i32
    %dma_start3A_469 = tpu.memref_slice %arg8[%dma_start3A_468] : memref<256xi32, #tpu.memory_space<vmem>> -> memref<8xi32, #tpu.memory_space<vmem>>
    %dma_start3A_470 = arith.constant 0 : i32
    %dma_start3A_471 = arith.constant 0 : i32
    %dma_start3A_472 = tpu.memref_slice %arg2[%dma_start3A_470, %dma_start3A_471] : memref<4096x4096xf32, #tpu.memory_space<hbm>> -> memref<4096x4096xf32, #tpu.memory_space<hbm>>
    tpu.enqueue_indirect_dma source(%dma_start3A_472 : memref<4096x4096xf32, #tpu.memory_space<hbm>>) target(%arg14 : memref<8x4096xf32, #tpu.memory_space<vmem>>) offsets(%dma_start3A_469 : memref<8xi32, #tpu.memory_space<vmem>>) semaphore(%arg17 : memref<!tpu.dma_semaphore, #tpu.memory_space<semaphore_mem>>)
    %dma_wait3A_473 = arith.constant 120 : i32
    %dma_wait3A_474 = tpu.memref_slice %arg8[%dma_wait3A_473] : memref<256xi32, #tpu.memory_space<vmem>> -> memref<8xi32, #tpu.memory_space<vmem>>
    %dma_wait3A_475 = arith.constant 0 : i32
    %dma_wait3A_476 = arith.constant 0 : i32
    %dma_wait3A_477 = tpu.memref_slice %arg2[%dma_wait3A_475, %dma_wait3A_476] : memref<4096x4096xf32, #tpu.memory_space<hbm>> -> memref<4096x4096xf32, #tpu.memory_space<hbm>>
    tpu.wait_indirect_dma semaphore(%arg15 : memref<!tpu.dma_semaphore, #tpu.memory_space<semaphore_mem>>) src(%dma_wait3A_477 : memref<4096x4096xf32, #tpu.memory_space<hbm>>) dst(%arg12 : memref<8x4096xf32, #tpu.memory_space<vmem>>)
    %add3A_478 = arith.constant 120 : i32
    %add3A_479 = arith.addi %mul3A_2, %add3A_478 : i32
    %dma_start3A_480 = arith.constant 0 : i32
    %dma_start3A_481 = tpu.memref_slice %arg5[%add3A_479, %dma_start3A_480] : memref<8192x4096xf32, #tpu.memory_space<hbm>> -> memref<8x4096xf32, #tpu.memory_space<hbm>>
    %dma_start3A_482 = arith.constant 0 : i32
    %dma_start3A_483 = tpu.memref_slice %arg5[%add3A_479, %dma_start3A_482] : memref<8192x4096xf32, #tpu.memory_space<hbm>> -> memref<8x4096xf32, #tpu.memory_space<hbm>>
    tpu.enqueue_dma source(%arg12 : memref<8x4096xf32, #tpu.memory_space<vmem>>) target(%dma_start3A_483 : memref<8x4096xf32, #tpu.memory_space<hbm>>) target_semaphore(%arg18 : memref<!tpu.dma_semaphore, #tpu.memory_space<semaphore_mem>>)
    %get3A_484 = arith.constant 120 : index
    %get3A_485 = tpu.vector_load %arg9[%get3A_484] {strides = array<i32>} : memref<272xi32, #tpu.memory_space<vmem>>, vector<16xi32>,
    %and3A_486 = arith.constant 4095 : i32
    %and3A_487 = vector.broadcast %and3A_486 : i32 to vector<16xi32>
    %and3A_488 = arith.andi %get3A_485, %and3A_487 : vector<16xi32>
    %gather3A_489 = tpu.vector_load_idx %arg12[%and3A_37, %and3A_488] masked %lt3A_40 : memref<8x4096xf32, #tpu.memory_space<vmem>>[vector<16xi32>, vector<16xi32>], vector<16xf32>, vector<16xi1>
    %select_n3A_490 = arith.select %lt3A_40, %gather3A_489, %broadcast_in_dim3A_41 : vector<16xi1>, vector<16xf32>
    %add3A_491 = arith.addf %add3A_463, %select_n3A_490 : vector<16xf32>
    %dma_wait3A_492 = arith.constant 0 : i32
    %dma_wait3A_493 = tpu.memref_slice %arg5[%add3A_479, %dma_wait3A_492] : memref<8192x4096xf32, #tpu.memory_space<hbm>> -> memref<8x4096xf32, #tpu.memory_space<hbm>>
    %dma_wait3A_494 = arith.constant 0 : i32
    %dma_wait3A_495 = tpu.memref_slice %arg5[%add3A_479, %dma_wait3A_494] : memref<8192x4096xf32, #tpu.memory_space<hbm>> -> memref<8x4096xf32, #tpu.memory_space<hbm>>
    tpu.wait_dma2 semaphore(%arg18 : memref<!tpu.dma_semaphore, #tpu.memory_space<semaphore_mem>>) src(%arg12 : memref<8x4096xf32, #tpu.memory_space<vmem>>) dst(%dma_wait3A_495 : memref<8x4096xf32, #tpu.memory_space<hbm>>)
    %dma_start3A_496 = arith.constant 144 : i32
    %dma_start3A_497 = tpu.memref_slice %arg8[%dma_start3A_496] : memref<256xi32, #tpu.memory_space<vmem>> -> memref<8xi32, #tpu.memory_space<vmem>>
    %dma_start3A_498 = arith.constant 0 : i32
    %dma_start3A_499 = arith.constant 0 : i32
    %dma_start3A_500 = tpu.memref_slice %arg2[%dma_start3A_498, %dma_start3A_499] : memref<4096x4096xf32, #tpu.memory_space<hbm>> -> memref<4096x4096xf32, #tpu.memory_space<hbm>>
    tpu.enqueue_indirect_dma source(%dma_start3A_500 : memref<4096x4096xf32, #tpu.memory_space<hbm>>) target(%arg12 : memref<8x4096xf32, #tpu.memory_space<vmem>>) offsets(%dma_start3A_497 : memref<8xi32, #tpu.memory_space<vmem>>) semaphore(%arg15 : memref<!tpu.dma_semaphore, #tpu.memory_space<semaphore_mem>>)
    %dma_wait3A_501 = arith.constant 128 : i32
    %dma_wait3A_502 = tpu.memref_slice %arg8[%dma_wait3A_501] : memref<256xi32, #tpu.memory_space<vmem>> -> memref<8xi32, #tpu.memory_space<vmem>>
    %dma_wait3A_503 = arith.constant 0 : i32
    %dma_wait3A_504 = arith.constant 0 : i32
    %dma_wait3A_505 = tpu.memref_slice %arg2[%dma_wait3A_503, %dma_wait3A_504] : memref<4096x4096xf32, #tpu.memory_space<hbm>> -> memref<4096x4096xf32, #tpu.memory_space<hbm>>
    tpu.wait_indirect_dma semaphore(%arg16 : memref<!tpu.dma_semaphore, #tpu.memory_space<semaphore_mem>>) src(%dma_wait3A_505 : memref<4096x4096xf32, #tpu.memory_space<hbm>>) dst(%arg13 : memref<8x4096xf32, #tpu.memory_space<vmem>>)
    %add3A_506 = arith.constant 128 : i32
    %add3A_507 = arith.addi %mul3A_2, %add3A_506 : i32
    %dma_start3A_508 = arith.constant 0 : i32
    %dma_start3A_509 = tpu.memref_slice %arg5[%add3A_507, %dma_start3A_508] : memref<8192x4096xf32, #tpu.memory_space<hbm>> -> memref<8x4096xf32, #tpu.memory_space<hbm>>
    %dma_start3A_510 = arith.constant 0 : i32
    %dma_start3A_511 = tpu.memref_slice %arg5[%add3A_507, %dma_start3A_510] : memref<8192x4096xf32, #tpu.memory_space<hbm>> -> memref<8x4096xf32, #tpu.memory_space<hbm>>
    tpu.enqueue_dma source(%arg13 : memref<8x4096xf32, #tpu.memory_space<vmem>>) target(%dma_start3A_511 : memref<8x4096xf32, #tpu.memory_space<hbm>>) target_semaphore(%arg19 : memref<!tpu.dma_semaphore, #tpu.memory_space<semaphore_mem>>)
    %get3A_512 = arith.constant 128 : index
    %get3A_513 = tpu.vector_load %arg9[%get3A_512] {strides = array<i32>} : memref<272xi32, #tpu.memory_space<vmem>>, vector<16xi32>,
    %and3A_514 = arith.constant 4095 : i32
    %and3A_515 = vector.broadcast %and3A_514 : i32 to vector<16xi32>
    %and3A_516 = arith.andi %get3A_513, %and3A_515 : vector<16xi32>
    %gather3A_517 = tpu.vector_load_idx %arg13[%and3A_37, %and3A_516] masked %lt3A_40 : memref<8x4096xf32, #tpu.memory_space<vmem>>[vector<16xi32>, vector<16xi32>], vector<16xf32>, vector<16xi1>
    %select_n3A_518 = arith.select %lt3A_40, %gather3A_517, %broadcast_in_dim3A_41 : vector<16xi1>, vector<16xf32>
    %add3A_519 = arith.addf %add3A_491, %select_n3A_518 : vector<16xf32>
    %dma_wait3A_520 = arith.constant 0 : i32
    %dma_wait3A_521 = tpu.memref_slice %arg5[%add3A_507, %dma_wait3A_520] : memref<8192x4096xf32, #tpu.memory_space<hbm>> -> memref<8x4096xf32, #tpu.memory_space<hbm>>
    %dma_wait3A_522 = arith.constant 0 : i32
    %dma_wait3A_523 = tpu.memref_slice %arg5[%add3A_507, %dma_wait3A_522] : memref<8192x4096xf32, #tpu.memory_space<hbm>> -> memref<8x4096xf32, #tpu.memory_space<hbm>>
    tpu.wait_dma2 semaphore(%arg19 : memref<!tpu.dma_semaphore, #tpu.memory_space<semaphore_mem>>) src(%arg13 : memref<8x4096xf32, #tpu.memory_space<vmem>>) dst(%dma_wait3A_523 : memref<8x4096xf32, #tpu.memory_space<hbm>>)
    %dma_start3A_524 = arith.constant 152 : i32
    %dma_start3A_525 = tpu.memref_slice %arg8[%dma_start3A_524] : memref<256xi32, #tpu.memory_space<vmem>> -> memref<8xi32, #tpu.memory_space<vmem>>
    %dma_start3A_526 = arith.constant 0 : i32
    %dma_start3A_527 = arith.constant 0 : i32
    %dma_start3A_528 = tpu.memref_slice %arg2[%dma_start3A_526, %dma_start3A_527] : memref<4096x4096xf32, #tpu.memory_space<hbm>> -> memref<4096x4096xf32, #tpu.memory_space<hbm>>
    tpu.enqueue_indirect_dma source(%dma_start3A_528 : memref<4096x4096xf32, #tpu.memory_space<hbm>>) target(%arg13 : memref<8x4096xf32, #tpu.memory_space<vmem>>) offsets(%dma_start3A_525 : memref<8xi32, #tpu.memory_space<vmem>>) semaphore(%arg16 : memref<!tpu.dma_semaphore, #tpu.memory_space<semaphore_mem>>)
    %dma_wait3A_529 = arith.constant 136 : i32
    %dma_wait3A_530 = tpu.memref_slice %arg8[%dma_wait3A_529] : memref<256xi32, #tpu.memory_space<vmem>> -> memref<8xi32, #tpu.memory_space<vmem>>
    %dma_wait3A_531 = arith.constant 0 : i32
    %dma_wait3A_532 = arith.constant 0 : i32
    %dma_wait3A_533 = tpu.memref_slice %arg2[%dma_wait3A_531, %dma_wait3A_532] : memref<4096x4096xf32, #tpu.memory_space<hbm>> -> memref<4096x4096xf32, #tpu.memory_space<hbm>>
    tpu.wait_indirect_dma semaphore(%arg17 : memref<!tpu.dma_semaphore, #tpu.memory_space<semaphore_mem>>) src(%dma_wait3A_533 : memref<4096x4096xf32, #tpu.memory_space<hbm>>) dst(%arg14 : memref<8x4096xf32, #tpu.memory_space<vmem>>)
    %add3A_534 = arith.constant 136 : i32
    %add3A_535 = arith.addi %mul3A_2, %add3A_534 : i32
    %dma_start3A_536 = arith.constant 0 : i32
    %dma_start3A_537 = tpu.memref_slice %arg5[%add3A_535, %dma_start3A_536] : memref<8192x4096xf32, #tpu.memory_space<hbm>> -> memref<8x4096xf32, #tpu.memory_space<hbm>>
    %dma_start3A_538 = arith.constant 0 : i32
    %dma_start3A_539 = tpu.memref_slice %arg5[%add3A_535, %dma_start3A_538] : memref<8192x4096xf32, #tpu.memory_space<hbm>> -> memref<8x4096xf32, #tpu.memory_space<hbm>>
    tpu.enqueue_dma source(%arg14 : memref<8x4096xf32, #tpu.memory_space<vmem>>) target(%dma_start3A_539 : memref<8x4096xf32, #tpu.memory_space<hbm>>) target_semaphore(%arg20 : memref<!tpu.dma_semaphore, #tpu.memory_space<semaphore_mem>>)
    %get3A_540 = arith.constant 136 : index
    %get3A_541 = tpu.vector_load %arg9[%get3A_540] {strides = array<i32>} : memref<272xi32, #tpu.memory_space<vmem>>, vector<16xi32>,
    %and3A_542 = arith.constant 4095 : i32
    %and3A_543 = vector.broadcast %and3A_542 : i32 to vector<16xi32>
    %and3A_544 = arith.andi %get3A_541, %and3A_543 : vector<16xi32>
    %gather3A_545 = tpu.vector_load_idx %arg14[%and3A_37, %and3A_544] masked %lt3A_40 : memref<8x4096xf32, #tpu.memory_space<vmem>>[vector<16xi32>, vector<16xi32>], vector<16xf32>, vector<16xi1>
    %select_n3A_546 = arith.select %lt3A_40, %gather3A_545, %broadcast_in_dim3A_41 : vector<16xi1>, vector<16xf32>
    %add3A_547 = arith.addf %add3A_519, %select_n3A_546 : vector<16xf32>
    %dma_wait3A_548 = arith.constant 0 : i32
    %dma_wait3A_549 = tpu.memref_slice %arg5[%add3A_535, %dma_wait3A_548] : memref<8192x4096xf32, #tpu.memory_space<hbm>> -> memref<8x4096xf32, #tpu.memory_space<hbm>>
    %dma_wait3A_550 = arith.constant 0 : i32
    %dma_wait3A_551 = tpu.memref_slice %arg5[%add3A_535, %dma_wait3A_550] : memref<8192x4096xf32, #tpu.memory_space<hbm>> -> memref<8x4096xf32, #tpu.memory_space<hbm>>
    tpu.wait_dma2 semaphore(%arg20 : memref<!tpu.dma_semaphore, #tpu.memory_space<semaphore_mem>>) src(%arg14 : memref<8x4096xf32, #tpu.memory_space<vmem>>) dst(%dma_wait3A_551 : memref<8x4096xf32, #tpu.memory_space<hbm>>)
    %dma_start3A_552 = arith.constant 160 : i32
    %dma_start3A_553 = tpu.memref_slice %arg8[%dma_start3A_552] : memref<256xi32, #tpu.memory_space<vmem>> -> memref<8xi32, #tpu.memory_space<vmem>>
    %dma_start3A_554 = arith.constant 0 : i32
    %dma_start3A_555 = arith.constant 0 : i32
    %dma_start3A_556 = tpu.memref_slice %arg2[%dma_start3A_554, %dma_start3A_555] : memref<4096x4096xf32, #tpu.memory_space<hbm>> -> memref<4096x4096xf32, #tpu.memory_space<hbm>>
    tpu.enqueue_indirect_dma source(%dma_start3A_556 : memref<4096x4096xf32, #tpu.memory_space<hbm>>) target(%arg14 : memref<8x4096xf32, #tpu.memory_space<vmem>>) offsets(%dma_start3A_553 : memref<8xi32, #tpu.memory_space<vmem>>) semaphore(%arg17 : memref<!tpu.dma_semaphore, #tpu.memory_space<semaphore_mem>>)
    %dma_wait3A_557 = arith.constant 144 : i32
    %dma_wait3A_558 = tpu.memref_slice %arg8[%dma_wait3A_557] : memref<256xi32, #tpu.memory_space<vmem>> -> memref<8xi32, #tpu.memory_space<vmem>>
    %dma_wait3A_559 = arith.constant 0 : i32
    %dma_wait3A_560 = arith.constant 0 : i32
    %dma_wait3A_561 = tpu.memref_slice %arg2[%dma_wait3A_559, %dma_wait3A_560] : memref<4096x4096xf32, #tpu.memory_space<hbm>> -> memref<4096x4096xf32, #tpu.memory_space<hbm>>
    tpu.wait_indirect_dma semaphore(%arg15 : memref<!tpu.dma_semaphore, #tpu.memory_space<semaphore_mem>>) src(%dma_wait3A_561 : memref<4096x4096xf32, #tpu.memory_space<hbm>>) dst(%arg12 : memref<8x4096xf32, #tpu.memory_space<vmem>>)
    %add3A_562 = arith.constant 144 : i32
    %add3A_563 = arith.addi %mul3A_2, %add3A_562 : i32
    %dma_start3A_564 = arith.constant 0 : i32
    %dma_start3A_565 = tpu.memref_slice %arg5[%add3A_563, %dma_start3A_564] : memref<8192x4096xf32, #tpu.memory_space<hbm>> -> memref<8x4096xf32, #tpu.memory_space<hbm>>
    %dma_start3A_566 = arith.constant 0 : i32
    %dma_start3A_567 = tpu.memref_slice %arg5[%add3A_563, %dma_start3A_566] : memref<8192x4096xf32, #tpu.memory_space<hbm>> -> memref<8x4096xf32, #tpu.memory_space<hbm>>
    tpu.enqueue_dma source(%arg12 : memref<8x4096xf32, #tpu.memory_space<vmem>>) target(%dma_start3A_567 : memref<8x4096xf32, #tpu.memory_space<hbm>>) target_semaphore(%arg18 : memref<!tpu.dma_semaphore, #tpu.memory_space<semaphore_mem>>)
    %get3A_568 = arith.constant 144 : index
    %get3A_569 = tpu.vector_load %arg9[%get3A_568] {strides = array<i32>} : memref<272xi32, #tpu.memory_space<vmem>>, vector<16xi32>,
    %and3A_570 = arith.constant 4095 : i32
    %and3A_571 = vector.broadcast %and3A_570 : i32 to vector<16xi32>
    %and3A_572 = arith.andi %get3A_569, %and3A_571 : vector<16xi32>
    %gather3A_573 = tpu.vector_load_idx %arg12[%and3A_37, %and3A_572] masked %lt3A_40 : memref<8x4096xf32, #tpu.memory_space<vmem>>[vector<16xi32>, vector<16xi32>], vector<16xf32>, vector<16xi1>
    %select_n3A_574 = arith.select %lt3A_40, %gather3A_573, %broadcast_in_dim3A_41 : vector<16xi1>, vector<16xf32>
    %add3A_575 = arith.addf %add3A_547, %select_n3A_574 : vector<16xf32>
    %dma_wait3A_576 = arith.constant 0 : i32
    %dma_wait3A_577 = tpu.memref_slice %arg5[%add3A_563, %dma_wait3A_576] : memref<8192x4096xf32, #tpu.memory_space<hbm>> -> memref<8x4096xf32, #tpu.memory_space<hbm>>
    %dma_wait3A_578 = arith.constant 0 : i32
    %dma_wait3A_579 = tpu.memref_slice %arg5[%add3A_563, %dma_wait3A_578] : memref<8192x4096xf32, #tpu.memory_space<hbm>> -> memref<8x4096xf32, #tpu.memory_space<hbm>>
    tpu.wait_dma2 semaphore(%arg18 : memref<!tpu.dma_semaphore, #tpu.memory_space<semaphore_mem>>) src(%arg12 : memref<8x4096xf32, #tpu.memory_space<vmem>>) dst(%dma_wait3A_579 : memref<8x4096xf32, #tpu.memory_space<hbm>>)
    %dma_start3A_580 = arith.constant 168 : i32
    %dma_start3A_581 = tpu.memref_slice %arg8[%dma_start3A_580] : memref<256xi32, #tpu.memory_space<vmem>> -> memref<8xi32, #tpu.memory_space<vmem>>
    %dma_start3A_582 = arith.constant 0 : i32
    %dma_start3A_583 = arith.constant 0 : i32
    %dma_start3A_584 = tpu.memref_slice %arg2[%dma_start3A_582, %dma_start3A_583] : memref<4096x4096xf32, #tpu.memory_space<hbm>> -> memref<4096x4096xf32, #tpu.memory_space<hbm>>
    tpu.enqueue_indirect_dma source(%dma_start3A_584 : memref<4096x4096xf32, #tpu.memory_space<hbm>>) target(%arg12 : memref<8x4096xf32, #tpu.memory_space<vmem>>) offsets(%dma_start3A_581 : memref<8xi32, #tpu.memory_space<vmem>>) semaphore(%arg15 : memref<!tpu.dma_semaphore, #tpu.memory_space<semaphore_mem>>)
    %dma_wait3A_585 = arith.constant 152 : i32
    %dma_wait3A_586 = tpu.memref_slice %arg8[%dma_wait3A_585] : memref<256xi32, #tpu.memory_space<vmem>> -> memref<8xi32, #tpu.memory_space<vmem>>
    %dma_wait3A_587 = arith.constant 0 : i32
    %dma_wait3A_588 = arith.constant 0 : i32
    %dma_wait3A_589 = tpu.memref_slice %arg2[%dma_wait3A_587, %dma_wait3A_588] : memref<4096x4096xf32, #tpu.memory_space<hbm>> -> memref<4096x4096xf32, #tpu.memory_space<hbm>>
    tpu.wait_indirect_dma semaphore(%arg16 : memref<!tpu.dma_semaphore, #tpu.memory_space<semaphore_mem>>) src(%dma_wait3A_589 : memref<4096x4096xf32, #tpu.memory_space<hbm>>) dst(%arg13 : memref<8x4096xf32, #tpu.memory_space<vmem>>)
    %add3A_590 = arith.constant 152 : i32
    %add3A_591 = arith.addi %mul3A_2, %add3A_590 : i32
    %dma_start3A_592 = arith.constant 0 : i32
    %dma_start3A_593 = tpu.memref_slice %arg5[%add3A_591, %dma_start3A_592] : memref<8192x4096xf32, #tpu.memory_space<hbm>> -> memref<8x4096xf32, #tpu.memory_space<hbm>>
    %dma_start3A_594 = arith.constant 0 : i32
    %dma_start3A_595 = tpu.memref_slice %arg5[%add3A_591, %dma_start3A_594] : memref<8192x4096xf32, #tpu.memory_space<hbm>> -> memref<8x4096xf32, #tpu.memory_space<hbm>>
    tpu.enqueue_dma source(%arg13 : memref<8x4096xf32, #tpu.memory_space<vmem>>) target(%dma_start3A_595 : memref<8x4096xf32, #tpu.memory_space<hbm>>) target_semaphore(%arg19 : memref<!tpu.dma_semaphore, #tpu.memory_space<semaphore_mem>>)
    %get3A_596 = arith.constant 152 : index
    %get3A_597 = tpu.vector_load %arg9[%get3A_596] {strides = array<i32>} : memref<272xi32, #tpu.memory_space<vmem>>, vector<16xi32>,
    %and3A_598 = arith.constant 4095 : i32
    %and3A_599 = vector.broadcast %and3A_598 : i32 to vector<16xi32>
    %and3A_600 = arith.andi %get3A_597, %and3A_599 : vector<16xi32>
    %gather3A_601 = tpu.vector_load_idx %arg13[%and3A_37, %and3A_600] masked %lt3A_40 : memref<8x4096xf32, #tpu.memory_space<vmem>>[vector<16xi32>, vector<16xi32>], vector<16xf32>, vector<16xi1>
    %select_n3A_602 = arith.select %lt3A_40, %gather3A_601, %broadcast_in_dim3A_41 : vector<16xi1>, vector<16xf32>
    %add3A_603 = arith.addf %add3A_575, %select_n3A_602 : vector<16xf32>
    %dma_wait3A_604 = arith.constant 0 : i32
    %dma_wait3A_605 = tpu.memref_slice %arg5[%add3A_591, %dma_wait3A_604] : memref<8192x4096xf32, #tpu.memory_space<hbm>> -> memref<8x4096xf32, #tpu.memory_space<hbm>>
    %dma_wait3A_606 = arith.constant 0 : i32
    %dma_wait3A_607 = tpu.memref_slice %arg5[%add3A_591, %dma_wait3A_606] : memref<8192x4096xf32, #tpu.memory_space<hbm>> -> memref<8x4096xf32, #tpu.memory_space<hbm>>
    tpu.wait_dma2 semaphore(%arg19 : memref<!tpu.dma_semaphore, #tpu.memory_space<semaphore_mem>>) src(%arg13 : memref<8x4096xf32, #tpu.memory_space<vmem>>) dst(%dma_wait3A_607 : memref<8x4096xf32, #tpu.memory_space<hbm>>)
    %dma_start3A_608 = arith.constant 176 : i32
    %dma_start3A_609 = tpu.memref_slice %arg8[%dma_start3A_608] : memref<256xi32, #tpu.memory_space<vmem>> -> memref<8xi32, #tpu.memory_space<vmem>>
    %dma_start3A_610 = arith.constant 0 : i32
    %dma_start3A_611 = arith.constant 0 : i32
    %dma_start3A_612 = tpu.memref_slice %arg2[%dma_start3A_610, %dma_start3A_611] : memref<4096x4096xf32, #tpu.memory_space<hbm>> -> memref<4096x4096xf32, #tpu.memory_space<hbm>>
    tpu.enqueue_indirect_dma source(%dma_start3A_612 : memref<4096x4096xf32, #tpu.memory_space<hbm>>) target(%arg13 : memref<8x4096xf32, #tpu.memory_space<vmem>>) offsets(%dma_start3A_609 : memref<8xi32, #tpu.memory_space<vmem>>) semaphore(%arg16 : memref<!tpu.dma_semaphore, #tpu.memory_space<semaphore_mem>>)
    %dma_wait3A_613 = arith.constant 160 : i32
    %dma_wait3A_614 = tpu.memref_slice %arg8[%dma_wait3A_613] : memref<256xi32, #tpu.memory_space<vmem>> -> memref<8xi32, #tpu.memory_space<vmem>>
    %dma_wait3A_615 = arith.constant 0 : i32
    %dma_wait3A_616 = arith.constant 0 : i32
    %dma_wait3A_617 = tpu.memref_slice %arg2[%dma_wait3A_615, %dma_wait3A_616] : memref<4096x4096xf32, #tpu.memory_space<hbm>> -> memref<4096x4096xf32, #tpu.memory_space<hbm>>
    tpu.wait_indirect_dma semaphore(%arg17 : memref<!tpu.dma_semaphore, #tpu.memory_space<semaphore_mem>>) src(%dma_wait3A_617 : memref<4096x4096xf32, #tpu.memory_space<hbm>>) dst(%arg14 : memref<8x4096xf32, #tpu.memory_space<vmem>>)
    %add3A_618 = arith.constant 160 : i32
    %add3A_619 = arith.addi %mul3A_2, %add3A_618 : i32
    %dma_start3A_620 = arith.constant 0 : i32
    %dma_start3A_621 = tpu.memref_slice %arg5[%add3A_619, %dma_start3A_620] : memref<8192x4096xf32, #tpu.memory_space<hbm>> -> memref<8x4096xf32, #tpu.memory_space<hbm>>
    %dma_start3A_622 = arith.constant 0 : i32
    %dma_start3A_623 = tpu.memref_slice %arg5[%add3A_619, %dma_start3A_622] : memref<8192x4096xf32, #tpu.memory_space<hbm>> -> memref<8x4096xf32, #tpu.memory_space<hbm>>
    tpu.enqueue_dma source(%arg14 : memref<8x4096xf32, #tpu.memory_space<vmem>>) target(%dma_start3A_623 : memref<8x4096xf32, #tpu.memory_space<hbm>>) target_semaphore(%arg20 : memref<!tpu.dma_semaphore, #tpu.memory_space<semaphore_mem>>)
    %get3A_624 = arith.constant 160 : index
    %get3A_625 = tpu.vector_load %arg9[%get3A_624] {strides = array<i32>} : memref<272xi32, #tpu.memory_space<vmem>>, vector<16xi32>,
    %and3A_626 = arith.constant 4095 : i32
    %and3A_627 = vector.broadcast %and3A_626 : i32 to vector<16xi32>
    %and3A_628 = arith.andi %get3A_625, %and3A_627 : vector<16xi32>
    %gather3A_629 = tpu.vector_load_idx %arg14[%and3A_37, %and3A_628] masked %lt3A_40 : memref<8x4096xf32, #tpu.memory_space<vmem>>[vector<16xi32>, vector<16xi32>], vector<16xf32>, vector<16xi1>
    %select_n3A_630 = arith.select %lt3A_40, %gather3A_629, %broadcast_in_dim3A_41 : vector<16xi1>, vector<16xf32>
    %add3A_631 = arith.addf %add3A_603, %select_n3A_630 : vector<16xf32>
    %dma_wait3A_632 = arith.constant 0 : i32
    %dma_wait3A_633 = tpu.memref_slice %arg5[%add3A_619, %dma_wait3A_632] : memref<8192x4096xf32, #tpu.memory_space<hbm>> -> memref<8x4096xf32, #tpu.memory_space<hbm>>
    %dma_wait3A_634 = arith.constant 0 : i32
    %dma_wait3A_635 = tpu.memref_slice %arg5[%add3A_619, %dma_wait3A_634] : memref<8192x4096xf32, #tpu.memory_space<hbm>> -> memref<8x4096xf32, #tpu.memory_space<hbm>>
    tpu.wait_dma2 semaphore(%arg20 : memref<!tpu.dma_semaphore, #tpu.memory_space<semaphore_mem>>) src(%arg14 : memref<8x4096xf32, #tpu.memory_space<vmem>>) dst(%dma_wait3A_635 : memref<8x4096xf32, #tpu.memory_space<hbm>>)
    %dma_start3A_636 = arith.constant 184 : i32
    %dma_start3A_637 = tpu.memref_slice %arg8[%dma_start3A_636] : memref<256xi32, #tpu.memory_space<vmem>> -> memref<8xi32, #tpu.memory_space<vmem>>
    %dma_start3A_638 = arith.constant 0 : i32
    %dma_start3A_639 = arith.constant 0 : i32
    %dma_start3A_640 = tpu.memref_slice %arg2[%dma_start3A_638, %dma_start3A_639] : memref<4096x4096xf32, #tpu.memory_space<hbm>> -> memref<4096x4096xf32, #tpu.memory_space<hbm>>
    tpu.enqueue_indirect_dma source(%dma_start3A_640 : memref<4096x4096xf32, #tpu.memory_space<hbm>>) target(%arg14 : memref<8x4096xf32, #tpu.memory_space<vmem>>) offsets(%dma_start3A_637 : memref<8xi32, #tpu.memory_space<vmem>>) semaphore(%arg17 : memref<!tpu.dma_semaphore, #tpu.memory_space<semaphore_mem>>)
    %dma_wait3A_641 = arith.constant 168 : i32
    %dma_wait3A_642 = tpu.memref_slice %arg8[%dma_wait3A_641] : memref<256xi32, #tpu.memory_space<vmem>> -> memref<8xi32, #tpu.memory_space<vmem>>
    %dma_wait3A_643 = arith.constant 0 : i32
    %dma_wait3A_644 = arith.constant 0 : i32
    %dma_wait3A_645 = tpu.memref_slice %arg2[%dma_wait3A_643, %dma_wait3A_644] : memref<4096x4096xf32, #tpu.memory_space<hbm>> -> memref<4096x4096xf32, #tpu.memory_space<hbm>>
    tpu.wait_indirect_dma semaphore(%arg15 : memref<!tpu.dma_semaphore, #tpu.memory_space<semaphore_mem>>) src(%dma_wait3A_645 : memref<4096x4096xf32, #tpu.memory_space<hbm>>) dst(%arg12 : memref<8x4096xf32, #tpu.memory_space<vmem>>)
    %add3A_646 = arith.constant 168 : i32
    %add3A_647 = arith.addi %mul3A_2, %add3A_646 : i32
    %dma_start3A_648 = arith.constant 0 : i32
    %dma_start3A_649 = tpu.memref_slice %arg5[%add3A_647, %dma_start3A_648] : memref<8192x4096xf32, #tpu.memory_space<hbm>> -> memref<8x4096xf32, #tpu.memory_space<hbm>>
    %dma_start3A_650 = arith.constant 0 : i32
    %dma_start3A_651 = tpu.memref_slice %arg5[%add3A_647, %dma_start3A_650] : memref<8192x4096xf32, #tpu.memory_space<hbm>> -> memref<8x4096xf32, #tpu.memory_space<hbm>>
    tpu.enqueue_dma source(%arg12 : memref<8x4096xf32, #tpu.memory_space<vmem>>) target(%dma_start3A_651 : memref<8x4096xf32, #tpu.memory_space<hbm>>) target_semaphore(%arg18 : memref<!tpu.dma_semaphore, #tpu.memory_space<semaphore_mem>>)
    %get3A_652 = arith.constant 168 : index
    %get3A_653 = tpu.vector_load %arg9[%get3A_652] {strides = array<i32>} : memref<272xi32, #tpu.memory_space<vmem>>, vector<16xi32>,
    %and3A_654 = arith.constant 4095 : i32
    %and3A_655 = vector.broadcast %and3A_654 : i32 to vector<16xi32>
    %and3A_656 = arith.andi %get3A_653, %and3A_655 : vector<16xi32>
    %gather3A_657 = tpu.vector_load_idx %arg12[%and3A_37, %and3A_656] masked %lt3A_40 : memref<8x4096xf32, #tpu.memory_space<vmem>>[vector<16xi32>, vector<16xi32>], vector<16xf32>, vector<16xi1>
    %select_n3A_658 = arith.select %lt3A_40, %gather3A_657, %broadcast_in_dim3A_41 : vector<16xi1>, vector<16xf32>
    %add3A_659 = arith.addf %add3A_631, %select_n3A_658 : vector<16xf32>
    %dma_wait3A_660 = arith.constant 0 : i32
    %dma_wait3A_661 = tpu.memref_slice %arg5[%add3A_647, %dma_wait3A_660] : memref<8192x4096xf32, #tpu.memory_space<hbm>> -> memref<8x4096xf32, #tpu.memory_space<hbm>>
    %dma_wait3A_662 = arith.constant 0 : i32
    %dma_wait3A_663 = tpu.memref_slice %arg5[%add3A_647, %dma_wait3A_662] : memref<8192x4096xf32, #tpu.memory_space<hbm>> -> memref<8x4096xf32, #tpu.memory_space<hbm>>
    tpu.wait_dma2 semaphore(%arg18 : memref<!tpu.dma_semaphore, #tpu.memory_space<semaphore_mem>>) src(%arg12 : memref<8x4096xf32, #tpu.memory_space<vmem>>) dst(%dma_wait3A_663 : memref<8x4096xf32, #tpu.memory_space<hbm>>)
    %dma_start3A_664 = arith.constant 192 : i32
    %dma_start3A_665 = tpu.memref_slice %arg8[%dma_start3A_664] : memref<256xi32, #tpu.memory_space<vmem>> -> memref<8xi32, #tpu.memory_space<vmem>>
    %dma_start3A_666 = arith.constant 0 : i32
    %dma_start3A_667 = arith.constant 0 : i32
    %dma_start3A_668 = tpu.memref_slice %arg2[%dma_start3A_666, %dma_start3A_667] : memref<4096x4096xf32, #tpu.memory_space<hbm>> -> memref<4096x4096xf32, #tpu.memory_space<hbm>>
    tpu.enqueue_indirect_dma source(%dma_start3A_668 : memref<4096x4096xf32, #tpu.memory_space<hbm>>) target(%arg12 : memref<8x4096xf32, #tpu.memory_space<vmem>>) offsets(%dma_start3A_665 : memref<8xi32, #tpu.memory_space<vmem>>) semaphore(%arg15 : memref<!tpu.dma_semaphore, #tpu.memory_space<semaphore_mem>>)
    %dma_wait3A_669 = arith.constant 176 : i32
    %dma_wait3A_670 = tpu.memref_slice %arg8[%dma_wait3A_669] : memref<256xi32, #tpu.memory_space<vmem>> -> memref<8xi32, #tpu.memory_space<vmem>>
    %dma_wait3A_671 = arith.constant 0 : i32
    %dma_wait3A_672 = arith.constant 0 : i32
    %dma_wait3A_673 = tpu.memref_slice %arg2[%dma_wait3A_671, %dma_wait3A_672] : memref<4096x4096xf32, #tpu.memory_space<hbm>> -> memref<4096x4096xf32, #tpu.memory_space<hbm>>
    tpu.wait_indirect_dma semaphore(%arg16 : memref<!tpu.dma_semaphore, #tpu.memory_space<semaphore_mem>>) src(%dma_wait3A_673 : memref<4096x4096xf32, #tpu.memory_space<hbm>>) dst(%arg13 : memref<8x4096xf32, #tpu.memory_space<vmem>>)
    %add3A_674 = arith.constant 176 : i32
    %add3A_675 = arith.addi %mul3A_2, %add3A_674 : i32
    %dma_start3A_676 = arith.constant 0 : i32
    %dma_start3A_677 = tpu.memref_slice %arg5[%add3A_675, %dma_start3A_676] : memref<8192x4096xf32, #tpu.memory_space<hbm>> -> memref<8x4096xf32, #tpu.memory_space<hbm>>
    %dma_start3A_678 = arith.constant 0 : i32
    %dma_start3A_679 = tpu.memref_slice %arg5[%add3A_675, %dma_start3A_678] : memref<8192x4096xf32, #tpu.memory_space<hbm>> -> memref<8x4096xf32, #tpu.memory_space<hbm>>
    tpu.enqueue_dma source(%arg13 : memref<8x4096xf32, #tpu.memory_space<vmem>>) target(%dma_start3A_679 : memref<8x4096xf32, #tpu.memory_space<hbm>>) target_semaphore(%arg19 : memref<!tpu.dma_semaphore, #tpu.memory_space<semaphore_mem>>)
    %get3A_680 = arith.constant 176 : index
    %get3A_681 = tpu.vector_load %arg9[%get3A_680] {strides = array<i32>} : memref<272xi32, #tpu.memory_space<vmem>>, vector<16xi32>,
    %and3A_682 = arith.constant 4095 : i32
    %and3A_683 = vector.broadcast %and3A_682 : i32 to vector<16xi32>
    %and3A_684 = arith.andi %get3A_681, %and3A_683 : vector<16xi32>
    %gather3A_685 = tpu.vector_load_idx %arg13[%and3A_37, %and3A_684] masked %lt3A_40 : memref<8x4096xf32, #tpu.memory_space<vmem>>[vector<16xi32>, vector<16xi32>], vector<16xf32>, vector<16xi1>
    %select_n3A_686 = arith.select %lt3A_40, %gather3A_685, %broadcast_in_dim3A_41 : vector<16xi1>, vector<16xf32>
    %add3A_687 = arith.addf %add3A_659, %select_n3A_686 : vector<16xf32>
    %dma_wait3A_688 = arith.constant 0 : i32
    %dma_wait3A_689 = tpu.memref_slice %arg5[%add3A_675, %dma_wait3A_688] : memref<8192x4096xf32, #tpu.memory_space<hbm>> -> memref<8x4096xf32, #tpu.memory_space<hbm>>
    %dma_wait3A_690 = arith.constant 0 : i32
    %dma_wait3A_691 = tpu.memref_slice %arg5[%add3A_675, %dma_wait3A_690] : memref<8192x4096xf32, #tpu.memory_space<hbm>> -> memref<8x4096xf32, #tpu.memory_space<hbm>>
    tpu.wait_dma2 semaphore(%arg19 : memref<!tpu.dma_semaphore, #tpu.memory_space<semaphore_mem>>) src(%arg13 : memref<8x4096xf32, #tpu.memory_space<vmem>>) dst(%dma_wait3A_691 : memref<8x4096xf32, #tpu.memory_space<hbm>>)
    %dma_start3A_692 = arith.constant 200 : i32
    %dma_start3A_693 = tpu.memref_slice %arg8[%dma_start3A_692] : memref<256xi32, #tpu.memory_space<vmem>> -> memref<8xi32, #tpu.memory_space<vmem>>
    %dma_start3A_694 = arith.constant 0 : i32
    %dma_start3A_695 = arith.constant 0 : i32
    %dma_start3A_696 = tpu.memref_slice %arg2[%dma_start3A_694, %dma_start3A_695] : memref<4096x4096xf32, #tpu.memory_space<hbm>> -> memref<4096x4096xf32, #tpu.memory_space<hbm>>
    tpu.enqueue_indirect_dma source(%dma_start3A_696 : memref<4096x4096xf32, #tpu.memory_space<hbm>>) target(%arg13 : memref<8x4096xf32, #tpu.memory_space<vmem>>) offsets(%dma_start3A_693 : memref<8xi32, #tpu.memory_space<vmem>>) semaphore(%arg16 : memref<!tpu.dma_semaphore, #tpu.memory_space<semaphore_mem>>)
    %dma_wait3A_697 = arith.constant 184 : i32
    %dma_wait3A_698 = tpu.memref_slice %arg8[%dma_wait3A_697] : memref<256xi32, #tpu.memory_space<vmem>> -> memref<8xi32, #tpu.memory_space<vmem>>
    %dma_wait3A_699 = arith.constant 0 : i32
    %dma_wait3A_700 = arith.constant 0 : i32
    %dma_wait3A_701 = tpu.memref_slice %arg2[%dma_wait3A_699, %dma_wait3A_700] : memref<4096x4096xf32, #tpu.memory_space<hbm>> -> memref<4096x4096xf32, #tpu.memory_space<hbm>>
    tpu.wait_indirect_dma semaphore(%arg17 : memref<!tpu.dma_semaphore, #tpu.memory_space<semaphore_mem>>) src(%dma_wait3A_701 : memref<4096x4096xf32, #tpu.memory_space<hbm>>) dst(%arg14 : memref<8x4096xf32, #tpu.memory_space<vmem>>)
    %add3A_702 = arith.constant 184 : i32
    %add3A_703 = arith.addi %mul3A_2, %add3A_702 : i32
    %dma_start3A_704 = arith.constant 0 : i32
    %dma_start3A_705 = tpu.memref_slice %arg5[%add3A_703, %dma_start3A_704] : memref<8192x4096xf32, #tpu.memory_space<hbm>> -> memref<8x4096xf32, #tpu.memory_space<hbm>>
    %dma_start3A_706 = arith.constant 0 : i32
    %dma_start3A_707 = tpu.memref_slice %arg5[%add3A_703, %dma_start3A_706] : memref<8192x4096xf32, #tpu.memory_space<hbm>> -> memref<8x4096xf32, #tpu.memory_space<hbm>>
    tpu.enqueue_dma source(%arg14 : memref<8x4096xf32, #tpu.memory_space<vmem>>) target(%dma_start3A_707 : memref<8x4096xf32, #tpu.memory_space<hbm>>) target_semaphore(%arg20 : memref<!tpu.dma_semaphore, #tpu.memory_space<semaphore_mem>>)
    %get3A_708 = arith.constant 184 : index
    %get3A_709 = tpu.vector_load %arg9[%get3A_708] {strides = array<i32>} : memref<272xi32, #tpu.memory_space<vmem>>, vector<16xi32>,
    %and3A_710 = arith.constant 4095 : i32
    %and3A_711 = vector.broadcast %and3A_710 : i32 to vector<16xi32>
    %and3A_712 = arith.andi %get3A_709, %and3A_711 : vector<16xi32>
    %gather3A_713 = tpu.vector_load_idx %arg14[%and3A_37, %and3A_712] masked %lt3A_40 : memref<8x4096xf32, #tpu.memory_space<vmem>>[vector<16xi32>, vector<16xi32>], vector<16xf32>, vector<16xi1>
    %select_n3A_714 = arith.select %lt3A_40, %gather3A_713, %broadcast_in_dim3A_41 : vector<16xi1>, vector<16xf32>
    %add3A_715 = arith.addf %add3A_687, %select_n3A_714 : vector<16xf32>
    %dma_wait3A_716 = arith.constant 0 : i32
    %dma_wait3A_717 = tpu.memref_slice %arg5[%add3A_703, %dma_wait3A_716] : memref<8192x4096xf32, #tpu.memory_space<hbm>> -> memref<8x4096xf32, #tpu.memory_space<hbm>>
    %dma_wait3A_718 = arith.constant 0 : i32
    %dma_wait3A_719 = tpu.memref_slice %arg5[%add3A_703, %dma_wait3A_718] : memref<8192x4096xf32, #tpu.memory_space<hbm>> -> memref<8x4096xf32, #tpu.memory_space<hbm>>
    tpu.wait_dma2 semaphore(%arg20 : memref<!tpu.dma_semaphore, #tpu.memory_space<semaphore_mem>>) src(%arg14 : memref<8x4096xf32, #tpu.memory_space<vmem>>) dst(%dma_wait3A_719 : memref<8x4096xf32, #tpu.memory_space<hbm>>)
    %dma_start3A_720 = arith.constant 208 : i32
    %dma_start3A_721 = tpu.memref_slice %arg8[%dma_start3A_720] : memref<256xi32, #tpu.memory_space<vmem>> -> memref<8xi32, #tpu.memory_space<vmem>>
    %dma_start3A_722 = arith.constant 0 : i32
    %dma_start3A_723 = arith.constant 0 : i32
    %dma_start3A_724 = tpu.memref_slice %arg2[%dma_start3A_722, %dma_start3A_723] : memref<4096x4096xf32, #tpu.memory_space<hbm>> -> memref<4096x4096xf32, #tpu.memory_space<hbm>>
    tpu.enqueue_indirect_dma source(%dma_start3A_724 : memref<4096x4096xf32, #tpu.memory_space<hbm>>) target(%arg14 : memref<8x4096xf32, #tpu.memory_space<vmem>>) offsets(%dma_start3A_721 : memref<8xi32, #tpu.memory_space<vmem>>) semaphore(%arg17 : memref<!tpu.dma_semaphore, #tpu.memory_space<semaphore_mem>>)
    %dma_wait3A_725 = arith.constant 192 : i32
    %dma_wait3A_726 = tpu.memref_slice %arg8[%dma_wait3A_725] : memref<256xi32, #tpu.memory_space<vmem>> -> memref<8xi32, #tpu.memory_space<vmem>>
    %dma_wait3A_727 = arith.constant 0 : i32
    %dma_wait3A_728 = arith.constant 0 : i32
    %dma_wait3A_729 = tpu.memref_slice %arg2[%dma_wait3A_727, %dma_wait3A_728] : memref<4096x4096xf32, #tpu.memory_space<hbm>> -> memref<4096x4096xf32, #tpu.memory_space<hbm>>
    tpu.wait_indirect_dma semaphore(%arg15 : memref<!tpu.dma_semaphore, #tpu.memory_space<semaphore_mem>>) src(%dma_wait3A_729 : memref<4096x4096xf32, #tpu.memory_space<hbm>>) dst(%arg12 : memref<8x4096xf32, #tpu.memory_space<vmem>>)
    %add3A_730 = arith.constant 192 : i32
    %add3A_731 = arith.addi %mul3A_2, %add3A_730 : i32
    %dma_start3A_732 = arith.constant 0 : i32
    %dma_start3A_733 = tpu.memref_slice %arg5[%add3A_731, %dma_start3A_732] : memref<8192x4096xf32, #tpu.memory_space<hbm>> -> memref<8x4096xf32, #tpu.memory_space<hbm>>
    %dma_start3A_734 = arith.constant 0 : i32
    %dma_start3A_735 = tpu.memref_slice %arg5[%add3A_731, %dma_start3A_734] : memref<8192x4096xf32, #tpu.memory_space<hbm>> -> memref<8x4096xf32, #tpu.memory_space<hbm>>
    tpu.enqueue_dma source(%arg12 : memref<8x4096xf32, #tpu.memory_space<vmem>>) target(%dma_start3A_735 : memref<8x4096xf32, #tpu.memory_space<hbm>>) target_semaphore(%arg18 : memref<!tpu.dma_semaphore, #tpu.memory_space<semaphore_mem>>)
    %get3A_736 = arith.constant 192 : index
    %get3A_737 = tpu.vector_load %arg9[%get3A_736] {strides = array<i32>} : memref<272xi32, #tpu.memory_space<vmem>>, vector<16xi32>,
    %and3A_738 = arith.constant 4095 : i32
    %and3A_739 = vector.broadcast %and3A_738 : i32 to vector<16xi32>
    %and3A_740 = arith.andi %get3A_737, %and3A_739 : vector<16xi32>
    %gather3A_741 = tpu.vector_load_idx %arg12[%and3A_37, %and3A_740] masked %lt3A_40 : memref<8x4096xf32, #tpu.memory_space<vmem>>[vector<16xi32>, vector<16xi32>], vector<16xf32>, vector<16xi1>
    %select_n3A_742 = arith.select %lt3A_40, %gather3A_741, %broadcast_in_dim3A_41 : vector<16xi1>, vector<16xf32>
    %add3A_743 = arith.addf %add3A_715, %select_n3A_742 : vector<16xf32>
    %dma_wait3A_744 = arith.constant 0 : i32
    %dma_wait3A_745 = tpu.memref_slice %arg5[%add3A_731, %dma_wait3A_744] : memref<8192x4096xf32, #tpu.memory_space<hbm>> -> memref<8x4096xf32, #tpu.memory_space<hbm>>
    %dma_wait3A_746 = arith.constant 0 : i32
    %dma_wait3A_747 = tpu.memref_slice %arg5[%add3A_731, %dma_wait3A_746] : memref<8192x4096xf32, #tpu.memory_space<hbm>> -> memref<8x4096xf32, #tpu.memory_space<hbm>>
    tpu.wait_dma2 semaphore(%arg18 : memref<!tpu.dma_semaphore, #tpu.memory_space<semaphore_mem>>) src(%arg12 : memref<8x4096xf32, #tpu.memory_space<vmem>>) dst(%dma_wait3A_747 : memref<8x4096xf32, #tpu.memory_space<hbm>>)
    %dma_start3A_748 = arith.constant 216 : i32
    %dma_start3A_749 = tpu.memref_slice %arg8[%dma_start3A_748] : memref<256xi32, #tpu.memory_space<vmem>> -> memref<8xi32, #tpu.memory_space<vmem>>
    %dma_start3A_750 = arith.constant 0 : i32
    %dma_start3A_751 = arith.constant 0 : i32
    %dma_start3A_752 = tpu.memref_slice %arg2[%dma_start3A_750, %dma_start3A_751] : memref<4096x4096xf32, #tpu.memory_space<hbm>> -> memref<4096x4096xf32, #tpu.memory_space<hbm>>
    tpu.enqueue_indirect_dma source(%dma_start3A_752 : memref<4096x4096xf32, #tpu.memory_space<hbm>>) target(%arg12 : memref<8x4096xf32, #tpu.memory_space<vmem>>) offsets(%dma_start3A_749 : memref<8xi32, #tpu.memory_space<vmem>>) semaphore(%arg15 : memref<!tpu.dma_semaphore, #tpu.memory_space<semaphore_mem>>)
    %dma_wait3A_753 = arith.constant 200 : i32
    %dma_wait3A_754 = tpu.memref_slice %arg8[%dma_wait3A_753] : memref<256xi32, #tpu.memory_space<vmem>> -> memref<8xi32, #tpu.memory_space<vmem>>
    %dma_wait3A_755 = arith.constant 0 : i32
    %dma_wait3A_756 = arith.constant 0 : i32
    %dma_wait3A_757 = tpu.memref_slice %arg2[%dma_wait3A_755, %dma_wait3A_756] : memref<4096x4096xf32, #tpu.memory_space<hbm>> -> memref<4096x4096xf32, #tpu.memory_space<hbm>>
    tpu.wait_indirect_dma semaphore(%arg16 : memref<!tpu.dma_semaphore, #tpu.memory_space<semaphore_mem>>) src(%dma_wait3A_757 : memref<4096x4096xf32, #tpu.memory_space<hbm>>) dst(%arg13 : memref<8x4096xf32, #tpu.memory_space<vmem>>)
    %add3A_758 = arith.constant 200 : i32
    %add3A_759 = arith.addi %mul3A_2, %add3A_758 : i32
    %dma_start3A_760 = arith.constant 0 : i32
    %dma_start3A_761 = tpu.memref_slice %arg5[%add3A_759, %dma_start3A_760] : memref<8192x4096xf32, #tpu.memory_space<hbm>> -> memref<8x4096xf32, #tpu.memory_space<hbm>>
    %dma_start3A_762 = arith.constant 0 : i32
    %dma_start3A_763 = tpu.memref_slice %arg5[%add3A_759, %dma_start3A_762] : memref<8192x4096xf32, #tpu.memory_space<hbm>> -> memref<8x4096xf32, #tpu.memory_space<hbm>>
    tpu.enqueue_dma source(%arg13 : memref<8x4096xf32, #tpu.memory_space<vmem>>) target(%dma_start3A_763 : memref<8x4096xf32, #tpu.memory_space<hbm>>) target_semaphore(%arg19 : memref<!tpu.dma_semaphore, #tpu.memory_space<semaphore_mem>>)
    %get3A_764 = arith.constant 200 : index
    %get3A_765 = tpu.vector_load %arg9[%get3A_764] {strides = array<i32>} : memref<272xi32, #tpu.memory_space<vmem>>, vector<16xi32>,
    %and3A_766 = arith.constant 4095 : i32
    %and3A_767 = vector.broadcast %and3A_766 : i32 to vector<16xi32>
    %and3A_768 = arith.andi %get3A_765, %and3A_767 : vector<16xi32>
    %gather3A_769 = tpu.vector_load_idx %arg13[%and3A_37, %and3A_768] masked %lt3A_40 : memref<8x4096xf32, #tpu.memory_space<vmem>>[vector<16xi32>, vector<16xi32>], vector<16xf32>, vector<16xi1>
    %select_n3A_770 = arith.select %lt3A_40, %gather3A_769, %broadcast_in_dim3A_41 : vector<16xi1>, vector<16xf32>
    %add3A_771 = arith.addf %add3A_743, %select_n3A_770 : vector<16xf32>
    %dma_wait3A_772 = arith.constant 0 : i32
    %dma_wait3A_773 = tpu.memref_slice %arg5[%add3A_759, %dma_wait3A_772] : memref<8192x4096xf32, #tpu.memory_space<hbm>> -> memref<8x4096xf32, #tpu.memory_space<hbm>>
    %dma_wait3A_774 = arith.constant 0 : i32
    %dma_wait3A_775 = tpu.memref_slice %arg5[%add3A_759, %dma_wait3A_774] : memref<8192x4096xf32, #tpu.memory_space<hbm>> -> memref<8x4096xf32, #tpu.memory_space<hbm>>
    tpu.wait_dma2 semaphore(%arg19 : memref<!tpu.dma_semaphore, #tpu.memory_space<semaphore_mem>>) src(%arg13 : memref<8x4096xf32, #tpu.memory_space<vmem>>) dst(%dma_wait3A_775 : memref<8x4096xf32, #tpu.memory_space<hbm>>)
    %dma_start3A_776 = arith.constant 224 : i32
    %dma_start3A_777 = tpu.memref_slice %arg8[%dma_start3A_776] : memref<256xi32, #tpu.memory_space<vmem>> -> memref<8xi32, #tpu.memory_space<vmem>>
    %dma_start3A_778 = arith.constant 0 : i32
    %dma_start3A_779 = arith.constant 0 : i32
    %dma_start3A_780 = tpu.memref_slice %arg2[%dma_start3A_778, %dma_start3A_779] : memref<4096x4096xf32, #tpu.memory_space<hbm>> -> memref<4096x4096xf32, #tpu.memory_space<hbm>>
    tpu.enqueue_indirect_dma source(%dma_start3A_780 : memref<4096x4096xf32, #tpu.memory_space<hbm>>) target(%arg13 : memref<8x4096xf32, #tpu.memory_space<vmem>>) offsets(%dma_start3A_777 : memref<8xi32, #tpu.memory_space<vmem>>) semaphore(%arg16 : memref<!tpu.dma_semaphore, #tpu.memory_space<semaphore_mem>>)
    %dma_wait3A_781 = arith.constant 208 : i32
    %dma_wait3A_782 = tpu.memref_slice %arg8[%dma_wait3A_781] : memref<256xi32, #tpu.memory_space<vmem>> -> memref<8xi32, #tpu.memory_space<vmem>>
    %dma_wait3A_783 = arith.constant 0 : i32
    %dma_wait3A_784 = arith.constant 0 : i32
    %dma_wait3A_785 = tpu.memref_slice %arg2[%dma_wait3A_783, %dma_wait3A_784] : memref<4096x4096xf32, #tpu.memory_space<hbm>> -> memref<4096x4096xf32, #tpu.memory_space<hbm>>
    tpu.wait_indirect_dma semaphore(%arg17 : memref<!tpu.dma_semaphore, #tpu.memory_space<semaphore_mem>>) src(%dma_wait3A_785 : memref<4096x4096xf32, #tpu.memory_space<hbm>>) dst(%arg14 : memref<8x4096xf32, #tpu.memory_space<vmem>>)
    %add3A_786 = arith.constant 208 : i32
    %add3A_787 = arith.addi %mul3A_2, %add3A_786 : i32
    %dma_start3A_788 = arith.constant 0 : i32
    %dma_start3A_789 = tpu.memref_slice %arg5[%add3A_787, %dma_start3A_788] : memref<8192x4096xf32, #tpu.memory_space<hbm>> -> memref<8x4096xf32, #tpu.memory_space<hbm>>
    %dma_start3A_790 = arith.constant 0 : i32
    %dma_start3A_791 = tpu.memref_slice %arg5[%add3A_787, %dma_start3A_790] : memref<8192x4096xf32, #tpu.memory_space<hbm>> -> memref<8x4096xf32, #tpu.memory_space<hbm>>
    tpu.enqueue_dma source(%arg14 : memref<8x4096xf32, #tpu.memory_space<vmem>>) target(%dma_start3A_791 : memref<8x4096xf32, #tpu.memory_space<hbm>>) target_semaphore(%arg20 : memref<!tpu.dma_semaphore, #tpu.memory_space<semaphore_mem>>)
    %get3A_792 = arith.constant 208 : index
    %get3A_793 = tpu.vector_load %arg9[%get3A_792] {strides = array<i32>} : memref<272xi32, #tpu.memory_space<vmem>>, vector<16xi32>,
    %and3A_794 = arith.constant 4095 : i32
    %and3A_795 = vector.broadcast %and3A_794 : i32 to vector<16xi32>
    %and3A_796 = arith.andi %get3A_793, %and3A_795 : vector<16xi32>
    %gather3A_797 = tpu.vector_load_idx %arg14[%and3A_37, %and3A_796] masked %lt3A_40 : memref<8x4096xf32, #tpu.memory_space<vmem>>[vector<16xi32>, vector<16xi32>], vector<16xf32>, vector<16xi1>
    %select_n3A_798 = arith.select %lt3A_40, %gather3A_797, %broadcast_in_dim3A_41 : vector<16xi1>, vector<16xf32>
    %add3A_799 = arith.addf %add3A_771, %select_n3A_798 : vector<16xf32>
    %dma_wait3A_800 = arith.constant 0 : i32
    %dma_wait3A_801 = tpu.memref_slice %arg5[%add3A_787, %dma_wait3A_800] : memref<8192x4096xf32, #tpu.memory_space<hbm>> -> memref<8x4096xf32, #tpu.memory_space<hbm>>
    %dma_wait3A_802 = arith.constant 0 : i32
    %dma_wait3A_803 = tpu.memref_slice %arg5[%add3A_787, %dma_wait3A_802] : memref<8192x4096xf32, #tpu.memory_space<hbm>> -> memref<8x4096xf32, #tpu.memory_space<hbm>>
    tpu.wait_dma2 semaphore(%arg20 : memref<!tpu.dma_semaphore, #tpu.memory_space<semaphore_mem>>) src(%arg14 : memref<8x4096xf32, #tpu.memory_space<vmem>>) dst(%dma_wait3A_803 : memref<8x4096xf32, #tpu.memory_space<hbm>>)
    %dma_start3A_804 = arith.constant 232 : i32
    %dma_start3A_805 = tpu.memref_slice %arg8[%dma_start3A_804] : memref<256xi32, #tpu.memory_space<vmem>> -> memref<8xi32, #tpu.memory_space<vmem>>
    %dma_start3A_806 = arith.constant 0 : i32
    %dma_start3A_807 = arith.constant 0 : i32
    %dma_start3A_808 = tpu.memref_slice %arg2[%dma_start3A_806, %dma_start3A_807] : memref<4096x4096xf32, #tpu.memory_space<hbm>> -> memref<4096x4096xf32, #tpu.memory_space<hbm>>
    tpu.enqueue_indirect_dma source(%dma_start3A_808 : memref<4096x4096xf32, #tpu.memory_space<hbm>>) target(%arg14 : memref<8x4096xf32, #tpu.memory_space<vmem>>) offsets(%dma_start3A_805 : memref<8xi32, #tpu.memory_space<vmem>>) semaphore(%arg17 : memref<!tpu.dma_semaphore, #tpu.memory_space<semaphore_mem>>)
    %dma_wait3A_809 = arith.constant 216 : i32
    %dma_wait3A_810 = tpu.memref_slice %arg8[%dma_wait3A_809] : memref<256xi32, #tpu.memory_space<vmem>> -> memref<8xi32, #tpu.memory_space<vmem>>
    %dma_wait3A_811 = arith.constant 0 : i32
    %dma_wait3A_812 = arith.constant 0 : i32
    %dma_wait3A_813 = tpu.memref_slice %arg2[%dma_wait3A_811, %dma_wait3A_812] : memref<4096x4096xf32, #tpu.memory_space<hbm>> -> memref<4096x4096xf32, #tpu.memory_space<hbm>>
    tpu.wait_indirect_dma semaphore(%arg15 : memref<!tpu.dma_semaphore, #tpu.memory_space<semaphore_mem>>) src(%dma_wait3A_813 : memref<4096x4096xf32, #tpu.memory_space<hbm>>) dst(%arg12 : memref<8x4096xf32, #tpu.memory_space<vmem>>)
    %add3A_814 = arith.constant 216 : i32
    %add3A_815 = arith.addi %mul3A_2, %add3A_814 : i32
    %dma_start3A_816 = arith.constant 0 : i32
    %dma_start3A_817 = tpu.memref_slice %arg5[%add3A_815, %dma_start3A_816] : memref<8192x4096xf32, #tpu.memory_space<hbm>> -> memref<8x4096xf32, #tpu.memory_space<hbm>>
    %dma_start3A_818 = arith.constant 0 : i32
    %dma_start3A_819 = tpu.memref_slice %arg5[%add3A_815, %dma_start3A_818] : memref<8192x4096xf32, #tpu.memory_space<hbm>> -> memref<8x4096xf32, #tpu.memory_space<hbm>>
    tpu.enqueue_dma source(%arg12 : memref<8x4096xf32, #tpu.memory_space<vmem>>) target(%dma_start3A_819 : memref<8x4096xf32, #tpu.memory_space<hbm>>) target_semaphore(%arg18 : memref<!tpu.dma_semaphore, #tpu.memory_space<semaphore_mem>>)
    %get3A_820 = arith.constant 216 : index
    %get3A_821 = tpu.vector_load %arg9[%get3A_820] {strides = array<i32>} : memref<272xi32, #tpu.memory_space<vmem>>, vector<16xi32>,
    %and3A_822 = arith.constant 4095 : i32
    %and3A_823 = vector.broadcast %and3A_822 : i32 to vector<16xi32>
    %and3A_824 = arith.andi %get3A_821, %and3A_823 : vector<16xi32>
    %gather3A_825 = tpu.vector_load_idx %arg12[%and3A_37, %and3A_824] masked %lt3A_40 : memref<8x4096xf32, #tpu.memory_space<vmem>>[vector<16xi32>, vector<16xi32>], vector<16xf32>, vector<16xi1>
    %select_n3A_826 = arith.select %lt3A_40, %gather3A_825, %broadcast_in_dim3A_41 : vector<16xi1>, vector<16xf32>
    %add3A_827 = arith.addf %add3A_799, %select_n3A_826 : vector<16xf32>
    %dma_wait3A_828 = arith.constant 0 : i32
    %dma_wait3A_829 = tpu.memref_slice %arg5[%add3A_815, %dma_wait3A_828] : memref<8192x4096xf32, #tpu.memory_space<hbm>> -> memref<8x4096xf32, #tpu.memory_space<hbm>>
    %dma_wait3A_830 = arith.constant 0 : i32
    %dma_wait3A_831 = tpu.memref_slice %arg5[%add3A_815, %dma_wait3A_830] : memref<8192x4096xf32, #tpu.memory_space<hbm>> -> memref<8x4096xf32, #tpu.memory_space<hbm>>
    tpu.wait_dma2 semaphore(%arg18 : memref<!tpu.dma_semaphore, #tpu.memory_space<semaphore_mem>>) src(%arg12 : memref<8x4096xf32, #tpu.memory_space<vmem>>) dst(%dma_wait3A_831 : memref<8x4096xf32, #tpu.memory_space<hbm>>)
    %dma_start3A_832 = arith.constant 240 : i32
    %dma_start3A_833 = tpu.memref_slice %arg8[%dma_start3A_832] : memref<256xi32, #tpu.memory_space<vmem>> -> memref<8xi32, #tpu.memory_space<vmem>>
    %dma_start3A_834 = arith.constant 0 : i32
    %dma_start3A_835 = arith.constant 0 : i32
    %dma_start3A_836 = tpu.memref_slice %arg2[%dma_start3A_834, %dma_start3A_835] : memref<4096x4096xf32, #tpu.memory_space<hbm>> -> memref<4096x4096xf32, #tpu.memory_space<hbm>>
    tpu.enqueue_indirect_dma source(%dma_start3A_836 : memref<4096x4096xf32, #tpu.memory_space<hbm>>) target(%arg12 : memref<8x4096xf32, #tpu.memory_space<vmem>>) offsets(%dma_start3A_833 : memref<8xi32, #tpu.memory_space<vmem>>) semaphore(%arg15 : memref<!tpu.dma_semaphore, #tpu.memory_space<semaphore_mem>>)
    %dma_wait3A_837 = arith.constant 224 : i32
    %dma_wait3A_838 = tpu.memref_slice %arg8[%dma_wait3A_837] : memref<256xi32, #tpu.memory_space<vmem>> -> memref<8xi32, #tpu.memory_space<vmem>>
    %dma_wait3A_839 = arith.constant 0 : i32
    %dma_wait3A_840 = arith.constant 0 : i32
    %dma_wait3A_841 = tpu.memref_slice %arg2[%dma_wait3A_839, %dma_wait3A_840] : memref<4096x4096xf32, #tpu.memory_space<hbm>> -> memref<4096x4096xf32, #tpu.memory_space<hbm>>
    tpu.wait_indirect_dma semaphore(%arg16 : memref<!tpu.dma_semaphore, #tpu.memory_space<semaphore_mem>>) src(%dma_wait3A_841 : memref<4096x4096xf32, #tpu.memory_space<hbm>>) dst(%arg13 : memref<8x4096xf32, #tpu.memory_space<vmem>>)
    %add3A_842 = arith.constant 224 : i32
    %add3A_843 = arith.addi %mul3A_2, %add3A_842 : i32
    %dma_start3A_844 = arith.constant 0 : i32
    %dma_start3A_845 = tpu.memref_slice %arg5[%add3A_843, %dma_start3A_844] : memref<8192x4096xf32, #tpu.memory_space<hbm>> -> memref<8x4096xf32, #tpu.memory_space<hbm>>
    %dma_start3A_846 = arith.constant 0 : i32
    %dma_start3A_847 = tpu.memref_slice %arg5[%add3A_843, %dma_start3A_846] : memref<8192x4096xf32, #tpu.memory_space<hbm>> -> memref<8x4096xf32, #tpu.memory_space<hbm>>
    tpu.enqueue_dma source(%arg13 : memref<8x4096xf32, #tpu.memory_space<vmem>>) target(%dma_start3A_847 : memref<8x4096xf32, #tpu.memory_space<hbm>>) target_semaphore(%arg19 : memref<!tpu.dma_semaphore, #tpu.memory_space<semaphore_mem>>)
    %get3A_848 = arith.constant 224 : index
    %get3A_849 = tpu.vector_load %arg9[%get3A_848] {strides = array<i32>} : memref<272xi32, #tpu.memory_space<vmem>>, vector<16xi32>,
    %and3A_850 = arith.constant 4095 : i32
    %and3A_851 = vector.broadcast %and3A_850 : i32 to vector<16xi32>
    %and3A_852 = arith.andi %get3A_849, %and3A_851 : vector<16xi32>
    %gather3A_853 = tpu.vector_load_idx %arg13[%and3A_37, %and3A_852] masked %lt3A_40 : memref<8x4096xf32, #tpu.memory_space<vmem>>[vector<16xi32>, vector<16xi32>], vector<16xf32>, vector<16xi1>
    %select_n3A_854 = arith.select %lt3A_40, %gather3A_853, %broadcast_in_dim3A_41 : vector<16xi1>, vector<16xf32>
    %add3A_855 = arith.addf %add3A_827, %select_n3A_854 : vector<16xf32>
    %dma_wait3A_856 = arith.constant 0 : i32
    %dma_wait3A_857 = tpu.memref_slice %arg5[%add3A_843, %dma_wait3A_856] : memref<8192x4096xf32, #tpu.memory_space<hbm>> -> memref<8x4096xf32, #tpu.memory_space<hbm>>
    %dma_wait3A_858 = arith.constant 0 : i32
    %dma_wait3A_859 = tpu.memref_slice %arg5[%add3A_843, %dma_wait3A_858] : memref<8192x4096xf32, #tpu.memory_space<hbm>> -> memref<8x4096xf32, #tpu.memory_space<hbm>>
    tpu.wait_dma2 semaphore(%arg19 : memref<!tpu.dma_semaphore, #tpu.memory_space<semaphore_mem>>) src(%arg13 : memref<8x4096xf32, #tpu.memory_space<vmem>>) dst(%dma_wait3A_859 : memref<8x4096xf32, #tpu.memory_space<hbm>>)
    %dma_start3A_860 = arith.constant 248 : i32
    %dma_start3A_861 = tpu.memref_slice %arg8[%dma_start3A_860] : memref<256xi32, #tpu.memory_space<vmem>> -> memref<8xi32, #tpu.memory_space<vmem>>
    %dma_start3A_862 = arith.constant 0 : i32
    %dma_start3A_863 = arith.constant 0 : i32
    %dma_start3A_864 = tpu.memref_slice %arg2[%dma_start3A_862, %dma_start3A_863] : memref<4096x4096xf32, #tpu.memory_space<hbm>> -> memref<4096x4096xf32, #tpu.memory_space<hbm>>
    tpu.enqueue_indirect_dma source(%dma_start3A_864 : memref<4096x4096xf32, #tpu.memory_space<hbm>>) target(%arg13 : memref<8x4096xf32, #tpu.memory_space<vmem>>) offsets(%dma_start3A_861 : memref<8xi32, #tpu.memory_space<vmem>>) semaphore(%arg16 : memref<!tpu.dma_semaphore, #tpu.memory_space<semaphore_mem>>)
    %dma_wait3A_865 = arith.constant 232 : i32
    %dma_wait3A_866 = tpu.memref_slice %arg8[%dma_wait3A_865] : memref<256xi32, #tpu.memory_space<vmem>> -> memref<8xi32, #tpu.memory_space<vmem>>
    %dma_wait3A_867 = arith.constant 0 : i32
    %dma_wait3A_868 = arith.constant 0 : i32
    %dma_wait3A_869 = tpu.memref_slice %arg2[%dma_wait3A_867, %dma_wait3A_868] : memref<4096x4096xf32, #tpu.memory_space<hbm>> -> memref<4096x4096xf32, #tpu.memory_space<hbm>>
    tpu.wait_indirect_dma semaphore(%arg17 : memref<!tpu.dma_semaphore, #tpu.memory_space<semaphore_mem>>) src(%dma_wait3A_869 : memref<4096x4096xf32, #tpu.memory_space<hbm>>) dst(%arg14 : memref<8x4096xf32, #tpu.memory_space<vmem>>)
    %add3A_870 = arith.constant 232 : i32
    %add3A_871 = arith.addi %mul3A_2, %add3A_870 : i32
    %dma_start3A_872 = arith.constant 0 : i32
    %dma_start3A_873 = tpu.memref_slice %arg5[%add3A_871, %dma_start3A_872] : memref<8192x4096xf32, #tpu.memory_space<hbm>> -> memref<8x4096xf32, #tpu.memory_space<hbm>>
    %dma_start3A_874 = arith.constant 0 : i32
    %dma_start3A_875 = tpu.memref_slice %arg5[%add3A_871, %dma_start3A_874] : memref<8192x4096xf32, #tpu.memory_space<hbm>> -> memref<8x4096xf32, #tpu.memory_space<hbm>>
    tpu.enqueue_dma source(%arg14 : memref<8x4096xf32, #tpu.memory_space<vmem>>) target(%dma_start3A_875 : memref<8x4096xf32, #tpu.memory_space<hbm>>) target_semaphore(%arg20 : memref<!tpu.dma_semaphore, #tpu.memory_space<semaphore_mem>>)
    %get3A_876 = arith.constant 232 : index
    %get3A_877 = tpu.vector_load %arg9[%get3A_876] {strides = array<i32>} : memref<272xi32, #tpu.memory_space<vmem>>, vector<16xi32>,
    %and3A_878 = arith.constant 4095 : i32
    %and3A_879 = vector.broadcast %and3A_878 : i32 to vector<16xi32>
    %and3A_880 = arith.andi %get3A_877, %and3A_879 : vector<16xi32>
    %gather3A_881 = tpu.vector_load_idx %arg14[%and3A_37, %and3A_880] masked %lt3A_40 : memref<8x4096xf32, #tpu.memory_space<vmem>>[vector<16xi32>, vector<16xi32>], vector<16xf32>, vector<16xi1>
    %select_n3A_882 = arith.select %lt3A_40, %gather3A_881, %broadcast_in_dim3A_41 : vector<16xi1>, vector<16xf32>
    %add3A_883 = arith.addf %add3A_855, %select_n3A_882 : vector<16xf32>
    %dma_wait3A_884 = arith.constant 240 : i32
    %dma_wait3A_885 = tpu.memref_slice %arg8[%dma_wait3A_884] : memref<256xi32, #tpu.memory_space<vmem>> -> memref<8xi32, #tpu.memory_space<vmem>>
    %dma_wait3A_886 = arith.constant 0 : i32
    %dma_wait3A_887 = arith.constant 0 : i32
    %dma_wait3A_888 = tpu.memref_slice %arg2[%dma_wait3A_886, %dma_wait3A_887] : memref<4096x4096xf32, #tpu.memory_space<hbm>> -> memref<4096x4096xf32, #tpu.memory_space<hbm>>
    tpu.wait_indirect_dma semaphore(%arg15 : memref<!tpu.dma_semaphore, #tpu.memory_space<semaphore_mem>>) src(%dma_wait3A_888 : memref<4096x4096xf32, #tpu.memory_space<hbm>>) dst(%arg12 : memref<8x4096xf32, #tpu.memory_space<vmem>>)
    %add3A_889 = arith.constant 240 : i32
    %add3A_890 = arith.addi %mul3A_2, %add3A_889 : i32
    %dma_start3A_891 = arith.constant 0 : i32
    %dma_start3A_892 = tpu.memref_slice %arg5[%add3A_890, %dma_start3A_891] : memref<8192x4096xf32, #tpu.memory_space<hbm>> -> memref<8x4096xf32, #tpu.memory_space<hbm>>
    %dma_start3A_893 = arith.constant 0 : i32
    %dma_start3A_894 = tpu.memref_slice %arg5[%add3A_890, %dma_start3A_893] : memref<8192x4096xf32, #tpu.memory_space<hbm>> -> memref<8x4096xf32, #tpu.memory_space<hbm>>
    tpu.enqueue_dma source(%arg12 : memref<8x4096xf32, #tpu.memory_space<vmem>>) target(%dma_start3A_894 : memref<8x4096xf32, #tpu.memory_space<hbm>>) target_semaphore(%arg18 : memref<!tpu.dma_semaphore, #tpu.memory_space<semaphore_mem>>)
    %get3A_895 = arith.constant 240 : index
    %get3A_896 = tpu.vector_load %arg9[%get3A_895] {strides = array<i32>} : memref<272xi32, #tpu.memory_space<vmem>>, vector<16xi32>,
    %and3A_897 = arith.constant 4095 : i32
    %and3A_898 = vector.broadcast %and3A_897 : i32 to vector<16xi32>
    %and3A_899 = arith.andi %get3A_896, %and3A_898 : vector<16xi32>
    %gather3A_900 = tpu.vector_load_idx %arg12[%and3A_37, %and3A_899] masked %lt3A_40 : memref<8x4096xf32, #tpu.memory_space<vmem>>[vector<16xi32>, vector<16xi32>], vector<16xf32>, vector<16xi1>
    %select_n3A_901 = arith.select %lt3A_40, %gather3A_900, %broadcast_in_dim3A_41 : vector<16xi1>, vector<16xf32>
    %add3A_902 = arith.addf %add3A_883, %select_n3A_901 : vector<16xf32>
    %dma_wait3A_903 = arith.constant 248 : i32
    %dma_wait3A_904 = tpu.memref_slice %arg8[%dma_wait3A_903] : memref<256xi32, #tpu.memory_space<vmem>> -> memref<8xi32, #tpu.memory_space<vmem>>
    %dma_wait3A_905 = arith.constant 0 : i32
    %dma_wait3A_906 = arith.constant 0 : i32
    %dma_wait3A_907 = tpu.memref_slice %arg2[%dma_wait3A_905, %dma_wait3A_906] : memref<4096x4096xf32, #tpu.memory_space<hbm>> -> memref<4096x4096xf32, #tpu.memory_space<hbm>>
    tpu.wait_indirect_dma semaphore(%arg16 : memref<!tpu.dma_semaphore, #tpu.memory_space<semaphore_mem>>) src(%dma_wait3A_907 : memref<4096x4096xf32, #tpu.memory_space<hbm>>) dst(%arg13 : memref<8x4096xf32, #tpu.memory_space<vmem>>)
    %add3A_908 = arith.constant 248 : i32
    %add3A_909 = arith.addi %mul3A_2, %add3A_908 : i32
    %dma_start3A_910 = arith.constant 0 : i32
    %dma_start3A_911 = tpu.memref_slice %arg5[%add3A_909, %dma_start3A_910] : memref<8192x4096xf32, #tpu.memory_space<hbm>> -> memref<8x4096xf32, #tpu.memory_space<hbm>>
    %dma_start3A_912 = arith.constant 0 : i32
    %dma_start3A_913 = tpu.memref_slice %arg5[%add3A_909, %dma_start3A_912] : memref<8192x4096xf32, #tpu.memory_space<hbm>> -> memref<8x4096xf32, #tpu.memory_space<hbm>>
    tpu.enqueue_dma source(%arg13 : memref<8x4096xf32, #tpu.memory_space<vmem>>) target(%dma_start3A_913 : memref<8x4096xf32, #tpu.memory_space<hbm>>) target_semaphore(%arg19 : memref<!tpu.dma_semaphore, #tpu.memory_space<semaphore_mem>>)
    %get3A_914 = arith.constant 248 : index
    %get3A_915 = tpu.vector_load %arg9[%get3A_914] {strides = array<i32>} : memref<272xi32, #tpu.memory_space<vmem>>, vector<16xi32>,
    %and3A_916 = arith.constant 4095 : i32
    %and3A_917 = vector.broadcast %and3A_916 : i32 to vector<16xi32>
    %and3A_918 = arith.andi %get3A_915, %and3A_917 : vector<16xi32>
    %gather3A_919 = tpu.vector_load_idx %arg13[%and3A_37, %and3A_918] masked %lt3A_40 : memref<8x4096xf32, #tpu.memory_space<vmem>>[vector<16xi32>, vector<16xi32>], vector<16xf32>, vector<16xi1>
    %select_n3A_920 = arith.select %lt3A_40, %gather3A_919, %broadcast_in_dim3A_41 : vector<16xi1>, vector<16xf32>
    %add3A_921 = arith.addf %add3A_902, %select_n3A_920 : vector<16xf32>
    %dma_wait3A_922 = arith.constant 0 : i32
    %dma_wait3A_923 = tpu.memref_slice %arg5[%add3A_890, %dma_wait3A_922] : memref<8192x4096xf32, #tpu.memory_space<hbm>> -> memref<8x4096xf32, #tpu.memory_space<hbm>>
    %dma_wait3A_924 = arith.constant 0 : i32
    %dma_wait3A_925 = tpu.memref_slice %arg5[%add3A_890, %dma_wait3A_924] : memref<8192x4096xf32, #tpu.memory_space<hbm>> -> memref<8x4096xf32, #tpu.memory_space<hbm>>
    tpu.wait_dma2 semaphore(%arg18 : memref<!tpu.dma_semaphore, #tpu.memory_space<semaphore_mem>>) src(%arg12 : memref<8x4096xf32, #tpu.memory_space<vmem>>) dst(%dma_wait3A_925 : memref<8x4096xf32, #tpu.memory_space<hbm>>)
    %dma_wait3A_926 = arith.constant 0 : i32
    %dma_wait3A_927 = tpu.memref_slice %arg5[%add3A_909, %dma_wait3A_926] : memref<8192x4096xf32, #tpu.memory_space<hbm>> -> memref<8x4096xf32, #tpu.memory_space<hbm>>
    %dma_wait3A_928 = arith.constant 0 : i32
    %dma_wait3A_929 = tpu.memref_slice %arg5[%add3A_909, %dma_wait3A_928] : memref<8192x4096xf32, #tpu.memory_space<hbm>> -> memref<8x4096xf32, #tpu.memory_space<hbm>>
    tpu.wait_dma2 semaphore(%arg19 : memref<!tpu.dma_semaphore, #tpu.memory_space<semaphore_mem>>) src(%arg13 : memref<8x4096xf32, #tpu.memory_space<vmem>>) dst(%dma_wait3A_929 : memref<8x4096xf32, #tpu.memory_space<hbm>>)
    %dma_wait3A_930 = arith.constant 0 : i32
    %dma_wait3A_931 = tpu.memref_slice %arg5[%add3A_871, %dma_wait3A_930] : memref<8192x4096xf32, #tpu.memory_space<hbm>> -> memref<8x4096xf32, #tpu.memory_space<hbm>>
    %dma_wait3A_932 = arith.constant 0 : i32
    %dma_wait3A_933 = tpu.memref_slice %arg5[%add3A_871, %dma_wait3A_932] : memref<8192x4096xf32, #tpu.memory_space<hbm>> -> memref<8x4096xf32, #tpu.memory_space<hbm>>
    tpu.wait_dma2 semaphore(%arg20 : memref<!tpu.dma_semaphore, #tpu.memory_space<semaphore_mem>>) src(%arg14 : memref<8x4096xf32, #tpu.memory_space<vmem>>) dst(%dma_wait3A_933 : memref<8x4096xf32, #tpu.memory_space<hbm>>)
    %swap3A = arith.constant 0 : index
    %swap3A_934 = tpu.vector_load %arg10[%swap3A] {strides = array<i32>} : memref<16xf32, #tpu.memory_space<vmem>>, vector<16xf32>,
    tpu.vector_store %arg10[%swap3A], %add3A_921 {strides = array<i32>} : memref<16xf32, #tpu.memory_space<vmem>>, vector<16xf32>,
    %mul3A_935 = arith.constant 16 : i32
    %mul3A_936 = arith.muli %add3A, %mul3A_935 : i32
    "tpu.region"() ({
      %run_scoped3A = tpu.sem_alloc : memref<!tpu.dma_semaphore, #tpu.memory_space<semaphore_mem>>
      %dma_start3A_1483 = tpu.memref_slice %arg6[%mul3A_936] : memref<512xf32, #tpu.memory_space<hbm>> -> memref<16xf32, #tpu.memory_space<hbm>>
      %dma_start3A_1484 = tpu.memref_slice %arg6[%mul3A_936] : memref<512xf32, #tpu.memory_space<hbm>> -> memref<16xf32, #tpu.memory_space<hbm>>
      tpu.enqueue_dma source(%arg10 : memref<16xf32, #tpu.memory_space<vmem>>) target(%dma_start3A_1484 : memref<16xf32, #tpu.memory_space<hbm>>) target_semaphore(%run_scoped3A : memref<!tpu.dma_semaphore, #tpu.memory_space<semaphore_mem>>)
      %dma_wait3A_1485 = tpu.memref_slice %arg6[%mul3A_936] : memref<512xf32, #tpu.memory_space<hbm>> -> memref<16xf32, #tpu.memory_space<hbm>>
      %dma_wait3A_1486 = tpu.memref_slice %arg6[%mul3A_936] : memref<512xf32, #tpu.memory_space<hbm>> -> memref<16xf32, #tpu.memory_space<hbm>>
      tpu.wait_dma2 semaphore(%run_scoped3A : memref<!tpu.dma_semaphore, #tpu.memory_space<semaphore_mem>>) src(%arg10 : memref<16xf32, #tpu.memory_space<vmem>>) dst(%dma_wait3A_1486 : memref<16xf32, #tpu.memory_space<hbm>>)
      tpu.yield
    }) : () -> ()
    %swap3A_937 = arith.constant 0 : index
    %swap3A_938 = tpu.vector_load %arg11[%swap3A_937] {strides = array<i32>} : memref<4096xf32, #tpu.memory_space<vmem>>, vector<16xf32>,
    tpu.vector_store %arg11[%swap3A_937], %broadcast_in_dim3A_41 {strides = array<i32>} : memref<4096xf32, #tpu.memory_space<vmem>>, vector<16xf32>,
    %swap3A_939 = arith.constant 16 : index
    %swap3A_940 = tpu.vector_load %arg11[%swap3A_939] {strides = array<i32>} : memref<4096xf32, #tpu.memory_space<vmem>>, vector<16xf32>,
    tpu.vector_store %arg11[%swap3A_939], %broadcast_in_dim3A_41 {strides = array<i32>} : memref<4096xf32, #tpu.memory_space<vmem>>, vector<16xf32>,
    %swap3A_941 = arith.constant 32 : index
    %swap3A_942 = tpu.vector_load %arg11[%swap3A_941] {strides = array<i32>} : memref<4096xf32, #tpu.memory_space<vmem>>, vector<16xf32>,
    tpu.vector_store %arg11[%swap3A_941], %broadcast_in_dim3A_41 {strides = array<i32>} : memref<4096xf32, #tpu.memory_space<vmem>>, vector<16xf32>,
    %swap3A_943 = arith.constant 48 : index
    %swap3A_944 = tpu.vector_load %arg11[%swap3A_943] {strides = array<i32>} : memref<4096xf32, #tpu.memory_space<vmem>>, vector<16xf32>,
    tpu.vector_store %arg11[%swap3A_943], %broadcast_in_dim3A_41 {strides = array<i32>} : memref<4096xf32, #tpu.memory_space<vmem>>, vector<16xf32>,
    %swap3A_945 = arith.constant 64 : index
    %swap3A_946 = tpu.vector_load %arg11[%swap3A_945] {strides = array<i32>} : memref<4096xf32, #tpu.memory_space<vmem>>, vector<16xf32>,
    tpu.vector_store %arg11[%swap3A_945], %broadcast_in_dim3A_41 {strides = array<i32>} : memref<4096xf32, #tpu.memory_space<vmem>>, vector<16xf32>,
    %swap3A_947 = arith.constant 80 : index
    %swap3A_948 = tpu.vector_load %arg11[%swap3A_947] {strides = array<i32>} : memref<4096xf32, #tpu.memory_space<vmem>>, vector<16xf32>,
    tpu.vector_store %arg11[%swap3A_947], %broadcast_in_dim3A_41 {strides = array<i32>} : memref<4096xf32, #tpu.memory_space<vmem>>, vector<16xf32>,
    %swap3A_949 = arith.constant 96 : index
    %swap3A_950 = tpu.vector_load %arg11[%swap3A_949] {strides = array<i32>} : memref<4096xf32, #tpu.memory_space<vmem>>, vector<16xf32>,
    tpu.vector_store %arg11[%swap3A_949], %broadcast_in_dim3A_41 {strides = array<i32>} : memref<4096xf32, #tpu.memory_space<vmem>>, vector<16xf32>,
    %swap3A_951 = arith.constant 112 : index
    %swap3A_952 = tpu.vector_load %arg11[%swap3A_951] {strides = array<i32>} : memref<4096xf32, #tpu.memory_space<vmem>>, vector<16xf32>,
    tpu.vector_store %arg11[%swap3A_951], %broadcast_in_dim3A_41 {strides = array<i32>} : memref<4096xf32, #tpu.memory_space<vmem>>, vector<16xf32>,
    %swap3A_953 = arith.constant 128 : index
    %swap3A_954 = tpu.vector_load %arg11[%swap3A_953] {strides = array<i32>} : memref<4096xf32, #tpu.memory_space<vmem>>, vector<16xf32>,
    tpu.vector_store %arg11[%swap3A_953], %broadcast_in_dim3A_41 {strides = array<i32>} : memref<4096xf32, #tpu.memory_space<vmem>>, vector<16xf32>,
    %swap3A_955 = arith.constant 144 : index
    %swap3A_956 = tpu.vector_load %arg11[%swap3A_955] {strides = array<i32>} : memref<4096xf32, #tpu.memory_space<vmem>>, vector<16xf32>,
    tpu.vector_store %arg11[%swap3A_955], %broadcast_in_dim3A_41 {strides = array<i32>} : memref<4096xf32, #tpu.memory_space<vmem>>, vector<16xf32>,
    %swap3A_957 = arith.constant 160 : index
    %swap3A_958 = tpu.vector_load %arg11[%swap3A_957] {strides = array<i32>} : memref<4096xf32, #tpu.memory_space<vmem>>, vector<16xf32>,
    tpu.vector_store %arg11[%swap3A_957], %broadcast_in_dim3A_41 {strides = array<i32>} : memref<4096xf32, #tpu.memory_space<vmem>>, vector<16xf32>,
    %swap3A_959 = arith.constant 176 : index
    %swap3A_960 = tpu.vector_load %arg11[%swap3A_959] {strides = array<i32>} : memref<4096xf32, #tpu.memory_space<vmem>>, vector<16xf32>,
    tpu.vector_store %arg11[%swap3A_959], %broadcast_in_dim3A_41 {strides = array<i32>} : memref<4096xf32, #tpu.memory_space<vmem>>, vector<16xf32>,
    %swap3A_961 = arith.constant 192 : index
    %swap3A_962 = tpu.vector_load %arg11[%swap3A_961] {strides = array<i32>} : memref<4096xf32, #tpu.memory_space<vmem>>, vector<16xf32>,
    tpu.vector_store %arg11[%swap3A_961], %broadcast_in_dim3A_41 {strides = array<i32>} : memref<4096xf32, #tpu.memory_space<vmem>>, vector<16xf32>,
    %swap3A_963 = arith.constant 208 : index
    %swap3A_964 = tpu.vector_load %arg11[%swap3A_963] {strides = array<i32>} : memref<4096xf32, #tpu.memory_space<vmem>>, vector<16xf32>,
    tpu.vector_store %arg11[%swap3A_963], %broadcast_in_dim3A_41 {strides = array<i32>} : memref<4096xf32, #tpu.memory_space<vmem>>, vector<16xf32>,
    %swap3A_965 = arith.constant 224 : index
    %swap3A_966 = tpu.vector_load %arg11[%swap3A_965] {strides = array<i32>} : memref<4096xf32, #tpu.memory_space<vmem>>, vector<16xf32>,
    tpu.vector_store %arg11[%swap3A_965], %broadcast_in_dim3A_41 {strides = array<i32>} : memref<4096xf32, #tpu.memory_space<vmem>>, vector<16xf32>,
    %swap3A_967 = arith.constant 240 : index
    %swap3A_968 = tpu.vector_load %arg11[%swap3A_967] {strides = array<i32>} : memref<4096xf32, #tpu.memory_space<vmem>>, vector<16xf32>,
    tpu.vector_store %arg11[%swap3A_967], %broadcast_in_dim3A_41 {strides = array<i32>} : memref<4096xf32, #tpu.memory_space<vmem>>, vector<16xf32>,
    %swap3A_969 = arith.constant 256 : index
    %swap3A_970 = tpu.vector_load %arg11[%swap3A_969] {strides = array<i32>} : memref<4096xf32, #tpu.memory_space<vmem>>, vector<16xf32>,
    tpu.vector_store %arg11[%swap3A_969], %broadcast_in_dim3A_41 {strides = array<i32>} : memref<4096xf32, #tpu.memory_space<vmem>>, vector<16xf32>,
    %swap3A_971 = arith.constant 272 : index
    %swap3A_972 = tpu.vector_load %arg11[%swap3A_971] {strides = array<i32>} : memref<4096xf32, #tpu.memory_space<vmem>>, vector<16xf32>,
    tpu.vector_store %arg11[%swap3A_971], %broadcast_in_dim3A_41 {strides = array<i32>} : memref<4096xf32, #tpu.memory_space<vmem>>, vector<16xf32>,
    %swap3A_973 = arith.constant 288 : index
    %swap3A_974 = tpu.vector_load %arg11[%swap3A_973] {strides = array<i32>} : memref<4096xf32, #tpu.memory_space<vmem>>, vector<16xf32>,
    tpu.vector_store %arg11[%swap3A_973], %broadcast_in_dim3A_41 {strides = array<i32>} : memref<4096xf32, #tpu.memory_space<vmem>>, vector<16xf32>,
    %swap3A_975 = arith.constant 304 : index
    %swap3A_976 = tpu.vector_load %arg11[%swap3A_975] {strides = array<i32>} : memref<4096xf32, #tpu.memory_space<vmem>>, vector<16xf32>,
    tpu.vector_store %arg11[%swap3A_975], %broadcast_in_dim3A_41 {strides = array<i32>} : memref<4096xf32, #tpu.memory_space<vmem>>, vector<16xf32>,
    %swap3A_977 = arith.constant 320 : index
    %swap3A_978 = tpu.vector_load %arg11[%swap3A_977] {strides = array<i32>} : memref<4096xf32, #tpu.memory_space<vmem>>, vector<16xf32>,
    tpu.vector_store %arg11[%swap3A_977], %broadcast_in_dim3A_41 {strides = array<i32>} : memref<4096xf32, #tpu.memory_space<vmem>>, vector<16xf32>,
    %swap3A_979 = arith.constant 336 : index
    %swap3A_980 = tpu.vector_load %arg11[%swap3A_979] {strides = array<i32>} : memref<4096xf32, #tpu.memory_space<vmem>>, vector<16xf32>,
    tpu.vector_store %arg11[%swap3A_979], %broadcast_in_dim3A_41 {strides = array<i32>} : memref<4096xf32, #tpu.memory_space<vmem>>, vector<16xf32>,
    %swap3A_981 = arith.constant 352 : index
    %swap3A_982 = tpu.vector_load %arg11[%swap3A_981] {strides = array<i32>} : memref<4096xf32, #tpu.memory_space<vmem>>, vector<16xf32>,
    tpu.vector_store %arg11[%swap3A_981], %broadcast_in_dim3A_41 {strides = array<i32>} : memref<4096xf32, #tpu.memory_space<vmem>>, vector<16xf32>,
    %swap3A_983 = arith.constant 368 : index
    %swap3A_984 = tpu.vector_load %arg11[%swap3A_983] {strides = array<i32>} : memref<4096xf32, #tpu.memory_space<vmem>>, vector<16xf32>,
    tpu.vector_store %arg11[%swap3A_983], %broadcast_in_dim3A_41 {strides = array<i32>} : memref<4096xf32, #tpu.memory_space<vmem>>, vector<16xf32>,
    %swap3A_985 = arith.constant 384 : index
    %swap3A_986 = tpu.vector_load %arg11[%swap3A_985] {strides = array<i32>} : memref<4096xf32, #tpu.memory_space<vmem>>, vector<16xf32>,
    tpu.vector_store %arg11[%swap3A_985], %broadcast_in_dim3A_41 {strides = array<i32>} : memref<4096xf32, #tpu.memory_space<vmem>>, vector<16xf32>,
    %swap3A_987 = arith.constant 400 : index
    %swap3A_988 = tpu.vector_load %arg11[%swap3A_987] {strides = array<i32>} : memref<4096xf32, #tpu.memory_space<vmem>>, vector<16xf32>,
    tpu.vector_store %arg11[%swap3A_987], %broadcast_in_dim3A_41 {strides = array<i32>} : memref<4096xf32, #tpu.memory_space<vmem>>, vector<16xf32>,
    %swap3A_989 = arith.constant 416 : index
    %swap3A_990 = tpu.vector_load %arg11[%swap3A_989] {strides = array<i32>} : memref<4096xf32, #tpu.memory_space<vmem>>, vector<16xf32>,
    tpu.vector_store %arg11[%swap3A_989], %broadcast_in_dim3A_41 {strides = array<i32>} : memref<4096xf32, #tpu.memory_space<vmem>>, vector<16xf32>,
    %swap3A_991 = arith.constant 432 : index
    %swap3A_992 = tpu.vector_load %arg11[%swap3A_991] {strides = array<i32>} : memref<4096xf32, #tpu.memory_space<vmem>>, vector<16xf32>,
    tpu.vector_store %arg11[%swap3A_991], %broadcast_in_dim3A_41 {strides = array<i32>} : memref<4096xf32, #tpu.memory_space<vmem>>, vector<16xf32>,
    %swap3A_993 = arith.constant 448 : index
    %swap3A_994 = tpu.vector_load %arg11[%swap3A_993] {strides = array<i32>} : memref<4096xf32, #tpu.memory_space<vmem>>, vector<16xf32>,
    tpu.vector_store %arg11[%swap3A_993], %broadcast_in_dim3A_41 {strides = array<i32>} : memref<4096xf32, #tpu.memory_space<vmem>>, vector<16xf32>,
    %swap3A_995 = arith.constant 464 : index
    %swap3A_996 = tpu.vector_load %arg11[%swap3A_995] {strides = array<i32>} : memref<4096xf32, #tpu.memory_space<vmem>>, vector<16xf32>,
    tpu.vector_store %arg11[%swap3A_995], %broadcast_in_dim3A_41 {strides = array<i32>} : memref<4096xf32, #tpu.memory_space<vmem>>, vector<16xf32>,
    %swap3A_997 = arith.constant 480 : index
    %swap3A_998 = tpu.vector_load %arg11[%swap3A_997] {strides = array<i32>} : memref<4096xf32, #tpu.memory_space<vmem>>, vector<16xf32>,
    tpu.vector_store %arg11[%swap3A_997], %broadcast_in_dim3A_41 {strides = array<i32>} : memref<4096xf32, #tpu.memory_space<vmem>>, vector<16xf32>,
    %swap3A_999 = arith.constant 496 : index
    %swap3A_1000 = tpu.vector_load %arg11[%swap3A_999] {strides = array<i32>} : memref<4096xf32, #tpu.memory_space<vmem>>, vector<16xf32>,
    tpu.vector_store %arg11[%swap3A_999], %broadcast_in_dim3A_41 {strides = array<i32>} : memref<4096xf32, #tpu.memory_space<vmem>>, vector<16xf32>,
    %swap3A_1001 = arith.constant 512 : index
    %swap3A_1002 = tpu.vector_load %arg11[%swap3A_1001] {strides = array<i32>} : memref<4096xf32, #tpu.memory_space<vmem>>, vector<16xf32>,
    tpu.vector_store %arg11[%swap3A_1001], %broadcast_in_dim3A_41 {strides = array<i32>} : memref<4096xf32, #tpu.memory_space<vmem>>, vector<16xf32>,
    %swap3A_1003 = arith.constant 528 : index
    %swap3A_1004 = tpu.vector_load %arg11[%swap3A_1003] {strides = array<i32>} : memref<4096xf32, #tpu.memory_space<vmem>>, vector<16xf32>,
    tpu.vector_store %arg11[%swap3A_1003], %broadcast_in_dim3A_41 {strides = array<i32>} : memref<4096xf32, #tpu.memory_space<vmem>>, vector<16xf32>,
    %swap3A_1005 = arith.constant 544 : index
    %swap3A_1006 = tpu.vector_load %arg11[%swap3A_1005] {strides = array<i32>} : memref<4096xf32, #tpu.memory_space<vmem>>, vector<16xf32>,
    tpu.vector_store %arg11[%swap3A_1005], %broadcast_in_dim3A_41 {strides = array<i32>} : memref<4096xf32, #tpu.memory_space<vmem>>, vector<16xf32>,
    %swap3A_1007 = arith.constant 560 : index
    %swap3A_1008 = tpu.vector_load %arg11[%swap3A_1007] {strides = array<i32>} : memref<4096xf32, #tpu.memory_space<vmem>>, vector<16xf32>,
    tpu.vector_store %arg11[%swap3A_1007], %broadcast_in_dim3A_41 {strides = array<i32>} : memref<4096xf32, #tpu.memory_space<vmem>>, vector<16xf32>,
    %swap3A_1009 = arith.constant 576 : index
    %swap3A_1010 = tpu.vector_load %arg11[%swap3A_1009] {strides = array<i32>} : memref<4096xf32, #tpu.memory_space<vmem>>, vector<16xf32>,
    tpu.vector_store %arg11[%swap3A_1009], %broadcast_in_dim3A_41 {strides = array<i32>} : memref<4096xf32, #tpu.memory_space<vmem>>, vector<16xf32>,
    %swap3A_1011 = arith.constant 592 : index
    %swap3A_1012 = tpu.vector_load %arg11[%swap3A_1011] {strides = array<i32>} : memref<4096xf32, #tpu.memory_space<vmem>>, vector<16xf32>,
    tpu.vector_store %arg11[%swap3A_1011], %broadcast_in_dim3A_41 {strides = array<i32>} : memref<4096xf32, #tpu.memory_space<vmem>>, vector<16xf32>,
    %swap3A_1013 = arith.constant 608 : index
    %swap3A_1014 = tpu.vector_load %arg11[%swap3A_1013] {strides = array<i32>} : memref<4096xf32, #tpu.memory_space<vmem>>, vector<16xf32>,
    tpu.vector_store %arg11[%swap3A_1013], %broadcast_in_dim3A_41 {strides = array<i32>} : memref<4096xf32, #tpu.memory_space<vmem>>, vector<16xf32>,
    %swap3A_1015 = arith.constant 624 : index
    %swap3A_1016 = tpu.vector_load %arg11[%swap3A_1015] {strides = array<i32>} : memref<4096xf32, #tpu.memory_space<vmem>>, vector<16xf32>,
    tpu.vector_store %arg11[%swap3A_1015], %broadcast_in_dim3A_41 {strides = array<i32>} : memref<4096xf32, #tpu.memory_space<vmem>>, vector<16xf32>,
    %swap3A_1017 = arith.constant 640 : index
    %swap3A_1018 = tpu.vector_load %arg11[%swap3A_1017] {strides = array<i32>} : memref<4096xf32, #tpu.memory_space<vmem>>, vector<16xf32>,
    tpu.vector_store %arg11[%swap3A_1017], %broadcast_in_dim3A_41 {strides = array<i32>} : memref<4096xf32, #tpu.memory_space<vmem>>, vector<16xf32>,
    %swap3A_1019 = arith.constant 656 : index
    %swap3A_1020 = tpu.vector_load %arg11[%swap3A_1019] {strides = array<i32>} : memref<4096xf32, #tpu.memory_space<vmem>>, vector<16xf32>,
    tpu.vector_store %arg11[%swap3A_1019], %broadcast_in_dim3A_41 {strides = array<i32>} : memref<4096xf32, #tpu.memory_space<vmem>>, vector<16xf32>,
    %swap3A_1021 = arith.constant 672 : index
    %swap3A_1022 = tpu.vector_load %arg11[%swap3A_1021] {strides = array<i32>} : memref<4096xf32, #tpu.memory_space<vmem>>, vector<16xf32>,
    tpu.vector_store %arg11[%swap3A_1021], %broadcast_in_dim3A_41 {strides = array<i32>} : memref<4096xf32, #tpu.memory_space<vmem>>, vector<16xf32>,
    %swap3A_1023 = arith.constant 688 : index
    %swap3A_1024 = tpu.vector_load %arg11[%swap3A_1023] {strides = array<i32>} : memref<4096xf32, #tpu.memory_space<vmem>>, vector<16xf32>,
    tpu.vector_store %arg11[%swap3A_1023], %broadcast_in_dim3A_41 {strides = array<i32>} : memref<4096xf32, #tpu.memory_space<vmem>>, vector<16xf32>,
    %swap3A_1025 = arith.constant 704 : index
    %swap3A_1026 = tpu.vector_load %arg11[%swap3A_1025] {strides = array<i32>} : memref<4096xf32, #tpu.memory_space<vmem>>, vector<16xf32>,
    tpu.vector_store %arg11[%swap3A_1025], %broadcast_in_dim3A_41 {strides = array<i32>} : memref<4096xf32, #tpu.memory_space<vmem>>, vector<16xf32>,
    %swap3A_1027 = arith.constant 720 : index
    %swap3A_1028 = tpu.vector_load %arg11[%swap3A_1027] {strides = array<i32>} : memref<4096xf32, #tpu.memory_space<vmem>>, vector<16xf32>,
    tpu.vector_store %arg11[%swap3A_1027], %broadcast_in_dim3A_41 {strides = array<i32>} : memref<4096xf32, #tpu.memory_space<vmem>>, vector<16xf32>,
    %swap3A_1029 = arith.constant 736 : index
    %swap3A_1030 = tpu.vector_load %arg11[%swap3A_1029] {strides = array<i32>} : memref<4096xf32, #tpu.memory_space<vmem>>, vector<16xf32>,
    tpu.vector_store %arg11[%swap3A_1029], %broadcast_in_dim3A_41 {strides = array<i32>} : memref<4096xf32, #tpu.memory_space<vmem>>, vector<16xf32>,
    %swap3A_1031 = arith.constant 752 : index
    %swap3A_1032 = tpu.vector_load %arg11[%swap3A_1031] {strides = array<i32>} : memref<4096xf32, #tpu.memory_space<vmem>>, vector<16xf32>,
    tpu.vector_store %arg11[%swap3A_1031], %broadcast_in_dim3A_41 {strides = array<i32>} : memref<4096xf32, #tpu.memory_space<vmem>>, vector<16xf32>,
    %swap3A_1033 = arith.constant 768 : index
    %swap3A_1034 = tpu.vector_load %arg11[%swap3A_1033] {strides = array<i32>} : memref<4096xf32, #tpu.memory_space<vmem>>, vector<16xf32>,
    tpu.vector_store %arg11[%swap3A_1033], %broadcast_in_dim3A_41 {strides = array<i32>} : memref<4096xf32, #tpu.memory_space<vmem>>, vector<16xf32>,
    %swap3A_1035 = arith.constant 784 : index
    %swap3A_1036 = tpu.vector_load %arg11[%swap3A_1035] {strides = array<i32>} : memref<4096xf32, #tpu.memory_space<vmem>>, vector<16xf32>,
    tpu.vector_store %arg11[%swap3A_1035], %broadcast_in_dim3A_41 {strides = array<i32>} : memref<4096xf32, #tpu.memory_space<vmem>>, vector<16xf32>,
    %swap3A_1037 = arith.constant 800 : index
    %swap3A_1038 = tpu.vector_load %arg11[%swap3A_1037] {strides = array<i32>} : memref<4096xf32, #tpu.memory_space<vmem>>, vector<16xf32>,
    tpu.vector_store %arg11[%swap3A_1037], %broadcast_in_dim3A_41 {strides = array<i32>} : memref<4096xf32, #tpu.memory_space<vmem>>, vector<16xf32>,
    %swap3A_1039 = arith.constant 816 : index
    %swap3A_1040 = tpu.vector_load %arg11[%swap3A_1039] {strides = array<i32>} : memref<4096xf32, #tpu.memory_space<vmem>>, vector<16xf32>,
    tpu.vector_store %arg11[%swap3A_1039], %broadcast_in_dim3A_41 {strides = array<i32>} : memref<4096xf32, #tpu.memory_space<vmem>>, vector<16xf32>,
    %swap3A_1041 = arith.constant 832 : index
    %swap3A_1042 = tpu.vector_load %arg11[%swap3A_1041] {strides = array<i32>} : memref<4096xf32, #tpu.memory_space<vmem>>, vector<16xf32>,
    tpu.vector_store %arg11[%swap3A_1041], %broadcast_in_dim3A_41 {strides = array<i32>} : memref<4096xf32, #tpu.memory_space<vmem>>, vector<16xf32>,
    %swap3A_1043 = arith.constant 848 : index
    %swap3A_1044 = tpu.vector_load %arg11[%swap3A_1043] {strides = array<i32>} : memref<4096xf32, #tpu.memory_space<vmem>>, vector<16xf32>,
    tpu.vector_store %arg11[%swap3A_1043], %broadcast_in_dim3A_41 {strides = array<i32>} : memref<4096xf32, #tpu.memory_space<vmem>>, vector<16xf32>,
    %swap3A_1045 = arith.constant 864 : index
    %swap3A_1046 = tpu.vector_load %arg11[%swap3A_1045] {strides = array<i32>} : memref<4096xf32, #tpu.memory_space<vmem>>, vector<16xf32>,
    tpu.vector_store %arg11[%swap3A_1045], %broadcast_in_dim3A_41 {strides = array<i32>} : memref<4096xf32, #tpu.memory_space<vmem>>, vector<16xf32>,
    %swap3A_1047 = arith.constant 880 : index
    %swap3A_1048 = tpu.vector_load %arg11[%swap3A_1047] {strides = array<i32>} : memref<4096xf32, #tpu.memory_space<vmem>>, vector<16xf32>,
    tpu.vector_store %arg11[%swap3A_1047], %broadcast_in_dim3A_41 {strides = array<i32>} : memref<4096xf32, #tpu.memory_space<vmem>>, vector<16xf32>,
    %swap3A_1049 = arith.constant 896 : index
    %swap3A_1050 = tpu.vector_load %arg11[%swap3A_1049] {strides = array<i32>} : memref<4096xf32, #tpu.memory_space<vmem>>, vector<16xf32>,
    tpu.vector_store %arg11[%swap3A_1049], %broadcast_in_dim3A_41 {strides = array<i32>} : memref<4096xf32, #tpu.memory_space<vmem>>, vector<16xf32>,
    %swap3A_1051 = arith.constant 912 : index
    %swap3A_1052 = tpu.vector_load %arg11[%swap3A_1051] {strides = array<i32>} : memref<4096xf32, #tpu.memory_space<vmem>>, vector<16xf32>,
    tpu.vector_store %arg11[%swap3A_1051], %broadcast_in_dim3A_41 {strides = array<i32>} : memref<4096xf32, #tpu.memory_space<vmem>>, vector<16xf32>,
    %swap3A_1053 = arith.constant 928 : index
    %swap3A_1054 = tpu.vector_load %arg11[%swap3A_1053] {strides = array<i32>} : memref<4096xf32, #tpu.memory_space<vmem>>, vector<16xf32>,
    tpu.vector_store %arg11[%swap3A_1053], %broadcast_in_dim3A_41 {strides = array<i32>} : memref<4096xf32, #tpu.memory_space<vmem>>, vector<16xf32>,
    %swap3A_1055 = arith.constant 944 : index
    %swap3A_1056 = tpu.vector_load %arg11[%swap3A_1055] {strides = array<i32>} : memref<4096xf32, #tpu.memory_space<vmem>>, vector<16xf32>,
    tpu.vector_store %arg11[%swap3A_1055], %broadcast_in_dim3A_41 {strides = array<i32>} : memref<4096xf32, #tpu.memory_space<vmem>>, vector<16xf32>,
    %swap3A_1057 = arith.constant 960 : index
    %swap3A_1058 = tpu.vector_load %arg11[%swap3A_1057] {strides = array<i32>} : memref<4096xf32, #tpu.memory_space<vmem>>, vector<16xf32>,
    tpu.vector_store %arg11[%swap3A_1057], %broadcast_in_dim3A_41 {strides = array<i32>} : memref<4096xf32, #tpu.memory_space<vmem>>, vector<16xf32>,
    %swap3A_1059 = arith.constant 976 : index
    %swap3A_1060 = tpu.vector_load %arg11[%swap3A_1059] {strides = array<i32>} : memref<4096xf32, #tpu.memory_space<vmem>>, vector<16xf32>,
    tpu.vector_store %arg11[%swap3A_1059], %broadcast_in_dim3A_41 {strides = array<i32>} : memref<4096xf32, #tpu.memory_space<vmem>>, vector<16xf32>,
    %swap3A_1061 = arith.constant 992 : index
    %swap3A_1062 = tpu.vector_load %arg11[%swap3A_1061] {strides = array<i32>} : memref<4096xf32, #tpu.memory_space<vmem>>, vector<16xf32>,
    tpu.vector_store %arg11[%swap3A_1061], %broadcast_in_dim3A_41 {strides = array<i32>} : memref<4096xf32, #tpu.memory_space<vmem>>, vector<16xf32>,
    %swap3A_1063 = arith.constant 1008 : index
    %swap3A_1064 = tpu.vector_load %arg11[%swap3A_1063] {strides = array<i32>} : memref<4096xf32, #tpu.memory_space<vmem>>, vector<16xf32>,
    tpu.vector_store %arg11[%swap3A_1063], %broadcast_in_dim3A_41 {strides = array<i32>} : memref<4096xf32, #tpu.memory_space<vmem>>, vector<16xf32>,
    %swap3A_1065 = arith.constant 1024 : index
    %swap3A_1066 = tpu.vector_load %arg11[%swap3A_1065] {strides = array<i32>} : memref<4096xf32, #tpu.memory_space<vmem>>, vector<16xf32>,
    tpu.vector_store %arg11[%swap3A_1065], %broadcast_in_dim3A_41 {strides = array<i32>} : memref<4096xf32, #tpu.memory_space<vmem>>, vector<16xf32>,
    %swap3A_1067 = arith.constant 1040 : index
    %swap3A_1068 = tpu.vector_load %arg11[%swap3A_1067] {strides = array<i32>} : memref<4096xf32, #tpu.memory_space<vmem>>, vector<16xf32>,
    tpu.vector_store %arg11[%swap3A_1067], %broadcast_in_dim3A_41 {strides = array<i32>} : memref<4096xf32, #tpu.memory_space<vmem>>, vector<16xf32>,
    %swap3A_1069 = arith.constant 1056 : index
    %swap3A_1070 = tpu.vector_load %arg11[%swap3A_1069] {strides = array<i32>} : memref<4096xf32, #tpu.memory_space<vmem>>, vector<16xf32>,
    tpu.vector_store %arg11[%swap3A_1069], %broadcast_in_dim3A_41 {strides = array<i32>} : memref<4096xf32, #tpu.memory_space<vmem>>, vector<16xf32>,
    %swap3A_1071 = arith.constant 1072 : index
    %swap3A_1072 = tpu.vector_load %arg11[%swap3A_1071] {strides = array<i32>} : memref<4096xf32, #tpu.memory_space<vmem>>, vector<16xf32>,
    tpu.vector_store %arg11[%swap3A_1071], %broadcast_in_dim3A_41 {strides = array<i32>} : memref<4096xf32, #tpu.memory_space<vmem>>, vector<16xf32>,
    %swap3A_1073 = arith.constant 1088 : index
    %swap3A_1074 = tpu.vector_load %arg11[%swap3A_1073] {strides = array<i32>} : memref<4096xf32, #tpu.memory_space<vmem>>, vector<16xf32>,
    tpu.vector_store %arg11[%swap3A_1073], %broadcast_in_dim3A_41 {strides = array<i32>} : memref<4096xf32, #tpu.memory_space<vmem>>, vector<16xf32>,
    %swap3A_1075 = arith.constant 1104 : index
    %swap3A_1076 = tpu.vector_load %arg11[%swap3A_1075] {strides = array<i32>} : memref<4096xf32, #tpu.memory_space<vmem>>, vector<16xf32>,
    tpu.vector_store %arg11[%swap3A_1075], %broadcast_in_dim3A_41 {strides = array<i32>} : memref<4096xf32, #tpu.memory_space<vmem>>, vector<16xf32>,
    %swap3A_1077 = arith.constant 1120 : index
    %swap3A_1078 = tpu.vector_load %arg11[%swap3A_1077] {strides = array<i32>} : memref<4096xf32, #tpu.memory_space<vmem>>, vector<16xf32>,
    tpu.vector_store %arg11[%swap3A_1077], %broadcast_in_dim3A_41 {strides = array<i32>} : memref<4096xf32, #tpu.memory_space<vmem>>, vector<16xf32>,
    %swap3A_1079 = arith.constant 1136 : index
    %swap3A_1080 = tpu.vector_load %arg11[%swap3A_1079] {strides = array<i32>} : memref<4096xf32, #tpu.memory_space<vmem>>, vector<16xf32>,
    tpu.vector_store %arg11[%swap3A_1079], %broadcast_in_dim3A_41 {strides = array<i32>} : memref<4096xf32, #tpu.memory_space<vmem>>, vector<16xf32>,
    %swap3A_1081 = arith.constant 1152 : index
    %swap3A_1082 = tpu.vector_load %arg11[%swap3A_1081] {strides = array<i32>} : memref<4096xf32, #tpu.memory_space<vmem>>, vector<16xf32>,
    tpu.vector_store %arg11[%swap3A_1081], %broadcast_in_dim3A_41 {strides = array<i32>} : memref<4096xf32, #tpu.memory_space<vmem>>, vector<16xf32>,
    %swap3A_1083 = arith.constant 1168 : index
    %swap3A_1084 = tpu.vector_load %arg11[%swap3A_1083] {strides = array<i32>} : memref<4096xf32, #tpu.memory_space<vmem>>, vector<16xf32>,
    tpu.vector_store %arg11[%swap3A_1083], %broadcast_in_dim3A_41 {strides = array<i32>} : memref<4096xf32, #tpu.memory_space<vmem>>, vector<16xf32>,
    %swap3A_1085 = arith.constant 1184 : index
    %swap3A_1086 = tpu.vector_load %arg11[%swap3A_1085] {strides = array<i32>} : memref<4096xf32, #tpu.memory_space<vmem>>, vector<16xf32>,
    tpu.vector_store %arg11[%swap3A_1085], %broadcast_in_dim3A_41 {strides = array<i32>} : memref<4096xf32, #tpu.memory_space<vmem>>, vector<16xf32>,
    %swap3A_1087 = arith.constant 1200 : index
    %swap3A_1088 = tpu.vector_load %arg11[%swap3A_1087] {strides = array<i32>} : memref<4096xf32, #tpu.memory_space<vmem>>, vector<16xf32>,
    tpu.vector_store %arg11[%swap3A_1087], %broadcast_in_dim3A_41 {strides = array<i32>} : memref<4096xf32, #tpu.memory_space<vmem>>, vector<16xf32>,
    %swap3A_1089 = arith.constant 1216 : index
    %swap3A_1090 = tpu.vector_load %arg11[%swap3A_1089] {strides = array<i32>} : memref<4096xf32, #tpu.memory_space<vmem>>, vector<16xf32>,
    tpu.vector_store %arg11[%swap3A_1089], %broadcast_in_dim3A_41 {strides = array<i32>} : memref<4096xf32, #tpu.memory_space<vmem>>, vector<16xf32>,
    %swap3A_1091 = arith.constant 1232 : index
    %swap3A_1092 = tpu.vector_load %arg11[%swap3A_1091] {strides = array<i32>} : memref<4096xf32, #tpu.memory_space<vmem>>, vector<16xf32>,
    tpu.vector_store %arg11[%swap3A_1091], %broadcast_in_dim3A_41 {strides = array<i32>} : memref<4096xf32, #tpu.memory_space<vmem>>, vector<16xf32>,
    %swap3A_1093 = arith.constant 1248 : index
    %swap3A_1094 = tpu.vector_load %arg11[%swap3A_1093] {strides = array<i32>} : memref<4096xf32, #tpu.memory_space<vmem>>, vector<16xf32>,
    tpu.vector_store %arg11[%swap3A_1093], %broadcast_in_dim3A_41 {strides = array<i32>} : memref<4096xf32, #tpu.memory_space<vmem>>, vector<16xf32>,
    %swap3A_1095 = arith.constant 1264 : index
    %swap3A_1096 = tpu.vector_load %arg11[%swap3A_1095] {strides = array<i32>} : memref<4096xf32, #tpu.memory_space<vmem>>, vector<16xf32>,
    tpu.vector_store %arg11[%swap3A_1095], %broadcast_in_dim3A_41 {strides = array<i32>} : memref<4096xf32, #tpu.memory_space<vmem>>, vector<16xf32>,
    %swap3A_1097 = arith.constant 1280 : index
    %swap3A_1098 = tpu.vector_load %arg11[%swap3A_1097] {strides = array<i32>} : memref<4096xf32, #tpu.memory_space<vmem>>, vector<16xf32>,
    tpu.vector_store %arg11[%swap3A_1097], %broadcast_in_dim3A_41 {strides = array<i32>} : memref<4096xf32, #tpu.memory_space<vmem>>, vector<16xf32>,
    %swap3A_1099 = arith.constant 1296 : index
    %swap3A_1100 = tpu.vector_load %arg11[%swap3A_1099] {strides = array<i32>} : memref<4096xf32, #tpu.memory_space<vmem>>, vector<16xf32>,
    tpu.vector_store %arg11[%swap3A_1099], %broadcast_in_dim3A_41 {strides = array<i32>} : memref<4096xf32, #tpu.memory_space<vmem>>, vector<16xf32>,
    %swap3A_1101 = arith.constant 1312 : index
    %swap3A_1102 = tpu.vector_load %arg11[%swap3A_1101] {strides = array<i32>} : memref<4096xf32, #tpu.memory_space<vmem>>, vector<16xf32>,
    tpu.vector_store %arg11[%swap3A_1101], %broadcast_in_dim3A_41 {strides = array<i32>} : memref<4096xf32, #tpu.memory_space<vmem>>, vector<16xf32>,
    %swap3A_1103 = arith.constant 1328 : index
    %swap3A_1104 = tpu.vector_load %arg11[%swap3A_1103] {strides = array<i32>} : memref<4096xf32, #tpu.memory_space<vmem>>, vector<16xf32>,
    tpu.vector_store %arg11[%swap3A_1103], %broadcast_in_dim3A_41 {strides = array<i32>} : memref<4096xf32, #tpu.memory_space<vmem>>, vector<16xf32>,
    %swap3A_1105 = arith.constant 1344 : index
    %swap3A_1106 = tpu.vector_load %arg11[%swap3A_1105] {strides = array<i32>} : memref<4096xf32, #tpu.memory_space<vmem>>, vector<16xf32>,
    tpu.vector_store %arg11[%swap3A_1105], %broadcast_in_dim3A_41 {strides = array<i32>} : memref<4096xf32, #tpu.memory_space<vmem>>, vector<16xf32>,
    %swap3A_1107 = arith.constant 1360 : index
    %swap3A_1108 = tpu.vector_load %arg11[%swap3A_1107] {strides = array<i32>} : memref<4096xf32, #tpu.memory_space<vmem>>, vector<16xf32>,
    tpu.vector_store %arg11[%swap3A_1107], %broadcast_in_dim3A_41 {strides = array<i32>} : memref<4096xf32, #tpu.memory_space<vmem>>, vector<16xf32>,
    %swap3A_1109 = arith.constant 1376 : index
    %swap3A_1110 = tpu.vector_load %arg11[%swap3A_1109] {strides = array<i32>} : memref<4096xf32, #tpu.memory_space<vmem>>, vector<16xf32>,
    tpu.vector_store %arg11[%swap3A_1109], %broadcast_in_dim3A_41 {strides = array<i32>} : memref<4096xf32, #tpu.memory_space<vmem>>, vector<16xf32>,
    %swap3A_1111 = arith.constant 1392 : index
    %swap3A_1112 = tpu.vector_load %arg11[%swap3A_1111] {strides = array<i32>} : memref<4096xf32, #tpu.memory_space<vmem>>, vector<16xf32>,
    tpu.vector_store %arg11[%swap3A_1111], %broadcast_in_dim3A_41 {strides = array<i32>} : memref<4096xf32, #tpu.memory_space<vmem>>, vector<16xf32>,
    %swap3A_1113 = arith.constant 1408 : index
    %swap3A_1114 = tpu.vector_load %arg11[%swap3A_1113] {strides = array<i32>} : memref<4096xf32, #tpu.memory_space<vmem>>, vector<16xf32>,
    tpu.vector_store %arg11[%swap3A_1113], %broadcast_in_dim3A_41 {strides = array<i32>} : memref<4096xf32, #tpu.memory_space<vmem>>, vector<16xf32>,
    %swap3A_1115 = arith.constant 1424 : index
    %swap3A_1116 = tpu.vector_load %arg11[%swap3A_1115] {strides = array<i32>} : memref<4096xf32, #tpu.memory_space<vmem>>, vector<16xf32>,
    tpu.vector_store %arg11[%swap3A_1115], %broadcast_in_dim3A_41 {strides = array<i32>} : memref<4096xf32, #tpu.memory_space<vmem>>, vector<16xf32>,
    %swap3A_1117 = arith.constant 1440 : index
    %swap3A_1118 = tpu.vector_load %arg11[%swap3A_1117] {strides = array<i32>} : memref<4096xf32, #tpu.memory_space<vmem>>, vector<16xf32>,
    tpu.vector_store %arg11[%swap3A_1117], %broadcast_in_dim3A_41 {strides = array<i32>} : memref<4096xf32, #tpu.memory_space<vmem>>, vector<16xf32>,
    %swap3A_1119 = arith.constant 1456 : index
    %swap3A_1120 = tpu.vector_load %arg11[%swap3A_1119] {strides = array<i32>} : memref<4096xf32, #tpu.memory_space<vmem>>, vector<16xf32>,
    tpu.vector_store %arg11[%swap3A_1119], %broadcast_in_dim3A_41 {strides = array<i32>} : memref<4096xf32, #tpu.memory_space<vmem>>, vector<16xf32>,
    %swap3A_1121 = arith.constant 1472 : index
    %swap3A_1122 = tpu.vector_load %arg11[%swap3A_1121] {strides = array<i32>} : memref<4096xf32, #tpu.memory_space<vmem>>, vector<16xf32>,
    tpu.vector_store %arg11[%swap3A_1121], %broadcast_in_dim3A_41 {strides = array<i32>} : memref<4096xf32, #tpu.memory_space<vmem>>, vector<16xf32>,
    %swap3A_1123 = arith.constant 1488 : index
    %swap3A_1124 = tpu.vector_load %arg11[%swap3A_1123] {strides = array<i32>} : memref<4096xf32, #tpu.memory_space<vmem>>, vector<16xf32>,
    tpu.vector_store %arg11[%swap3A_1123], %broadcast_in_dim3A_41 {strides = array<i32>} : memref<4096xf32, #tpu.memory_space<vmem>>, vector<16xf32>,
    %swap3A_1125 = arith.constant 1504 : index
    %swap3A_1126 = tpu.vector_load %arg11[%swap3A_1125] {strides = array<i32>} : memref<4096xf32, #tpu.memory_space<vmem>>, vector<16xf32>,
    tpu.vector_store %arg11[%swap3A_1125], %broadcast_in_dim3A_41 {strides = array<i32>} : memref<4096xf32, #tpu.memory_space<vmem>>, vector<16xf32>,
    %swap3A_1127 = arith.constant 1520 : index
    %swap3A_1128 = tpu.vector_load %arg11[%swap3A_1127] {strides = array<i32>} : memref<4096xf32, #tpu.memory_space<vmem>>, vector<16xf32>,
    tpu.vector_store %arg11[%swap3A_1127], %broadcast_in_dim3A_41 {strides = array<i32>} : memref<4096xf32, #tpu.memory_space<vmem>>, vector<16xf32>,
    %swap3A_1129 = arith.constant 1536 : index
    %swap3A_1130 = tpu.vector_load %arg11[%swap3A_1129] {strides = array<i32>} : memref<4096xf32, #tpu.memory_space<vmem>>, vector<16xf32>,
    tpu.vector_store %arg11[%swap3A_1129], %broadcast_in_dim3A_41 {strides = array<i32>} : memref<4096xf32, #tpu.memory_space<vmem>>, vector<16xf32>,
    %swap3A_1131 = arith.constant 1552 : index
    %swap3A_1132 = tpu.vector_load %arg11[%swap3A_1131] {strides = array<i32>} : memref<4096xf32, #tpu.memory_space<vmem>>, vector<16xf32>,
    tpu.vector_store %arg11[%swap3A_1131], %broadcast_in_dim3A_41 {strides = array<i32>} : memref<4096xf32, #tpu.memory_space<vmem>>, vector<16xf32>,
    %swap3A_1133 = arith.constant 1568 : index
    %swap3A_1134 = tpu.vector_load %arg11[%swap3A_1133] {strides = array<i32>} : memref<4096xf32, #tpu.memory_space<vmem>>, vector<16xf32>,
    tpu.vector_store %arg11[%swap3A_1133], %broadcast_in_dim3A_41 {strides = array<i32>} : memref<4096xf32, #tpu.memory_space<vmem>>, vector<16xf32>,
    %swap3A_1135 = arith.constant 1584 : index
    %swap3A_1136 = tpu.vector_load %arg11[%swap3A_1135] {strides = array<i32>} : memref<4096xf32, #tpu.memory_space<vmem>>, vector<16xf32>,
    tpu.vector_store %arg11[%swap3A_1135], %broadcast_in_dim3A_41 {strides = array<i32>} : memref<4096xf32, #tpu.memory_space<vmem>>, vector<16xf32>,
    %swap3A_1137 = arith.constant 1600 : index
    %swap3A_1138 = tpu.vector_load %arg11[%swap3A_1137] {strides = array<i32>} : memref<4096xf32, #tpu.memory_space<vmem>>, vector<16xf32>,
    tpu.vector_store %arg11[%swap3A_1137], %broadcast_in_dim3A_41 {strides = array<i32>} : memref<4096xf32, #tpu.memory_space<vmem>>, vector<16xf32>,
    %swap3A_1139 = arith.constant 1616 : index
    %swap3A_1140 = tpu.vector_load %arg11[%swap3A_1139] {strides = array<i32>} : memref<4096xf32, #tpu.memory_space<vmem>>, vector<16xf32>,
    tpu.vector_store %arg11[%swap3A_1139], %broadcast_in_dim3A_41 {strides = array<i32>} : memref<4096xf32, #tpu.memory_space<vmem>>, vector<16xf32>,
    %swap3A_1141 = arith.constant 1632 : index
    %swap3A_1142 = tpu.vector_load %arg11[%swap3A_1141] {strides = array<i32>} : memref<4096xf32, #tpu.memory_space<vmem>>, vector<16xf32>,
    tpu.vector_store %arg11[%swap3A_1141], %broadcast_in_dim3A_41 {strides = array<i32>} : memref<4096xf32, #tpu.memory_space<vmem>>, vector<16xf32>,
    %swap3A_1143 = arith.constant 1648 : index
    %swap3A_1144 = tpu.vector_load %arg11[%swap3A_1143] {strides = array<i32>} : memref<4096xf32, #tpu.memory_space<vmem>>, vector<16xf32>,
    tpu.vector_store %arg11[%swap3A_1143], %broadcast_in_dim3A_41 {strides = array<i32>} : memref<4096xf32, #tpu.memory_space<vmem>>, vector<16xf32>,
    %swap3A_1145 = arith.constant 1664 : index
    %swap3A_1146 = tpu.vector_load %arg11[%swap3A_1145] {strides = array<i32>} : memref<4096xf32, #tpu.memory_space<vmem>>, vector<16xf32>,
    tpu.vector_store %arg11[%swap3A_1145], %broadcast_in_dim3A_41 {strides = array<i32>} : memref<4096xf32, #tpu.memory_space<vmem>>, vector<16xf32>,
    %swap3A_1147 = arith.constant 1680 : index
    %swap3A_1148 = tpu.vector_load %arg11[%swap3A_1147] {strides = array<i32>} : memref<4096xf32, #tpu.memory_space<vmem>>, vector<16xf32>,
    tpu.vector_store %arg11[%swap3A_1147], %broadcast_in_dim3A_41 {strides = array<i32>} : memref<4096xf32, #tpu.memory_space<vmem>>, vector<16xf32>,
    %swap3A_1149 = arith.constant 1696 : index
    %swap3A_1150 = tpu.vector_load %arg11[%swap3A_1149] {strides = array<i32>} : memref<4096xf32, #tpu.memory_space<vmem>>, vector<16xf32>,
    tpu.vector_store %arg11[%swap3A_1149], %broadcast_in_dim3A_41 {strides = array<i32>} : memref<4096xf32, #tpu.memory_space<vmem>>, vector<16xf32>,
    %swap3A_1151 = arith.constant 1712 : index
    %swap3A_1152 = tpu.vector_load %arg11[%swap3A_1151] {strides = array<i32>} : memref<4096xf32, #tpu.memory_space<vmem>>, vector<16xf32>,
    tpu.vector_store %arg11[%swap3A_1151], %broadcast_in_dim3A_41 {strides = array<i32>} : memref<4096xf32, #tpu.memory_space<vmem>>, vector<16xf32>,
    %swap3A_1153 = arith.constant 1728 : index
    %swap3A_1154 = tpu.vector_load %arg11[%swap3A_1153] {strides = array<i32>} : memref<4096xf32, #tpu.memory_space<vmem>>, vector<16xf32>,
    tpu.vector_store %arg11[%swap3A_1153], %broadcast_in_dim3A_41 {strides = array<i32>} : memref<4096xf32, #tpu.memory_space<vmem>>, vector<16xf32>,
    %swap3A_1155 = arith.constant 1744 : index
    %swap3A_1156 = tpu.vector_load %arg11[%swap3A_1155] {strides = array<i32>} : memref<4096xf32, #tpu.memory_space<vmem>>, vector<16xf32>,
    tpu.vector_store %arg11[%swap3A_1155], %broadcast_in_dim3A_41 {strides = array<i32>} : memref<4096xf32, #tpu.memory_space<vmem>>, vector<16xf32>,
    %swap3A_1157 = arith.constant 1760 : index
    %swap3A_1158 = tpu.vector_load %arg11[%swap3A_1157] {strides = array<i32>} : memref<4096xf32, #tpu.memory_space<vmem>>, vector<16xf32>,
    tpu.vector_store %arg11[%swap3A_1157], %broadcast_in_dim3A_41 {strides = array<i32>} : memref<4096xf32, #tpu.memory_space<vmem>>, vector<16xf32>,
    %swap3A_1159 = arith.constant 1776 : index
    %swap3A_1160 = tpu.vector_load %arg11[%swap3A_1159] {strides = array<i32>} : memref<4096xf32, #tpu.memory_space<vmem>>, vector<16xf32>,
    tpu.vector_store %arg11[%swap3A_1159], %broadcast_in_dim3A_41 {strides = array<i32>} : memref<4096xf32, #tpu.memory_space<vmem>>, vector<16xf32>,
    %swap3A_1161 = arith.constant 1792 : index
    %swap3A_1162 = tpu.vector_load %arg11[%swap3A_1161] {strides = array<i32>} : memref<4096xf32, #tpu.memory_space<vmem>>, vector<16xf32>,
    tpu.vector_store %arg11[%swap3A_1161], %broadcast_in_dim3A_41 {strides = array<i32>} : memref<4096xf32, #tpu.memory_space<vmem>>, vector<16xf32>,
    %swap3A_1163 = arith.constant 1808 : index
    %swap3A_1164 = tpu.vector_load %arg11[%swap3A_1163] {strides = array<i32>} : memref<4096xf32, #tpu.memory_space<vmem>>, vector<16xf32>,
    tpu.vector_store %arg11[%swap3A_1163], %broadcast_in_dim3A_41 {strides = array<i32>} : memref<4096xf32, #tpu.memory_space<vmem>>, vector<16xf32>,
    %swap3A_1165 = arith.constant 1824 : index
    %swap3A_1166 = tpu.vector_load %arg11[%swap3A_1165] {strides = array<i32>} : memref<4096xf32, #tpu.memory_space<vmem>>, vector<16xf32>,
    tpu.vector_store %arg11[%swap3A_1165], %broadcast_in_dim3A_41 {strides = array<i32>} : memref<4096xf32, #tpu.memory_space<vmem>>, vector<16xf32>,
    %swap3A_1167 = arith.constant 1840 : index
    %swap3A_1168 = tpu.vector_load %arg11[%swap3A_1167] {strides = array<i32>} : memref<4096xf32, #tpu.memory_space<vmem>>, vector<16xf32>,
    tpu.vector_store %arg11[%swap3A_1167], %broadcast_in_dim3A_41 {strides = array<i32>} : memref<4096xf32, #tpu.memory_space<vmem>>, vector<16xf32>,
    %swap3A_1169 = arith.constant 1856 : index
    %swap3A_1170 = tpu.vector_load %arg11[%swap3A_1169] {strides = array<i32>} : memref<4096xf32, #tpu.memory_space<vmem>>, vector<16xf32>,
    tpu.vector_store %arg11[%swap3A_1169], %broadcast_in_dim3A_41 {strides = array<i32>} : memref<4096xf32, #tpu.memory_space<vmem>>, vector<16xf32>,
    %swap3A_1171 = arith.constant 1872 : index
    %swap3A_1172 = tpu.vector_load %arg11[%swap3A_1171] {strides = array<i32>} : memref<4096xf32, #tpu.memory_space<vmem>>, vector<16xf32>,
    tpu.vector_store %arg11[%swap3A_1171], %broadcast_in_dim3A_41 {strides = array<i32>} : memref<4096xf32, #tpu.memory_space<vmem>>, vector<16xf32>,
    %swap3A_1173 = arith.constant 1888 : index
    %swap3A_1174 = tpu.vector_load %arg11[%swap3A_1173] {strides = array<i32>} : memref<4096xf32, #tpu.memory_space<vmem>>, vector<16xf32>,
    tpu.vector_store %arg11[%swap3A_1173], %broadcast_in_dim3A_41 {strides = array<i32>} : memref<4096xf32, #tpu.memory_space<vmem>>, vector<16xf32>,
    %swap3A_1175 = arith.constant 1904 : index
    %swap3A_1176 = tpu.vector_load %arg11[%swap3A_1175] {strides = array<i32>} : memref<4096xf32, #tpu.memory_space<vmem>>, vector<16xf32>,
    tpu.vector_store %arg11[%swap3A_1175], %broadcast_in_dim3A_41 {strides = array<i32>} : memref<4096xf32, #tpu.memory_space<vmem>>, vector<16xf32>,
    %swap3A_1177 = arith.constant 1920 : index
    %swap3A_1178 = tpu.vector_load %arg11[%swap3A_1177] {strides = array<i32>} : memref<4096xf32, #tpu.memory_space<vmem>>, vector<16xf32>,
    tpu.vector_store %arg11[%swap3A_1177], %broadcast_in_dim3A_41 {strides = array<i32>} : memref<4096xf32, #tpu.memory_space<vmem>>, vector<16xf32>,
    %swap3A_1179 = arith.constant 1936 : index
    %swap3A_1180 = tpu.vector_load %arg11[%swap3A_1179] {strides = array<i32>} : memref<4096xf32, #tpu.memory_space<vmem>>, vector<16xf32>,
    tpu.vector_store %arg11[%swap3A_1179], %broadcast_in_dim3A_41 {strides = array<i32>} : memref<4096xf32, #tpu.memory_space<vmem>>, vector<16xf32>,
    %swap3A_1181 = arith.constant 1952 : index
    %swap3A_1182 = tpu.vector_load %arg11[%swap3A_1181] {strides = array<i32>} : memref<4096xf32, #tpu.memory_space<vmem>>, vector<16xf32>,
    tpu.vector_store %arg11[%swap3A_1181], %broadcast_in_dim3A_41 {strides = array<i32>} : memref<4096xf32, #tpu.memory_space<vmem>>, vector<16xf32>,
    %swap3A_1183 = arith.constant 1968 : index
    %swap3A_1184 = tpu.vector_load %arg11[%swap3A_1183] {strides = array<i32>} : memref<4096xf32, #tpu.memory_space<vmem>>, vector<16xf32>,
    tpu.vector_store %arg11[%swap3A_1183], %broadcast_in_dim3A_41 {strides = array<i32>} : memref<4096xf32, #tpu.memory_space<vmem>>, vector<16xf32>,
    %swap3A_1185 = arith.constant 1984 : index
    %swap3A_1186 = tpu.vector_load %arg11[%swap3A_1185] {strides = array<i32>} : memref<4096xf32, #tpu.memory_space<vmem>>, vector<16xf32>,
    tpu.vector_store %arg11[%swap3A_1185], %broadcast_in_dim3A_41 {strides = array<i32>} : memref<4096xf32, #tpu.memory_space<vmem>>, vector<16xf32>,
    %swap3A_1187 = arith.constant 2000 : index
    %swap3A_1188 = tpu.vector_load %arg11[%swap3A_1187] {strides = array<i32>} : memref<4096xf32, #tpu.memory_space<vmem>>, vector<16xf32>,
    tpu.vector_store %arg11[%swap3A_1187], %broadcast_in_dim3A_41 {strides = array<i32>} : memref<4096xf32, #tpu.memory_space<vmem>>, vector<16xf32>,
    %swap3A_1189 = arith.constant 2016 : index
    %swap3A_1190 = tpu.vector_load %arg11[%swap3A_1189] {strides = array<i32>} : memref<4096xf32, #tpu.memory_space<vmem>>, vector<16xf32>,
    tpu.vector_store %arg11[%swap3A_1189], %broadcast_in_dim3A_41 {strides = array<i32>} : memref<4096xf32, #tpu.memory_space<vmem>>, vector<16xf32>,
    %swap3A_1191 = arith.constant 2032 : index
    %swap3A_1192 = tpu.vector_load %arg11[%swap3A_1191] {strides = array<i32>} : memref<4096xf32, #tpu.memory_space<vmem>>, vector<16xf32>,
    tpu.vector_store %arg11[%swap3A_1191], %broadcast_in_dim3A_41 {strides = array<i32>} : memref<4096xf32, #tpu.memory_space<vmem>>, vector<16xf32>,
    %swap3A_1193 = arith.constant 2048 : index
    %swap3A_1194 = tpu.vector_load %arg11[%swap3A_1193] {strides = array<i32>} : memref<4096xf32, #tpu.memory_space<vmem>>, vector<16xf32>,
    tpu.vector_store %arg11[%swap3A_1193], %broadcast_in_dim3A_41 {strides = array<i32>} : memref<4096xf32, #tpu.memory_space<vmem>>, vector<16xf32>,
    %swap3A_1195 = arith.constant 2064 : index
    %swap3A_1196 = tpu.vector_load %arg11[%swap3A_1195] {strides = array<i32>} : memref<4096xf32, #tpu.memory_space<vmem>>, vector<16xf32>,
    tpu.vector_store %arg11[%swap3A_1195], %broadcast_in_dim3A_41 {strides = array<i32>} : memref<4096xf32, #tpu.memory_space<vmem>>, vector<16xf32>,
    %swap3A_1197 = arith.constant 2080 : index
    %swap3A_1198 = tpu.vector_load %arg11[%swap3A_1197] {strides = array<i32>} : memref<4096xf32, #tpu.memory_space<vmem>>, vector<16xf32>,
    tpu.vector_store %arg11[%swap3A_1197], %broadcast_in_dim3A_41 {strides = array<i32>} : memref<4096xf32, #tpu.memory_space<vmem>>, vector<16xf32>,
    %swap3A_1199 = arith.constant 2096 : index
    %swap3A_1200 = tpu.vector_load %arg11[%swap3A_1199] {strides = array<i32>} : memref<4096xf32, #tpu.memory_space<vmem>>, vector<16xf32>,
    tpu.vector_store %arg11[%swap3A_1199], %broadcast_in_dim3A_41 {strides = array<i32>} : memref<4096xf32, #tpu.memory_space<vmem>>, vector<16xf32>,
    %swap3A_1201 = arith.constant 2112 : index
    %swap3A_1202 = tpu.vector_load %arg11[%swap3A_1201] {strides = array<i32>} : memref<4096xf32, #tpu.memory_space<vmem>>, vector<16xf32>,
    tpu.vector_store %arg11[%swap3A_1201], %broadcast_in_dim3A_41 {strides = array<i32>} : memref<4096xf32, #tpu.memory_space<vmem>>, vector<16xf32>,
    %swap3A_1203 = arith.constant 2128 : index
    %swap3A_1204 = tpu.vector_load %arg11[%swap3A_1203] {strides = array<i32>} : memref<4096xf32, #tpu.memory_space<vmem>>, vector<16xf32>,
    tpu.vector_store %arg11[%swap3A_1203], %broadcast_in_dim3A_41 {strides = array<i32>} : memref<4096xf32, #tpu.memory_space<vmem>>, vector<16xf32>,
    %swap3A_1205 = arith.constant 2144 : index
    %swap3A_1206 = tpu.vector_load %arg11[%swap3A_1205] {strides = array<i32>} : memref<4096xf32, #tpu.memory_space<vmem>>, vector<16xf32>,
    tpu.vector_store %arg11[%swap3A_1205], %broadcast_in_dim3A_41 {strides = array<i32>} : memref<4096xf32, #tpu.memory_space<vmem>>, vector<16xf32>,
    %swap3A_1207 = arith.constant 2160 : index
    %swap3A_1208 = tpu.vector_load %arg11[%swap3A_1207] {strides = array<i32>} : memref<4096xf32, #tpu.memory_space<vmem>>, vector<16xf32>,
    tpu.vector_store %arg11[%swap3A_1207], %broadcast_in_dim3A_41 {strides = array<i32>} : memref<4096xf32, #tpu.memory_space<vmem>>, vector<16xf32>,
    %swap3A_1209 = arith.constant 2176 : index
    %swap3A_1210 = tpu.vector_load %arg11[%swap3A_1209] {strides = array<i32>} : memref<4096xf32, #tpu.memory_space<vmem>>, vector<16xf32>,
    tpu.vector_store %arg11[%swap3A_1209], %broadcast_in_dim3A_41 {strides = array<i32>} : memref<4096xf32, #tpu.memory_space<vmem>>, vector<16xf32>,
    %swap3A_1211 = arith.constant 2192 : index
    %swap3A_1212 = tpu.vector_load %arg11[%swap3A_1211] {strides = array<i32>} : memref<4096xf32, #tpu.memory_space<vmem>>, vector<16xf32>,
    tpu.vector_store %arg11[%swap3A_1211], %broadcast_in_dim3A_41 {strides = array<i32>} : memref<4096xf32, #tpu.memory_space<vmem>>, vector<16xf32>,
    %swap3A_1213 = arith.constant 2208 : index
    %swap3A_1214 = tpu.vector_load %arg11[%swap3A_1213] {strides = array<i32>} : memref<4096xf32, #tpu.memory_space<vmem>>, vector<16xf32>,
    tpu.vector_store %arg11[%swap3A_1213], %broadcast_in_dim3A_41 {strides = array<i32>} : memref<4096xf32, #tpu.memory_space<vmem>>, vector<16xf32>,
    %swap3A_1215 = arith.constant 2224 : index
    %swap3A_1216 = tpu.vector_load %arg11[%swap3A_1215] {strides = array<i32>} : memref<4096xf32, #tpu.memory_space<vmem>>, vector<16xf32>,
    tpu.vector_store %arg11[%swap3A_1215], %broadcast_in_dim3A_41 {strides = array<i32>} : memref<4096xf32, #tpu.memory_space<vmem>>, vector<16xf32>,
    %swap3A_1217 = arith.constant 2240 : index
    %swap3A_1218 = tpu.vector_load %arg11[%swap3A_1217] {strides = array<i32>} : memref<4096xf32, #tpu.memory_space<vmem>>, vector<16xf32>,
    tpu.vector_store %arg11[%swap3A_1217], %broadcast_in_dim3A_41 {strides = array<i32>} : memref<4096xf32, #tpu.memory_space<vmem>>, vector<16xf32>,
    %swap3A_1219 = arith.constant 2256 : index
    %swap3A_1220 = tpu.vector_load %arg11[%swap3A_1219] {strides = array<i32>} : memref<4096xf32, #tpu.memory_space<vmem>>, vector<16xf32>,
    tpu.vector_store %arg11[%swap3A_1219], %broadcast_in_dim3A_41 {strides = array<i32>} : memref<4096xf32, #tpu.memory_space<vmem>>, vector<16xf32>,
    %swap3A_1221 = arith.constant 2272 : index
    %swap3A_1222 = tpu.vector_load %arg11[%swap3A_1221] {strides = array<i32>} : memref<4096xf32, #tpu.memory_space<vmem>>, vector<16xf32>,
    tpu.vector_store %arg11[%swap3A_1221], %broadcast_in_dim3A_41 {strides = array<i32>} : memref<4096xf32, #tpu.memory_space<vmem>>, vector<16xf32>,
    %swap3A_1223 = arith.constant 2288 : index
    %swap3A_1224 = tpu.vector_load %arg11[%swap3A_1223] {strides = array<i32>} : memref<4096xf32, #tpu.memory_space<vmem>>, vector<16xf32>,
    tpu.vector_store %arg11[%swap3A_1223], %broadcast_in_dim3A_41 {strides = array<i32>} : memref<4096xf32, #tpu.memory_space<vmem>>, vector<16xf32>,
    %swap3A_1225 = arith.constant 2304 : index
    %swap3A_1226 = tpu.vector_load %arg11[%swap3A_1225] {strides = array<i32>} : memref<4096xf32, #tpu.memory_space<vmem>>, vector<16xf32>,
    tpu.vector_store %arg11[%swap3A_1225], %broadcast_in_dim3A_41 {strides = array<i32>} : memref<4096xf32, #tpu.memory_space<vmem>>, vector<16xf32>,
    %swap3A_1227 = arith.constant 2320 : index
    %swap3A_1228 = tpu.vector_load %arg11[%swap3A_1227] {strides = array<i32>} : memref<4096xf32, #tpu.memory_space<vmem>>, vector<16xf32>,
    tpu.vector_store %arg11[%swap3A_1227], %broadcast_in_dim3A_41 {strides = array<i32>} : memref<4096xf32, #tpu.memory_space<vmem>>, vector<16xf32>,
    %swap3A_1229 = arith.constant 2336 : index
    %swap3A_1230 = tpu.vector_load %arg11[%swap3A_1229] {strides = array<i32>} : memref<4096xf32, #tpu.memory_space<vmem>>, vector<16xf32>,
    tpu.vector_store %arg11[%swap3A_1229], %broadcast_in_dim3A_41 {strides = array<i32>} : memref<4096xf32, #tpu.memory_space<vmem>>, vector<16xf32>,
    %swap3A_1231 = arith.constant 2352 : index
    %swap3A_1232 = tpu.vector_load %arg11[%swap3A_1231] {strides = array<i32>} : memref<4096xf32, #tpu.memory_space<vmem>>, vector<16xf32>,
    tpu.vector_store %arg11[%swap3A_1231], %broadcast_in_dim3A_41 {strides = array<i32>} : memref<4096xf32, #tpu.memory_space<vmem>>, vector<16xf32>,
    %swap3A_1233 = arith.constant 2368 : index
    %swap3A_1234 = tpu.vector_load %arg11[%swap3A_1233] {strides = array<i32>} : memref<4096xf32, #tpu.memory_space<vmem>>, vector<16xf32>,
    tpu.vector_store %arg11[%swap3A_1233], %broadcast_in_dim3A_41 {strides = array<i32>} : memref<4096xf32, #tpu.memory_space<vmem>>, vector<16xf32>,
    %swap3A_1235 = arith.constant 2384 : index
    %swap3A_1236 = tpu.vector_load %arg11[%swap3A_1235] {strides = array<i32>} : memref<4096xf32, #tpu.memory_space<vmem>>, vector<16xf32>,
    tpu.vector_store %arg11[%swap3A_1235], %broadcast_in_dim3A_41 {strides = array<i32>} : memref<4096xf32, #tpu.memory_space<vmem>>, vector<16xf32>,
    %swap3A_1237 = arith.constant 2400 : index
    %swap3A_1238 = tpu.vector_load %arg11[%swap3A_1237] {strides = array<i32>} : memref<4096xf32, #tpu.memory_space<vmem>>, vector<16xf32>,
    tpu.vector_store %arg11[%swap3A_1237], %broadcast_in_dim3A_41 {strides = array<i32>} : memref<4096xf32, #tpu.memory_space<vmem>>, vector<16xf32>,
    %swap3A_1239 = arith.constant 2416 : index
    %swap3A_1240 = tpu.vector_load %arg11[%swap3A_1239] {strides = array<i32>} : memref<4096xf32, #tpu.memory_space<vmem>>, vector<16xf32>,
    tpu.vector_store %arg11[%swap3A_1239], %broadcast_in_dim3A_41 {strides = array<i32>} : memref<4096xf32, #tpu.memory_space<vmem>>, vector<16xf32>,
    %swap3A_1241 = arith.constant 2432 : index
    %swap3A_1242 = tpu.vector_load %arg11[%swap3A_1241] {strides = array<i32>} : memref<4096xf32, #tpu.memory_space<vmem>>, vector<16xf32>,
    tpu.vector_store %arg11[%swap3A_1241], %broadcast_in_dim3A_41 {strides = array<i32>} : memref<4096xf32, #tpu.memory_space<vmem>>, vector<16xf32>,
    %swap3A_1243 = arith.constant 2448 : index
    %swap3A_1244 = tpu.vector_load %arg11[%swap3A_1243] {strides = array<i32>} : memref<4096xf32, #tpu.memory_space<vmem>>, vector<16xf32>,
    tpu.vector_store %arg11[%swap3A_1243], %broadcast_in_dim3A_41 {strides = array<i32>} : memref<4096xf32, #tpu.memory_space<vmem>>, vector<16xf32>,
    %swap3A_1245 = arith.constant 2464 : index
    %swap3A_1246 = tpu.vector_load %arg11[%swap3A_1245] {strides = array<i32>} : memref<4096xf32, #tpu.memory_space<vmem>>, vector<16xf32>,
    tpu.vector_store %arg11[%swap3A_1245], %broadcast_in_dim3A_41 {strides = array<i32>} : memref<4096xf32, #tpu.memory_space<vmem>>, vector<16xf32>,
    %swap3A_1247 = arith.constant 2480 : index
    %swap3A_1248 = tpu.vector_load %arg11[%swap3A_1247] {strides = array<i32>} : memref<4096xf32, #tpu.memory_space<vmem>>, vector<16xf32>,
    tpu.vector_store %arg11[%swap3A_1247], %broadcast_in_dim3A_41 {strides = array<i32>} : memref<4096xf32, #tpu.memory_space<vmem>>, vector<16xf32>,
    %swap3A_1249 = arith.constant 2496 : index
    %swap3A_1250 = tpu.vector_load %arg11[%swap3A_1249] {strides = array<i32>} : memref<4096xf32, #tpu.memory_space<vmem>>, vector<16xf32>,
    tpu.vector_store %arg11[%swap3A_1249], %broadcast_in_dim3A_41 {strides = array<i32>} : memref<4096xf32, #tpu.memory_space<vmem>>, vector<16xf32>,
    %swap3A_1251 = arith.constant 2512 : index
    %swap3A_1252 = tpu.vector_load %arg11[%swap3A_1251] {strides = array<i32>} : memref<4096xf32, #tpu.memory_space<vmem>>, vector<16xf32>,
    tpu.vector_store %arg11[%swap3A_1251], %broadcast_in_dim3A_41 {strides = array<i32>} : memref<4096xf32, #tpu.memory_space<vmem>>, vector<16xf32>,
    %swap3A_1253 = arith.constant 2528 : index
    %swap3A_1254 = tpu.vector_load %arg11[%swap3A_1253] {strides = array<i32>} : memref<4096xf32, #tpu.memory_space<vmem>>, vector<16xf32>,
    tpu.vector_store %arg11[%swap3A_1253], %broadcast_in_dim3A_41 {strides = array<i32>} : memref<4096xf32, #tpu.memory_space<vmem>>, vector<16xf32>,
    %swap3A_1255 = arith.constant 2544 : index
    %swap3A_1256 = tpu.vector_load %arg11[%swap3A_1255] {strides = array<i32>} : memref<4096xf32, #tpu.memory_space<vmem>>, vector<16xf32>,
    tpu.vector_store %arg11[%swap3A_1255], %broadcast_in_dim3A_41 {strides = array<i32>} : memref<4096xf32, #tpu.memory_space<vmem>>, vector<16xf32>,
    %swap3A_1257 = arith.constant 2560 : index
    %swap3A_1258 = tpu.vector_load %arg11[%swap3A_1257] {strides = array<i32>} : memref<4096xf32, #tpu.memory_space<vmem>>, vector<16xf32>,
    tpu.vector_store %arg11[%swap3A_1257], %broadcast_in_dim3A_41 {strides = array<i32>} : memref<4096xf32, #tpu.memory_space<vmem>>, vector<16xf32>,
    %swap3A_1259 = arith.constant 2576 : index
    %swap3A_1260 = tpu.vector_load %arg11[%swap3A_1259] {strides = array<i32>} : memref<4096xf32, #tpu.memory_space<vmem>>, vector<16xf32>,
    tpu.vector_store %arg11[%swap3A_1259], %broadcast_in_dim3A_41 {strides = array<i32>} : memref<4096xf32, #tpu.memory_space<vmem>>, vector<16xf32>,
    %swap3A_1261 = arith.constant 2592 : index
    %swap3A_1262 = tpu.vector_load %arg11[%swap3A_1261] {strides = array<i32>} : memref<4096xf32, #tpu.memory_space<vmem>>, vector<16xf32>,
    tpu.vector_store %arg11[%swap3A_1261], %broadcast_in_dim3A_41 {strides = array<i32>} : memref<4096xf32, #tpu.memory_space<vmem>>, vector<16xf32>,
    %swap3A_1263 = arith.constant 2608 : index
    %swap3A_1264 = tpu.vector_load %arg11[%swap3A_1263] {strides = array<i32>} : memref<4096xf32, #tpu.memory_space<vmem>>, vector<16xf32>,
    tpu.vector_store %arg11[%swap3A_1263], %broadcast_in_dim3A_41 {strides = array<i32>} : memref<4096xf32, #tpu.memory_space<vmem>>, vector<16xf32>,
    %swap3A_1265 = arith.constant 2624 : index
    %swap3A_1266 = tpu.vector_load %arg11[%swap3A_1265] {strides = array<i32>} : memref<4096xf32, #tpu.memory_space<vmem>>, vector<16xf32>,
    tpu.vector_store %arg11[%swap3A_1265], %broadcast_in_dim3A_41 {strides = array<i32>} : memref<4096xf32, #tpu.memory_space<vmem>>, vector<16xf32>,
    %swap3A_1267 = arith.constant 2640 : index
    %swap3A_1268 = tpu.vector_load %arg11[%swap3A_1267] {strides = array<i32>} : memref<4096xf32, #tpu.memory_space<vmem>>, vector<16xf32>,
    tpu.vector_store %arg11[%swap3A_1267], %broadcast_in_dim3A_41 {strides = array<i32>} : memref<4096xf32, #tpu.memory_space<vmem>>, vector<16xf32>,
    %swap3A_1269 = arith.constant 2656 : index
    %swap3A_1270 = tpu.vector_load %arg11[%swap3A_1269] {strides = array<i32>} : memref<4096xf32, #tpu.memory_space<vmem>>, vector<16xf32>,
    tpu.vector_store %arg11[%swap3A_1269], %broadcast_in_dim3A_41 {strides = array<i32>} : memref<4096xf32, #tpu.memory_space<vmem>>, vector<16xf32>,
    %swap3A_1271 = arith.constant 2672 : index
    %swap3A_1272 = tpu.vector_load %arg11[%swap3A_1271] {strides = array<i32>} : memref<4096xf32, #tpu.memory_space<vmem>>, vector<16xf32>,
    tpu.vector_store %arg11[%swap3A_1271], %broadcast_in_dim3A_41 {strides = array<i32>} : memref<4096xf32, #tpu.memory_space<vmem>>, vector<16xf32>,
    %swap3A_1273 = arith.constant 2688 : index
    %swap3A_1274 = tpu.vector_load %arg11[%swap3A_1273] {strides = array<i32>} : memref<4096xf32, #tpu.memory_space<vmem>>, vector<16xf32>,
    tpu.vector_store %arg11[%swap3A_1273], %broadcast_in_dim3A_41 {strides = array<i32>} : memref<4096xf32, #tpu.memory_space<vmem>>, vector<16xf32>,
    %swap3A_1275 = arith.constant 2704 : index
    %swap3A_1276 = tpu.vector_load %arg11[%swap3A_1275] {strides = array<i32>} : memref<4096xf32, #tpu.memory_space<vmem>>, vector<16xf32>,
    tpu.vector_store %arg11[%swap3A_1275], %broadcast_in_dim3A_41 {strides = array<i32>} : memref<4096xf32, #tpu.memory_space<vmem>>, vector<16xf32>,
    %swap3A_1277 = arith.constant 2720 : index
    %swap3A_1278 = tpu.vector_load %arg11[%swap3A_1277] {strides = array<i32>} : memref<4096xf32, #tpu.memory_space<vmem>>, vector<16xf32>,
    tpu.vector_store %arg11[%swap3A_1277], %broadcast_in_dim3A_41 {strides = array<i32>} : memref<4096xf32, #tpu.memory_space<vmem>>, vector<16xf32>,
    %swap3A_1279 = arith.constant 2736 : index
    %swap3A_1280 = tpu.vector_load %arg11[%swap3A_1279] {strides = array<i32>} : memref<4096xf32, #tpu.memory_space<vmem>>, vector<16xf32>,
    tpu.vector_store %arg11[%swap3A_1279], %broadcast_in_dim3A_41 {strides = array<i32>} : memref<4096xf32, #tpu.memory_space<vmem>>, vector<16xf32>,
    %swap3A_1281 = arith.constant 2752 : index
    %swap3A_1282 = tpu.vector_load %arg11[%swap3A_1281] {strides = array<i32>} : memref<4096xf32, #tpu.memory_space<vmem>>, vector<16xf32>,
    tpu.vector_store %arg11[%swap3A_1281], %broadcast_in_dim3A_41 {strides = array<i32>} : memref<4096xf32, #tpu.memory_space<vmem>>, vector<16xf32>,
    %swap3A_1283 = arith.constant 2768 : index
    %swap3A_1284 = tpu.vector_load %arg11[%swap3A_1283] {strides = array<i32>} : memref<4096xf32, #tpu.memory_space<vmem>>, vector<16xf32>,
    tpu.vector_store %arg11[%swap3A_1283], %broadcast_in_dim3A_41 {strides = array<i32>} : memref<4096xf32, #tpu.memory_space<vmem>>, vector<16xf32>,
    %swap3A_1285 = arith.constant 2784 : index
    %swap3A_1286 = tpu.vector_load %arg11[%swap3A_1285] {strides = array<i32>} : memref<4096xf32, #tpu.memory_space<vmem>>, vector<16xf32>,
    tpu.vector_store %arg11[%swap3A_1285], %broadcast_in_dim3A_41 {strides = array<i32>} : memref<4096xf32, #tpu.memory_space<vmem>>, vector<16xf32>,
    %swap3A_1287 = arith.constant 2800 : index
    %swap3A_1288 = tpu.vector_load %arg11[%swap3A_1287] {strides = array<i32>} : memref<4096xf32, #tpu.memory_space<vmem>>, vector<16xf32>,
    tpu.vector_store %arg11[%swap3A_1287], %broadcast_in_dim3A_41 {strides = array<i32>} : memref<4096xf32, #tpu.memory_space<vmem>>, vector<16xf32>,
    %swap3A_1289 = arith.constant 2816 : index
    %swap3A_1290 = tpu.vector_load %arg11[%swap3A_1289] {strides = array<i32>} : memref<4096xf32, #tpu.memory_space<vmem>>, vector<16xf32>,
    tpu.vector_store %arg11[%swap3A_1289], %broadcast_in_dim3A_41 {strides = array<i32>} : memref<4096xf32, #tpu.memory_space<vmem>>, vector<16xf32>,
    %swap3A_1291 = arith.constant 2832 : index
    %swap3A_1292 = tpu.vector_load %arg11[%swap3A_1291] {strides = array<i32>} : memref<4096xf32, #tpu.memory_space<vmem>>, vector<16xf32>,
    tpu.vector_store %arg11[%swap3A_1291], %broadcast_in_dim3A_41 {strides = array<i32>} : memref<4096xf32, #tpu.memory_space<vmem>>, vector<16xf32>,
    %swap3A_1293 = arith.constant 2848 : index
    %swap3A_1294 = tpu.vector_load %arg11[%swap3A_1293] {strides = array<i32>} : memref<4096xf32, #tpu.memory_space<vmem>>, vector<16xf32>,
    tpu.vector_store %arg11[%swap3A_1293], %broadcast_in_dim3A_41 {strides = array<i32>} : memref<4096xf32, #tpu.memory_space<vmem>>, vector<16xf32>,
    %swap3A_1295 = arith.constant 2864 : index
    %swap3A_1296 = tpu.vector_load %arg11[%swap3A_1295] {strides = array<i32>} : memref<4096xf32, #tpu.memory_space<vmem>>, vector<16xf32>,
    tpu.vector_store %arg11[%swap3A_1295], %broadcast_in_dim3A_41 {strides = array<i32>} : memref<4096xf32, #tpu.memory_space<vmem>>, vector<16xf32>,
    %swap3A_1297 = arith.constant 2880 : index
    %swap3A_1298 = tpu.vector_load %arg11[%swap3A_1297] {strides = array<i32>} : memref<4096xf32, #tpu.memory_space<vmem>>, vector<16xf32>,
    tpu.vector_store %arg11[%swap3A_1297], %broadcast_in_dim3A_41 {strides = array<i32>} : memref<4096xf32, #tpu.memory_space<vmem>>, vector<16xf32>,
    %swap3A_1299 = arith.constant 2896 : index
    %swap3A_1300 = tpu.vector_load %arg11[%swap3A_1299] {strides = array<i32>} : memref<4096xf32, #tpu.memory_space<vmem>>, vector<16xf32>,
    tpu.vector_store %arg11[%swap3A_1299], %broadcast_in_dim3A_41 {strides = array<i32>} : memref<4096xf32, #tpu.memory_space<vmem>>, vector<16xf32>,
    %swap3A_1301 = arith.constant 2912 : index
    %swap3A_1302 = tpu.vector_load %arg11[%swap3A_1301] {strides = array<i32>} : memref<4096xf32, #tpu.memory_space<vmem>>, vector<16xf32>,
    tpu.vector_store %arg11[%swap3A_1301], %broadcast_in_dim3A_41 {strides = array<i32>} : memref<4096xf32, #tpu.memory_space<vmem>>, vector<16xf32>,
    %swap3A_1303 = arith.constant 2928 : index
    %swap3A_1304 = tpu.vector_load %arg11[%swap3A_1303] {strides = array<i32>} : memref<4096xf32, #tpu.memory_space<vmem>>, vector<16xf32>,
    tpu.vector_store %arg11[%swap3A_1303], %broadcast_in_dim3A_41 {strides = array<i32>} : memref<4096xf32, #tpu.memory_space<vmem>>, vector<16xf32>,
    %swap3A_1305 = arith.constant 2944 : index
    %swap3A_1306 = tpu.vector_load %arg11[%swap3A_1305] {strides = array<i32>} : memref<4096xf32, #tpu.memory_space<vmem>>, vector<16xf32>,
    tpu.vector_store %arg11[%swap3A_1305], %broadcast_in_dim3A_41 {strides = array<i32>} : memref<4096xf32, #tpu.memory_space<vmem>>, vector<16xf32>,
    %swap3A_1307 = arith.constant 2960 : index
    %swap3A_1308 = tpu.vector_load %arg11[%swap3A_1307] {strides = array<i32>} : memref<4096xf32, #tpu.memory_space<vmem>>, vector<16xf32>,
    tpu.vector_store %arg11[%swap3A_1307], %broadcast_in_dim3A_41 {strides = array<i32>} : memref<4096xf32, #tpu.memory_space<vmem>>, vector<16xf32>,
    %swap3A_1309 = arith.constant 2976 : index
    %swap3A_1310 = tpu.vector_load %arg11[%swap3A_1309] {strides = array<i32>} : memref<4096xf32, #tpu.memory_space<vmem>>, vector<16xf32>,
    tpu.vector_store %arg11[%swap3A_1309], %broadcast_in_dim3A_41 {strides = array<i32>} : memref<4096xf32, #tpu.memory_space<vmem>>, vector<16xf32>,
    %swap3A_1311 = arith.constant 2992 : index
    %swap3A_1312 = tpu.vector_load %arg11[%swap3A_1311] {strides = array<i32>} : memref<4096xf32, #tpu.memory_space<vmem>>, vector<16xf32>,
    tpu.vector_store %arg11[%swap3A_1311], %broadcast_in_dim3A_41 {strides = array<i32>} : memref<4096xf32, #tpu.memory_space<vmem>>, vector<16xf32>,
    %swap3A_1313 = arith.constant 3008 : index
    %swap3A_1314 = tpu.vector_load %arg11[%swap3A_1313] {strides = array<i32>} : memref<4096xf32, #tpu.memory_space<vmem>>, vector<16xf32>,
    tpu.vector_store %arg11[%swap3A_1313], %broadcast_in_dim3A_41 {strides = array<i32>} : memref<4096xf32, #tpu.memory_space<vmem>>, vector<16xf32>,
    %swap3A_1315 = arith.constant 3024 : index
    %swap3A_1316 = tpu.vector_load %arg11[%swap3A_1315] {strides = array<i32>} : memref<4096xf32, #tpu.memory_space<vmem>>, vector<16xf32>,
    tpu.vector_store %arg11[%swap3A_1315], %broadcast_in_dim3A_41 {strides = array<i32>} : memref<4096xf32, #tpu.memory_space<vmem>>, vector<16xf32>,
    %swap3A_1317 = arith.constant 3040 : index
    %swap3A_1318 = tpu.vector_load %arg11[%swap3A_1317] {strides = array<i32>} : memref<4096xf32, #tpu.memory_space<vmem>>, vector<16xf32>,
    tpu.vector_store %arg11[%swap3A_1317], %broadcast_in_dim3A_41 {strides = array<i32>} : memref<4096xf32, #tpu.memory_space<vmem>>, vector<16xf32>,
    %swap3A_1319 = arith.constant 3056 : index
    %swap3A_1320 = tpu.vector_load %arg11[%swap3A_1319] {strides = array<i32>} : memref<4096xf32, #tpu.memory_space<vmem>>, vector<16xf32>,
    tpu.vector_store %arg11[%swap3A_1319], %broadcast_in_dim3A_41 {strides = array<i32>} : memref<4096xf32, #tpu.memory_space<vmem>>, vector<16xf32>,
    %swap3A_1321 = arith.constant 3072 : index
    %swap3A_1322 = tpu.vector_load %arg11[%swap3A_1321] {strides = array<i32>} : memref<4096xf32, #tpu.memory_space<vmem>>, vector<16xf32>,
    tpu.vector_store %arg11[%swap3A_1321], %broadcast_in_dim3A_41 {strides = array<i32>} : memref<4096xf32, #tpu.memory_space<vmem>>, vector<16xf32>,
    %swap3A_1323 = arith.constant 3088 : index
    %swap3A_1324 = tpu.vector_load %arg11[%swap3A_1323] {strides = array<i32>} : memref<4096xf32, #tpu.memory_space<vmem>>, vector<16xf32>,
    tpu.vector_store %arg11[%swap3A_1323], %broadcast_in_dim3A_41 {strides = array<i32>} : memref<4096xf32, #tpu.memory_space<vmem>>, vector<16xf32>,
    %swap3A_1325 = arith.constant 3104 : index
    %swap3A_1326 = tpu.vector_load %arg11[%swap3A_1325] {strides = array<i32>} : memref<4096xf32, #tpu.memory_space<vmem>>, vector<16xf32>,
    tpu.vector_store %arg11[%swap3A_1325], %broadcast_in_dim3A_41 {strides = array<i32>} : memref<4096xf32, #tpu.memory_space<vmem>>, vector<16xf32>,
    %swap3A_1327 = arith.constant 3120 : index
    %swap3A_1328 = tpu.vector_load %arg11[%swap3A_1327] {strides = array<i32>} : memref<4096xf32, #tpu.memory_space<vmem>>, vector<16xf32>,
    tpu.vector_store %arg11[%swap3A_1327], %broadcast_in_dim3A_41 {strides = array<i32>} : memref<4096xf32, #tpu.memory_space<vmem>>, vector<16xf32>,
    %swap3A_1329 = arith.constant 3136 : index
    %swap3A_1330 = tpu.vector_load %arg11[%swap3A_1329] {strides = array<i32>} : memref<4096xf32, #tpu.memory_space<vmem>>, vector<16xf32>,
    tpu.vector_store %arg11[%swap3A_1329], %broadcast_in_dim3A_41 {strides = array<i32>} : memref<4096xf32, #tpu.memory_space<vmem>>, vector<16xf32>,
    %swap3A_1331 = arith.constant 3152 : index
    %swap3A_1332 = tpu.vector_load %arg11[%swap3A_1331] {strides = array<i32>} : memref<4096xf32, #tpu.memory_space<vmem>>, vector<16xf32>,
    tpu.vector_store %arg11[%swap3A_1331], %broadcast_in_dim3A_41 {strides = array<i32>} : memref<4096xf32, #tpu.memory_space<vmem>>, vector<16xf32>,
    %swap3A_1333 = arith.constant 3168 : index
    %swap3A_1334 = tpu.vector_load %arg11[%swap3A_1333] {strides = array<i32>} : memref<4096xf32, #tpu.memory_space<vmem>>, vector<16xf32>,
    tpu.vector_store %arg11[%swap3A_1333], %broadcast_in_dim3A_41 {strides = array<i32>} : memref<4096xf32, #tpu.memory_space<vmem>>, vector<16xf32>,
    %swap3A_1335 = arith.constant 3184 : index
    %swap3A_1336 = tpu.vector_load %arg11[%swap3A_1335] {strides = array<i32>} : memref<4096xf32, #tpu.memory_space<vmem>>, vector<16xf32>,
    tpu.vector_store %arg11[%swap3A_1335], %broadcast_in_dim3A_41 {strides = array<i32>} : memref<4096xf32, #tpu.memory_space<vmem>>, vector<16xf32>,
    %swap3A_1337 = arith.constant 3200 : index
    %swap3A_1338 = tpu.vector_load %arg11[%swap3A_1337] {strides = array<i32>} : memref<4096xf32, #tpu.memory_space<vmem>>, vector<16xf32>,
    tpu.vector_store %arg11[%swap3A_1337], %broadcast_in_dim3A_41 {strides = array<i32>} : memref<4096xf32, #tpu.memory_space<vmem>>, vector<16xf32>,
    %swap3A_1339 = arith.constant 3216 : index
    %swap3A_1340 = tpu.vector_load %arg11[%swap3A_1339] {strides = array<i32>} : memref<4096xf32, #tpu.memory_space<vmem>>, vector<16xf32>,
    tpu.vector_store %arg11[%swap3A_1339], %broadcast_in_dim3A_41 {strides = array<i32>} : memref<4096xf32, #tpu.memory_space<vmem>>, vector<16xf32>,
    %swap3A_1341 = arith.constant 3232 : index
    %swap3A_1342 = tpu.vector_load %arg11[%swap3A_1341] {strides = array<i32>} : memref<4096xf32, #tpu.memory_space<vmem>>, vector<16xf32>,
    tpu.vector_store %arg11[%swap3A_1341], %broadcast_in_dim3A_41 {strides = array<i32>} : memref<4096xf32, #tpu.memory_space<vmem>>, vector<16xf32>,
    %swap3A_1343 = arith.constant 3248 : index
    %swap3A_1344 = tpu.vector_load %arg11[%swap3A_1343] {strides = array<i32>} : memref<4096xf32, #tpu.memory_space<vmem>>, vector<16xf32>,
    tpu.vector_store %arg11[%swap3A_1343], %broadcast_in_dim3A_41 {strides = array<i32>} : memref<4096xf32, #tpu.memory_space<vmem>>, vector<16xf32>,
    %swap3A_1345 = arith.constant 3264 : index
    %swap3A_1346 = tpu.vector_load %arg11[%swap3A_1345] {strides = array<i32>} : memref<4096xf32, #tpu.memory_space<vmem>>, vector<16xf32>,
    tpu.vector_store %arg11[%swap3A_1345], %broadcast_in_dim3A_41 {strides = array<i32>} : memref<4096xf32, #tpu.memory_space<vmem>>, vector<16xf32>,
    %swap3A_1347 = arith.constant 3280 : index
    %swap3A_1348 = tpu.vector_load %arg11[%swap3A_1347] {strides = array<i32>} : memref<4096xf32, #tpu.memory_space<vmem>>, vector<16xf32>,
    tpu.vector_store %arg11[%swap3A_1347], %broadcast_in_dim3A_41 {strides = array<i32>} : memref<4096xf32, #tpu.memory_space<vmem>>, vector<16xf32>,
    %swap3A_1349 = arith.constant 3296 : index
    %swap3A_1350 = tpu.vector_load %arg11[%swap3A_1349] {strides = array<i32>} : memref<4096xf32, #tpu.memory_space<vmem>>, vector<16xf32>,
    tpu.vector_store %arg11[%swap3A_1349], %broadcast_in_dim3A_41 {strides = array<i32>} : memref<4096xf32, #tpu.memory_space<vmem>>, vector<16xf32>,
    %swap3A_1351 = arith.constant 3312 : index
    %swap3A_1352 = tpu.vector_load %arg11[%swap3A_1351] {strides = array<i32>} : memref<4096xf32, #tpu.memory_space<vmem>>, vector<16xf32>,
    tpu.vector_store %arg11[%swap3A_1351], %broadcast_in_dim3A_41 {strides = array<i32>} : memref<4096xf32, #tpu.memory_space<vmem>>, vector<16xf32>,
    %swap3A_1353 = arith.constant 3328 : index
    %swap3A_1354 = tpu.vector_load %arg11[%swap3A_1353] {strides = array<i32>} : memref<4096xf32, #tpu.memory_space<vmem>>, vector<16xf32>,
    tpu.vector_store %arg11[%swap3A_1353], %broadcast_in_dim3A_41 {strides = array<i32>} : memref<4096xf32, #tpu.memory_space<vmem>>, vector<16xf32>,
    %swap3A_1355 = arith.constant 3344 : index
    %swap3A_1356 = tpu.vector_load %arg11[%swap3A_1355] {strides = array<i32>} : memref<4096xf32, #tpu.memory_space<vmem>>, vector<16xf32>,
    tpu.vector_store %arg11[%swap3A_1355], %broadcast_in_dim3A_41 {strides = array<i32>} : memref<4096xf32, #tpu.memory_space<vmem>>, vector<16xf32>,
    %swap3A_1357 = arith.constant 3360 : index
    %swap3A_1358 = tpu.vector_load %arg11[%swap3A_1357] {strides = array<i32>} : memref<4096xf32, #tpu.memory_space<vmem>>, vector<16xf32>,
    tpu.vector_store %arg11[%swap3A_1357], %broadcast_in_dim3A_41 {strides = array<i32>} : memref<4096xf32, #tpu.memory_space<vmem>>, vector<16xf32>,
    %swap3A_1359 = arith.constant 3376 : index
    %swap3A_1360 = tpu.vector_load %arg11[%swap3A_1359] {strides = array<i32>} : memref<4096xf32, #tpu.memory_space<vmem>>, vector<16xf32>,
    tpu.vector_store %arg11[%swap3A_1359], %broadcast_in_dim3A_41 {strides = array<i32>} : memref<4096xf32, #tpu.memory_space<vmem>>, vector<16xf32>,
    %swap3A_1361 = arith.constant 3392 : index
    %swap3A_1362 = tpu.vector_load %arg11[%swap3A_1361] {strides = array<i32>} : memref<4096xf32, #tpu.memory_space<vmem>>, vector<16xf32>,
    tpu.vector_store %arg11[%swap3A_1361], %broadcast_in_dim3A_41 {strides = array<i32>} : memref<4096xf32, #tpu.memory_space<vmem>>, vector<16xf32>,
    %swap3A_1363 = arith.constant 3408 : index
    %swap3A_1364 = tpu.vector_load %arg11[%swap3A_1363] {strides = array<i32>} : memref<4096xf32, #tpu.memory_space<vmem>>, vector<16xf32>,
    tpu.vector_store %arg11[%swap3A_1363], %broadcast_in_dim3A_41 {strides = array<i32>} : memref<4096xf32, #tpu.memory_space<vmem>>, vector<16xf32>,
    %swap3A_1365 = arith.constant 3424 : index
    %swap3A_1366 = tpu.vector_load %arg11[%swap3A_1365] {strides = array<i32>} : memref<4096xf32, #tpu.memory_space<vmem>>, vector<16xf32>,
    tpu.vector_store %arg11[%swap3A_1365], %broadcast_in_dim3A_41 {strides = array<i32>} : memref<4096xf32, #tpu.memory_space<vmem>>, vector<16xf32>,
    %swap3A_1367 = arith.constant 3440 : index
    %swap3A_1368 = tpu.vector_load %arg11[%swap3A_1367] {strides = array<i32>} : memref<4096xf32, #tpu.memory_space<vmem>>, vector<16xf32>,
    tpu.vector_store %arg11[%swap3A_1367], %broadcast_in_dim3A_41 {strides = array<i32>} : memref<4096xf32, #tpu.memory_space<vmem>>, vector<16xf32>,
    %swap3A_1369 = arith.constant 3456 : index
    %swap3A_1370 = tpu.vector_load %arg11[%swap3A_1369] {strides = array<i32>} : memref<4096xf32, #tpu.memory_space<vmem>>, vector<16xf32>,
    tpu.vector_store %arg11[%swap3A_1369], %broadcast_in_dim3A_41 {strides = array<i32>} : memref<4096xf32, #tpu.memory_space<vmem>>, vector<16xf32>,
    %swap3A_1371 = arith.constant 3472 : index
    %swap3A_1372 = tpu.vector_load %arg11[%swap3A_1371] {strides = array<i32>} : memref<4096xf32, #tpu.memory_space<vmem>>, vector<16xf32>,
    tpu.vector_store %arg11[%swap3A_1371], %broadcast_in_dim3A_41 {strides = array<i32>} : memref<4096xf32, #tpu.memory_space<vmem>>, vector<16xf32>,
    %swap3A_1373 = arith.constant 3488 : index
    %swap3A_1374 = tpu.vector_load %arg11[%swap3A_1373] {strides = array<i32>} : memref<4096xf32, #tpu.memory_space<vmem>>, vector<16xf32>,
    tpu.vector_store %arg11[%swap3A_1373], %broadcast_in_dim3A_41 {strides = array<i32>} : memref<4096xf32, #tpu.memory_space<vmem>>, vector<16xf32>,
    %swap3A_1375 = arith.constant 3504 : index
    %swap3A_1376 = tpu.vector_load %arg11[%swap3A_1375] {strides = array<i32>} : memref<4096xf32, #tpu.memory_space<vmem>>, vector<16xf32>,
    tpu.vector_store %arg11[%swap3A_1375], %broadcast_in_dim3A_41 {strides = array<i32>} : memref<4096xf32, #tpu.memory_space<vmem>>, vector<16xf32>,
    %swap3A_1377 = arith.constant 3520 : index
    %swap3A_1378 = tpu.vector_load %arg11[%swap3A_1377] {strides = array<i32>} : memref<4096xf32, #tpu.memory_space<vmem>>, vector<16xf32>,
    tpu.vector_store %arg11[%swap3A_1377], %broadcast_in_dim3A_41 {strides = array<i32>} : memref<4096xf32, #tpu.memory_space<vmem>>, vector<16xf32>,
    %swap3A_1379 = arith.constant 3536 : index
    %swap3A_1380 = tpu.vector_load %arg11[%swap3A_1379] {strides = array<i32>} : memref<4096xf32, #tpu.memory_space<vmem>>, vector<16xf32>,
    tpu.vector_store %arg11[%swap3A_1379], %broadcast_in_dim3A_41 {strides = array<i32>} : memref<4096xf32, #tpu.memory_space<vmem>>, vector<16xf32>,
    %swap3A_1381 = arith.constant 3552 : index
    %swap3A_1382 = tpu.vector_load %arg11[%swap3A_1381] {strides = array<i32>} : memref<4096xf32, #tpu.memory_space<vmem>>, vector<16xf32>,
    tpu.vector_store %arg11[%swap3A_1381], %broadcast_in_dim3A_41 {strides = array<i32>} : memref<4096xf32, #tpu.memory_space<vmem>>, vector<16xf32>,
    %swap3A_1383 = arith.constant 3568 : index
    %swap3A_1384 = tpu.vector_load %arg11[%swap3A_1383] {strides = array<i32>} : memref<4096xf32, #tpu.memory_space<vmem>>, vector<16xf32>,
    tpu.vector_store %arg11[%swap3A_1383], %broadcast_in_dim3A_41 {strides = array<i32>} : memref<4096xf32, #tpu.memory_space<vmem>>, vector<16xf32>,
    %swap3A_1385 = arith.constant 3584 : index
    %swap3A_1386 = tpu.vector_load %arg11[%swap3A_1385] {strides = array<i32>} : memref<4096xf32, #tpu.memory_space<vmem>>, vector<16xf32>,
    tpu.vector_store %arg11[%swap3A_1385], %broadcast_in_dim3A_41 {strides = array<i32>} : memref<4096xf32, #tpu.memory_space<vmem>>, vector<16xf32>,
    %swap3A_1387 = arith.constant 3600 : index
    %swap3A_1388 = tpu.vector_load %arg11[%swap3A_1387] {strides = array<i32>} : memref<4096xf32, #tpu.memory_space<vmem>>, vector<16xf32>,
    tpu.vector_store %arg11[%swap3A_1387], %broadcast_in_dim3A_41 {strides = array<i32>} : memref<4096xf32, #tpu.memory_space<vmem>>, vector<16xf32>,
    %swap3A_1389 = arith.constant 3616 : index
    %swap3A_1390 = tpu.vector_load %arg11[%swap3A_1389] {strides = array<i32>} : memref<4096xf32, #tpu.memory_space<vmem>>, vector<16xf32>,
    tpu.vector_store %arg11[%swap3A_1389], %broadcast_in_dim3A_41 {strides = array<i32>} : memref<4096xf32, #tpu.memory_space<vmem>>, vector<16xf32>,
    %swap3A_1391 = arith.constant 3632 : index
    %swap3A_1392 = tpu.vector_load %arg11[%swap3A_1391] {strides = array<i32>} : memref<4096xf32, #tpu.memory_space<vmem>>, vector<16xf32>,
    tpu.vector_store %arg11[%swap3A_1391], %broadcast_in_dim3A_41 {strides = array<i32>} : memref<4096xf32, #tpu.memory_space<vmem>>, vector<16xf32>,
    %swap3A_1393 = arith.constant 3648 : index
    %swap3A_1394 = tpu.vector_load %arg11[%swap3A_1393] {strides = array<i32>} : memref<4096xf32, #tpu.memory_space<vmem>>, vector<16xf32>,
    tpu.vector_store %arg11[%swap3A_1393], %broadcast_in_dim3A_41 {strides = array<i32>} : memref<4096xf32, #tpu.memory_space<vmem>>, vector<16xf32>,
    %swap3A_1395 = arith.constant 3664 : index
    %swap3A_1396 = tpu.vector_load %arg11[%swap3A_1395] {strides = array<i32>} : memref<4096xf32, #tpu.memory_space<vmem>>, vector<16xf32>,
    tpu.vector_store %arg11[%swap3A_1395], %broadcast_in_dim3A_41 {strides = array<i32>} : memref<4096xf32, #tpu.memory_space<vmem>>, vector<16xf32>,
    %swap3A_1397 = arith.constant 3680 : index
    %swap3A_1398 = tpu.vector_load %arg11[%swap3A_1397] {strides = array<i32>} : memref<4096xf32, #tpu.memory_space<vmem>>, vector<16xf32>,
    tpu.vector_store %arg11[%swap3A_1397], %broadcast_in_dim3A_41 {strides = array<i32>} : memref<4096xf32, #tpu.memory_space<vmem>>, vector<16xf32>,
    %swap3A_1399 = arith.constant 3696 : index
    %swap3A_1400 = tpu.vector_load %arg11[%swap3A_1399] {strides = array<i32>} : memref<4096xf32, #tpu.memory_space<vmem>>, vector<16xf32>,
    tpu.vector_store %arg11[%swap3A_1399], %broadcast_in_dim3A_41 {strides = array<i32>} : memref<4096xf32, #tpu.memory_space<vmem>>, vector<16xf32>,
    %swap3A_1401 = arith.constant 3712 : index
    %swap3A_1402 = tpu.vector_load %arg11[%swap3A_1401] {strides = array<i32>} : memref<4096xf32, #tpu.memory_space<vmem>>, vector<16xf32>,
    tpu.vector_store %arg11[%swap3A_1401], %broadcast_in_dim3A_41 {strides = array<i32>} : memref<4096xf32, #tpu.memory_space<vmem>>, vector<16xf32>,
    %swap3A_1403 = arith.constant 3728 : index
    %swap3A_1404 = tpu.vector_load %arg11[%swap3A_1403] {strides = array<i32>} : memref<4096xf32, #tpu.memory_space<vmem>>, vector<16xf32>,
    tpu.vector_store %arg11[%swap3A_1403], %broadcast_in_dim3A_41 {strides = array<i32>} : memref<4096xf32, #tpu.memory_space<vmem>>, vector<16xf32>,
    %swap3A_1405 = arith.constant 3744 : index
    %swap3A_1406 = tpu.vector_load %arg11[%swap3A_1405] {strides = array<i32>} : memref<4096xf32, #tpu.memory_space<vmem>>, vector<16xf32>,
    tpu.vector_store %arg11[%swap3A_1405], %broadcast_in_dim3A_41 {strides = array<i32>} : memref<4096xf32, #tpu.memory_space<vmem>>, vector<16xf32>,
    %swap3A_1407 = arith.constant 3760 : index
    %swap3A_1408 = tpu.vector_load %arg11[%swap3A_1407] {strides = array<i32>} : memref<4096xf32, #tpu.memory_space<vmem>>, vector<16xf32>,
    tpu.vector_store %arg11[%swap3A_1407], %broadcast_in_dim3A_41 {strides = array<i32>} : memref<4096xf32, #tpu.memory_space<vmem>>, vector<16xf32>,
    %swap3A_1409 = arith.constant 3776 : index
    %swap3A_1410 = tpu.vector_load %arg11[%swap3A_1409] {strides = array<i32>} : memref<4096xf32, #tpu.memory_space<vmem>>, vector<16xf32>,
    tpu.vector_store %arg11[%swap3A_1409], %broadcast_in_dim3A_41 {strides = array<i32>} : memref<4096xf32, #tpu.memory_space<vmem>>, vector<16xf32>,
    %swap3A_1411 = arith.constant 3792 : index
    %swap3A_1412 = tpu.vector_load %arg11[%swap3A_1411] {strides = array<i32>} : memref<4096xf32, #tpu.memory_space<vmem>>, vector<16xf32>,
    tpu.vector_store %arg11[%swap3A_1411], %broadcast_in_dim3A_41 {strides = array<i32>} : memref<4096xf32, #tpu.memory_space<vmem>>, vector<16xf32>,
    %swap3A_1413 = arith.constant 3808 : index
    %swap3A_1414 = tpu.vector_load %arg11[%swap3A_1413] {strides = array<i32>} : memref<4096xf32, #tpu.memory_space<vmem>>, vector<16xf32>,
    tpu.vector_store %arg11[%swap3A_1413], %broadcast_in_dim3A_41 {strides = array<i32>} : memref<4096xf32, #tpu.memory_space<vmem>>, vector<16xf32>,
    %swap3A_1415 = arith.constant 3824 : index
    %swap3A_1416 = tpu.vector_load %arg11[%swap3A_1415] {strides = array<i32>} : memref<4096xf32, #tpu.memory_space<vmem>>, vector<16xf32>,
    tpu.vector_store %arg11[%swap3A_1415], %broadcast_in_dim3A_41 {strides = array<i32>} : memref<4096xf32, #tpu.memory_space<vmem>>, vector<16xf32>,
    %swap3A_1417 = arith.constant 3840 : index
    %swap3A_1418 = tpu.vector_load %arg11[%swap3A_1417] {strides = array<i32>} : memref<4096xf32, #tpu.memory_space<vmem>>, vector<16xf32>,
    tpu.vector_store %arg11[%swap3A_1417], %broadcast_in_dim3A_41 {strides = array<i32>} : memref<4096xf32, #tpu.memory_space<vmem>>, vector<16xf32>,
    %swap3A_1419 = arith.constant 3856 : index
    %swap3A_1420 = tpu.vector_load %arg11[%swap3A_1419] {strides = array<i32>} : memref<4096xf32, #tpu.memory_space<vmem>>, vector<16xf32>,
    tpu.vector_store %arg11[%swap3A_1419], %broadcast_in_dim3A_41 {strides = array<i32>} : memref<4096xf32, #tpu.memory_space<vmem>>, vector<16xf32>,
    %swap3A_1421 = arith.constant 3872 : index
    %swap3A_1422 = tpu.vector_load %arg11[%swap3A_1421] {strides = array<i32>} : memref<4096xf32, #tpu.memory_space<vmem>>, vector<16xf32>,
    tpu.vector_store %arg11[%swap3A_1421], %broadcast_in_dim3A_41 {strides = array<i32>} : memref<4096xf32, #tpu.memory_space<vmem>>, vector<16xf32>,
    %swap3A_1423 = arith.constant 3888 : index
    %swap3A_1424 = tpu.vector_load %arg11[%swap3A_1423] {strides = array<i32>} : memref<4096xf32, #tpu.memory_space<vmem>>, vector<16xf32>,
    tpu.vector_store %arg11[%swap3A_1423], %broadcast_in_dim3A_41 {strides = array<i32>} : memref<4096xf32, #tpu.memory_space<vmem>>, vector<16xf32>,
    %swap3A_1425 = arith.constant 3904 : index
    %swap3A_1426 = tpu.vector_load %arg11[%swap3A_1425] {strides = array<i32>} : memref<4096xf32, #tpu.memory_space<vmem>>, vector<16xf32>,
    tpu.vector_store %arg11[%swap3A_1425], %broadcast_in_dim3A_41 {strides = array<i32>} : memref<4096xf32, #tpu.memory_space<vmem>>, vector<16xf32>,
    %swap3A_1427 = arith.constant 3920 : index
    %swap3A_1428 = tpu.vector_load %arg11[%swap3A_1427] {strides = array<i32>} : memref<4096xf32, #tpu.memory_space<vmem>>, vector<16xf32>,
    tpu.vector_store %arg11[%swap3A_1427], %broadcast_in_dim3A_41 {strides = array<i32>} : memref<4096xf32, #tpu.memory_space<vmem>>, vector<16xf32>,
    %swap3A_1429 = arith.constant 3936 : index
    %swap3A_1430 = tpu.vector_load %arg11[%swap3A_1429] {strides = array<i32>} : memref<4096xf32, #tpu.memory_space<vmem>>, vector<16xf32>,
    tpu.vector_store %arg11[%swap3A_1429], %broadcast_in_dim3A_41 {strides = array<i32>} : memref<4096xf32, #tpu.memory_space<vmem>>, vector<16xf32>,
    %swap3A_1431 = arith.constant 3952 : index
    %swap3A_1432 = tpu.vector_load %arg11[%swap3A_1431] {strides = array<i32>} : memref<4096xf32, #tpu.memory_space<vmem>>, vector<16xf32>,
    tpu.vector_store %arg11[%swap3A_1431], %broadcast_in_dim3A_41 {strides = array<i32>} : memref<4096xf32, #tpu.memory_space<vmem>>, vector<16xf32>,
    %swap3A_1433 = arith.constant 3968 : index
    %swap3A_1434 = tpu.vector_load %arg11[%swap3A_1433] {strides = array<i32>} : memref<4096xf32, #tpu.memory_space<vmem>>, vector<16xf32>,
    tpu.vector_store %arg11[%swap3A_1433], %broadcast_in_dim3A_41 {strides = array<i32>} : memref<4096xf32, #tpu.memory_space<vmem>>, vector<16xf32>,
    %swap3A_1435 = arith.constant 3984 : index
    %swap3A_1436 = tpu.vector_load %arg11[%swap3A_1435] {strides = array<i32>} : memref<4096xf32, #tpu.memory_space<vmem>>, vector<16xf32>,
    tpu.vector_store %arg11[%swap3A_1435], %broadcast_in_dim3A_41 {strides = array<i32>} : memref<4096xf32, #tpu.memory_space<vmem>>, vector<16xf32>,
    %swap3A_1437 = arith.constant 4000 : index
    %swap3A_1438 = tpu.vector_load %arg11[%swap3A_1437] {strides = array<i32>} : memref<4096xf32, #tpu.memory_space<vmem>>, vector<16xf32>,
    tpu.vector_store %arg11[%swap3A_1437], %broadcast_in_dim3A_41 {strides = array<i32>} : memref<4096xf32, #tpu.memory_space<vmem>>, vector<16xf32>,
    %swap3A_1439 = arith.constant 4016 : index
    %swap3A_1440 = tpu.vector_load %arg11[%swap3A_1439] {strides = array<i32>} : memref<4096xf32, #tpu.memory_space<vmem>>, vector<16xf32>,
    tpu.vector_store %arg11[%swap3A_1439], %broadcast_in_dim3A_41 {strides = array<i32>} : memref<4096xf32, #tpu.memory_space<vmem>>, vector<16xf32>,
    %swap3A_1441 = arith.constant 4032 : index
    %swap3A_1442 = tpu.vector_load %arg11[%swap3A_1441] {strides = array<i32>} : memref<4096xf32, #tpu.memory_space<vmem>>, vector<16xf32>,
    tpu.vector_store %arg11[%swap3A_1441], %broadcast_in_dim3A_41 {strides = array<i32>} : memref<4096xf32, #tpu.memory_space<vmem>>, vector<16xf32>,
    %swap3A_1443 = arith.constant 4048 : index
    %swap3A_1444 = tpu.vector_load %arg11[%swap3A_1443] {strides = array<i32>} : memref<4096xf32, #tpu.memory_space<vmem>>, vector<16xf32>,
    tpu.vector_store %arg11[%swap3A_1443], %broadcast_in_dim3A_41 {strides = array<i32>} : memref<4096xf32, #tpu.memory_space<vmem>>, vector<16xf32>,
    %swap3A_1445 = arith.constant 4064 : index
    %swap3A_1446 = tpu.vector_load %arg11[%swap3A_1445] {strides = array<i32>} : memref<4096xf32, #tpu.memory_space<vmem>>, vector<16xf32>,
    tpu.vector_store %arg11[%swap3A_1445], %broadcast_in_dim3A_41 {strides = array<i32>} : memref<4096xf32, #tpu.memory_space<vmem>>, vector<16xf32>,
    %swap3A_1447 = arith.constant 4080 : index
    %swap3A_1448 = tpu.vector_load %arg11[%swap3A_1447] {strides = array<i32>} : memref<4096xf32, #tpu.memory_space<vmem>>, vector<16xf32>,
    tpu.vector_store %arg11[%swap3A_1447], %broadcast_in_dim3A_41 {strides = array<i32>} : memref<4096xf32, #tpu.memory_space<vmem>>, vector<16xf32>,
    %broadcast_in_dim3A_1449 = arith.constant 1.000000e+00 : f32
    %broadcast_in_dim3A_1450 = vector.broadcast %broadcast_in_dim3A_1449 : f32 to vector<16xf32>
    %get3A_1451 = arith.constant 0 : index
    %get3A_1452 = tpu.vector_load %arg8[%get3A_1451] {strides = array<i32>} : memref<256xi32, #tpu.memory_space<vmem>>, vector<16xi32>,
    tpu.vector_store_idx %arg11[%get3A_1452], %broadcast_in_dim3A_1450 {add = true} : memref<4096xf32, #tpu.memory_space<vmem>>[vector<16xi32>], vector<16xf32>,
    %get3A_1453 = arith.constant 16 : index
    %get3A_1454 = tpu.vector_load %arg8[%get3A_1453] {strides = array<i32>} : memref<256xi32, #tpu.memory_space<vmem>>, vector<16xi32>,
    tpu.vector_store_idx %arg11[%get3A_1454], %broadcast_in_dim3A_1450 {add = true} : memref<4096xf32, #tpu.memory_space<vmem>>[vector<16xi32>], vector<16xf32>,
    %get3A_1455 = arith.constant 32 : index
    %get3A_1456 = tpu.vector_load %arg8[%get3A_1455] {strides = array<i32>} : memref<256xi32, #tpu.memory_space<vmem>>, vector<16xi32>,
    tpu.vector_store_idx %arg11[%get3A_1456], %broadcast_in_dim3A_1450 {add = true} : memref<4096xf32, #tpu.memory_space<vmem>>[vector<16xi32>], vector<16xf32>,
    %get3A_1457 = arith.constant 48 : index
    %get3A_1458 = tpu.vector_load %arg8[%get3A_1457] {strides = array<i32>} : memref<256xi32, #tpu.memory_space<vmem>>, vector<16xi32>,
    tpu.vector_store_idx %arg11[%get3A_1458], %broadcast_in_dim3A_1450 {add = true} : memref<4096xf32, #tpu.memory_space<vmem>>[vector<16xi32>], vector<16xf32>,
    %get3A_1459 = arith.constant 64 : index
    %get3A_1460 = tpu.vector_load %arg8[%get3A_1459] {strides = array<i32>} : memref<256xi32, #tpu.memory_space<vmem>>, vector<16xi32>,
    tpu.vector_store_idx %arg11[%get3A_1460], %broadcast_in_dim3A_1450 {add = true} : memref<4096xf32, #tpu.memory_space<vmem>>[vector<16xi32>], vector<16xf32>,
    %get3A_1461 = arith.constant 80 : index
    %get3A_1462 = tpu.vector_load %arg8[%get3A_1461] {strides = array<i32>} : memref<256xi32, #tpu.memory_space<vmem>>, vector<16xi32>,
    tpu.vector_store_idx %arg11[%get3A_1462], %broadcast_in_dim3A_1450 {add = true} : memref<4096xf32, #tpu.memory_space<vmem>>[vector<16xi32>], vector<16xf32>,
    %get3A_1463 = arith.constant 96 : index
    %get3A_1464 = tpu.vector_load %arg8[%get3A_1463] {strides = array<i32>} : memref<256xi32, #tpu.memory_space<vmem>>, vector<16xi32>,
    tpu.vector_store_idx %arg11[%get3A_1464], %broadcast_in_dim3A_1450 {add = true} : memref<4096xf32, #tpu.memory_space<vmem>>[vector<16xi32>], vector<16xf32>,
    %get3A_1465 = arith.constant 112 : index
    %get3A_1466 = tpu.vector_load %arg8[%get3A_1465] {strides = array<i32>} : memref<256xi32, #tpu.memory_space<vmem>>, vector<16xi32>,
    tpu.vector_store_idx %arg11[%get3A_1466], %broadcast_in_dim3A_1450 {add = true} : memref<4096xf32, #tpu.memory_space<vmem>>[vector<16xi32>], vector<16xf32>,
    %get3A_1467 = arith.constant 128 : index
    %get3A_1468 = tpu.vector_load %arg8[%get3A_1467] {strides = array<i32>} : memref<256xi32, #tpu.memory_space<vmem>>, vector<16xi32>,
    tpu.vector_store_idx %arg11[%get3A_1468], %broadcast_in_dim3A_1450 {add = true} : memref<4096xf32, #tpu.memory_space<vmem>>[vector<16xi32>], vector<16xf32>,
    %get3A_1469 = arith.constant 144 : index
    %get3A_1470 = tpu.vector_load %arg8[%get3A_1469] {strides = array<i32>} : memref<256xi32, #tpu.memory_space<vmem>>, vector<16xi32>,
    tpu.vector_store_idx %arg11[%get3A_1470], %broadcast_in_dim3A_1450 {add = true} : memref<4096xf32, #tpu.memory_space<vmem>>[vector<16xi32>], vector<16xf32>,
    %get3A_1471 = arith.constant 160 : index
    %get3A_1472 = tpu.vector_load %arg8[%get3A_1471] {strides = array<i32>} : memref<256xi32, #tpu.memory_space<vmem>>, vector<16xi32>,
    tpu.vector_store_idx %arg11[%get3A_1472], %broadcast_in_dim3A_1450 {add = true} : memref<4096xf32, #tpu.memory_space<vmem>>[vector<16xi32>], vector<16xf32>,
    %get3A_1473 = arith.constant 176 : index
    %get3A_1474 = tpu.vector_load %arg8[%get3A_1473] {strides = array<i32>} : memref<256xi32, #tpu.memory_space<vmem>>, vector<16xi32>,
    tpu.vector_store_idx %arg11[%get3A_1474], %broadcast_in_dim3A_1450 {add = true} : memref<4096xf32, #tpu.memory_space<vmem>>[vector<16xi32>], vector<16xf32>,
    %get3A_1475 = arith.constant 192 : index
    %get3A_1476 = tpu.vector_load %arg8[%get3A_1475] {strides = array<i32>} : memref<256xi32, #tpu.memory_space<vmem>>, vector<16xi32>,
    tpu.vector_store_idx %arg11[%get3A_1476], %broadcast_in_dim3A_1450 {add = true} : memref<4096xf32, #tpu.memory_space<vmem>>[vector<16xi32>], vector<16xf32>,
    %get3A_1477 = arith.constant 208 : index
    %get3A_1478 = tpu.vector_load %arg8[%get3A_1477] {strides = array<i32>} : memref<256xi32, #tpu.memory_space<vmem>>, vector<16xi32>,
    tpu.vector_store_idx %arg11[%get3A_1478], %broadcast_in_dim3A_1450 {add = true} : memref<4096xf32, #tpu.memory_space<vmem>>[vector<16xi32>], vector<16xf32>,
    %get3A_1479 = arith.constant 224 : index
    %get3A_1480 = tpu.vector_load %arg8[%get3A_1479] {strides = array<i32>} : memref<256xi32, #tpu.memory_space<vmem>>, vector<16xi32>,
    tpu.vector_store_idx %arg11[%get3A_1480], %broadcast_in_dim3A_1450 {add = true} : memref<4096xf32, #tpu.memory_space<vmem>>[vector<16xi32>], vector<16xf32>,
    %get3A_1481 = arith.constant 240 : index
    %get3A_1482 = tpu.vector_load %arg8[%get3A_1481] {strides = array<i32>} : memref<256xi32, #tpu.memory_space<vmem>>, vector<16xi32>,
    tpu.vector_store_idx %arg11[%get3A_1482], %broadcast_in_dim3A_1450 {add = true} : memref<4096xf32, #tpu.memory_space<vmem>>[vector<16xi32>], vector<16xf32>,
    "tpu.region"() ({
      %run_scoped3A = tpu.sem_alloc : memref<!tpu.dma_semaphore, #tpu.memory_space<semaphore_mem>>
      %dma_start3A_1483 = arith.constant 0 : i32
      %dma_start3A_1484 = tpu.memref_slice %arg7[%add3A, %dma_start3A_1483] : memref<32x4096xf32, #tpu.memory_space<hbm>> -> memref<1x4096xf32, #tpu.memory_space<hbm>>
      %dma_start3A_1485 = tpu.memref_squeeze %dma_start3A_1484 : memref<1x4096xf32, #tpu.memory_space<hbm>> -> memref<4096xf32, #tpu.memory_space<hbm>>
      %dma_start3A_1486 = arith.constant 0 : i32
      %dma_start3A_1487 = tpu.memref_slice %arg7[%add3A, %dma_start3A_1486] : memref<32x4096xf32, #tpu.memory_space<hbm>> -> memref<1x4096xf32, #tpu.memory_space<hbm>>
      %dma_start3A_1488 = tpu.memref_squeeze %dma_start3A_1487 : memref<1x4096xf32, #tpu.memory_space<hbm>> -> memref<4096xf32, #tpu.memory_space<hbm>>
      tpu.enqueue_dma source(%arg11 : memref<4096xf32, #tpu.memory_space<vmem>>) target(%dma_start3A_1488 : memref<4096xf32, #tpu.memory_space<hbm>>) target_semaphore(%run_scoped3A : memref<!tpu.dma_semaphore, #tpu.memory_space<semaphore_mem>>)
      %dma_wait3A_1489 = arith.constant 0 : i32
      %dma_wait3A_1490 = tpu.memref_slice %arg7[%add3A, %dma_wait3A_1489] : memref<32x4096xf32, #tpu.memory_space<hbm>> -> memref<1x4096xf32, #tpu.memory_space<hbm>>
      %dma_wait3A_1491 = tpu.memref_squeeze %dma_wait3A_1490 : memref<1x4096xf32, #tpu.memory_space<hbm>> -> memref<4096xf32, #tpu.memory_space<hbm>>
      %dma_wait3A_1492 = arith.constant 0 : i32
      %dma_wait3A_1493 = tpu.memref_slice %arg7[%add3A, %dma_wait3A_1492] : memref<32x4096xf32, #tpu.memory_space<hbm>> -> memref<1x4096xf32, #tpu.memory_space<hbm>>
      %dma_wait3A_1494 = tpu.memref_squeeze %dma_wait3A_1493 : memref<1x4096xf32, #tpu.memory_space<hbm>> -> memref<4096xf32, #tpu.memory_space<hbm>>
      tpu.wait_dma2 semaphore(%run_scoped3A : memref<!tpu.dma_semaphore, #tpu.memory_space<semaphore_mem>>) src(%arg11 : memref<4096xf32, #tpu.memory_space<vmem>>) dst(%dma_wait3A_1494 : memref<4096xf32, #tpu.memory_space<hbm>>)
      tpu.yield
    }) : () -> ()
    return
  }
}

module attributes {stable_mosaic.version = 14 : i64} {
  func.func @_combine_body(%arg0: memref<32x4096xf32, #tpu.memory_space<vmem>>, %arg1: memref<4096x1xf32, #tpu.memory_space<vmem>>, %arg2: memref<1x512xf32, #tpu.memory_space<vmem>>, %arg3: memref<1x1xf32, #tpu.memory_space<vmem>>) attributes {dimension_semantics = [], scalar_prefetch = 0 : i64, scratch_operands = 0 : i64, tpu.core_type = #tpu.core_type<tc>} {
    %get3A = arith.constant 0 : index
    %get3A_0 = arith.constant 0 : index
    %get3A_1 = vector.load %arg0[%get3A, %get3A_0] : memref<32x4096xf32, #tpu.memory_space<vmem>>, vector<32x4096xf32>
    %get3A_2 = arith.constant 0 : index
    %get3A_3 = arith.constant 0 : index
    %get3A_4 = vector.load %arg1[%get3A_2, %get3A_3] : memref<4096x1xf32, #tpu.memory_space<vmem>>, vector<4096x1xf32>
    %dot_general3A = arith.constant dense<0.000000e+00> : vector<32x1xf32>
    %dot_general3A_5 = tpu.matmul %get3A_1, %get3A_4, %dot_general3A {dimension_numbers = #tpu.dot_dimension_numbers<[1], [0], [0], [1], [0, 0, 1, 1], [], []>, precision = #tpu.contract_precision<fp32>, transpose_lhs_hint = false} : vector<32x4096xf32>, vector<4096x1xf32>, vector<32x1xf32> -> vector<32x1xf32>
    %reduce_sum3A = vector.shape_cast %dot_general3A_5 : vector<32x1xf32> to vector<1x32x1xf32>
    %reduce_sum3A_6 = arith.constant dense<0.000000e+00> : vector<1xf32>
    %reduce_sum3A_7 = vector.multi_reduction <add>, %reduce_sum3A, %reduce_sum3A_6 [1, 2] : vector<1x32x1xf32> to vector<1xf32>
    %reduce_sum3A_8 = vector.shape_cast %reduce_sum3A_7 : vector<1xf32> to vector<1x1x1xf32>
    %reduce_sum3A_9 = vector.extract %reduce_sum3A_8[0, 0, 0] : f32 from vector<1x1x1xf32>
    %get3A_10 = arith.constant 0 : index
    %get3A_11 = arith.constant 0 : index
    %get3A_12 = vector.load %arg2[%get3A_10, %get3A_11] : memref<1x512xf32, #tpu.memory_space<vmem>>, vector<1x512xf32>
    %reduce_sum3A_13 = vector.shape_cast %get3A_12 : vector<1x512xf32> to vector<1x1x512xf32>
    %reduce_sum3A_14 = arith.constant dense<0.000000e+00> : vector<1xf32>
    %reduce_sum3A_15 = vector.multi_reduction <add>, %reduce_sum3A_13, %reduce_sum3A_14 [1, 2] : vector<1x1x512xf32> to vector<1xf32>
    %reduce_sum3A_16 = vector.shape_cast %reduce_sum3A_15 : vector<1xf32> to vector<1x1x1xf32>
    %reduce_sum3A_17 = vector.extract %reduce_sum3A_16[0, 0, 0] : f32 from vector<1x1x1xf32>
    %sub3A = arith.subf %reduce_sum3A_9, %reduce_sum3A_17 : f32
    %div3A = arith.constant 8.192000e+03 : f32
    %div3A_18 = arith.divf %sub3A, %div3A : f32
    %reshape3A = vector.broadcast %div3A_18 : f32 to vector<1x1xf32>
    %swap3A = arith.constant 0 : index
    %swap3A_19 = arith.constant 0 : index
    %swap3A_20 = vector.load %arg3[%swap3A, %swap3A_19] : memref<1x1xf32, #tpu.memory_space<vmem>>, vector<1x1xf32>
    tpu.vector_store %arg3[%swap3A, %swap3A_19], %reshape3A {strides = array<i32>} : memref<1x1xf32, #tpu.memory_space<vmem>>, vector<1x1xf32>,
    return
  }
}

module attributes {stable_mosaic.version = 14 : i64} {
  func.func @_lse_body(%arg0: i32, %arg1: memref<512x4096xf32, #tpu.memory_space<vmem>>, %arg2: memref<512x1xf32, #tpu.memory_space<vmem>>) attributes {dimension_semantics = [#tpu.dimension_semantics<arbitrary>], iteration_bounds = array<i64: 8>, scalar_prefetch = 0 : i64, scratch_operands = 0 : i64, tpu.core_type = #tpu.core_type<tc>, window_params = [{transform_indices = @transform_0, window_bounds = array<i64: 512, 4096>}, {transform_indices = @transform_1, window_bounds = array<i64: 512, 1>}]} {
    %get3A = arith.constant 0 : index
    %get3A_0 = arith.constant 0 : index
    %get3A_1 = vector.load %arg1[%get3A, %get3A_0] : memref<512x4096xf32, #tpu.memory_space<vmem>>, vector<512x4096xf32>
    %reduce_max3A = arith.constant dense<0xFF800000> : vector<512xf32>
    %reduce_max3A_2 = vector.multi_reduction <maximumf>, %get3A_1, %reduce_max3A [1] : vector<512x4096xf32> to vector<512xf32>
    %broadcast_in_dim3A = vector.shape_cast %reduce_max3A_2 : vector<512xf32> to vector<512x1xf32>
    %sub3A = vector.broadcast %broadcast_in_dim3A : vector<512x1xf32> to vector<512x4096xf32>
    %sub3A_3 = arith.subf %get3A_1, %sub3A : vector<512x4096xf32>
    %exp3A = math.exp %sub3A_3 : vector<512x4096xf32>
    %reduce_sum3A = arith.constant dense<0.000000e+00> : vector<512xf32>
    %reduce_sum3A_4 = vector.multi_reduction <add>, %exp3A, %reduce_sum3A [1] : vector<512x4096xf32> to vector<512xf32>
    %broadcast_in_dim3A_5 = vector.shape_cast %reduce_sum3A_4 : vector<512xf32> to vector<512x1xf32>
    %log3A = math.log %broadcast_in_dim3A_5 : vector<512x1xf32>
    %add3A = arith.addf %broadcast_in_dim3A, %log3A : vector<512x1xf32>
    %swap3A = arith.constant 0 : index
    %swap3A_6 = arith.constant 0 : index
    %swap3A_7 = vector.load %arg2[%swap3A, %swap3A_6] : memref<512x1xf32, #tpu.memory_space<vmem>>, vector<512x1xf32>
    tpu.vector_store %arg2[%swap3A, %swap3A_6], %add3A {strides = array<i32>} : memref<512x1xf32, #tpu.memory_space<vmem>>, vector<512x1xf32>,
    return
  }
  func.func @transform_0(%arg0: i32) -> (i32, i32) {
    %c0_i32 = arith.constant 0 : i32
    %c0_i32_0 = arith.constant 0 : i32
    return %arg0, %c0_i32 : i32, i32
  }
  func.func @transform_1(%arg0: i32) -> (i32, i32) {
    %c0_i32 = arith.constant 0 : i32
    %c0_i32_0 = arith.constant 0 : i32
    return %arg0, %c0_i32 : i32, i32
  }
}

</mosaic_0001>

<sc_bundles>
// kernel: kernel.5.cloned.1.call-start
scs
__scs_entry_jumppad:
0x0: {  	(pc) =	sbr.rel $0x88, $3  }
0x1: {  	(tag) =	ssettag $0x0;
	lr =	simm.s32 $0x1  }
0x2: {  	[smem:$0x3F9E] =	sst lr;
	_ =	strace $0xD0000000  }
0x3: {  	_ = 	snop  }
0x4: {  	_ = 	snop  }
0x5: {  	_ = 	snop  }
0x6: {  	_ = 	snop  }
0x7: {  	_ = 	snop  }
__scs_overlays_trampoline_lowered:
0x8: {  	[smem:$0x3FAD] =	sst s0  }
0x9: {  	[smem:$0x3FAE] =	sst s1  }
0xa: {  	[smem:$0x3FAF] =	sst s2  }
0xb: {  	[smem:$0x3FB0] =	sst s3  }
0xc: {  	[smem:$0x3FB1] =	sst s4  }
0xd: {  	[smem:$0x3FB2] =	sst s5  }
0xe: {  	[smem:$0x3FB3] =	sst s6  }
0xf: {  	[smem:$0x3FB4] =	sst s7  }
0x10: {  	[smem:$0x3FB5] =	sst s8  }
0x11: {  	[smem:$0x3FB6] =	sst s9;
	s0 =	simm.s32 @!p0 $0x0  }
0x12: {  	s1 =	sld [smem:$0x3F9C];
	s0 =	simm.s32 @p0 $0x1  }
0x13: {  	[smem:$0x3FB7] =	sst s0;
	s0 =	simm.s32 @!p1 $0x0  }
0x14: {  	s2 =	sld [smem:$0x3F9B];
	s0 =	simm.s32 @p1 $0x1  }
0x15: {  	[smem:$0x3FB8] =	sst s0;
	s0 =	simm.s32 @!p2 $0x0  }
0x16: {  	s3 =	sld [smem:$0x3FDB];
	s0 =	simm.s32 @p2 $0x1  }
0x17: {  	s4 =	simm.s32 $0x1BF5;
	[smem:$0x3FBA] =	sst s0  }
0x18: {  	s0 =	sld [smem:$0x3F9D];
	_ =	swait.ge [sflag:s4], $0x0  }
0x19: {  	s7 =	sld [smem:$0x3F9E]  }
0x1a: {  	s8 =	sadd.s32 $0xFFFFE003, lr  }
0x1b: {  	s9 =	sadd.s32 $0xFFFFFEF7, lr;
	s5 =	simm.s32 $0xFFFFFFFF;
	p2 =	slt.u32 s8, $0xFFFFF086  }
0x1c: {  	p1 =	slt.u32 s9, $0xF7A;
	s5 =	simm.s32 @!p2 $0x0  }
0x1d: {  	s5 =	simm.s32 @p1 $0x1;
	p0 =	seq.s32 s7, s2  }
0x1e: {  	s7 =	smul.u32 @!p0 $0xF7A, s2;
	p2 =	seq.s32 @!p0 s5, $0x0  }
0x1f: {  	s9 =	smul.u32 $0xF7A, s1;
	s8 =	simm.s32 @!p0 $0x1BF5;
	p2 =	por !p2, p0  }
0x20: {  	[sflag:s8] =	ssyncset.s32 @!p0 $0xFFFFF086;
	s6 =	sadd.s32 @!p0 s3, s7;
	s7 =	simm.s32 @!p0 $0x108  }
0x21: {  	s3 =	sadd.s32 s3, s9;
	s6 =	sadd.s32 @!p0 $0x88, s6;
	s7 =	simm.s32 @p2 $0x1082  }
0x22: {  	[simem:s7], [sflag:s8] =	dma.local @!p0 [hbm:s6], $0xF7A  }
0x23: {  	s9 =	sor.u32 $0xD0000000, s2;
	s6 =	simm.s32 $0x108;
	_ =	swait.ge @!p0 [sflag:s8], $0x0  }
0x24: {  	s3 =	sadd.s32 $0x88, s3;
	s6 =	simm.s32 @!p1 $0x1082;
	[sflag:s4] =	ssyncset.s32 $0xFFFFF086  }
0x25: {  	[simem:s6], [sflag:s4] =	dma.local [hbm:s3], $0xF7A  }
0x26: {  	[smem:$0x3F9E] =	sst s1;
	(tag) =	ssettag s2;
	_ =	strace s9  }
0x27: {  	s1 =	sld [smem:$0x3FAE]  }
0x28: {  	s2 =	sld [smem:$0x3FAF]  }
0x29: {  	s4 =	sld [smem:$0x3FB1]  }
0x2a: {  	p0 =	seq.s32 s5, $0x0;
	s5 =	sld [smem:$0x3FB2]  }
0x2b: {  	s6 =	sld [smem:$0x3FB3]  }
0x2c: {  	s7 =	sld [smem:$0x3FB4]  }
0x2d: {  	s3 =	simm.s32 $0x108;
	s8 =	sld [smem:$0x3FB5]  }
0x2e: {  	s3 =	simm.s32 @!p0 $0x1082;
	s9 =	sld [smem:$0x3FB6]  }
0x2f: {  	lr =	sadd.s32 s0, s3;
	s0 =	sld [smem:$0x3FAD]  }
0x30: {  	s3 =	sld [smem:$0x3FB0]  }
0x31: {  	[smem:$0x3FB9] =	sst s10  }
0x32: {  	s10 =	sld [smem:$0x3FB7];
	_ =	sdelay $0x3  }
0x33: {  	p0 =	seq.s32 s10, $0x1;
	s10 =	sld [smem:$0x3FB9];
	_ =	sdelay $0x3  }
0x34: {  	[smem:$0x3FB9] =	sst s10  }
0x35: {  	s10 =	sld [smem:$0x3FB8];
	_ =	sdelay $0x3  }
0x36: {  	p1 =	seq.s32 s10, $0x1;
	s10 =	sld [smem:$0x3FB9];
	_ =	sdelay $0x3  }
0x37: {  	[smem:$0x3FB9] =	sst s10  }
0x38: {  	s10 =	sld [smem:$0x3FBA]  }
0x39: {  	_ = 	snop;
	(pc) =	sbr.ind lr, $3  }
0x3a: {  	_ = 	snop  }
0x3b: {  	_ = 	snop  }
0x3c: {  	p2 =	seq.s32 s10, $0x1;
	s10 =	sld [smem:$0x3FB9]  }
0x3d: {  	_ =	shalt  }
0x3e: {  	_ =	shalt  }
0x3f: {  	_ =	shalt  }
0x40: {  	_ =	shalt  }
0x41: {  	_ =	shalt  }
0x42: {  	_ =	shalt  }
0x43: {  	_ =	shalt  }
0x44: {  	_ =	shalt  }
0x45: {  	_ =	shalt  }
0x46: {  	_ =	shalt  }
0x47: {  	_ =	shalt  }
0x48: {  	_ =	shalt  }
0x49: {  	_ =	shalt  }
0x4a: {  	_ =	shalt  }
0x4b: {  	_ =	shalt  }
0x4c: {  	_ =	shalt  }
0x4d: {  	_ =	shalt  }
0x4e: {  	_ =	shalt  }
0x4f: {  	_ =	shalt  }
0x50: {  	_ =	shalt  }
0x51: {  	_ =	shalt  }
0x52: {  	_ =	shalt  }
0x53: {  	_ =	shalt  }
0x54: {  	_ =	shalt  }
0x55: {  	_ =	shalt  }
0x56: {  	_ =	shalt  }
0x57: {  	_ =	shalt  }
0x58: {  	_ =	shalt  }
0x59: {  	_ =	shalt  }
0x5a: {  	_ =	shalt  }
0x5b: {  	_ =	shalt  }
0x5c: {  	_ =	shalt  }
0x5d: {  	_ =	shalt  }
0x5e: {  	_ =	shalt  }
0x5f: {  	_ =	shalt  }
0x60: {  	_ =	shalt  }
0x61: {  	_ =	shalt  }
0x62: {  	_ =	shalt  }
0x63: {  	_ =	shalt  }
0x64: {  	_ =	shalt  }
0x65: {  	_ =	shalt  }
0x66: {  	_ =	shalt  }
0x67: {  	_ =	shalt  }
0x68: {  	_ =	shalt  }
0x69: {  	_ =	shalt  }
0x6a: {  	_ =	shalt  }
0x6b: {  	_ =	shalt  }
0x6c: {  	_ =	shalt  }
0x6d: {  	_ =	shalt  }
0x6e: {  	_ =	shalt  }
0x6f: {  	_ =	shalt  }
0x70: {  	_ =	shalt  }
0x71: {  	_ =	shalt  }
0x72: {  	_ =	shalt  }
0x73: {  	_ =	shalt  }
0x74: {  	_ =	shalt  }
0x75: {  	_ =	shalt  }
0x76: {  	_ =	shalt  }
0x77: {  	_ =	shalt  }
0x78: {  	_ =	shalt  }
0x79: {  	_ =	shalt  }
0x7a: {  	_ =	shalt  }
0x7b: {  	_ =	shalt  }
0x7c: {  	_ =	shalt  }
0x7d: {  	_ =	shalt  }
0x7e: {  	_ =	shalt  }
0x7f: {  	_ =	shalt  }
0x80: {  	_ =	shalt  }
0x81: {  	_ =	shalt  }
0x82: {  	_ =	shalt  }
0x83: {  	_ =	shalt  }
0x84: {  	_ =	shalt  }
0x85: {  	_ =	shalt  }
0x86: {  	_ =	shalt  }
0x87: {  	_ =	shalt  }
.Lfunc_end0:
.L_simem_size_0:
called_computation_lowered:
.L_overlay_start_0:
0x88: {  	s2 =	sld [smem:$0x3FD9]  }
0x89: {  	s3 =	sld [smem:$0x3FFE];
	_ =	sdelay $0x1  }
0x8a: {  	s1 =	srdreg.scid  }
0x8b: {  	s0 =	sand.u32 $0x1, s1  }
0x8c: {  	s14 =	sshll.u32 s0, $0xA;
	s2 =	sadd.s32 s3, s2  }
0x8d: {  	s2 =	sadd.s32 s2, s14  }
0x8e: {  	[smem:$0x3FC5] =	sst s2  }
0x8f: {  	_ = 	snop  }
0x90: {  	s2 =	sld [smem:$0x3FD0]  }
0x91: {  	s15 =	sld [smem:$0x3FC9]  }
0x92: {  	s4 =	sld [smem:$0x3FC8]  }
0x93: {  	s6 =	simm.s32 $0xA;
	s7 =	simm.s32 $0x10;
	s5 =	sld [smem:$0x3FC7]  }
0x94: {  	[smem:s7], [sflag:s6] =	dma.local [hbm:s2], $0x1  }
0x95: {  	_ =	swait.eq [sflag:s6], $0x1  }
0x96: {  	[sflag:s6] =	ssyncset.done $0x0  }
0x97: {  	[sflag:s6] =	ssyncadd.s32 $0xFFFFFFFF  }
0x98: {  	s16 =	sld [smem:$0x10];
	(tm) =	ssettm $0x1  }
0x99: {  	s17 =	sld [smem:$0x3FFB];
	_ =	sdelay $0x3  }
0x9a: {  	_ =	strace s17  }
0x9b: {  	s6 =	sld [smem:$0x3FFC];
	_ =	sdelay $0x3  }
0x9c: {  	_ =	strace s6  }
0x9d: {  	s6 =	sld [smem:$0x3FFD];
	_ =	sdelay $0x3  }
0x9e: {  	_ =	strace s6  }
0x9f: {  	_ =	strace $0x8FFFFFFF  }
0xa0: {  	s18 =	sld [smem:$0x3FDB];
	_ =	sdelay $0x1  }
0xa1: {  	s19 =	simm.s32 $_scs_section_size  }
0xa2: {  	s8 =	simm.s32 $_size__tile_overlayer_lowered;
	s9 =	simm.s32 $_tile_overlayer_lowered  }
0xa3: {  	s22 =	simm.s32 $0x1BFF;
	s21 =	sshll.u32 s9, $0x1;
	s6 =	sadd.s32 s19, s18  }
0xa4: {  	s10 =	simm.s32 $0x0;
	s20 =	sshll.u32 s8, $0x1;
	s8 =	sadd.s32 s21, s6  }
0xa5: {  	[timem:s10], [sflag:s22] =	dma.local [hbm:s8], s20  }
0xa6: {  	_ =	swait.ge [sflag:s22], s20  }
0xa7: {  	s7 =	ssub.s32 $0x0, s20;
	[sflag:s22] =	ssyncset.done $0x0  }
0xa8: {  	[sflag:s22] =	ssyncadd.s32 s7;
	_ =	sdelay $0x1  }
0xa9: {  	s23 =	simm.s32 $0x1B8B  }
0xaa: {  	_ =	swait.ge [sflag:s23], $0x1  }
0xab: {  	[sflag:s23] =	ssyncset.done $0x0  }
0xac: {  	s25 =	simm.s32 $0x1B8E;
	s24 =	sld [smem:$0x3FFE];
	[sflag:s23] =	ssyncadd.s32 $0xFFFFFFFF  }
0xad: {  	s26 =	simm.s32 $execute0_lowered;
	[smem:$0x3FD2] =	sst s25  }
0xae: {  	s8 =	sshll.u32 s26, $0x1;
	_ =	strace $0x80000046;
	[dreg:$0x1] =	wrdreg $0xFFFFFFFF  }
0xaf: {  	s28 =	simm.s32 $_size_execute0_lowered;
	s6 =	sadd.s32 s6, s8;
	[dreg:$0x0] =	wrdreg $0x0  }
0xb0: {  	s8 =	sshll.u32 s28, $0x1;
	[dreg:$0x2] =	wrdreg s6  }
0xb1: {  	[dreg:$0x3] =	wrdreg s8  }
0xb2: {  	[dreg:$0x4] =	wrdreg $0xC0  }
0xb3: {  	_ =	task [dreg:s10], $0x5FFFF  }
0xb4: {  	[dreg:$0x1] =	wrdreg $0xFFFFFFFF  }
0xb5: {  	[dreg:$0x0] =	wrdreg $0x60  }
0xb6: {  	[dreg:$0x2] =	wrdreg s5  }
0xb7: {  	[dreg:$0x3] =	wrdreg s15  }
0xb8: {  	[dreg:$0x4] =	wrdreg s4  }
0xb9: {  	[dreg:$0x5] =	wrdreg s16  }
0xba: {  	[dreg:$0x6] =	wrdreg s24  }
0xbb: {  	[dreg:$0x7] =	wrdreg $0x9  }
0xbc: {  	_ =	task.clear_ibuf [dreg:s10], $0x8FFFF;
	_ =	strace $0x90000046  }
0xbd: {  	s29 =	simm.s32 $0x9;
	_ =	strace $0x80000048  }
0xbe: {  	_ =	swait.ge [sflag:s29], $0x1  }
0xbf: {  	[sflag:s29] =	ssyncadd.s32 $0xFFFFFFFF  }
0xc0: {  	_ =	strace $0x90000048  }
0xc1: {  	_ =	sfence  }
0xc2: {  	s30 =	sld [smem:$0x0];
	_ =	sdelay $0x2  }
0xc3: {  	s31 =	sshll.u32 s1, $0xD;
	s1 =	sshrl.u32 s1, $0x2  }
0xc4: {  	s3 =	sand.u32 $0x4000, s31;
	s1 =	sadd.s32 s1, s30  }
0xc5: {  	s0 =	sor.u32 s3, s0;
	s1 =	sshll.u32 s1, $0x11  }
0xc6: {  	s0 =	sor.u32 s1, s0  }
0xc7: {  	s0 =	sadd.s32 $0x8F2B, s0  }
0xc8: {  	[sflag:s0] =	ssyncadd.remote.s32 $0x1  }
0xc9: {  	_ =	sfence.sel $0xFFFF  }
0xca: {  	[dreg:$0x0] =	wrdreg $0xFFFFFFFF;
	(pc) =	sbr.abs _section_cstart, $3  }
0xcb: {  	[dreg:$0x1] =	wrdreg $0xFFFFFFFF  }
0xcc: {  	_ =	task.clear_ibuf [dreg:s10], $0x2FFFF;
	_ =	strace $0x9FFFFFFF  }
0xcd: {  	(tm) =	ssettm $0x7FFFFFFF  }
tec
execute0_lowered:
.L_overlay_start_1:
0x0: {  	(tag) =	ssettag $0x1  }
0x1: {  	s1 =	rddreg [dreg:$0x0]  }
0x2: {  	s2 =	rddreg [dreg:$0x1]  }
0x3: {  	s0 =	srdreg.scid;
	s10 =	stileid.u32  }
0x4: {  	s4 =	rddreg [dreg:$0x2];
	s5 =	sand.u32 $0x1, s0;
	s12 =	sshll.u32 s10, $0x1  }
0x5: {  	s6 =	rddreg [dreg:$0x3];
	s0 =	sor.u32 s5, s12  }
0x6: {  	s7 =	rddreg [dreg:$0x4];
	s3 =	simm.s32 $0x0;
	s13 =	sshll.u32 s0, $0x11  }
0x7: {  	[smem:$0x7FF] =	sst s3;
	s21 =	sadd.s32 s6, s13  }
0x8: {  	_ =	strace $0x80000047;
	s15 =	sadd.s32 $0x1000, s21;
	[smem:$0x7F7] =	sst s21  }
0x9: {  	s16 =	sadd.s32 $0x2000, s21;
	[dreg:$0x8] =	wrdreg s15  }
0xa: {  	s17 =	sadd.s32 $0x3000, s21;
	[dreg:$0x9] =	wrdreg s16  }
0xb: {  	s18 =	sadd.s32 $0x4000, s21;
	[dreg:$0xa] =	wrdreg s17  }
0xc: {  	s30 =	simm.s32 $0x1300;
	s19 =	sadd.s32 $0x5000, s21;
	[dreg:$0xb] =	wrdreg s18  }
0xd: {  	s31 =	simm.s32 $0x11300;
	s20 =	sadd.s32 $0x6000, s21;
	[dreg:$0xc] =	wrdreg s19  }
0xe: {  	s28 =	simm.s32 $0x4;
	s22 =	sadd.s32 $0x7000, s21;
	[dreg:$0xd] =	wrdreg s20  }
0xf: {  	s9 =	sshll.u32 s10, $0x2;
	s6 =	sadd.s32 $0x8000, s21;
	[dreg:$0xe] =	wrdreg s22  }
0x10: {  	s25 =	sshll.u32 s10, $0xA;
	s24 =	sadd.s32 $0x9000, s21;
	[dreg:$0xf] =	wrdreg s6  }
0x11: {  	s5 =	ssub.s32 $0x2, s5;
	s26 =	sadd.s32 $0xA000, s21;
	[dreg:$0x10] =	wrdreg s24  }
0x12: {  	s8 =	sshll.u32 s0, $0x7;
	s29 =	sadd.s32 $0xB000, s21;
	[dreg:$0x11] =	wrdreg s26  }
0x13: {  	s23 =	sshll.u32 s0, $0x1;
	s10 =	sadd.s32 $0xE000, s21;
	[dreg:$0x12] =	wrdreg s29  }
0x14: {  	s0 =	sshll.u32 s0, $0x4;
	s11 =	sadd.s32 $0xF000, s21;
	[dreg:$0x15] =	wrdreg s10  }
0x15: {  	s8 =	sor.u32 s9, s8;
	s12 =	sadd.s32 $0x10000, s21;
	[dreg:$0x16] =	wrdreg s11  }
0x16: {  	s8 =	sand.u32 $0x3B0, s8;
	s13 =	sadd.s32 $0x11000, s21;
	[dreg:$0x17] =	wrdreg s12  }
0x17: {  	s9 =	sshrl.u32 s5, $0x1;
	s2 =	sadd.s32 s2, s8;
	[dreg:$0x18] =	wrdreg s13  }
0x18: {  	s0 =	sand.u32 $0x70, s0;
	s14 =	sadd.s32 s4, s8;
	[dreg:$0x6] =	wrdreg s2  }
0x19: {  	s6 =	sand.u32 $0x3000, s25;
	s8 =	sadd.s32 $0xD000, s21;
	[dreg:$0x7] =	wrdreg s14  }
0x1a: {  	s20 =	ssub.s32 s5, s9;
	s15 =	sadd.s32 $0x13000, s21;
	[dreg:$0x14] =	wrdreg s8  }
0x1b: {  	s5 =	sadd.s32 $0x100, s1;
	s16 =	sadd.s32 $0x14000, s21;
	[dreg:$0x1a] =	wrdreg s15  }
0x1c: {  	s9 =	sadd.s32 $0x500, s1;
	s17 =	sadd.s32 $0x15000, s21;
	[dreg:$0x1b] =	wrdreg s16  }
0x1d: {  	s10 =	sadd.s32 $0x600, s1;
	s18 =	sadd.s32 $0x16000, s21;
	[dreg:$0x1c] =	wrdreg s17  }
0x1e: {  	s11 =	sadd.s32 $0x700, s1;
	s22 =	sadd.s32 $0x17000, s21;
	[dreg:$0x1d] =	wrdreg s18  }
0x1f: {  	s12 =	sadd.s32 $0x800, s1;
	s24 =	sadd.s32 $0x19000, s21;
	[dreg:$0x1e] =	wrdreg s22  }
0x20: {  	s13 =	sadd.s32 $0x900, s1;
	s25 =	sadd.s32 $0x1A000, s21;
	[smem:$0x7F1] =	sst s24  }
0x21: {  	s26 =	sadd.s32 $0x1B000, s21;
	s29 =	sadd.s32 $0x1C000, s21;
	[smem:$0x7F2] =	sst s25  }
0x22: {  	s2 =	sadd.s32 s23, s7;
	s19 =	sadd.s32 s6, s7;
	[smem:$0x7F3] =	sst s26  }
0x23: {  	s7 =	sadd.s32 $0xC000, s21;
	s6 =	sadd.s32 $0x200, s1;
	[smem:$0x7F4] =	sst s29  }
0x24: {  	s14 =	sadd.s32 $0x12000, s21;
	s8 =	sadd.s32 $0x400, s1;
	[dreg:$0x13] =	wrdreg s7  }
0x25: {  	s23 =	sadd.s32 $0x18000, s21;
	s15 =	sadd.s32 $0xB00, s1;
	[dreg:$0x19] =	wrdreg s14  }
0x26: {  	s16 =	sadd.s32 $0xC00, s1;
	s22 =	sadd.s32 $0x1D000, s21;
	[dreg:$0x1f] =	wrdreg s23  }
0x27: {  	s17 =	sadd.s32 $0xD00, s1;
	s24 =	sadd.s32 $0x1F000, s21;
	[smem:$0x7F5] =	sst s22  }
0x28: {  	s18 =	sadd.s32 $0xE00, s1;
	s25 =	simm.s32 $0x100;
	[smem:$0x7F8] =	sst s24  }
0x29: {  	s20 =	smax.u32 s20, $0x1;
	s26 =	simm.s32 $0x280;
	[smem:$0x7FB] =	sst s25  }
0x2a: {  	s29 =	simm.s32 $0x400;
	s7 =	sadd.s32 $0x300, s1;
	[smem:$0x7FC] =	sst s26  }
0x2b: {  	s14 =	sadd.s32 $0xA00, s1;
	s23 =	sadd.s32 $0x1E000, s21;
	[smem:$0x7FD] =	sst s29  }
0x2c: {  	v0 =	vlaneseq.u32;
	vm0 =	vmmov $0xff;
	vm1 =	vmmov $0xffff;
	s2 =	sadd.s32 $0x4C00, s2;
	s0 =	sadd.s32 s0, s19;
	[smem:$0x7F6] =	sst s23  }
0x2d: {  	v3 =	vimm.f32 $0.0e+00;
	v1 =	vshrl.u32 v0, $0x3;
	v0 =	vand.u32 $0x7, v0;
	s19 =	sadd.s32 $0xF00, s1;
	[smem:$0x7F9] =	sst s2;
	s0 =	sadd.s32 $0xC00, s0  }
0x2e: {  	v4 =	vimm.f32 $1.000000000e+00;
	v1 =	vmul.u32 $0x8, v1;
	v2 =	vmul.u32 $0x80, v0;
	s25 =	simm.s32 $0x9300;
	s26 =	simm.s32 $0x1;
	[smem:$0x7FA] =	sst s0  }
.LBB2_1:
0x2f: {  	[smem:$0x7F0] =	sst s20  }
0x30: {  	s22 =	rddreg [dreg:$0x6]  }
0x31: {  	s4 =	simm.s32 $0x80;
	s23 =	simm.s32 $0x200;
	s0 =	simm.s32 $0x7  }
0x32: {  	[tilespmem:s3], [sflag:$0x7] =	stream.strided.gather [hbm4b:s22+s4], $0x100, s23, s4, $0x38;
	[tilespmem:$0x19300] =	vst v63  }
0x33: {  	_ =	swait.ge [sflag:s0], $0x100  }
0x34: {  	s21 =	sld [smem:$0x7FB]  }
0x35: {  	[sflag:s0] =	ssyncset.done $0x0  }
0x36: {  	s24 =	rddreg [dreg:$0x7];
	[sflag:s0] =	ssyncadd.s32 $0xFFFFFF00  }
0x37: {  	[tilespmem:s21], [sflag:$0x7] =	stream.strided.gather [hbm4b:s24+s4], $0x100, s23, s4, $0x38;
	[tilespmem:$0x19300] =	vst v63  }
0x38: {  	_ =	swait.ge [sflag:s0], $0x100  }
0x39: {  	[sflag:s0] =	ssyncset.done $0x0  }
0x3a: {  	[sflag:s0] =	ssyncadd.s32 $0xFFFFFF00  }
0x3b: {  	v5 =	vld.msk [tilespmem:$0x0], $0xff;
	_ =	sdelay $0x4  }
0x3c: {  	v6 =	vshll.u32 v5, $0x5  }
0x3d: {  	v5 =	vand.u32 $0x7, v5;
	v6 =	vand.u32 $0xFFFFFF00, v6  }
0x3e: {  	v5 =	vor.u32 v5, v6  }
0x3f: {  	v5 =	vperm.xlane v5, v0;
	_ =	sdelay $0x1  }
0x40: {  	v5 =	vadd.s32 v1, v5;
	_ =	sdelay $0x3  }
0x41: {  	s4 =	rddreg [dreg:$0x0]  }
0x42: {  	[tilespmem:s30], [sflag:$0x1] =	stream.indirect_vreg.gather [hbm4b:s4+s3], $0x80, v5, vm1, $0xb8;
	[tilespmem:$0x19300] =	vst v63  }
0x43: {  	s29 =	simm.s32 $0x1B00  }
0x44: {  	[tilespmem:s29], [sflag:$0x1] =	stream.indirect_vreg.gather [hbm4b:s5+s3], $0x80, v5, vm1, $0xb8;
	[tilespmem:$0x19300] =	vst v63  }
0x45: {  	s1 =	simm.s32 $0x2300  }
0x46: {  	[tilespmem:s1], [sflag:$0x1] =	stream.indirect_vreg.gather [hbm4b:s6+s3], $0x80, v5, vm1, $0xb8;
	[tilespmem:$0x19300] =	vst v63  }
0x47: {  	s2 =	simm.s32 $0x2B00  }
0x48: {  	[tilespmem:s2], [sflag:$0x1] =	stream.indirect_vreg.gather [hbm4b:s7+s3], $0x80, v5, vm1, $0xb8;
	[tilespmem:$0x19300] =	vst v63  }
0x49: {  	s20 =	simm.s32 $0x3300  }
0x4a: {  	[tilespmem:s20], [sflag:$0x1] =	stream.indirect_vreg.gather [hbm4b:s8+s3], $0x80, v5, vm1, $0xb8;
	[tilespmem:$0x19300] =	vst v63  }
0x4b: {  	s21 =	simm.s32 $0x3B00  }
0x4c: {  	[tilespmem:s21], [sflag:$0x1] =	stream.indirect_vreg.gather [hbm4b:s9+s3], $0x80, v5, vm1, $0xb8;
	[tilespmem:$0x19300] =	vst v63  }
0x4d: {  	s22 =	simm.s32 $0x4300  }
0x4e: {  	[tilespmem:s22], [sflag:$0x1] =	stream.indirect_vreg.gather [hbm4b:s10+s3], $0x80, v5, vm1, $0xb8;
	[tilespmem:$0x19300] =	vst v63  }
0x4f: {  	s23 =	simm.s32 $0x4B00  }
0x50: {  	[tilespmem:s23], [sflag:$0x1] =	stream.indirect_vreg.gather [hbm4b:s11+s3], $0x80, v5, vm1, $0xb8;
	[tilespmem:$0x19300] =	vst v63  }
0x51: {  	s24 =	simm.s32 $0x5300  }
0x52: {  	[tilespmem:s24], [sflag:$0x1] =	stream.indirect_vreg.gather [hbm4b:s12+s3], $0x80, v5, vm1, $0xb8;
	[tilespmem:$0x19300] =	vst v63  }
0x53: {  	s21 =	simm.s32 $0x5B00  }
0x54: {  	[tilespmem:s21], [sflag:$0x1] =	stream.indirect_vreg.gather [hbm4b:s13+s3], $0x80, v5, vm1, $0xb8;
	[tilespmem:$0x19300] =	vst v63  }
0x55: {  	s24 =	simm.s32 $0x6300  }
0x56: {  	[tilespmem:s24], [sflag:$0x1] =	stream.indirect_vreg.gather [hbm4b:s14+s3], $0x80, v5, vm1, $0xb8;
	[tilespmem:$0x19300] =	vst v63  }
0x57: {  	s21 =	simm.s32 $0x6B00  }
0x58: {  	[tilespmem:s21], [sflag:$0x1] =	stream.indirect_vreg.gather [hbm4b:s15+s3], $0x80, v5, vm1, $0xb8;
	[tilespmem:$0x19300] =	vst v63  }
0x59: {  	s24 =	simm.s32 $0x7300  }
0x5a: {  	[tilespmem:s24], [sflag:$0x1] =	stream.indirect_vreg.gather [hbm4b:s16+s3], $0x80, v5, vm1, $0xb8;
	[tilespmem:$0x19300] =	vst v63  }
0x5b: {  	s21 =	simm.s32 $0x7B00  }
0x5c: {  	[tilespmem:s21], [sflag:$0x1] =	stream.indirect_vreg.gather [hbm4b:s17+s3], $0x80, v5, vm1, $0xb8;
	[tilespmem:$0x19300] =	vst v63  }
0x5d: {  	s24 =	simm.s32 $0x8300  }
0x5e: {  	[tilespmem:s24], [sflag:$0x1] =	stream.indirect_vreg.gather [hbm4b:s18+s3], $0x80, v5, vm1, $0xb8;
	[tilespmem:$0x19300] =	vst v63  }
0x5f: {  	s21 =	simm.s32 $0x8B00  }
0x60: {  	[tilespmem:s21], [sflag:$0x1] =	stream.indirect_vreg.gather [hbm4b:s19+s3], $0x80, v5, vm1, $0xb8;
	[tilespmem:$0x19300] =	vst v63  }
0x61: {  	v5 =	vld.msk [tilespmem:$0x8], $0xff;
	_ =	sdelay $0x4  }
0x62: {  	v6 =	vshll.u32 v5, $0x5  }
0x63: {  	v5 =	vand.u32 $0x7, v5;
	v6 =	vand.u32 $0xFFFFFF00, v6  }
0x64: {  	v5 =	vor.u32 v5, v6  }
0x65: {  	v5 =	vperm.xlane v5, v0;
	_ =	sdelay $0x1  }
0x66: {  	v5 =	vadd.s32 v1, v5;
	_ =	sdelay $0x4  }
0x67: {  	[tilespmem:s25], [sflag:$0x2] =	stream.indirect_vreg.gather [hbm4b:s4+s3], $0x80, v5, vm1, $0xb8;
	[tilespmem:$0x19300] =	vst v63  }
0x68: {  	s24 =	simm.s32 $0x9B00  }
0x69: {  	[tilespmem:s24], [sflag:$0x2] =	stream.indirect_vreg.gather [hbm4b:s5+s3], $0x80, v5, vm1, $0xb8;
	[tilespmem:$0x19300] =	vst v63  }
0x6a: {  	s0 =	simm.s32 $0xA300  }
0x6b: {  	[tilespmem:s0], [sflag:$0x2] =	stream.indirect_vreg.gather [hbm4b:s6+s3], $0x80, v5, vm1, $0xb8;
	[tilespmem:$0x19300] =	vst v63  }
0x6c: {  	s0 =	simm.s32 $0xAB00  }
0x6d: {  	[tilespmem:s0], [sflag:$0x2] =	stream.indirect_vreg.gather [hbm4b:s7+s3], $0x80, v5, vm1, $0xb8;
	[tilespmem:$0x19300] =	vst v63  }
0x6e: {  	s0 =	simm.s32 $0xB300  }
0x6f: {  	[tilespmem:s0], [sflag:$0x2] =	stream.indirect_vreg.gather [hbm4b:s8+s3], $0x80, v5, vm1, $0xb8;
	[tilespmem:$0x19300] =	vst v63  }
0x70: {  	s0 =	simm.s32 $0xBB00  }
0x71: {  	[tilespmem:s0], [sflag:$0x2] =	stream.indirect_vreg.gather [hbm4b:s9+s3], $0x80, v5, vm1, $0xb8;
	[tilespmem:$0x19300] =	vst v63  }
0x72: {  	s0 =	simm.s32 $0xC300  }
0x73: {  	[tilespmem:s0], [sflag:$0x2] =	stream.indirect_vreg.gather [hbm4b:s10+s3], $0x80, v5, vm1, $0xb8;
	[tilespmem:$0x19300] =	vst v63  }
0x74: {  	s0 =	simm.s32 $0xCB00  }
0x75: {  	[tilespmem:s0], [sflag:$0x2] =	stream.indirect_vreg.gather [hbm4b:s11+s3], $0x80, v5, vm1, $0xb8;
	[tilespmem:$0x19300] =	vst v63  }
0x76: {  	s0 =	simm.s32 $0xD300  }
0x77: {  	[tilespmem:s0], [sflag:$0x2] =	stream.indirect_vreg.gather [hbm4b:s12+s3], $0x80, v5, vm1, $0xb8;
	[tilespmem:$0x19300] =	vst v63  }
0x78: {  	s0 =	simm.s32 $0xDB00  }
0x79: {  	[tilespmem:s0], [sflag:$0x2] =	stream.indirect_vreg.gather [hbm4b:s13+s3], $0x80, v5, vm1, $0xb8;
	[tilespmem:$0x19300] =	vst v63  }
0x7a: {  	s0 =	simm.s32 $0xE300  }
0x7b: {  	[tilespmem:s0], [sflag:$0x2] =	stream.indirect_vreg.gather [hbm4b:s14+s3], $0x80, v5, vm1, $0xb8;
	[tilespmem:$0x19300] =	vst v63  }
0x7c: {  	s0 =	simm.s32 $0xEB00  }
0x7d: {  	[tilespmem:s0], [sflag:$0x2] =	stream.indirect_vreg.gather [hbm4b:s15+s3], $0x80, v5, vm1, $0xb8;
	[tilespmem:$0x19300] =	vst v63  }
0x7e: {  	s0 =	simm.s32 $0xF300  }
0x7f: {  	[tilespmem:s0], [sflag:$0x2] =	stream.indirect_vreg.gather [hbm4b:s16+s3], $0x80, v5, vm1, $0xb8;
	[tilespmem:$0x19300] =	vst v63  }
0x80: {  	s0 =	simm.s32 $0xFB00  }
0x81: {  	[tilespmem:s0], [sflag:$0x2] =	stream.indirect_vreg.gather [hbm4b:s17+s3], $0x80, v5, vm1, $0xb8;
	[tilespmem:$0x19300] =	vst v63  }
0x82: {  	s0 =	simm.s32 $0x10300  }
0x83: {  	[tilespmem:s0], [sflag:$0x2] =	stream.indirect_vreg.gather [hbm4b:s18+s3], $0x80, v5, vm1, $0xb8;
	[tilespmem:$0x19300] =	vst v63  }
0x84: {  	s0 =	simm.s32 $0x10B00  }
0x85: {  	[tilespmem:s0], [sflag:$0x2] =	stream.indirect_vreg.gather [hbm4b:s19+s3], $0x80, v5, vm1, $0xb8;
	[tilespmem:$0x19300] =	vst v63  }
0x86: {  	v5 =	vld.msk [tilespmem:$0x10], $0xff;
	_ =	sdelay $0x4  }
0x87: {  	v6 =	vshll.u32 v5, $0x5  }
0x88: {  	v5 =	vand.u32 $0x7, v5;
	v6 =	vand.u32 $0xFFFFFF00, v6  }
0x89: {  	v5 =	vor.u32 v5, v6  }
0x8a: {  	v5 =	vperm.xlane v5, v0;
	_ =	sdelay $0x1  }
0x8b: {  	v5 =	vadd.s32 v1, v5;
	_ =	sdelay $0x4  }
0x8c: {  	[tilespmem:s31], [sflag:$0x3] =	stream.indirect_vreg.gather [hbm4b:s4+s3], $0x80, v5, vm1, $0xb8;
	[tilespmem:$0x19300] =	vst v63  }
0x8d: {  	s21 =	simm.s32 $0x11B00  }
0x8e: {  	[tilespmem:s21], [sflag:$0x3] =	stream.indirect_vreg.gather [hbm4b:s5+s3], $0x80, v5, vm1, $0xb8;
	[tilespmem:$0x19300] =	vst v63  }
0x8f: {  	s21 =	simm.s32 $0x12300  }
0x90: {  	[tilespmem:s21], [sflag:$0x3] =	stream.indirect_vreg.gather [hbm4b:s6+s3], $0x80, v5, vm1, $0xb8;
	[tilespmem:$0x19300] =	vst v63  }
0x91: {  	s21 =	simm.s32 $0x12B00  }
0x92: {  	[tilespmem:s21], [sflag:$0x3] =	stream.indirect_vreg.gather [hbm4b:s7+s3], $0x80, v5, vm1, $0xb8;
	[tilespmem:$0x19300] =	vst v63  }
0x93: {  	s21 =	simm.s32 $0x13300  }
0x94: {  	[tilespmem:s21], [sflag:$0x3] =	stream.indirect_vreg.gather [hbm4b:s8+s3], $0x80, v5, vm1, $0xb8;
	[tilespmem:$0x19300] =	vst v63  }
0x95: {  	s21 =	simm.s32 $0x13B00  }
0x96: {  	[tilespmem:s21], [sflag:$0x3] =	stream.indirect_vreg.gather [hbm4b:s9+s3], $0x80, v5, vm1, $0xb8;
	[tilespmem:$0x19300] =	vst v63  }
0x97: {  	s21 =	simm.s32 $0x14300  }
0x98: {  	[tilespmem:s21], [sflag:$0x3] =	stream.indirect_vreg.gather [hbm4b:s10+s3], $0x80, v5, vm1, $0xb8;
	[tilespmem:$0x19300] =	vst v63  }
0x99: {  	s21 =	simm.s32 $0x14B00  }
0x9a: {  	[tilespmem:s21], [sflag:$0x3] =	stream.indirect_vreg.gather [hbm4b:s11+s3], $0x80, v5, vm1, $0xb8;
	[tilespmem:$0x19300] =	vst v63  }
0x9b: {  	s21 =	simm.s32 $0x15300  }
0x9c: {  	[tilespmem:s21], [sflag:$0x3] =	stream.indirect_vreg.gather [hbm4b:s12+s3], $0x80, v5, vm1, $0xb8;
	[tilespmem:$0x19300] =	vst v63  }
0x9d: {  	s21 =	simm.s32 $0x15B00  }
0x9e: {  	[tilespmem:s21], [sflag:$0x3] =	stream.indirect_vreg.gather [hbm4b:s13+s3], $0x80, v5, vm1, $0xb8;
	[tilespmem:$0x19300] =	vst v63  }
0x9f: {  	s21 =	simm.s32 $0x16300  }
0xa0: {  	[tilespmem:s21], [sflag:$0x3] =	stream.indirect_vreg.gather [hbm4b:s14+s3], $0x80, v5, vm1, $0xb8;
	[tilespmem:$0x19300] =	vst v63  }
0xa1: {  	s21 =	simm.s32 $0x16B00  }
0xa2: {  	[tilespmem:s21], [sflag:$0x3] =	stream.indirect_vreg.gather [hbm4b:s15+s3], $0x80, v5, vm1, $0xb8;
	[tilespmem:$0x19300] =	vst v63  }
0xa3: {  	s21 =	simm.s32 $0x17300  }
0xa4: {  	[tilespmem:s21], [sflag:$0x3] =	stream.indirect_vreg.gather [hbm4b:s16+s3], $0x80, v5, vm1, $0xb8;
	[tilespmem:$0x19300] =	vst v63  }
0xa5: {  	s21 =	simm.s32 $0x17B00  }
0xa6: {  	[tilespmem:s21], [sflag:$0x3] =	stream.indirect_vreg.gather [hbm4b:s17+s3], $0x80, v5, vm1, $0xb8;
	[tilespmem:$0x19300] =	vst v63  }
0xa7: {  	s21 =	simm.s32 $0x18300  }
0xa8: {  	[tilespmem:s21], [sflag:$0x3] =	stream.indirect_vreg.gather [hbm4b:s18+s3], $0x80, v5, vm1, $0xb8;
	[tilespmem:$0x19300] =	vst v63  }
0xa9: {  	s21 =	simm.s32 $0x18B00  }
0xaa: {  	[tilespmem:s21], [sflag:$0x3] =	stream.indirect_vreg.gather [hbm4b:s19+s3], $0x80, v5, vm1, $0xb8;
	[tilespmem:$0x19300] =	vst v63  }
0xab: {  	_ =	swait.ge [sflag:s26], $0x8000  }
0xac: {  	s0 =	sld [smem:$0x7F7]  }
0xad: {  	[sflag:s26] =	ssyncset.done $0x0  }
0xae: {  	[sflag:s26] =	ssyncadd.s32 $0xFFFF8000  }
0xaf: {  	[hbm4b:s0+s3] =	stream.linear.scatter [tilespmem:s30], [sflag:$0x4], $0x8000, $0x38;
	[tilespmem:$0x19300] =	vst v63  }
0xb0: {  	v5 =	vld [tilespmem:$0x100];
	_ =	sdelay $0x4  }
0xb1: {  	v6 =	vshll.u32 v5, $0x3  }
0xb2: {  	v5 =	vand.u32 $0x7F, v5;
	v6 =	vand.u32 $0x7C00, v6  }
0xb3: {  	v5 =	vor.u32 v6, v5  }
0xb4: {  	v5 =	vor.u32 v2, v5;
	_ =	sdelay $0x4  }
0xb5: {  	v5 =	vld.idx.msk [tilespmem:v5+s30+$0x0], $0xff;
	_ =	swait.ge [sflag:s28], $0x8000  }
0xb6: {  	[sflag:s28] =	ssyncset.done $0x0  }
0xb7: {  	[sflag:s28] =	ssyncadd.s32 $0xFFFF8000  }
0xb8: {  	v6 =	vld.msk [tilespmem:$0x18], $0xff;
	_ =	sdelay $0x4  }
0xb9: {  	v7 =	vshll.u32 v6, $0x5  }
0xba: {  	v6 =	vand.u32 $0x7, v6;
	v7 =	vand.u32 $0xFFFFFF00, v7  }
0xbb: {  	v6 =	vor.u32 v6, v7  }
0xbc: {  	v6 =	vperm.xlane v6, v0;
	_ =	sdelay $0x1  }
0xbd: {  	v6 =	vadd.s32 v1, v6;
	_ =	sdelay $0x4  }
0xbe: {  	[tilespmem:s30], [sflag:$0x1] =	stream.indirect_vreg.gather [hbm4b:s4+s3], $0x80, v6, vm1, $0xb8;
	[tilespmem:$0x19300] =	vst v63  }
0xbf: {  	s21 =	simm.s32 $0x1B00  }
0xc0: {  	[tilespmem:s21], [sflag:$0x1] =	stream.indirect_vreg.gather [hbm4b:s5+s3], $0x80, v6, vm1, $0xb8;
	[tilespmem:$0x19300] =	vst v63  }
0xc1: {  	s29 =	simm.s32 $0x2300  }
0xc2: {  	[tilespmem:s29], [sflag:$0x1] =	stream.indirect_vreg.gather [hbm4b:s6+s3], $0x80, v6, vm1, $0xb8;
	[tilespmem:$0x19300] =	vst v63  }
0xc3: {  	s2 =	simm.s32 $0x2B00  }
0xc4: {  	[tilespmem:s2], [sflag:$0x1] =	stream.indirect_vreg.gather [hbm4b:s7+s3], $0x80, v6, vm1, $0xb8;
	[tilespmem:$0x19300] =	vst v63  }
0xc5: {  	s1 =	simm.s32 $0x3300  }
0xc6: {  	[tilespmem:s1], [sflag:$0x1] =	stream.indirect_vreg.gather [hbm4b:s8+s3], $0x80, v6, vm1, $0xb8;
	[tilespmem:$0x19300] =	vst v63  }
0xc7: {  	s20 =	simm.s32 $0x3B00  }
0xc8: {  	[tilespmem:s20], [sflag:$0x1] =	stream.indirect_vreg.gather [hbm4b:s9+s3], $0x80, v6, vm1, $0xb8;
	[tilespmem:$0x19300] =	vst v63  }
0xc9: {  	s22 =	simm.s32 $0x4300  }
0xca: {  	[tilespmem:s22], [sflag:$0x1] =	stream.indirect_vreg.gather [hbm4b:s10+s3], $0x80, v6, vm1, $0xb8;
	[tilespmem:$0x19300] =	vst v63  }
0xcb: {  	s23 =	simm.s32 $0x4B00  }
0xcc: {  	[tilespmem:s23], [sflag:$0x1] =	stream.indirect_vreg.gather [hbm4b:s11+s3], $0x80, v6, vm1, $0xb8;
	[tilespmem:$0x19300] =	vst v63  }
0xcd: {  	s22 =	simm.s32 $0x5300  }
0xce: {  	[tilespmem:s22], [sflag:$0x1] =	stream.indirect_vreg.gather [hbm4b:s12+s3], $0x80, v6, vm1, $0xb8;
	[tilespmem:$0x19300] =	vst v63  }
0xcf: {  	s23 =	simm.s32 $0x5B00  }
0xd0: {  	[tilespmem:s23], [sflag:$0x1] =	stream.indirect_vreg.gather [hbm4b:s13+s3], $0x80, v6, vm1, $0xb8;
	[tilespmem:$0x19300] =	vst v63  }
0xd1: {  	s29 =	simm.s32 $0x6300  }
0xd2: {  	[tilespmem:s29], [sflag:$0x1] =	stream.indirect_vreg.gather [hbm4b:s14+s3], $0x80, v6, vm1, $0xb8;
	[tilespmem:$0x19300] =	vst v63  }
0xd3: {  	s1 =	simm.s32 $0x6B00  }
0xd4: {  	[tilespmem:s1], [sflag:$0x1] =	stream.indirect_vreg.gather [hbm4b:s15+s3], $0x80, v6, vm1, $0xb8;
	[tilespmem:$0x19300] =	vst v63  }
0xd5: {  	s2 =	simm.s32 $0x7300  }
0xd6: {  	[tilespmem:s2], [sflag:$0x1] =	stream.indirect_vreg.gather [hbm4b:s16+s3], $0x80, v6, vm1, $0xb8;
	[tilespmem:$0x19300] =	vst v63  }
0xd7: {  	s20 =	simm.s32 $0x7B00  }
0xd8: {  	[tilespmem:s20], [sflag:$0x1] =	stream.indirect_vreg.gather [hbm4b:s17+s3], $0x80, v6, vm1, $0xb8;
	[tilespmem:$0x19300] =	vst v63  }
0xd9: {  	s21 =	simm.s32 $0x8300  }
0xda: {  	[tilespmem:s21], [sflag:$0x1] =	stream.indirect_vreg.gather [hbm4b:s18+s3], $0x80, v6, vm1, $0xb8;
	[tilespmem:$0x19300] =	vst v63  }
0xdb: {  	s22 =	simm.s32 $0x8B00;
	s29 =	simm.s32 $0x2  }
0xdc: {  	[tilespmem:s22], [sflag:$0x1] =	stream.indirect_vreg.gather [hbm4b:s19+s3], $0x80, v6, vm1, $0xb8;
	[tilespmem:$0x19300] =	vst v63  }
0xdd: {  	_ =	swait.ge [sflag:s29], $0x8000  }
0xde: {  	[sflag:s29] =	ssyncset.done $0x0  }
0xdf: {  	s23 =	rddreg [dreg:$0x8];
	[sflag:s29] =	ssyncadd.s32 $0xFFFF8000  }
0xe0: {  	[hbm4b:s23+s3] =	stream.linear.scatter [tilespmem:s25], [sflag:$0x5], $0x8000, $0x38;
	[tilespmem:$0x19300] =	vst v63  }
0xe1: {  	v6 =	vld [tilespmem:$0x108];
	_ =	sdelay $0x4  }
0xe2: {  	v7 =	vshll.u32 v6, $0x3  }
0xe3: {  	v6 =	vand.u32 $0x7F, v6;
	v7 =	vand.u32 $0x7C00, v7  }
0xe4: {  	v6 =	vor.u32 v7, v6  }
0xe5: {  	v6 =	vor.u32 v2, v6;
	_ =	sdelay $0x3  }
0xe6: {  	s0 =	simm.s32 $0x5  }
0xe7: {  	v6 =	vld.idx.msk [tilespmem:v6+s25+$0x0], $0xff;
	_ =	swait.ge [sflag:s0], $0x8000  }
0xe8: {  	[sflag:s0] =	ssyncset.done $0x0  }
0xe9: {  	[sflag:s0] =	ssyncadd.s32 $0xFFFF8000  }
0xea: {  	v7 =	vld.msk [tilespmem:$0x20], $0xff;
	_ =	sdelay $0x4  }
0xeb: {  	v8 =	vshll.u32 v7, $0x5  }
0xec: {  	v7 =	vand.u32 $0x7, v7;
	v8 =	vand.u32 $0xFFFFFF00, v8  }
0xed: {  	v7 =	vor.u32 v7, v8  }
0xee: {  	v7 =	vperm.xlane v7, v0;
	_ =	sdelay $0x1  }
0xef: {  	v7 =	vadd.s32 v1, v7;
	_ =	sdelay $0x4  }
0xf0: {  	[tilespmem:s25], [sflag:$0x2] =	stream.indirect_vreg.gather [hbm4b:s4+s3], $0x80, v7, vm1, $0xb8;
	[tilespmem:$0x19300] =	vst v63  }
0xf1: {  	s24 =	simm.s32 $0x9B00  }
0xf2: {  	[tilespmem:s24], [sflag:$0x2] =	stream.indirect_vreg.gather [hbm4b:s5+s3], $0x80, v7, vm1, $0xb8;
	[tilespmem:$0x19300] =	vst v63  }
0xf3: {  	s24 =	simm.s32 $0xA300  }
0xf4: {  	[tilespmem:s24], [sflag:$0x2] =	stream.indirect_vreg.gather [hbm4b:s6+s3], $0x80, v7, vm1, $0xb8;
	[tilespmem:$0x19300] =	vst v63  }
0xf5: {  	s2 =	simm.s32 $0xAB00  }
0xf6: {  	[tilespmem:s2], [sflag:$0x2] =	stream.indirect_vreg.gather [hbm4b:s7+s3], $0x80, v7, vm1, $0xb8;
	[tilespmem:$0x19300] =	vst v63  }
0xf7: {  	s20 =	simm.s32 $0xB300  }
0xf8: {  	[tilespmem:s20], [sflag:$0x2] =	stream.indirect_vreg.gather [hbm4b:s8+s3], $0x80, v7, vm1, $0xb8;
	[tilespmem:$0x19300] =	vst v63  }
0xf9: {  	s21 =	simm.s32 $0xBB00  }
0xfa: {  	[tilespmem:s21], [sflag:$0x2] =	stream.indirect_vreg.gather [hbm4b:s9+s3], $0x80, v7, vm1, $0xb8;
	[tilespmem:$0x19300] =	vst v63  }
0xfb: {  	s22 =	simm.s32 $0xC300  }
0xfc: {  	[tilespmem:s22], [sflag:$0x2] =	stream.indirect_vreg.gather [hbm4b:s10+s3], $0x80, v7, vm1, $0xb8;
	[tilespmem:$0x19300] =	vst v63  }
0xfd: {  	s23 =	simm.s32 $0xCB00  }
0xfe: {  	[tilespmem:s23], [sflag:$0x2] =	stream.indirect_vreg.gather [hbm4b:s11+s3], $0x80, v7, vm1, $0xb8;
	[tilespmem:$0x19300] =	vst v63  }
0xff: {  	s24 =	simm.s32 $0xD300  }
0x100: {  	[tilespmem:s24], [sflag:$0x2] =	stream.indirect_vreg.gather [hbm4b:s12+s3], $0x80, v7, vm1, $0xb8;
	[tilespmem:$0x19300] =	vst v63  }
0x101: {  	s2 =	simm.s32 $0xDB00  }
0x102: {  	[tilespmem:s2], [sflag:$0x2] =	stream.indirect_vreg.gather [hbm4b:s13+s3], $0x80, v7, vm1, $0xb8;
	[tilespmem:$0x19300] =	vst v63  }
0x103: {  	s20 =	simm.s32 $0xE300  }
0x104: {  	[tilespmem:s20], [sflag:$0x2] =	stream.indirect_vreg.gather [hbm4b:s14+s3], $0x80, v7, vm1, $0xb8;
	[tilespmem:$0x19300] =	vst v63  }
0x105: {  	s21 =	simm.s32 $0xEB00  }
0x106: {  	[tilespmem:s21], [sflag:$0x2] =	stream.indirect_vreg.gather [hbm4b:s15+s3], $0x80, v7, vm1, $0xb8;
	[tilespmem:$0x19300] =	vst v63  }
0x107: {  	s22 =	simm.s32 $0xF300  }
0x108: {  	[tilespmem:s22], [sflag:$0x2] =	stream.indirect_vreg.gather [hbm4b:s16+s3], $0x80, v7, vm1, $0xb8;
	[tilespmem:$0x19300] =	vst v63  }
0x109: {  	s23 =	simm.s32 $0xFB00  }
0x10a: {  	[tilespmem:s23], [sflag:$0x2] =	stream.indirect_vreg.gather [hbm4b:s17+s3], $0x80, v7, vm1, $0xb8;
	[tilespmem:$0x19300] =	vst v63  }
0x10b: {  	s24 =	simm.s32 $0x10300  }
0x10c: {  	[tilespmem:s24], [sflag:$0x2] =	stream.indirect_vreg.gather [hbm4b:s18+s3], $0x80, v7, vm1, $0xb8;
	[tilespmem:$0x19300] =	vst v63  }
0x10d: {  	s1 =	simm.s32 $0x3;
	s2 =	simm.s32 $0x10B00  }
0x10e: {  	[tilespmem:s2], [sflag:$0x2] =	stream.indirect_vreg.gather [hbm4b:s19+s3], $0x80, v7, vm1, $0xb8;
	[tilespmem:$0x19300] =	vst v63  }
0x10f: {  	_ =	swait.ge [sflag:s1], $0x8000  }
0x110: {  	[sflag:s1] =	ssyncset.done $0x0  }
0x111: {  	s20 =	rddreg [dreg:$0x9];
	[sflag:s1] =	ssyncadd.s32 $0xFFFF8000  }
0x112: {  	[hbm4b:s20+s3] =	stream.linear.scatter [tilespmem:s31], [sflag:$0x6], $0x8000, $0x38;
	[tilespmem:$0x19300] =	vst v63  }
0x113: {  	v7 =	vld [tilespmem:$0x110];
	_ =	sdelay $0x4  }
0x114: {  	v27 =	vshll.u32 v7, $0x3  }
0x115: {  	v7 =	vand.u32 $0x7F, v7;
	v8 =	vand.u32 $0x7C00, v27  }
0x116: {  	v7 =	vor.u32 v8, v7  }
0x117: {  	v7 =	vor.u32 v2, v7;
	_ =	sdelay $0x3  }
0x118: {  	s2 =	simm.s32 $0x6  }
0x119: {  	v7 =	vld.idx.msk [tilespmem:v7+s31+$0x0], $0xff;
	_ =	swait.ge [sflag:s2], $0x8000  }
0x11a: {  	[sflag:s2] =	ssyncset.done $0x0  }
0x11b: {  	[sflag:s2] =	ssyncadd.s32 $0xFFFF8000  }
0x11c: {  	v28 =	vld.msk [tilespmem:$0x28], $0xff;
	_ =	sdelay $0x4  }
0x11d: {  	v9 =	vshll.u32 v28, $0x5  }
0x11e: {  	v8 =	vand.u32 $0x7, v28;
	v9 =	vand.u32 $0xFFFFFF00, v9  }
0x11f: {  	v8 =	vor.u32 v8, v9  }
0x120: {  	v8 =	vperm.xlane v8, v0;
	_ =	sdelay $0x1  }
0x121: {  	v8 =	vadd.s32 v1, v8;
	_ =	sdelay $0x4  }
0x122: {  	[tilespmem:s31], [sflag:$0x3] =	stream.indirect_vreg.gather [hbm4b:s4+s3], $0x80, v8, vm1, $0xb8;
	[tilespmem:$0x19300] =	vst v63  }
0x123: {  	s20 =	simm.s32 $0x11B00  }
0x124: {  	[tilespmem:s20], [sflag:$0x3] =	stream.indirect_vreg.gather [hbm4b:s5+s3], $0x80, v8, vm1, $0xb8;
	[tilespmem:$0x19300] =	vst v63  }
0x125: {  	s22 =	simm.s32 $0x12300  }
0x126: {  	[tilespmem:s22], [sflag:$0x3] =	stream.indirect_vreg.gather [hbm4b:s6+s3], $0x80, v8, vm1, $0xb8;
	[tilespmem:$0x19300] =	vst v63  }
0x127: {  	s23 =	simm.s32 $0x12B00  }
0x128: {  	[tilespmem:s23], [sflag:$0x3] =	stream.indirect_vreg.gather [hbm4b:s7+s3], $0x80, v8, vm1, $0xb8;
	[tilespmem:$0x19300] =	vst v63  }
0x129: {  	s24 =	simm.s32 $0x13300  }
0x12a: {  	[tilespmem:s24], [sflag:$0x3] =	stream.indirect_vreg.gather [hbm4b:s8+s3], $0x80, v8, vm1, $0xb8;
	[tilespmem:$0x19300] =	vst v63  }
0x12b: {  	s21 =	simm.s32 $0x13B00  }
0x12c: {  	[tilespmem:s21], [sflag:$0x3] =	stream.indirect_vreg.gather [hbm4b:s9+s3], $0x80, v8, vm1, $0xb8;
	[tilespmem:$0x19300] =	vst v63  }
0x12d: {  	s21 =	simm.s32 $0x14300  }
0x12e: {  	[tilespmem:s21], [sflag:$0x3] =	stream.indirect_vreg.gather [hbm4b:s10+s3], $0x80, v8, vm1, $0xb8;
	[tilespmem:$0x19300] =	vst v63  }
0x12f: {  	s21 =	simm.s32 $0x14B00  }
0x130: {  	[tilespmem:s21], [sflag:$0x3] =	stream.indirect_vreg.gather [hbm4b:s11+s3], $0x80, v8, vm1, $0xb8;
	[tilespmem:$0x19300] =	vst v63  }
0x131: {  	s21 =	simm.s32 $0x15300  }
0x132: {  	[tilespmem:s21], [sflag:$0x3] =	stream.indirect_vreg.gather [hbm4b:s12+s3], $0x80, v8, vm1, $0xb8;
	[tilespmem:$0x19300] =	vst v63  }
0x133: {  	s21 =	simm.s32 $0x15B00  }
0x134: {  	[tilespmem:s21], [sflag:$0x3] =	stream.indirect_vreg.gather [hbm4b:s13+s3], $0x80, v8, vm1, $0xb8;
	[tilespmem:$0x19300] =	vst v63  }
0x135: {  	s21 =	simm.s32 $0x16300  }
0x136: {  	[tilespmem:s21], [sflag:$0x3] =	stream.indirect_vreg.gather [hbm4b:s14+s3], $0x80, v8, vm1, $0xb8;
	[tilespmem:$0x19300] =	vst v63  }
0x137: {  	s21 =	simm.s32 $0x16B00  }
0x138: {  	[tilespmem:s21], [sflag:$0x3] =	stream.indirect_vreg.gather [hbm4b:s15+s3], $0x80, v8, vm1, $0xb8;
	[tilespmem:$0x19300] =	vst v63  }
0x139: {  	s21 =	simm.s32 $0x17300  }
0x13a: {  	[tilespmem:s21], [sflag:$0x3] =	stream.indirect_vreg.gather [hbm4b:s16+s3], $0x80, v8, vm1, $0xb8;
	[tilespmem:$0x19300] =	vst v63  }
0x13b: {  	s21 =	simm.s32 $0x17B00  }
0x13c: {  	[tilespmem:s21], [sflag:$0x3] =	stream.indirect_vreg.gather [hbm4b:s17+s3], $0x80, v8, vm1, $0xb8;
	[tilespmem:$0x19300] =	vst v63  }
0x13d: {  	s21 =	simm.s32 $0x18300  }
0x13e: {  	[tilespmem:s21], [sflag:$0x3] =	stream.indirect_vreg.gather [hbm4b:s18+s3], $0x80, v8, vm1, $0xb8;
	[tilespmem:$0x19300] =	vst v63  }
0x13f: {  	s21 =	simm.s32 $0x18B00  }
0x140: {  	[tilespmem:s21], [sflag:$0x3] =	stream.indirect_vreg.gather [hbm4b:s19+s3], $0x80, v8, vm1, $0xb8;
	[tilespmem:$0x19300] =	vst v63  }
0x141: {  	_ =	swait.ge [sflag:s26], $0x8000  }
0x142: {  	[sflag:s26] =	ssyncset.done $0x0  }
0x143: {  	s21 =	rddreg [dreg:$0xa];
	[sflag:s26] =	ssyncadd.s32 $0xFFFF8000  }
0x144: {  	[hbm4b:s21+s3] =	stream.linear.scatter [tilespmem:s30], [sflag:$0x4], $0x8000, $0x38;
	[tilespmem:$0x19300] =	vst v63  }
0x145: {  	v29 =	vld [tilespmem:$0x118];
	_ =	sdelay $0x4  }
0x146: {  	v30 =	vshll.u32 v29, $0x3  }
0x147: {  	v8 =	vand.u32 $0x7F, v29;
	v9 =	vand.u32 $0x7C00, v30  }
0x148: {  	v8 =	vor.u32 v9, v8  }
0x149: {  	v8 =	vor.u32 v2, v8;
	_ =	sdelay $0x4  }
0x14a: {  	v8 =	vld.idx.msk [tilespmem:v8+s30+$0x0], $0xff;
	_ =	swait.ge [sflag:s28], $0x8000  }
0x14b: {  	[sflag:s28] =	ssyncset.done $0x0  }
0x14c: {  	[sflag:s28] =	ssyncadd.s32 $0xFFFF8000  }
0x14d: {  	v31 =	vld.msk [tilespmem:$0x30], $0xff;
	_ =	sdelay $0x4  }
0x14e: {  	v10 =	vshll.u32 v31, $0x5  }
0x14f: {  	v9 =	vand.u32 $0x7, v31;
	v10 =	vand.u32 $0xFFFFFF00, v10  }
0x150: {  	v9 =	vor.u32 v9, v10  }
0x151: {  	v9 =	vperm.xlane v9, v0;
	_ =	sdelay $0x1  }
0x152: {  	v9 =	vadd.s32 v1, v9;
	_ =	sdelay $0x4  }
0x153: {  	[tilespmem:s30], [sflag:$0x1] =	stream.indirect_vreg.gather [hbm4b:s4+s3], $0x80, v9, vm1, $0xb8;
	[tilespmem:$0x19300] =	vst v63  }
0x154: {  	s21 =	simm.s32 $0x1B00  }
0x155: {  	[tilespmem:s21], [sflag:$0x1] =	stream.indirect_vreg.gather [hbm4b:s5+s3], $0x80, v9, vm1, $0xb8;
	[tilespmem:$0x19300] =	vst v63  }
0x156: {  	s21 =	simm.s32 $0x2300  }
0x157: {  	[tilespmem:s21], [sflag:$0x1] =	stream.indirect_vreg.gather [hbm4b:s6+s3], $0x80, v9, vm1, $0xb8;
	[tilespmem:$0x19300] =	vst v63  }
0x158: {  	s21 =	simm.s32 $0x2B00  }
0x159: {  	[tilespmem:s21], [sflag:$0x1] =	stream.indirect_vreg.gather [hbm4b:s7+s3], $0x80, v9, vm1, $0xb8;
	[tilespmem:$0x19300] =	vst v63  }
0x15a: {  	s21 =	simm.s32 $0x3300  }
0x15b: {  	[tilespmem:s21], [sflag:$0x1] =	stream.indirect_vreg.gather [hbm4b:s8+s3], $0x80, v9, vm1, $0xb8;
	[tilespmem:$0x19300] =	vst v63  }
0x15c: {  	s21 =	simm.s32 $0x3B00  }
0x15d: {  	[tilespmem:s21], [sflag:$0x1] =	stream.indirect_vreg.gather [hbm4b:s9+s3], $0x80, v9, vm1, $0xb8;
	[tilespmem:$0x19300] =	vst v63  }
0x15e: {  	s21 =	simm.s32 $0x4300  }
0x15f: {  	[tilespmem:s21], [sflag:$0x1] =	stream.indirect_vreg.gather [hbm4b:s10+s3], $0x80, v9, vm1, $0xb8;
	[tilespmem:$0x19300] =	vst v63  }
0x160: {  	s21 =	simm.s32 $0x4B00  }
0x161: {  	[tilespmem:s21], [sflag:$0x1] =	stream.indirect_vreg.gather [hbm4b:s11+s3], $0x80, v9, vm1, $0xb8;
	[tilespmem:$0x19300] =	vst v63  }
0x162: {  	s21 =	simm.s32 $0x5300  }
0x163: {  	[tilespmem:s21], [sflag:$0x1] =	stream.indirect_vreg.gather [hbm4b:s12+s3], $0x80, v9, vm1, $0xb8;
	[tilespmem:$0x19300] =	vst v63  }
0x164: {  	s21 =	simm.s32 $0x5B00  }
0x165: {  	[tilespmem:s21], [sflag:$0x1] =	stream.indirect_vreg.gather [hbm4b:s13+s3], $0x80, v9, vm1, $0xb8;
	[tilespmem:$0x19300] =	vst v63  }
0x166: {  	s21 =	simm.s32 $0x6300  }
0x167: {  	[tilespmem:s21], [sflag:$0x1] =	stream.indirect_vreg.gather [hbm4b:s14+s3], $0x80, v9, vm1, $0xb8;
	[tilespmem:$0x19300] =	vst v63  }
0x168: {  	s21 =	simm.s32 $0x6B00  }
0x169: {  	[tilespmem:s21], [sflag:$0x1] =	stream.indirect_vreg.gather [hbm4b:s15+s3], $0x80, v9, vm1, $0xb8;
	[tilespmem:$0x19300] =	vst v63  }
0x16a: {  	s21 =	simm.s32 $0x7300  }
0x16b: {  	[tilespmem:s21], [sflag:$0x1] =	stream.indirect_vreg.gather [hbm4b:s16+s3], $0x80, v9, vm1, $0xb8;
	[tilespmem:$0x19300] =	vst v63  }
0x16c: {  	s21 =	simm.s32 $0x7B00  }
0x16d: {  	[tilespmem:s21], [sflag:$0x1] =	stream.indirect_vreg.gather [hbm4b:s17+s3], $0x80, v9, vm1, $0xb8;
	[tilespmem:$0x19300] =	vst v63  }
0x16e: {  	s21 =	simm.s32 $0x8300  }
0x16f: {  	[tilespmem:s21], [sflag:$0x1] =	stream.indirect_vreg.gather [hbm4b:s18+s3], $0x80, v9, vm1, $0xb8;
	[tilespmem:$0x19300] =	vst v63  }
0x170: {  	s21 =	simm.s32 $0x8B00  }
0x171: {  	[tilespmem:s21], [sflag:$0x1] =	stream.indirect_vreg.gather [hbm4b:s19+s3], $0x80, v9, vm1, $0xb8;
	[tilespmem:$0x19300] =	vst v63  }
0x172: {  	_ =	swait.ge [sflag:s29], $0x8000  }
0x173: {  	[sflag:s29] =	ssyncset.done $0x0  }
0x174: {  	s21 =	rddreg [dreg:$0xb];
	[sflag:s29] =	ssyncadd.s32 $0xFFFF8000  }
0x175: {  	[hbm4b:s21+s3] =	stream.linear.scatter [tilespmem:s25], [sflag:$0x5], $0x8000, $0x38;
	[tilespmem:$0x19300] =	vst v63  }
0x176: {  	v32 =	vld [tilespmem:$0x120];
	_ =	sdelay $0x4  }
0x177: {  	v33 =	vshll.u32 v32, $0x3  }
0x178: {  	v9 =	vand.u32 $0x7F, v32;
	v10 =	vand.u32 $0x7C00, v33  }
0x179: {  	v9 =	vor.u32 v10, v9  }
0x17a: {  	v9 =	vor.u32 v2, v9;
	_ =	sdelay $0x4  }
0x17b: {  	v9 =	vld.idx.msk [tilespmem:v9+s25+$0x0], $0xff;
	_ =	swait.ge [sflag:s0], $0x8000  }
0x17c: {  	[sflag:s0] =	ssyncset.done $0x0  }
0x17d: {  	[sflag:s0] =	ssyncadd.s32 $0xFFFF8000  }
0x17e: {  	v34 =	vld.msk [tilespmem:$0x38], $0xff;
	_ =	sdelay $0x4  }
0x17f: {  	v11 =	vshll.u32 v34, $0x5  }
0x180: {  	v10 =	vand.u32 $0x7, v34;
	v11 =	vand.u32 $0xFFFFFF00, v11  }
0x181: {  	v10 =	vor.u32 v10, v11  }
0x182: {  	v10 =	vperm.xlane v10, v0;
	_ =	sdelay $0x1  }
0x183: {  	v10 =	vadd.s32 v1, v10;
	_ =	sdelay $0x4  }
0x184: {  	[tilespmem:s25], [sflag:$0x2] =	stream.indirect_vreg.gather [hbm4b:s4+s3], $0x80, v10, vm1, $0xb8;
	[tilespmem:$0x19300] =	vst v63  }
0x185: {  	s21 =	simm.s32 $0x9B00  }
0x186: {  	[tilespmem:s21], [sflag:$0x2] =	stream.indirect_vreg.gather [hbm4b:s5+s3], $0x80, v10, vm1, $0xb8;
	[tilespmem:$0x19300] =	vst v63  }
0x187: {  	s21 =	simm.s32 $0xA300  }
0x188: {  	[tilespmem:s21], [sflag:$0x2] =	stream.indirect_vreg.gather [hbm4b:s6+s3], $0x80, v10, vm1, $0xb8;
	[tilespmem:$0x19300] =	vst v63  }
0x189: {  	s21 =	simm.s32 $0xAB00  }
0x18a: {  	[tilespmem:s21], [sflag:$0x2] =	stream.indirect_vreg.gather [hbm4b:s7+s3], $0x80, v10, vm1, $0xb8;
	[tilespmem:$0x19300] =	vst v63  }
0x18b: {  	s21 =	simm.s32 $0xB300  }
0x18c: {  	[tilespmem:s21], [sflag:$0x2] =	stream.indirect_vreg.gather [hbm4b:s8+s3], $0x80, v10, vm1, $0xb8;
	[tilespmem:$0x19300] =	vst v63  }
0x18d: {  	s21 =	simm.s32 $0xBB00  }
0x18e: {  	[tilespmem:s21], [sflag:$0x2] =	stream.indirect_vreg.gather [hbm4b:s9+s3], $0x80, v10, vm1, $0xb8;
	[tilespmem:$0x19300] =	vst v63  }
0x18f: {  	s21 =	simm.s32 $0xC300  }
0x190: {  	[tilespmem:s21], [sflag:$0x2] =	stream.indirect_vreg.gather [hbm4b:s10+s3], $0x80, v10, vm1, $0xb8;
	[tilespmem:$0x19300] =	vst v63  }
0x191: {  	s21 =	simm.s32 $0xCB00  }
0x192: {  	[tilespmem:s21], [sflag:$0x2] =	stream.indirect_vreg.gather [hbm4b:s11+s3], $0x80, v10, vm1, $0xb8;
	[tilespmem:$0x19300] =	vst v63  }
0x193: {  	s21 =	simm.s32 $0xD300  }
0x194: {  	[tilespmem:s21], [sflag:$0x2] =	stream.indirect_vreg.gather [hbm4b:s12+s3], $0x80, v10, vm1, $0xb8;
	[tilespmem:$0x19300] =	vst v63  }
0x195: {  	s21 =	simm.s32 $0xDB00  }
0x196: {  	[tilespmem:s21], [sflag:$0x2] =	stream.indirect_vreg.gather [hbm4b:s13+s3], $0x80, v10, vm1, $0xb8;
	[tilespmem:$0x19300] =	vst v63  }
0x197: {  	s21 =	simm.s32 $0xE300  }
0x198: {  	[tilespmem:s21], [sflag:$0x2] =	stream.indirect_vreg.gather [hbm4b:s14+s3], $0x80, v10, vm1, $0xb8;
	[tilespmem:$0x19300] =	vst v63  }
0x199: {  	s21 =	simm.s32 $0xEB00  }
0x19a: {  	[tilespmem:s21], [sflag:$0x2] =	stream.indirect_vreg.gather [hbm4b:s15+s3], $0x80, v10, vm1, $0xb8;
	[tilespmem:$0x19300] =	vst v63  }
0x19b: {  	s21 =	simm.s32 $0xF300  }
0x19c: {  	[tilespmem:s21], [sflag:$0x2] =	stream.indirect_vreg.gather [hbm4b:s16+s3], $0x80, v10, vm1, $0xb8;
	[tilespmem:$0x19300] =	vst v63  }
0x19d: {  	s21 =	simm.s32 $0xFB00  }
0x19e: {  	[tilespmem:s21], [sflag:$0x2] =	stream.indirect_vreg.gather [hbm4b:s17+s3], $0x80, v10, vm1, $0xb8;
	[tilespmem:$0x19300] =	vst v63  }
0x19f: {  	s21 =	simm.s32 $0x10300  }
0x1a0: {  	[tilespmem:s21], [sflag:$0x2] =	stream.indirect_vreg.gather [hbm4b:s18+s3], $0x80, v10, vm1, $0xb8;
	[tilespmem:$0x19300] =	vst v63  }
0x1a1: {  	s21 =	simm.s32 $0x10B00  }
0x1a2: {  	[tilespmem:s21], [sflag:$0x2] =	stream.indirect_vreg.gather [hbm4b:s19+s3], $0x80, v10, vm1, $0xb8;
	[tilespmem:$0x19300] =	vst v63  }
0x1a3: {  	_ =	swait.ge [sflag:s1], $0x8000  }
0x1a4: {  	[sflag:s1] =	ssyncset.done $0x0  }
0x1a5: {  	s21 =	rddreg [dreg:$0xc];
	[sflag:s1] =	ssyncadd.s32 $0xFFFF8000  }
0x1a6: {  	[hbm4b:s21+s3] =	stream.linear.scatter [tilespmem:s31], [sflag:$0x6], $0x8000, $0x38;
	[tilespmem:$0x19300] =	vst v63  }
0x1a7: {  	v35 =	vld [tilespmem:$0x128];
	_ =	sdelay $0x4  }
0x1a8: {  	v36 =	vshll.u32 v35, $0x3  }
0x1a9: {  	v10 =	vand.u32 $0x7F, v35;
	v11 =	vand.u32 $0x7C00, v36  }
0x1aa: {  	v10 =	vor.u32 v11, v10  }
0x1ab: {  	v10 =	vor.u32 v2, v10;
	_ =	sdelay $0x4  }
0x1ac: {  	v10 =	vld.idx.msk [tilespmem:v10+s31+$0x0], $0xff;
	_ =	swait.ge [sflag:s2], $0x8000  }
0x1ad: {  	[sflag:s2] =	ssyncset.done $0x0  }
0x1ae: {  	[sflag:s2] =	ssyncadd.s32 $0xFFFF8000  }
0x1af: {  	v37 =	vld.msk [tilespmem:$0x40], $0xff;
	_ =	sdelay $0x4  }
0x1b0: {  	v12 =	vshll.u32 v37, $0x5  }
0x1b1: {  	v11 =	vand.u32 $0x7, v37;
	v12 =	vand.u32 $0xFFFFFF00, v12  }
0x1b2: {  	v11 =	vor.u32 v11, v12  }
0x1b3: {  	v11 =	vperm.xlane v11, v0;
	_ =	sdelay $0x1  }
0x1b4: {  	v11 =	vadd.s32 v1, v11;
	_ =	sdelay $0x4  }
0x1b5: {  	[tilespmem:s31], [sflag:$0x3] =	stream.indirect_vreg.gather [hbm4b:s4+s3], $0x80, v11, vm1, $0xb8;
	[tilespmem:$0x19300] =	vst v63  }
0x1b6: {  	_ = 	snop  }
0x1b7: {  	[tilespmem:s20], [sflag:$0x3] =	stream.indirect_vreg.gather [hbm4b:s5+s3], $0x80, v11, vm1, $0xb8;
	[tilespmem:$0x19300] =	vst v63  }
0x1b8: {  	_ = 	snop  }
0x1b9: {  	[tilespmem:s22], [sflag:$0x3] =	stream.indirect_vreg.gather [hbm4b:s6+s3], $0x80, v11, vm1, $0xb8;
	[tilespmem:$0x19300] =	vst v63  }
0x1ba: {  	_ = 	snop  }
0x1bb: {  	[tilespmem:s23], [sflag:$0x3] =	stream.indirect_vreg.gather [hbm4b:s7+s3], $0x80, v11, vm1, $0xb8;
	[tilespmem:$0x19300] =	vst v63  }
0x1bc: {  	_ = 	snop  }
0x1bd: {  	[tilespmem:s24], [sflag:$0x3] =	stream.indirect_vreg.gather [hbm4b:s8+s3], $0x80, v11, vm1, $0xb8;
	[tilespmem:$0x19300] =	vst v63  }
0x1be: {  	s22 =	simm.s32 $0x13B00  }
0x1bf: {  	[tilespmem:s22], [sflag:$0x3] =	stream.indirect_vreg.gather [hbm4b:s9+s3], $0x80, v11, vm1, $0xb8;
	[tilespmem:$0x19300] =	vst v63  }
0x1c0: {  	s21 =	simm.s32 $0x14300  }
0x1c1: {  	[tilespmem:s21], [sflag:$0x3] =	stream.indirect_vreg.gather [hbm4b:s10+s3], $0x80, v11, vm1, $0xb8;
	[tilespmem:$0x19300] =	vst v63  }
0x1c2: {  	s21 =	simm.s32 $0x14B00  }
0x1c3: {  	[tilespmem:s21], [sflag:$0x3] =	stream.indirect_vreg.gather [hbm4b:s11+s3], $0x80, v11, vm1, $0xb8;
	[tilespmem:$0x19300] =	vst v63  }
0x1c4: {  	s21 =	simm.s32 $0x15300  }
0x1c5: {  	[tilespmem:s21], [sflag:$0x3] =	stream.indirect_vreg.gather [hbm4b:s12+s3], $0x80, v11, vm1, $0xb8;
	[tilespmem:$0x19300] =	vst v63  }
0x1c6: {  	s21 =	simm.s32 $0x15B00  }
0x1c7: {  	[tilespmem:s21], [sflag:$0x3] =	stream.indirect_vreg.gather [hbm4b:s13+s3], $0x80, v11, vm1, $0xb8;
	[tilespmem:$0x19300] =	vst v63  }
0x1c8: {  	s21 =	simm.s32 $0x16300  }
0x1c9: {  	[tilespmem:s21], [sflag:$0x3] =	stream.indirect_vreg.gather [hbm4b:s14+s3], $0x80, v11, vm1, $0xb8;
	[tilespmem:$0x19300] =	vst v63  }
0x1ca: {  	s21 =	simm.s32 $0x16B00  }
0x1cb: {  	[tilespmem:s21], [sflag:$0x3] =	stream.indirect_vreg.gather [hbm4b:s15+s3], $0x80, v11, vm1, $0xb8;
	[tilespmem:$0x19300] =	vst v63  }
0x1cc: {  	s21 =	simm.s32 $0x17300  }
0x1cd: {  	[tilespmem:s21], [sflag:$0x3] =	stream.indirect_vreg.gather [hbm4b:s16+s3], $0x80, v11, vm1, $0xb8;
	[tilespmem:$0x19300] =	vst v63  }
0x1ce: {  	s21 =	simm.s32 $0x17B00  }
0x1cf: {  	[tilespmem:s21], [sflag:$0x3] =	stream.indirect_vreg.gather [hbm4b:s17+s3], $0x80, v11, vm1, $0xb8;
	[tilespmem:$0x19300] =	vst v63  }
0x1d0: {  	s21 =	simm.s32 $0x18300  }
0x1d1: {  	[tilespmem:s21], [sflag:$0x3] =	stream.indirect_vreg.gather [hbm4b:s18+s3], $0x80, v11, vm1, $0xb8;
	[tilespmem:$0x19300] =	vst v63  }
0x1d2: {  	s21 =	simm.s32 $0x18B00  }
0x1d3: {  	[tilespmem:s21], [sflag:$0x3] =	stream.indirect_vreg.gather [hbm4b:s19+s3], $0x80, v11, vm1, $0xb8;
	[tilespmem:$0x19300] =	vst v63  }
0x1d4: {  	_ =	swait.ge [sflag:s26], $0x8000  }
0x1d5: {  	[sflag:s26] =	ssyncset.done $0x0  }
0x1d6: {  	s21 =	rddreg [dreg:$0xd];
	[sflag:s26] =	ssyncadd.s32 $0xFFFF8000  }
0x1d7: {  	[hbm4b:s21+s3] =	stream.linear.scatter [tilespmem:s30], [sflag:$0x4], $0x8000, $0x38;
	[tilespmem:$0x19300] =	vst v63  }
0x1d8: {  	v38 =	vld [tilespmem:$0x130];
	_ =	sdelay $0x4  }
0x1d9: {  	v39 =	vshll.u32 v38, $0x3  }
0x1da: {  	v11 =	vand.u32 $0x7F, v38;
	v12 =	vand.u32 $0x7C00, v39  }
0x1db: {  	v11 =	vor.u32 v12, v11  }
0x1dc: {  	v11 =	vor.u32 v2, v11;
	_ =	sdelay $0x4  }
0x1dd: {  	v11 =	vld.idx.msk [tilespmem:v11+s30+$0x0], $0xff;
	_ =	swait.ge [sflag:s28], $0x8000  }
0x1de: {  	[sflag:s28] =	ssyncset.done $0x0  }
0x1df: {  	[sflag:s28] =	ssyncadd.s32 $0xFFFF8000  }
0x1e0: {  	v40 =	vld.msk [tilespmem:$0x48], $0xff;
	_ =	sdelay $0x4  }
0x1e1: {  	v13 =	vshll.u32 v40, $0x5  }
0x1e2: {  	v12 =	vand.u32 $0x7, v40;
	v13 =	vand.u32 $0xFFFFFF00, v13  }
0x1e3: {  	v12 =	vor.u32 v12, v13  }
0x1e4: {  	v12 =	vperm.xlane v12, v0;
	_ =	sdelay $0x1  }
0x1e5: {  	v12 =	vadd.s32 v1, v12;
	_ =	sdelay $0x4  }
0x1e6: {  	[tilespmem:s30], [sflag:$0x1] =	stream.indirect_vreg.gather [hbm4b:s4+s3], $0x80, v12, vm1, $0xb8;
	[tilespmem:$0x19300] =	vst v63  }
0x1e7: {  	s21 =	simm.s32 $0x1B00  }
0x1e8: {  	[tilespmem:s21], [sflag:$0x1] =	stream.indirect_vreg.gather [hbm4b:s5+s3], $0x80, v12, vm1, $0xb8;
	[tilespmem:$0x19300] =	vst v63  }
0x1e9: {  	s21 =	simm.s32 $0x2300  }
0x1ea: {  	[tilespmem:s21], [sflag:$0x1] =	stream.indirect_vreg.gather [hbm4b:s6+s3], $0x80, v12, vm1, $0xb8;
	[tilespmem:$0x19300] =	vst v63  }
0x1eb: {  	s21 =	simm.s32 $0x2B00  }
0x1ec: {  	[tilespmem:s21], [sflag:$0x1] =	stream.indirect_vreg.gather [hbm4b:s7+s3], $0x80, v12, vm1, $0xb8;
	[tilespmem:$0x19300] =	vst v63  }
0x1ed: {  	s21 =	simm.s32 $0x3300  }
0x1ee: {  	[tilespmem:s21], [sflag:$0x1] =	stream.indirect_vreg.gather [hbm4b:s8+s3], $0x80, v12, vm1, $0xb8;
	[tilespmem:$0x19300] =	vst v63  }
0x1ef: {  	s21 =	simm.s32 $0x3B00  }
0x1f0: {  	[tilespmem:s21], [sflag:$0x1] =	stream.indirect_vreg.gather [hbm4b:s9+s3], $0x80, v12, vm1, $0xb8;
	[tilespmem:$0x19300] =	vst v63  }
0x1f1: {  	s21 =	simm.s32 $0x4300  }
0x1f2: {  	[tilespmem:s21], [sflag:$0x1] =	stream.indirect_vreg.gather [hbm4b:s10+s3], $0x80, v12, vm1, $0xb8;
	[tilespmem:$0x19300] =	vst v63  }
0x1f3: {  	s21 =	simm.s32 $0x4B00  }
0x1f4: {  	[tilespmem:s21], [sflag:$0x1] =	stream.indirect_vreg.gather [hbm4b:s11+s3], $0x80, v12, vm1, $0xb8;
	[tilespmem:$0x19300] =	vst v63  }
0x1f5: {  	s21 =	simm.s32 $0x5300  }
0x1f6: {  	[tilespmem:s21], [sflag:$0x1] =	stream.indirect_vreg.gather [hbm4b:s12+s3], $0x80, v12, vm1, $0xb8;
	[tilespmem:$0x19300] =	vst v63  }
0x1f7: {  	s21 =	simm.s32 $0x5B00  }
0x1f8: {  	[tilespmem:s21], [sflag:$0x1] =	stream.indirect_vreg.gather [hbm4b:s13+s3], $0x80, v12, vm1, $0xb8;
	[tilespmem:$0x19300] =	vst v63  }
0x1f9: {  	s21 =	simm.s32 $0x6300  }
0x1fa: {  	[tilespmem:s21], [sflag:$0x1] =	stream.indirect_vreg.gather [hbm4b:s14+s3], $0x80, v12, vm1, $0xb8;
	[tilespmem:$0x19300] =	vst v63  }
0x1fb: {  	s21 =	simm.s32 $0x6B00  }
0x1fc: {  	[tilespmem:s21], [sflag:$0x1] =	stream.indirect_vreg.gather [hbm4b:s15+s3], $0x80, v12, vm1, $0xb8;
	[tilespmem:$0x19300] =	vst v63  }
0x1fd: {  	s21 =	simm.s32 $0x7300  }
0x1fe: {  	[tilespmem:s21], [sflag:$0x1] =	stream.indirect_vreg.gather [hbm4b:s16+s3], $0x80, v12, vm1, $0xb8;
	[tilespmem:$0x19300] =	vst v63  }
0x1ff: {  	s21 =	simm.s32 $0x7B00  }
0x200: {  	[tilespmem:s21], [sflag:$0x1] =	stream.indirect_vreg.gather [hbm4b:s17+s3], $0x80, v12, vm1, $0xb8;
	[tilespmem:$0x19300] =	vst v63  }
0x201: {  	s21 =	simm.s32 $0x8300  }
0x202: {  	[tilespmem:s21], [sflag:$0x1] =	stream.indirect_vreg.gather [hbm4b:s18+s3], $0x80, v12, vm1, $0xb8;
	[tilespmem:$0x19300] =	vst v63  }
0x203: {  	s21 =	simm.s32 $0x8B00  }
0x204: {  	[tilespmem:s21], [sflag:$0x1] =	stream.indirect_vreg.gather [hbm4b:s19+s3], $0x80, v12, vm1, $0xb8;
	[tilespmem:$0x19300] =	vst v63  }
0x205: {  	_ =	swait.ge [sflag:s29], $0x8000  }
0x206: {  	[sflag:s29] =	ssyncset.done $0x0  }
0x207: {  	s21 =	rddreg [dreg:$0xe];
	[sflag:s29] =	ssyncadd.s32 $0xFFFF8000  }
0x208: {  	[hbm4b:s21+s3] =	stream.linear.scatter [tilespmem:s25], [sflag:$0x5], $0x8000, $0x38;
	[tilespmem:$0x19300] =	vst v63  }
0x209: {  	v41 =	vld [tilespmem:$0x138];
	_ =	sdelay $0x4  }
0x20a: {  	v42 =	vshll.u32 v41, $0x3  }
0x20b: {  	v12 =	vand.u32 $0x7F, v41;
	v13 =	vand.u32 $0x7C00, v42  }
0x20c: {  	v12 =	vor.u32 v13, v12  }
0x20d: {  	v12 =	vor.u32 v2, v12;
	_ =	sdelay $0x4  }
0x20e: {  	v12 =	vld.idx.msk [tilespmem:v12+s25+$0x0], $0xff;
	_ =	swait.ge [sflag:s0], $0x8000  }
0x20f: {  	[sflag:s0] =	ssyncset.done $0x0  }
0x210: {  	[sflag:s0] =	ssyncadd.s32 $0xFFFF8000  }
0x211: {  	v43 =	vld.msk [tilespmem:$0x50], $0xff;
	_ =	sdelay $0x4  }
0x212: {  	v14 =	vshll.u32 v43, $0x5  }
0x213: {  	v13 =	vand.u32 $0x7, v43;
	v14 =	vand.u32 $0xFFFFFF00, v14  }
0x214: {  	v13 =	vor.u32 v13, v14  }
0x215: {  	v13 =	vperm.xlane v13, v0;
	_ =	sdelay $0x1  }
0x216: {  	v13 =	vadd.s32 v1, v13;
	_ =	sdelay $0x4  }
0x217: {  	[tilespmem:s25], [sflag:$0x2] =	stream.indirect_vreg.gather [hbm4b:s4+s3], $0x80, v13, vm1, $0xb8;
	[tilespmem:$0x19300] =	vst v63  }
0x218: {  	s21 =	simm.s32 $0x9B00  }
0x219: {  	[tilespmem:s21], [sflag:$0x2] =	stream.indirect_vreg.gather [hbm4b:s5+s3], $0x80, v13, vm1, $0xb8;
	[tilespmem:$0x19300] =	vst v63  }
0x21a: {  	s21 =	simm.s32 $0xA300  }
0x21b: {  	[tilespmem:s21], [sflag:$0x2] =	stream.indirect_vreg.gather [hbm4b:s6+s3], $0x80, v13, vm1, $0xb8;
	[tilespmem:$0x19300] =	vst v63  }
0x21c: {  	s21 =	simm.s32 $0xAB00  }
0x21d: {  	[tilespmem:s21], [sflag:$0x2] =	stream.indirect_vreg.gather [hbm4b:s7+s3], $0x80, v13, vm1, $0xb8;
	[tilespmem:$0x19300] =	vst v63  }
0x21e: {  	s21 =	simm.s32 $0xB300  }
0x21f: {  	[tilespmem:s21], [sflag:$0x2] =	stream.indirect_vreg.gather [hbm4b:s8+s3], $0x80, v13, vm1, $0xb8;
	[tilespmem:$0x19300] =	vst v63  }
0x220: {  	s21 =	simm.s32 $0xBB00  }
0x221: {  	[tilespmem:s21], [sflag:$0x2] =	stream.indirect_vreg.gather [hbm4b:s9+s3], $0x80, v13, vm1, $0xb8;
	[tilespmem:$0x19300] =	vst v63  }
0x222: {  	s21 =	simm.s32 $0xC300  }
0x223: {  	[tilespmem:s21], [sflag:$0x2] =	stream.indirect_vreg.gather [hbm4b:s10+s3], $0x80, v13, vm1, $0xb8;
	[tilespmem:$0x19300] =	vst v63  }
0x224: {  	s21 =	simm.s32 $0xCB00  }
0x225: {  	[tilespmem:s21], [sflag:$0x2] =	stream.indirect_vreg.gather [hbm4b:s11+s3], $0x80, v13, vm1, $0xb8;
	[tilespmem:$0x19300] =	vst v63  }
0x226: {  	s21 =	simm.s32 $0xD300  }
0x227: {  	[tilespmem:s21], [sflag:$0x2] =	stream.indirect_vreg.gather [hbm4b:s12+s3], $0x80, v13, vm1, $0xb8;
	[tilespmem:$0x19300] =	vst v63  }
0x228: {  	s21 =	simm.s32 $0xDB00  }
0x229: {  	[tilespmem:s21], [sflag:$0x2] =	stream.indirect_vreg.gather [hbm4b:s13+s3], $0x80, v13, vm1, $0xb8;
	[tilespmem:$0x19300] =	vst v63  }
0x22a: {  	s21 =	simm.s32 $0xE300  }
0x22b: {  	[tilespmem:s21], [sflag:$0x2] =	stream.indirect_vreg.gather [hbm4b:s14+s3], $0x80, v13, vm1, $0xb8;
	[tilespmem:$0x19300] =	vst v63  }
0x22c: {  	s21 =	simm.s32 $0xEB00  }
0x22d: {  	[tilespmem:s21], [sflag:$0x2] =	stream.indirect_vreg.gather [hbm4b:s15+s3], $0x80, v13, vm1, $0xb8;
	[tilespmem:$0x19300] =	vst v63  }
0x22e: {  	s21 =	simm.s32 $0xF300  }
0x22f: {  	[tilespmem:s21], [sflag:$0x2] =	stream.indirect_vreg.gather [hbm4b:s16+s3], $0x80, v13, vm1, $0xb8;
	[tilespmem:$0x19300] =	vst v63  }
0x230: {  	s21 =	simm.s32 $0xFB00  }
0x231: {  	[tilespmem:s21], [sflag:$0x2] =	stream.indirect_vreg.gather [hbm4b:s17+s3], $0x80, v13, vm1, $0xb8;
	[tilespmem:$0x19300] =	vst v63  }
0x232: {  	s21 =	simm.s32 $0x10300  }
0x233: {  	[tilespmem:s21], [sflag:$0x2] =	stream.indirect_vreg.gather [hbm4b:s18+s3], $0x80, v13, vm1, $0xb8;
	[tilespmem:$0x19300] =	vst v63  }
0x234: {  	s21 =	simm.s32 $0x10B00  }
0x235: {  	[tilespmem:s21], [sflag:$0x2] =	stream.indirect_vreg.gather [hbm4b:s19+s3], $0x80, v13, vm1, $0xb8;
	[tilespmem:$0x19300] =	vst v63  }
0x236: {  	_ =	swait.ge [sflag:s1], $0x8000  }
0x237: {  	[sflag:s1] =	ssyncset.done $0x0  }
0x238: {  	s21 =	rddreg [dreg:$0xf];
	[sflag:s1] =	ssyncadd.s32 $0xFFFF8000  }
0x239: {  	[hbm4b:s21+s3] =	stream.linear.scatter [tilespmem:s31], [sflag:$0x6], $0x8000, $0x38;
	[tilespmem:$0x19300] =	vst v63  }
0x23a: {  	v44 =	vld [tilespmem:$0x140];
	_ =	sdelay $0x4  }
0x23b: {  	v45 =	vshll.u32 v44, $0x3  }
0x23c: {  	v13 =	vand.u32 $0x7F, v44;
	v14 =	vand.u32 $0x7C00, v45  }
0x23d: {  	v13 =	vor.u32 v14, v13  }
0x23e: {  	v13 =	vor.u32 v2, v13;
	_ =	sdelay $0x4  }
0x23f: {  	v13 =	vld.idx.msk [tilespmem:v13+s31+$0x0], $0xff;
	_ =	swait.ge [sflag:s2], $0x8000  }
0x240: {  	[sflag:s2] =	ssyncset.done $0x0  }
0x241: {  	[sflag:s2] =	ssyncadd.s32 $0xFFFF8000  }
0x242: {  	v46 =	vld.msk [tilespmem:$0x58], $0xff;
	_ =	sdelay $0x4  }
0x243: {  	v15 =	vshll.u32 v46, $0x5  }
0x244: {  	v14 =	vand.u32 $0x7, v46;
	v15 =	vand.u32 $0xFFFFFF00, v15  }
0x245: {  	v14 =	vor.u32 v14, v15  }
0x246: {  	v14 =	vperm.xlane v14, v0;
	_ =	sdelay $0x1  }
0x247: {  	v14 =	vadd.s32 v1, v14;
	_ =	sdelay $0x4  }
0x248: {  	[tilespmem:s31], [sflag:$0x3] =	stream.indirect_vreg.gather [hbm4b:s4+s3], $0x80, v14, vm1, $0xb8;
	[tilespmem:$0x19300] =	vst v63  }
0x249: {  	s21 =	simm.s32 $0x11B00  }
0x24a: {  	[tilespmem:s21], [sflag:$0x3] =	stream.indirect_vreg.gather [hbm4b:s5+s3], $0x80, v14, vm1, $0xb8;
	[tilespmem:$0x19300] =	vst v63  }
0x24b: {  	s20 =	simm.s32 $0x12300  }
0x24c: {  	[tilespmem:s20], [sflag:$0x3] =	stream.indirect_vreg.gather [hbm4b:s6+s3], $0x80, v14, vm1, $0xb8;
	[tilespmem:$0x19300] =	vst v63  }
0x24d: {  	s23 =	simm.s32 $0x12B00  }
0x24e: {  	[tilespmem:s23], [sflag:$0x3] =	stream.indirect_vreg.gather [hbm4b:s7+s3], $0x80, v14, vm1, $0xb8;
	[tilespmem:$0x19300] =	vst v63  }
0x24f: {  	s24 =	simm.s32 $0x13300  }
0x250: {  	[tilespmem:s24], [sflag:$0x3] =	stream.indirect_vreg.gather [hbm4b:s8+s3], $0x80, v14, vm1, $0xb8;
	[tilespmem:$0x19300] =	vst v63  }
0x251: {  	s22 =	simm.s32 $0x13B00  }
0x252: {  	[tilespmem:s22], [sflag:$0x3] =	stream.indirect_vreg.gather [hbm4b:s9+s3], $0x80, v14, vm1, $0xb8;
	[tilespmem:$0x19300] =	vst v63  }
0x253: {  	s21 =	simm.s32 $0x14300  }
0x254: {  	[tilespmem:s21], [sflag:$0x3] =	stream.indirect_vreg.gather [hbm4b:s10+s3], $0x80, v14, vm1, $0xb8;
	[tilespmem:$0x19300] =	vst v63  }
0x255: {  	s21 =	simm.s32 $0x14B00  }
0x256: {  	[tilespmem:s21], [sflag:$0x3] =	stream.indirect_vreg.gather [hbm4b:s11+s3], $0x80, v14, vm1, $0xb8;
	[tilespmem:$0x19300] =	vst v63  }
0x257: {  	s21 =	simm.s32 $0x15300  }
0x258: {  	[tilespmem:s21], [sflag:$0x3] =	stream.indirect_vreg.gather [hbm4b:s12+s3], $0x80, v14, vm1, $0xb8;
	[tilespmem:$0x19300] =	vst v63  }
0x259: {  	s21 =	simm.s32 $0x15B00  }
0x25a: {  	[tilespmem:s21], [sflag:$0x3] =	stream.indirect_vreg.gather [hbm4b:s13+s3], $0x80, v14, vm1, $0xb8;
	[tilespmem:$0x19300] =	vst v63  }
0x25b: {  	s21 =	simm.s32 $0x16300  }
0x25c: {  	[tilespmem:s21], [sflag:$0x3] =	stream.indirect_vreg.gather [hbm4b:s14+s3], $0x80, v14, vm1, $0xb8;
	[tilespmem:$0x19300] =	vst v63  }
0x25d: {  	s21 =	simm.s32 $0x16B00  }
0x25e: {  	[tilespmem:s21], [sflag:$0x3] =	stream.indirect_vreg.gather [hbm4b:s15+s3], $0x80, v14, vm1, $0xb8;
	[tilespmem:$0x19300] =	vst v63  }
0x25f: {  	s21 =	simm.s32 $0x17300  }
0x260: {  	[tilespmem:s21], [sflag:$0x3] =	stream.indirect_vreg.gather [hbm4b:s16+s3], $0x80, v14, vm1, $0xb8;
	[tilespmem:$0x19300] =	vst v63  }
0x261: {  	s21 =	simm.s32 $0x17B00  }
0x262: {  	[tilespmem:s21], [sflag:$0x3] =	stream.indirect_vreg.gather [hbm4b:s17+s3], $0x80, v14, vm1, $0xb8;
	[tilespmem:$0x19300] =	vst v63  }
0x263: {  	s21 =	simm.s32 $0x18300  }
0x264: {  	[tilespmem:s21], [sflag:$0x3] =	stream.indirect_vreg.gather [hbm4b:s18+s3], $0x80, v14, vm1, $0xb8;
	[tilespmem:$0x19300] =	vst v63  }
0x265: {  	s21 =	simm.s32 $0x18B00  }
0x266: {  	[tilespmem:s21], [sflag:$0x3] =	stream.indirect_vreg.gather [hbm4b:s19+s3], $0x80, v14, vm1, $0xb8;
	[tilespmem:$0x19300] =	vst v63  }
0x267: {  	_ =	swait.ge [sflag:s26], $0x8000  }
0x268: {  	[sflag:s26] =	ssyncset.done $0x0  }
0x269: {  	s21 =	rddreg [dreg:$0x10];
	[sflag:s26] =	ssyncadd.s32 $0xFFFF8000  }
0x26a: {  	[hbm4b:s21+s3] =	stream.linear.scatter [tilespmem:s30], [sflag:$0x4], $0x8000, $0x38;
	[tilespmem:$0x19300] =	vst v63  }
0x26b: {  	v47 =	vld [tilespmem:$0x148];
	_ =	sdelay $0x4  }
0x26c: {  	v48 =	vshll.u32 v47, $0x3  }
0x26d: {  	v14 =	vand.u32 $0x7F, v47;
	v15 =	vand.u32 $0x7C00, v48  }
0x26e: {  	v14 =	vor.u32 v15, v14  }
0x26f: {  	v14 =	vor.u32 v2, v14;
	_ =	sdelay $0x4  }
0x270: {  	v14 =	vld.idx.msk [tilespmem:v14+s30+$0x0], $0xff;
	_ =	swait.ge [sflag:s28], $0x8000  }
0x271: {  	[sflag:s28] =	ssyncset.done $0x0  }
0x272: {  	[sflag:s28] =	ssyncadd.s32 $0xFFFF8000  }
0x273: {  	v49 =	vld.msk [tilespmem:$0x60], $0xff;
	_ =	sdelay $0x4  }
0x274: {  	v16 =	vshll.u32 v49, $0x5  }
0x275: {  	v15 =	vand.u32 $0x7, v49;
	v16 =	vand.u32 $0xFFFFFF00, v16  }
0x276: {  	v15 =	vor.u32 v15, v16  }
0x277: {  	v15 =	vperm.xlane v15, v0;
	_ =	sdelay $0x1  }
0x278: {  	v15 =	vadd.s32 v1, v15;
	_ =	sdelay $0x4  }
0x279: {  	[tilespmem:s30], [sflag:$0x1] =	stream.indirect_vreg.gather [hbm4b:s4+s3], $0x80, v15, vm1, $0xb8;
	[tilespmem:$0x19300] =	vst v63  }
0x27a: {  	s21 =	simm.s32 $0x1B00  }
0x27b: {  	[tilespmem:s21], [sflag:$0x1] =	stream.indirect_vreg.gather [hbm4b:s5+s3], $0x80, v15, vm1, $0xb8;
	[tilespmem:$0x19300] =	vst v63  }
0x27c: {  	s21 =	simm.s32 $0x2300  }
0x27d: {  	[tilespmem:s21], [sflag:$0x1] =	stream.indirect_vreg.gather [hbm4b:s6+s3], $0x80, v15, vm1, $0xb8;
	[tilespmem:$0x19300] =	vst v63  }
0x27e: {  	s21 =	simm.s32 $0x2B00  }
0x27f: {  	[tilespmem:s21], [sflag:$0x1] =	stream.indirect_vreg.gather [hbm4b:s7+s3], $0x80, v15, vm1, $0xb8;
	[tilespmem:$0x19300] =	vst v63  }
0x280: {  	s21 =	simm.s32 $0x3300  }
0x281: {  	[tilespmem:s21], [sflag:$0x1] =	stream.indirect_vreg.gather [hbm4b:s8+s3], $0x80, v15, vm1, $0xb8;
	[tilespmem:$0x19300] =	vst v63  }
0x282: {  	s21 =	simm.s32 $0x3B00  }
0x283: {  	[tilespmem:s21], [sflag:$0x1] =	stream.indirect_vreg.gather [hbm4b:s9+s3], $0x80, v15, vm1, $0xb8;
	[tilespmem:$0x19300] =	vst v63  }
0x284: {  	s21 =	simm.s32 $0x4300  }
0x285: {  	[tilespmem:s21], [sflag:$0x1] =	stream.indirect_vreg.gather [hbm4b:s10+s3], $0x80, v15, vm1, $0xb8;
	[tilespmem:$0x19300] =	vst v63  }
0x286: {  	s21 =	simm.s32 $0x4B00  }
0x287: {  	[tilespmem:s21], [sflag:$0x1] =	stream.indirect_vreg.gather [hbm4b:s11+s3], $0x80, v15, vm1, $0xb8;
	[tilespmem:$0x19300] =	vst v63  }
0x288: {  	s21 =	simm.s32 $0x5300  }
0x289: {  	[tilespmem:s21], [sflag:$0x1] =	stream.indirect_vreg.gather [hbm4b:s12+s3], $0x80, v15, vm1, $0xb8;
	[tilespmem:$0x19300] =	vst v63  }
0x28a: {  	s21 =	simm.s32 $0x5B00  }
0x28b: {  	[tilespmem:s21], [sflag:$0x1] =	stream.indirect_vreg.gather [hbm4b:s13+s3], $0x80, v15, vm1, $0xb8;
	[tilespmem:$0x19300] =	vst v63  }
0x28c: {  	s21 =	simm.s32 $0x6300  }
0x28d: {  	[tilespmem:s21], [sflag:$0x1] =	stream.indirect_vreg.gather [hbm4b:s14+s3], $0x80, v15, vm1, $0xb8;
	[tilespmem:$0x19300] =	vst v63  }
0x28e: {  	s21 =	simm.s32 $0x6B00  }
0x28f: {  	[tilespmem:s21], [sflag:$0x1] =	stream.indirect_vreg.gather [hbm4b:s15+s3], $0x80, v15, vm1, $0xb8;
	[tilespmem:$0x19300] =	vst v63  }
0x290: {  	s21 =	simm.s32 $0x7300  }
0x291: {  	[tilespmem:s21], [sflag:$0x1] =	stream.indirect_vreg.gather [hbm4b:s16+s3], $0x80, v15, vm1, $0xb8;
	[tilespmem:$0x19300] =	vst v63  }
0x292: {  	s21 =	simm.s32 $0x7B00  }
0x293: {  	[tilespmem:s21], [sflag:$0x1] =	stream.indirect_vreg.gather [hbm4b:s17+s3], $0x80, v15, vm1, $0xb8;
	[tilespmem:$0x19300] =	vst v63  }
0x294: {  	s21 =	simm.s32 $0x8300  }
0x295: {  	[tilespmem:s21], [sflag:$0x1] =	stream.indirect_vreg.gather [hbm4b:s18+s3], $0x80, v15, vm1, $0xb8;
	[tilespmem:$0x19300] =	vst v63  }
0x296: {  	s21 =	simm.s32 $0x8B00  }
0x297: {  	[tilespmem:s21], [sflag:$0x1] =	stream.indirect_vreg.gather [hbm4b:s19+s3], $0x80, v15, vm1, $0xb8;
	[tilespmem:$0x19300] =	vst v63  }
0x298: {  	_ =	swait.ge [sflag:s29], $0x8000  }
0x299: {  	[sflag:s29] =	ssyncset.done $0x0  }
0x29a: {  	s21 =	rddreg [dreg:$0x11];
	[sflag:s29] =	ssyncadd.s32 $0xFFFF8000  }
0x29b: {  	[hbm4b:s21+s3] =	stream.linear.scatter [tilespmem:s25], [sflag:$0x5], $0x8000, $0x38;
	[tilespmem:$0x19300] =	vst v63  }
0x29c: {  	v50 =	vld [tilespmem:$0x150];
	_ =	sdelay $0x4  }
0x29d: {  	v51 =	vshll.u32 v50, $0x3  }
0x29e: {  	v15 =	vand.u32 $0x7F, v50;
	v16 =	vand.u32 $0x7C00, v51  }
0x29f: {  	v15 =	vor.u32 v16, v15  }
0x2a0: {  	v15 =	vor.u32 v2, v15;
	_ =	sdelay $0x4  }
0x2a1: {  	v15 =	vld.idx.msk [tilespmem:v15+s25+$0x0], $0xff;
	_ =	swait.ge [sflag:s0], $0x8000  }
0x2a2: {  	[sflag:s0] =	ssyncset.done $0x0  }
0x2a3: {  	[sflag:s0] =	ssyncadd.s32 $0xFFFF8000  }
0x2a4: {  	v52 =	vld.msk [tilespmem:$0x68], $0xff;
	_ =	sdelay $0x4  }
0x2a5: {  	v17 =	vshll.u32 v52, $0x5  }
0x2a6: {  	v16 =	vand.u32 $0x7, v52;
	v17 =	vand.u32 $0xFFFFFF00, v17  }
0x2a7: {  	v16 =	vor.u32 v16, v17  }
0x2a8: {  	v16 =	vperm.xlane v16, v0;
	_ =	sdelay $0x1  }
0x2a9: {  	v16 =	vadd.s32 v1, v16;
	_ =	sdelay $0x4  }
0x2aa: {  	[tilespmem:s25], [sflag:$0x2] =	stream.indirect_vreg.gather [hbm4b:s4+s3], $0x80, v16, vm1, $0xb8;
	[tilespmem:$0x19300] =	vst v63  }
0x2ab: {  	s21 =	simm.s32 $0x9B00  }
0x2ac: {  	[tilespmem:s21], [sflag:$0x2] =	stream.indirect_vreg.gather [hbm4b:s5+s3], $0x80, v16, vm1, $0xb8;
	[tilespmem:$0x19300] =	vst v63  }
0x2ad: {  	s21 =	simm.s32 $0xA300  }
0x2ae: {  	[tilespmem:s21], [sflag:$0x2] =	stream.indirect_vreg.gather [hbm4b:s6+s3], $0x80, v16, vm1, $0xb8;
	[tilespmem:$0x19300] =	vst v63  }
0x2af: {  	s21 =	simm.s32 $0xAB00  }
0x2b0: {  	[tilespmem:s21], [sflag:$0x2] =	stream.indirect_vreg.gather [hbm4b:s7+s3], $0x80, v16, vm1, $0xb8;
	[tilespmem:$0x19300] =	vst v63  }
0x2b1: {  	s21 =	simm.s32 $0xB300  }
0x2b2: {  	[tilespmem:s21], [sflag:$0x2] =	stream.indirect_vreg.gather [hbm4b:s8+s3], $0x80, v16, vm1, $0xb8;
	[tilespmem:$0x19300] =	vst v63  }
0x2b3: {  	s21 =	simm.s32 $0xBB00  }
0x2b4: {  	[tilespmem:s21], [sflag:$0x2] =	stream.indirect_vreg.gather [hbm4b:s9+s3], $0x80, v16, vm1, $0xb8;
	[tilespmem:$0x19300] =	vst v63  }
0x2b5: {  	s21 =	simm.s32 $0xC300  }
0x2b6: {  	[tilespmem:s21], [sflag:$0x2] =	stream.indirect_vreg.gather [hbm4b:s10+s3], $0x80, v16, vm1, $0xb8;
	[tilespmem:$0x19300] =	vst v63  }
0x2b7: {  	s21 =	simm.s32 $0xCB00  }
0x2b8: {  	[tilespmem:s21], [sflag:$0x2] =	stream.indirect_vreg.gather [hbm4b:s11+s3], $0x80, v16, vm1, $0xb8;
	[tilespmem:$0x19300] =	vst v63  }
0x2b9: {  	s21 =	simm.s32 $0xD300  }
0x2ba: {  	[tilespmem:s21], [sflag:$0x2] =	stream.indirect_vreg.gather [hbm4b:s12+s3], $0x80, v16, vm1, $0xb8;
	[tilespmem:$0x19300] =	vst v63  }
0x2bb: {  	s21 =	simm.s32 $0xDB00  }
0x2bc: {  	[tilespmem:s21], [sflag:$0x2] =	stream.indirect_vreg.gather [hbm4b:s13+s3], $0x80, v16, vm1, $0xb8;
	[tilespmem:$0x19300] =	vst v63  }
0x2bd: {  	s21 =	simm.s32 $0xE300  }
0x2be: {  	[tilespmem:s21], [sflag:$0x2] =	stream.indirect_vreg.gather [hbm4b:s14+s3], $0x80, v16, vm1, $0xb8;
	[tilespmem:$0x19300] =	vst v63  }
0x2bf: {  	s21 =	simm.s32 $0xEB00  }
0x2c0: {  	[tilespmem:s21], [sflag:$0x2] =	stream.indirect_vreg.gather [hbm4b:s15+s3], $0x80, v16, vm1, $0xb8;
	[tilespmem:$0x19300] =	vst v63  }
0x2c1: {  	s21 =	simm.s32 $0xF300  }
0x2c2: {  	[tilespmem:s21], [sflag:$0x2] =	stream.indirect_vreg.gather [hbm4b:s16+s3], $0x80, v16, vm1, $0xb8;
	[tilespmem:$0x19300] =	vst v63  }
0x2c3: {  	s21 =	simm.s32 $0xFB00  }
0x2c4: {  	[tilespmem:s21], [sflag:$0x2] =	stream.indirect_vreg.gather [hbm4b:s17+s3], $0x80, v16, vm1, $0xb8;
	[tilespmem:$0x19300] =	vst v63  }
0x2c5: {  	s21 =	simm.s32 $0x10300  }
0x2c6: {  	[tilespmem:s21], [sflag:$0x2] =	stream.indirect_vreg.gather [hbm4b:s18+s3], $0x80, v16, vm1, $0xb8;
	[tilespmem:$0x19300] =	vst v63  }
0x2c7: {  	s21 =	simm.s32 $0x10B00  }
0x2c8: {  	[tilespmem:s21], [sflag:$0x2] =	stream.indirect_vreg.gather [hbm4b:s19+s3], $0x80, v16, vm1, $0xb8;
	[tilespmem:$0x19300] =	vst v63  }
0x2c9: {  	_ =	swait.ge [sflag:s1], $0x8000  }
0x2ca: {  	[sflag:s1] =	ssyncset.done $0x0  }
0x2cb: {  	s21 =	rddreg [dreg:$0x12];
	[sflag:s1] =	ssyncadd.s32 $0xFFFF8000  }
0x2cc: {  	[hbm4b:s21+s3] =	stream.linear.scatter [tilespmem:s31], [sflag:$0x6], $0x8000, $0x38;
	[tilespmem:$0x19300] =	vst v63  }
0x2cd: {  	v53 =	vld [tilespmem:$0x158];
	_ =	sdelay $0x4  }
0x2ce: {  	v54 =	vshll.u32 v53, $0x3  }
0x2cf: {  	v16 =	vand.u32 $0x7F, v53;
	v17 =	vand.u32 $0x7C00, v54  }
0x2d0: {  	v16 =	vor.u32 v17, v16  }
0x2d1: {  	v16 =	vor.u32 v2, v16;
	_ =	sdelay $0x4  }
0x2d2: {  	v16 =	vld.idx.msk [tilespmem:v16+s31+$0x0], $0xff;
	_ =	swait.ge [sflag:s2], $0x8000  }
0x2d3: {  	[sflag:s2] =	ssyncset.done $0x0  }
0x2d4: {  	[sflag:s2] =	ssyncadd.s32 $0xFFFF8000  }
0x2d5: {  	v55 =	vld.msk [tilespmem:$0x70], $0xff;
	_ =	sdelay $0x4  }
0x2d6: {  	v18 =	vshll.u32 v55, $0x5  }
0x2d7: {  	v17 =	vand.u32 $0x7, v55;
	v18 =	vand.u32 $0xFFFFFF00, v18  }
0x2d8: {  	v17 =	vor.u32 v17, v18  }
0x2d9: {  	v17 =	vperm.xlane v17, v0;
	_ =	sdelay $0x1  }
0x2da: {  	v17 =	vadd.s32 v1, v17;
	_ =	sdelay $0x4  }
0x2db: {  	[tilespmem:s31], [sflag:$0x3] =	stream.indirect_vreg.gather [hbm4b:s4+s3], $0x80, v17, vm1, $0xb8;
	[tilespmem:$0x19300] =	vst v63  }
0x2dc: {  	s21 =	simm.s32 $0x11B00  }
0x2dd: {  	[tilespmem:s21], [sflag:$0x3] =	stream.indirect_vreg.gather [hbm4b:s5+s3], $0x80, v17, vm1, $0xb8;
	[tilespmem:$0x19300] =	vst v63  }
0x2de: {  	s20 =	simm.s32 $0x12300  }
0x2df: {  	[tilespmem:s20], [sflag:$0x3] =	stream.indirect_vreg.gather [hbm4b:s6+s3], $0x80, v17, vm1, $0xb8;
	[tilespmem:$0x19300] =	vst v63  }
0x2e0: {  	s23 =	simm.s32 $0x12B00  }
0x2e1: {  	[tilespmem:s23], [sflag:$0x3] =	stream.indirect_vreg.gather [hbm4b:s7+s3], $0x80, v17, vm1, $0xb8;
	[tilespmem:$0x19300] =	vst v63  }
0x2e2: {  	s24 =	simm.s32 $0x13300  }
0x2e3: {  	[tilespmem:s24], [sflag:$0x3] =	stream.indirect_vreg.gather [hbm4b:s8+s3], $0x80, v17, vm1, $0xb8;
	[tilespmem:$0x19300] =	vst v63  }
0x2e4: {  	s22 =	simm.s32 $0x13B00  }
0x2e5: {  	[tilespmem:s22], [sflag:$0x3] =	stream.indirect_vreg.gather [hbm4b:s9+s3], $0x80, v17, vm1, $0xb8;
	[tilespmem:$0x19300] =	vst v63  }
0x2e6: {  	s21 =	simm.s32 $0x14300  }
0x2e7: {  	[tilespmem:s21], [sflag:$0x3] =	stream.indirect_vreg.gather [hbm4b:s10+s3], $0x80, v17, vm1, $0xb8;
	[tilespmem:$0x19300] =	vst v63  }
0x2e8: {  	s21 =	simm.s32 $0x14B00  }
0x2e9: {  	[tilespmem:s21], [sflag:$0x3] =	stream.indirect_vreg.gather [hbm4b:s11+s3], $0x80, v17, vm1, $0xb8;
	[tilespmem:$0x19300] =	vst v63  }
0x2ea: {  	s21 =	simm.s32 $0x15300  }
0x2eb: {  	[tilespmem:s21], [sflag:$0x3] =	stream.indirect_vreg.gather [hbm4b:s12+s3], $0x80, v17, vm1, $0xb8;
	[tilespmem:$0x19300] =	vst v63  }
0x2ec: {  	s21 =	simm.s32 $0x15B00  }
0x2ed: {  	[tilespmem:s21], [sflag:$0x3] =	stream.indirect_vreg.gather [hbm4b:s13+s3], $0x80, v17, vm1, $0xb8;
	[tilespmem:$0x19300] =	vst v63  }
0x2ee: {  	s21 =	simm.s32 $0x16300  }
0x2ef: {  	[tilespmem:s21], [sflag:$0x3] =	stream.indirect_vreg.gather [hbm4b:s14+s3], $0x80, v17, vm1, $0xb8;
	[tilespmem:$0x19300] =	vst v63  }
0x2f0: {  	s21 =	simm.s32 $0x16B00  }
0x2f1: {  	[tilespmem:s21], [sflag:$0x3] =	stream.indirect_vreg.gather [hbm4b:s15+s3], $0x80, v17, vm1, $0xb8;
	[tilespmem:$0x19300] =	vst v63  }
0x2f2: {  	s21 =	simm.s32 $0x17300  }
0x2f3: {  	[tilespmem:s21], [sflag:$0x3] =	stream.indirect_vreg.gather [hbm4b:s16+s3], $0x80, v17, vm1, $0xb8;
	[tilespmem:$0x19300] =	vst v63  }
0x2f4: {  	s21 =	simm.s32 $0x17B00  }
0x2f5: {  	[tilespmem:s21], [sflag:$0x3] =	stream.indirect_vreg.gather [hbm4b:s17+s3], $0x80, v17, vm1, $0xb8;
	[tilespmem:$0x19300] =	vst v63  }
0x2f6: {  	s21 =	simm.s32 $0x18300  }
0x2f7: {  	[tilespmem:s21], [sflag:$0x3] =	stream.indirect_vreg.gather [hbm4b:s18+s3], $0x80, v17, vm1, $0xb8;
	[tilespmem:$0x19300] =	vst v63  }
0x2f8: {  	s21 =	simm.s32 $0x18B00  }
0x2f9: {  	[tilespmem:s21], [sflag:$0x3] =	stream.indirect_vreg.gather [hbm4b:s19+s3], $0x80, v17, vm1, $0xb8;
	[tilespmem:$0x19300] =	vst v63  }
0x2fa: {  	_ =	swait.ge [sflag:s26], $0x8000  }
0x2fb: {  	[sflag:s26] =	ssyncset.done $0x0  }
0x2fc: {  	s21 =	rddreg [dreg:$0x13];
	[sflag:s26] =	ssyncadd.s32 $0xFFFF8000  }
0x2fd: {  	[hbm4b:s21+s3] =	stream.linear.scatter [tilespmem:s30], [sflag:$0x4], $0x8000, $0x38;
	[tilespmem:$0x19300] =	vst v63  }
0x2fe: {  	v56 =	vld [tilespmem:$0x160];
	_ =	sdelay $0x4  }
0x2ff: {  	v57 =	vshll.u32 v56, $0x3  }
0x300: {  	v17 =	vand.u32 $0x7F, v56;
	v18 =	vand.u32 $0x7C00, v57  }
0x301: {  	v17 =	vor.u32 v18, v17  }
0x302: {  	v17 =	vor.u32 v2, v17;
	_ =	sdelay $0x4  }
0x303: {  	v17 =	vld.idx.msk [tilespmem:v17+s30+$0x0], $0xff;
	_ =	swait.ge [sflag:s28], $0x8000  }
0x304: {  	[sflag:s28] =	ssyncset.done $0x0  }
0x305: {  	[sflag:s28] =	ssyncadd.s32 $0xFFFF8000  }
0x306: {  	v58 =	vld.msk [tilespmem:$0x78], $0xff;
	_ =	sdelay $0x4  }
0x307: {  	v19 =	vshll.u32 v58, $0x5  }
0x308: {  	v18 =	vand.u32 $0x7, v58;
	v19 =	vand.u32 $0xFFFFFF00, v19  }
0x309: {  	v18 =	vor.u32 v18, v19  }
0x30a: {  	v18 =	vperm.xlane v18, v0;
	_ =	sdelay $0x1  }
0x30b: {  	v18 =	vadd.s32 v1, v18;
	_ =	sdelay $0x4  }
0x30c: {  	[tilespmem:s30], [sflag:$0x1] =	stream.indirect_vreg.gather [hbm4b:s4+s3], $0x80, v18, vm1, $0xb8;
	[tilespmem:$0x19300] =	vst v63  }
0x30d: {  	s21 =	simm.s32 $0x1B00  }
0x30e: {  	[tilespmem:s21], [sflag:$0x1] =	stream.indirect_vreg.gather [hbm4b:s5+s3], $0x80, v18, vm1, $0xb8;
	[tilespmem:$0x19300] =	vst v63  }
0x30f: {  	s21 =	simm.s32 $0x2300  }
0x310: {  	[tilespmem:s21], [sflag:$0x1] =	stream.indirect_vreg.gather [hbm4b:s6+s3], $0x80, v18, vm1, $0xb8;
	[tilespmem:$0x19300] =	vst v63  }
0x311: {  	s21 =	simm.s32 $0x2B00  }
0x312: {  	[tilespmem:s21], [sflag:$0x1] =	stream.indirect_vreg.gather [hbm4b:s7+s3], $0x80, v18, vm1, $0xb8;
	[tilespmem:$0x19300] =	vst v63  }
0x313: {  	s21 =	simm.s32 $0x3300  }
0x314: {  	[tilespmem:s21], [sflag:$0x1] =	stream.indirect_vreg.gather [hbm4b:s8+s3], $0x80, v18, vm1, $0xb8;
	[tilespmem:$0x19300] =	vst v63  }
0x315: {  	s21 =	simm.s32 $0x3B00  }
0x316: {  	[tilespmem:s21], [sflag:$0x1] =	stream.indirect_vreg.gather [hbm4b:s9+s3], $0x80, v18, vm1, $0xb8;
	[tilespmem:$0x19300] =	vst v63  }
0x317: {  	s21 =	simm.s32 $0x4300  }
0x318: {  	[tilespmem:s21], [sflag:$0x1] =	stream.indirect_vreg.gather [hbm4b:s10+s3], $0x80, v18, vm1, $0xb8;
	[tilespmem:$0x19300] =	vst v63  }
0x319: {  	s21 =	simm.s32 $0x4B00  }
0x31a: {  	[tilespmem:s21], [sflag:$0x1] =	stream.indirect_vreg.gather [hbm4b:s11+s3], $0x80, v18, vm1, $0xb8;
	[tilespmem:$0x19300] =	vst v63  }
0x31b: {  	s21 =	simm.s32 $0x5300  }
0x31c: {  	[tilespmem:s21], [sflag:$0x1] =	stream.indirect_vreg.gather [hbm4b:s12+s3], $0x80, v18, vm1, $0xb8;
	[tilespmem:$0x19300] =	vst v63  }
0x31d: {  	s21 =	simm.s32 $0x5B00  }
0x31e: {  	[tilespmem:s21], [sflag:$0x1] =	stream.indirect_vreg.gather [hbm4b:s13+s3], $0x80, v18, vm1, $0xb8;
	[tilespmem:$0x19300] =	vst v63  }
0x31f: {  	s21 =	simm.s32 $0x6300  }
0x320: {  	[tilespmem:s21], [sflag:$0x1] =	stream.indirect_vreg.gather [hbm4b:s14+s3], $0x80, v18, vm1, $0xb8;
	[tilespmem:$0x19300] =	vst v63  }
0x321: {  	s21 =	simm.s32 $0x6B00  }
0x322: {  	[tilespmem:s21], [sflag:$0x1] =	stream.indirect_vreg.gather [hbm4b:s15+s3], $0x80, v18, vm1, $0xb8;
	[tilespmem:$0x19300] =	vst v63  }
0x323: {  	s21 =	simm.s32 $0x7300  }
0x324: {  	[tilespmem:s21], [sflag:$0x1] =	stream.indirect_vreg.gather [hbm4b:s16+s3], $0x80, v18, vm1, $0xb8;
	[tilespmem:$0x19300] =	vst v63  }
0x325: {  	s21 =	simm.s32 $0x7B00  }
0x326: {  	[tilespmem:s21], [sflag:$0x1] =	stream.indirect_vreg.gather [hbm4b:s17+s3], $0x80, v18, vm1, $0xb8;
	[tilespmem:$0x19300] =	vst v63  }
0x327: {  	s21 =	simm.s32 $0x8300  }
0x328: {  	[tilespmem:s21], [sflag:$0x1] =	stream.indirect_vreg.gather [hbm4b:s18+s3], $0x80, v18, vm1, $0xb8;
	[tilespmem:$0x19300] =	vst v63  }
0x329: {  	s21 =	simm.s32 $0x8B00  }
0x32a: {  	[tilespmem:s21], [sflag:$0x1] =	stream.indirect_vreg.gather [hbm4b:s19+s3], $0x80, v18, vm1, $0xb8;
	[tilespmem:$0x19300] =	vst v63  }
0x32b: {  	_ =	swait.ge [sflag:s29], $0x8000  }
0x32c: {  	[sflag:s29] =	ssyncset.done $0x0  }
0x32d: {  	s21 =	rddreg [dreg:$0x14];
	[sflag:s29] =	ssyncadd.s32 $0xFFFF8000  }
0x32e: {  	[hbm4b:s21+s3] =	stream.linear.scatter [tilespmem:s25], [sflag:$0x5], $0x8000, $0x38;
	[tilespmem:$0x19300] =	vst v63  }
0x32f: {  	v59 =	vld [tilespmem:$0x168];
	_ =	sdelay $0x4  }
0x330: {  	v60 =	vshll.u32 v59, $0x3  }
0x331: {  	v18 =	vand.u32 $0x7F, v59;
	v19 =	vand.u32 $0x7C00, v60  }
0x332: {  	v18 =	vor.u32 v19, v18  }
0x333: {  	v18 =	vor.u32 v2, v18;
	_ =	sdelay $0x4  }
0x334: {  	v18 =	vld.idx.msk [tilespmem:v18+s25+$0x0], $0xff;
	_ =	swait.ge [sflag:s0], $0x8000  }
0x335: {  	[sflag:s0] =	ssyncset.done $0x0  }
0x336: {  	[sflag:s0] =	ssyncadd.s32 $0xFFFF8000  }
0x337: {  	v61 =	vld.msk [tilespmem:$0x80], $0xff;
	_ =	sdelay $0x4  }
0x338: {  	v20 =	vshll.u32 v61, $0x5  }
0x339: {  	v19 =	vand.u32 $0x7, v61;
	v20 =	vand.u32 $0xFFFFFF00, v20  }
0x33a: {  	v19 =	vor.u32 v19, v20  }
0x33b: {  	v19 =	vperm.xlane v19, v0;
	_ =	sdelay $0x1  }
0x33c: {  	v19 =	vadd.s32 v1, v19;
	_ =	sdelay $0x4  }
0x33d: {  	[tilespmem:s25], [sflag:$0x2] =	stream.indirect_vreg.gather [hbm4b:s4+s3], $0x80, v19, vm1, $0xb8;
	[tilespmem:$0x19300] =	vst v63  }
0x33e: {  	s21 =	simm.s32 $0x9B00  }
0x33f: {  	[tilespmem:s21], [sflag:$0x2] =	stream.indirect_vreg.gather [hbm4b:s5+s3], $0x80, v19, vm1, $0xb8;
	[tilespmem:$0x19300] =	vst v63  }
0x340: {  	s21 =	simm.s32 $0xA300  }
0x341: {  	[tilespmem:s21], [sflag:$0x2] =	stream.indirect_vreg.gather [hbm4b:s6+s3], $0x80, v19, vm1, $0xb8;
	[tilespmem:$0x19300] =	vst v63  }
0x342: {  	s21 =	simm.s32 $0xAB00  }
0x343: {  	[tilespmem:s21], [sflag:$0x2] =	stream.indirect_vreg.gather [hbm4b:s7+s3], $0x80, v19, vm1, $0xb8;
	[tilespmem:$0x19300] =	vst v63  }
0x344: {  	s21 =	simm.s32 $0xB300  }
0x345: {  	[tilespmem:s21], [sflag:$0x2] =	stream.indirect_vreg.gather [hbm4b:s8+s3], $0x80, v19, vm1, $0xb8;
	[tilespmem:$0x19300] =	vst v63  }
0x346: {  	s21 =	simm.s32 $0xBB00  }
0x347: {  	[tilespmem:s21], [sflag:$0x2] =	stream.indirect_vreg.gather [hbm4b:s9+s3], $0x80, v19, vm1, $0xb8;
	[tilespmem:$0x19300] =	vst v63  }
0x348: {  	s21 =	simm.s32 $0xC300  }
0x349: {  	[tilespmem:s21], [sflag:$0x2] =	stream.indirect_vreg.gather [hbm4b:s10+s3], $0x80, v19, vm1, $0xb8;
	[tilespmem:$0x19300] =	vst v63  }
0x34a: {  	s21 =	simm.s32 $0xCB00  }
0x34b: {  	[tilespmem:s21], [sflag:$0x2] =	stream.indirect_vreg.gather [hbm4b:s11+s3], $0x80, v19, vm1, $0xb8;
	[tilespmem:$0x19300] =	vst v63  }
0x34c: {  	s21 =	simm.s32 $0xD300  }
0x34d: {  	[tilespmem:s21], [sflag:$0x2] =	stream.indirect_vreg.gather [hbm4b:s12+s3], $0x80, v19, vm1, $0xb8;
	[tilespmem:$0x19300] =	vst v63  }
0x34e: {  	s21 =	simm.s32 $0xDB00  }
0x34f: {  	[tilespmem:s21], [sflag:$0x2] =	stream.indirect_vreg.gather [hbm4b:s13+s3], $0x80, v19, vm1, $0xb8;
	[tilespmem:$0x19300] =	vst v63  }
0x350: {  	s21 =	simm.s32 $0xE300  }
0x351: {  	[tilespmem:s21], [sflag:$0x2] =	stream.indirect_vreg.gather [hbm4b:s14+s3], $0x80, v19, vm1, $0xb8;
	[tilespmem:$0x19300] =	vst v63  }
0x352: {  	s21 =	simm.s32 $0xEB00  }
0x353: {  	[tilespmem:s21], [sflag:$0x2] =	stream.indirect_vreg.gather [hbm4b:s15+s3], $0x80, v19, vm1, $0xb8;
	[tilespmem:$0x19300] =	vst v63  }
0x354: {  	s21 =	simm.s32 $0xF300  }
0x355: {  	[tilespmem:s21], [sflag:$0x2] =	stream.indirect_vreg.gather [hbm4b:s16+s3], $0x80, v19, vm1, $0xb8;
	[tilespmem:$0x19300] =	vst v63  }
0x356: {  	s21 =	simm.s32 $0xFB00  }
0x357: {  	[tilespmem:s21], [sflag:$0x2] =	stream.indirect_vreg.gather [hbm4b:s17+s3], $0x80, v19, vm1, $0xb8;
	[tilespmem:$0x19300] =	vst v63  }
0x358: {  	s21 =	simm.s32 $0x10300  }
0x359: {  	[tilespmem:s21], [sflag:$0x2] =	stream.indirect_vreg.gather [hbm4b:s18+s3], $0x80, v19, vm1, $0xb8;
	[tilespmem:$0x19300] =	vst v63  }
0x35a: {  	s21 =	simm.s32 $0x10B00  }
0x35b: {  	[tilespmem:s21], [sflag:$0x2] =	stream.indirect_vreg.gather [hbm4b:s19+s3], $0x80, v19, vm1, $0xb8;
	[tilespmem:$0x19300] =	vst v63  }
0x35c: {  	_ =	swait.ge [sflag:s1], $0x8000  }
0x35d: {  	[sflag:s1] =	ssyncset.done $0x0  }
0x35e: {  	s21 =	rddreg [dreg:$0x15];
	[sflag:s1] =	ssyncadd.s32 $0xFFFF8000  }
0x35f: {  	[hbm4b:s21+s3] =	stream.linear.scatter [tilespmem:s31], [sflag:$0x6], $0x8000, $0x38;
	[tilespmem:$0x19300] =	vst v63  }
0x360: {  	v62 =	vld [tilespmem:$0x170];
	_ =	sdelay $0x4  }
0x361: {  	v63 =	vshll.u32 v62, $0x3  }
0x362: {  	v19 =	vand.u32 $0x7F, v62;
	v20 =	vand.u32 $0x7C00, v63  }
0x363: {  	v19 =	vor.u32 v20, v19  }
0x364: {  	v19 =	vor.u32 v2, v19;
	_ =	sdelay $0x4  }
0x365: {  	v19 =	vld.idx.msk [tilespmem:v19+s31+$0x0], $0xff;
	_ =	swait.ge [sflag:s2], $0x8000  }
0x366: {  	[sflag:s2] =	ssyncset.done $0x0  }
0x367: {  	[sflag:s2] =	ssyncadd.s32 $0xFFFF8000  }
0x368: {  	v24 =	vld.msk [tilespmem:$0x88], $0xff;
	_ =	sdelay $0x4  }
0x369: {  	v21 =	vshll.u32 v24, $0x5  }
0x36a: {  	v20 =	vand.u32 $0x7, v24;
	v21 =	vand.u32 $0xFFFFFF00, v21  }
0x36b: {  	v20 =	vor.u32 v20, v21  }
0x36c: {  	v20 =	vperm.xlane v20, v0;
	_ =	sdelay $0x1  }
0x36d: {  	v20 =	vadd.s32 v1, v20;
	_ =	sdelay $0x4  }
0x36e: {  	[tilespmem:s31], [sflag:$0x3] =	stream.indirect_vreg.gather [hbm4b:s4+s3], $0x80, v20, vm1, $0xb8;
	[tilespmem:$0x19300] =	vst v63  }
0x36f: {  	s21 =	simm.s32 $0x11B00  }
0x370: {  	[tilespmem:s21], [sflag:$0x3] =	stream.indirect_vreg.gather [hbm4b:s5+s3], $0x80, v20, vm1, $0xb8;
	[tilespmem:$0x19300] =	vst v63  }
0x371: {  	s20 =	simm.s32 $0x12300  }
0x372: {  	[tilespmem:s20], [sflag:$0x3] =	stream.indirect_vreg.gather [hbm4b:s6+s3], $0x80, v20, vm1, $0xb8;
	[tilespmem:$0x19300] =	vst v63  }
0x373: {  	s23 =	simm.s32 $0x12B00  }
0x374: {  	[tilespmem:s23], [sflag:$0x3] =	stream.indirect_vreg.gather [hbm4b:s7+s3], $0x80, v20, vm1, $0xb8;
	[tilespmem:$0x19300] =	vst v63  }
0x375: {  	s24 =	simm.s32 $0x13300  }
0x376: {  	[tilespmem:s24], [sflag:$0x3] =	stream.indirect_vreg.gather [hbm4b:s8+s3], $0x80, v20, vm1, $0xb8;
	[tilespmem:$0x19300] =	vst v63  }
0x377: {  	s22 =	simm.s32 $0x13B00  }
0x378: {  	[tilespmem:s22], [sflag:$0x3] =	stream.indirect_vreg.gather [hbm4b:s9+s3], $0x80, v20, vm1, $0xb8;
	[tilespmem:$0x19300] =	vst v63  }
0x379: {  	s21 =	simm.s32 $0x14300  }
0x37a: {  	[tilespmem:s21], [sflag:$0x3] =	stream.indirect_vreg.gather [hbm4b:s10+s3], $0x80, v20, vm1, $0xb8;
	[tilespmem:$0x19300] =	vst v63  }
0x37b: {  	s21 =	simm.s32 $0x14B00  }
0x37c: {  	[tilespmem:s21], [sflag:$0x3] =	stream.indirect_vreg.gather [hbm4b:s11+s3], $0x80, v20, vm1, $0xb8;
	[tilespmem:$0x19300] =	vst v63  }
0x37d: {  	s21 =	simm.s32 $0x15300  }
0x37e: {  	[tilespmem:s21], [sflag:$0x3] =	stream.indirect_vreg.gather [hbm4b:s12+s3], $0x80, v20, vm1, $0xb8;
	[tilespmem:$0x19300] =	vst v63  }
0x37f: {  	s21 =	simm.s32 $0x15B00  }
0x380: {  	[tilespmem:s21], [sflag:$0x3] =	stream.indirect_vreg.gather [hbm4b:s13+s3], $0x80, v20, vm1, $0xb8;
	[tilespmem:$0x19300] =	vst v63  }
0x381: {  	s21 =	simm.s32 $0x16300  }
0x382: {  	[tilespmem:s21], [sflag:$0x3] =	stream.indirect_vreg.gather [hbm4b:s14+s3], $0x80, v20, vm1, $0xb8;
	[tilespmem:$0x19300] =	vst v63  }
0x383: {  	s21 =	simm.s32 $0x16B00  }
0x384: {  	[tilespmem:s21], [sflag:$0x3] =	stream.indirect_vreg.gather [hbm4b:s15+s3], $0x80, v20, vm1, $0xb8;
	[tilespmem:$0x19300] =	vst v63  }
0x385: {  	s21 =	simm.s32 $0x17300  }
0x386: {  	[tilespmem:s21], [sflag:$0x3] =	stream.indirect_vreg.gather [hbm4b:s16+s3], $0x80, v20, vm1, $0xb8;
	[tilespmem:$0x19300] =	vst v63  }
0x387: {  	s21 =	simm.s32 $0x17B00  }
0x388: {  	[tilespmem:s21], [sflag:$0x3] =	stream.indirect_vreg.gather [hbm4b:s17+s3], $0x80, v20, vm1, $0xb8;
	[tilespmem:$0x19300] =	vst v63  }
0x389: {  	s21 =	simm.s32 $0x18300  }
0x38a: {  	[tilespmem:s21], [sflag:$0x3] =	stream.indirect_vreg.gather [hbm4b:s18+s3], $0x80, v20, vm1, $0xb8;
	[tilespmem:$0x19300] =	vst v63  }
0x38b: {  	s21 =	simm.s32 $0x18B00  }
0x38c: {  	[tilespmem:s21], [sflag:$0x3] =	stream.indirect_vreg.gather [hbm4b:s19+s3], $0x80, v20, vm1, $0xb8;
	[tilespmem:$0x19300] =	vst v63  }
0x38d: {  	_ =	swait.ge [sflag:s26], $0x8000  }
0x38e: {  	[sflag:s26] =	ssyncset.done $0x0  }
0x38f: {  	s21 =	rddreg [dreg:$0x16];
	[sflag:s26] =	ssyncadd.s32 $0xFFFF8000  }
0x390: {  	[hbm4b:s21+s3] =	stream.linear.scatter [tilespmem:s30], [sflag:$0x4], $0x8000, $0x38;
	[tilespmem:$0x19300] =	vst v63  }
0x391: {  	v25 =	vld [tilespmem:$0x178];
	_ =	sdelay $0x4  }
0x392: {  	v26 =	vshll.u32 v25, $0x3  }
0x393: {  	v20 =	vand.u32 $0x7F, v25;
	v21 =	vand.u32 $0x7C00, v26  }
0x394: {  	v20 =	vor.u32 v21, v20  }
0x395: {  	v20 =	vor.u32 v2, v20;
	_ =	sdelay $0x4  }
0x396: {  	v20 =	vld.idx.msk [tilespmem:v20+s30+$0x0], $0xff;
	_ =	swait.ge [sflag:s28], $0x8000  }
0x397: {  	[sflag:s28] =	ssyncset.done $0x0  }
0x398: {  	[sflag:s28] =	ssyncadd.s32 $0xFFFF8000  }
0x399: {  	v27 =	vld.msk [tilespmem:$0x90], $0xff;
	_ =	sdelay $0x4  }
0x39a: {  	v22 =	vshll.u32 v27, $0x5  }
0x39b: {  	v21 =	vand.u32 $0x7, v27;
	v22 =	vand.u32 $0xFFFFFF00, v22  }
0x39c: {  	v21 =	vor.u32 v21, v22  }
0x39d: {  	v21 =	vperm.xlane v21, v0;
	_ =	sdelay $0x1  }
0x39e: {  	v21 =	vadd.s32 v1, v21;
	_ =	sdelay $0x4  }
0x39f: {  	[tilespmem:s30], [sflag:$0x1] =	stream.indirect_vreg.gather [hbm4b:s4+s3], $0x80, v21, vm1, $0xb8;
	[tilespmem:$0x19300] =	vst v63  }
0x3a0: {  	s21 =	simm.s32 $0x1B00  }
0x3a1: {  	[tilespmem:s21], [sflag:$0x1] =	stream.indirect_vreg.gather [hbm4b:s5+s3], $0x80, v21, vm1, $0xb8;
	[tilespmem:$0x19300] =	vst v63  }
0x3a2: {  	s21 =	simm.s32 $0x2300  }
0x3a3: {  	[tilespmem:s21], [sflag:$0x1] =	stream.indirect_vreg.gather [hbm4b:s6+s3], $0x80, v21, vm1, $0xb8;
	[tilespmem:$0x19300] =	vst v63  }
0x3a4: {  	s21 =	simm.s32 $0x2B00  }
0x3a5: {  	[tilespmem:s21], [sflag:$0x1] =	stream.indirect_vreg.gather [hbm4b:s7+s3], $0x80, v21, vm1, $0xb8;
	[tilespmem:$0x19300] =	vst v63  }
0x3a6: {  	s21 =	simm.s32 $0x3300  }
0x3a7: {  	[tilespmem:s21], [sflag:$0x1] =	stream.indirect_vreg.gather [hbm4b:s8+s3], $0x80, v21, vm1, $0xb8;
	[tilespmem:$0x19300] =	vst v63  }
0x3a8: {  	s21 =	simm.s32 $0x3B00  }
0x3a9: {  	[tilespmem:s21], [sflag:$0x1] =	stream.indirect_vreg.gather [hbm4b:s9+s3], $0x80, v21, vm1, $0xb8;
	[tilespmem:$0x19300] =	vst v63  }
0x3aa: {  	s21 =	simm.s32 $0x4300  }
0x3ab: {  	[tilespmem:s21], [sflag:$0x1] =	stream.indirect_vreg.gather [hbm4b:s10+s3], $0x80, v21, vm1, $0xb8;
	[tilespmem:$0x19300] =	vst v63  }
0x3ac: {  	s21 =	simm.s32 $0x4B00  }
0x3ad: {  	[tilespmem:s21], [sflag:$0x1] =	stream.indirect_vreg.gather [hbm4b:s11+s3], $0x80, v21, vm1, $0xb8;
	[tilespmem:$0x19300] =	vst v63  }
0x3ae: {  	s21 =	simm.s32 $0x5300  }
0x3af: {  	[tilespmem:s21], [sflag:$0x1] =	stream.indirect_vreg.gather [hbm4b:s12+s3], $0x80, v21, vm1, $0xb8;
	[tilespmem:$0x19300] =	vst v63  }
0x3b0: {  	s21 =	simm.s32 $0x5B00  }
0x3b1: {  	[tilespmem:s21], [sflag:$0x1] =	stream.indirect_vreg.gather [hbm4b:s13+s3], $0x80, v21, vm1, $0xb8;
	[tilespmem:$0x19300] =	vst v63  }
0x3b2: {  	s21 =	simm.s32 $0x6300  }
0x3b3: {  	[tilespmem:s21], [sflag:$0x1] =	stream.indirect_vreg.gather [hbm4b:s14+s3], $0x80, v21, vm1, $0xb8;
	[tilespmem:$0x19300] =	vst v63  }
0x3b4: {  	s21 =	simm.s32 $0x6B00  }
0x3b5: {  	[tilespmem:s21], [sflag:$0x1] =	stream.indirect_vreg.gather [hbm4b:s15+s3], $0x80, v21, vm1, $0xb8;
	[tilespmem:$0x19300] =	vst v63  }
0x3b6: {  	s21 =	simm.s32 $0x7300  }
0x3b7: {  	[tilespmem:s21], [sflag:$0x1] =	stream.indirect_vreg.gather [hbm4b:s16+s3], $0x80, v21, vm1, $0xb8;
	[tilespmem:$0x19300] =	vst v63  }
0x3b8: {  	s21 =	simm.s32 $0x7B00  }
0x3b9: {  	[tilespmem:s21], [sflag:$0x1] =	stream.indirect_vreg.gather [hbm4b:s17+s3], $0x80, v21, vm1, $0xb8;
	[tilespmem:$0x19300] =	vst v63  }
0x3ba: {  	s21 =	simm.s32 $0x8300  }
0x3bb: {  	[tilespmem:s21], [sflag:$0x1] =	stream.indirect_vreg.gather [hbm4b:s18+s3], $0x80, v21, vm1, $0xb8;
	[tilespmem:$0x19300] =	vst v63  }
0x3bc: {  	s21 =	simm.s32 $0x8B00  }
0x3bd: {  	[tilespmem:s21], [sflag:$0x1] =	stream.indirect_vreg.gather [hbm4b:s19+s3], $0x80, v21, vm1, $0xb8;
	[tilespmem:$0x19300] =	vst v63  }
0x3be: {  	_ =	swait.ge [sflag:s29], $0x8000  }
0x3bf: {  	[sflag:s29] =	ssyncset.done $0x0  }
0x3c0: {  	s21 =	rddreg [dreg:$0x17];
	[sflag:s29] =	ssyncadd.s32 $0xFFFF8000  }
0x3c1: {  	[hbm4b:s21+s3] =	stream.linear.scatter [tilespmem:s25], [sflag:$0x5], $0x8000, $0x38;
	[tilespmem:$0x19300] =	vst v63  }
0x3c2: {  	v28 =	vld [tilespmem:$0x180];
	_ =	sdelay $0x4  }
0x3c3: {  	v29 =	vshll.u32 v28, $0x3  }
0x3c4: {  	v21 =	vand.u32 $0x7F, v28;
	v22 =	vand.u32 $0x7C00, v29  }
0x3c5: {  	v21 =	vor.u32 v22, v21  }
0x3c6: {  	v21 =	vor.u32 v2, v21;
	_ =	sdelay $0x4  }
0x3c7: {  	v21 =	vld.idx.msk [tilespmem:v21+s25+$0x0], $0xff;
	_ =	swait.ge [sflag:s0], $0x8000  }
0x3c8: {  	[sflag:s0] =	ssyncset.done $0x0  }
0x3c9: {  	[sflag:s0] =	ssyncadd.s32 $0xFFFF8000  }
0x3ca: {  	v30 =	vld.msk [tilespmem:$0x98], $0xff;
	_ =	sdelay $0x4  }
0x3cb: {  	v23 =	vshll.u32 v30, $0x5  }
0x3cc: {  	v22 =	vand.u32 $0x7, v30;
	v23 =	vand.u32 $0xFFFFFF00, v23  }
0x3cd: {  	v22 =	vor.u32 v22, v23  }
0x3ce: {  	v22 =	vperm.xlane v22, v0;
	_ =	sdelay $0x1  }
0x3cf: {  	v22 =	vadd.s32 v1, v22;
	_ =	sdelay $0x4  }
0x3d0: {  	[tilespmem:s25], [sflag:$0x2] =	stream.indirect_vreg.gather [hbm4b:s4+s3], $0x80, v22, vm1, $0xb8;
	[tilespmem:$0x19300] =	vst v63  }
0x3d1: {  	s21 =	simm.s32 $0x9B00  }
0x3d2: {  	[tilespmem:s21], [sflag:$0x2] =	stream.indirect_vreg.gather [hbm4b:s5+s3], $0x80, v22, vm1, $0xb8;
	[tilespmem:$0x19300] =	vst v63  }
0x3d3: {  	s21 =	simm.s32 $0xA300  }
0x3d4: {  	[tilespmem:s21], [sflag:$0x2] =	stream.indirect_vreg.gather [hbm4b:s6+s3], $0x80, v22, vm1, $0xb8;
	[tilespmem:$0x19300] =	vst v63  }
0x3d5: {  	s21 =	simm.s32 $0xAB00  }
0x3d6: {  	[tilespmem:s21], [sflag:$0x2] =	stream.indirect_vreg.gather [hbm4b:s7+s3], $0x80, v22, vm1, $0xb8;
	[tilespmem:$0x19300] =	vst v63  }
0x3d7: {  	s21 =	simm.s32 $0xB300  }
0x3d8: {  	[tilespmem:s21], [sflag:$0x2] =	stream.indirect_vreg.gather [hbm4b:s8+s3], $0x80, v22, vm1, $0xb8;
	[tilespmem:$0x19300] =	vst v63  }
0x3d9: {  	s21 =	simm.s32 $0xBB00  }
0x3da: {  	[tilespmem:s21], [sflag:$0x2] =	stream.indirect_vreg.gather [hbm4b:s9+s3], $0x80, v22, vm1, $0xb8;
	[tilespmem:$0x19300] =	vst v63  }
0x3db: {  	s21 =	simm.s32 $0xC300  }
0x3dc: {  	[tilespmem:s21], [sflag:$0x2] =	stream.indirect_vreg.gather [hbm4b:s10+s3], $0x80, v22, vm1, $0xb8;
	[tilespmem:$0x19300] =	vst v63  }
0x3dd: {  	s21 =	simm.s32 $0xCB00  }
0x3de: {  	[tilespmem:s21], [sflag:$0x2] =	stream.indirect_vreg.gather [hbm4b:s11+s3], $0x80, v22, vm1, $0xb8;
	[tilespmem:$0x19300] =	vst v63  }
0x3df: {  	s21 =	simm.s32 $0xD300  }
0x3e0: {  	[tilespmem:s21], [sflag:$0x2] =	stream.indirect_vreg.gather [hbm4b:s12+s3], $0x80, v22, vm1, $0xb8;
	[tilespmem:$0x19300] =	vst v63  }
0x3e1: {  	s21 =	simm.s32 $0xDB00  }
0x3e2: {  	[tilespmem:s21], [sflag:$0x2] =	stream.indirect_vreg.gather [hbm4b:s13+s3], $0x80, v22, vm1, $0xb8;
	[tilespmem:$0x19300] =	vst v63  }
0x3e3: {  	s21 =	simm.s32 $0xE300  }
0x3e4: {  	[tilespmem:s21], [sflag:$0x2] =	stream.indirect_vreg.gather [hbm4b:s14+s3], $0x80, v22, vm1, $0xb8;
	[tilespmem:$0x19300] =	vst v63  }
0x3e5: {  	s21 =	simm.s32 $0xEB00  }
0x3e6: {  	[tilespmem:s21], [sflag:$0x2] =	stream.indirect_vreg.gather [hbm4b:s15+s3], $0x80, v22, vm1, $0xb8;
	[tilespmem:$0x19300] =	vst v63  }
0x3e7: {  	s21 =	simm.s32 $0xF300  }
0x3e8: {  	[tilespmem:s21], [sflag:$0x2] =	stream.indirect_vreg.gather [hbm4b:s16+s3], $0x80, v22, vm1, $0xb8;
	[tilespmem:$0x19300] =	vst v63  }
0x3e9: {  	s21 =	simm.s32 $0xFB00  }
0x3ea: {  	[tilespmem:s21], [sflag:$0x2] =	stream.indirect_vreg.gather [hbm4b:s17+s3], $0x80, v22, vm1, $0xb8;
	[tilespmem:$0x19300] =	vst v63  }
0x3eb: {  	s21 =	simm.s32 $0x10300  }
0x3ec: {  	[tilespmem:s21], [sflag:$0x2] =	stream.indirect_vreg.gather [hbm4b:s18+s3], $0x80, v22, vm1, $0xb8;
	[tilespmem:$0x19300] =	vst v63  }
0x3ed: {  	s21 =	simm.s32 $0x10B00  }
0x3ee: {  	[tilespmem:s21], [sflag:$0x2] =	stream.indirect_vreg.gather [hbm4b:s19+s3], $0x80, v22, vm1, $0xb8;
	[tilespmem:$0x19300] =	vst v63  }
0x3ef: {  	_ =	swait.ge [sflag:s1], $0x8000  }
0x3f0: {  	[sflag:s1] =	ssyncset.done $0x0  }
0x3f1: {  	s21 =	rddreg [dreg:$0x18];
	[sflag:s1] =	ssyncadd.s32 $0xFFFF8000  }
0x3f2: {  	[hbm4b:s21+s3] =	stream.linear.scatter [tilespmem:s31], [sflag:$0x6], $0x8000, $0x38;
	[tilespmem:$0x19300] =	vst v63  }
0x3f3: {  	v31 =	vld [tilespmem:$0x188];
	_ =	sdelay $0x4  }
0x3f4: {  	v32 =	vshll.u32 v31, $0x3  }
0x3f5: {  	v22 =	vand.u32 $0x7F, v31;
	v23 =	vand.u32 $0x7C00, v32  }
0x3f6: {  	v22 =	vor.u32 v23, v22  }
0x3f7: {  	v22 =	vor.u32 v2, v22;
	_ =	sdelay $0x4  }
0x3f8: {  	v22 =	vld.idx.msk [tilespmem:v22+s31+$0x0], $0xff;
	_ =	swait.ge [sflag:s2], $0x8000  }
0x3f9: {  	[sflag:s2] =	ssyncset.done $0x0  }
0x3fa: {  	[sflag:s2] =	ssyncadd.s32 $0xFFFF8000  }
0x3fb: {  	v33 =	vld.msk [tilespmem:$0xA0], $0xff;
	_ =	sdelay $0x4  }
0x3fc: {  	v24 =	vshll.u32 v33, $0x5  }
0x3fd: {  	v23 =	vand.u32 $0x7, v33;
	v24 =	vand.u32 $0xFFFFFF00, v24  }
0x3fe: {  	v23 =	vor.u32 v23, v24  }
0x3ff: {  	v23 =	vperm.xlane v23, v0;
	_ =	sdelay $0x1  }
0x400: {  	v23 =	vadd.s32 v1, v23;
	_ =	sdelay $0x4  }
0x401: {  	[tilespmem:s31], [sflag:$0x3] =	stream.indirect_vreg.gather [hbm4b:s4+s3], $0x80, v23, vm1, $0xb8;
	[tilespmem:$0x19300] =	vst v63  }
0x402: {  	s21 =	simm.s32 $0x11B00  }
0x403: {  	[tilespmem:s21], [sflag:$0x3] =	stream.indirect_vreg.gather [hbm4b:s5+s3], $0x80, v23, vm1, $0xb8;
	[tilespmem:$0x19300] =	vst v63  }
0x404: {  	s20 =	simm.s32 $0x12300  }
0x405: {  	[tilespmem:s20], [sflag:$0x3] =	stream.indirect_vreg.gather [hbm4b:s6+s3], $0x80, v23, vm1, $0xb8;
	[tilespmem:$0x19300] =	vst v63  }
0x406: {  	s23 =	simm.s32 $0x12B00  }
0x407: {  	[tilespmem:s23], [sflag:$0x3] =	stream.indirect_vreg.gather [hbm4b:s7+s3], $0x80, v23, vm1, $0xb8;
	[tilespmem:$0x19300] =	vst v63  }
0x408: {  	s24 =	simm.s32 $0x13300  }
0x409: {  	[tilespmem:s24], [sflag:$0x3] =	stream.indirect_vreg.gather [hbm4b:s8+s3], $0x80, v23, vm1, $0xb8;
	[tilespmem:$0x19300] =	vst v63  }
0x40a: {  	s22 =	simm.s32 $0x13B00  }
0x40b: {  	[tilespmem:s22], [sflag:$0x3] =	stream.indirect_vreg.gather [hbm4b:s9+s3], $0x80, v23, vm1, $0xb8;
	[tilespmem:$0x19300] =	vst v63  }
0x40c: {  	s21 =	simm.s32 $0x14300  }
0x40d: {  	[tilespmem:s21], [sflag:$0x3] =	stream.indirect_vreg.gather [hbm4b:s10+s3], $0x80, v23, vm1, $0xb8;
	[tilespmem:$0x19300] =	vst v63  }
0x40e: {  	s21 =	simm.s32 $0x14B00  }
0x40f: {  	[tilespmem:s21], [sflag:$0x3] =	stream.indirect_vreg.gather [hbm4b:s11+s3], $0x80, v23, vm1, $0xb8;
	[tilespmem:$0x19300] =	vst v63  }
0x410: {  	s21 =	simm.s32 $0x15300  }
0x411: {  	[tilespmem:s21], [sflag:$0x3] =	stream.indirect_vreg.gather [hbm4b:s12+s3], $0x80, v23, vm1, $0xb8;
	[tilespmem:$0x19300] =	vst v63  }
0x412: {  	s21 =	simm.s32 $0x15B00  }
0x413: {  	[tilespmem:s21], [sflag:$0x3] =	stream.indirect_vreg.gather [hbm4b:s13+s3], $0x80, v23, vm1, $0xb8;
	[tilespmem:$0x19300] =	vst v63  }
0x414: {  	s21 =	simm.s32 $0x16300  }
0x415: {  	[tilespmem:s21], [sflag:$0x3] =	stream.indirect_vreg.gather [hbm4b:s14+s3], $0x80, v23, vm1, $0xb8;
	[tilespmem:$0x19300] =	vst v63  }
0x416: {  	s21 =	simm.s32 $0x16B00  }
0x417: {  	[tilespmem:s21], [sflag:$0x3] =	stream.indirect_vreg.gather [hbm4b:s15+s3], $0x80, v23, vm1, $0xb8;
	[tilespmem:$0x19300] =	vst v63  }
0x418: {  	s21 =	simm.s32 $0x17300  }
0x419: {  	[tilespmem:s21], [sflag:$0x3] =	stream.indirect_vreg.gather [hbm4b:s16+s3], $0x80, v23, vm1, $0xb8;
	[tilespmem:$0x19300] =	vst v63  }
0x41a: {  	s21 =	simm.s32 $0x17B00  }
0x41b: {  	[tilespmem:s21], [sflag:$0x3] =	stream.indirect_vreg.gather [hbm4b:s17+s3], $0x80, v23, vm1, $0xb8;
	[tilespmem:$0x19300] =	vst v63  }
0x41c: {  	s21 =	simm.s32 $0x18300  }
0x41d: {  	[tilespmem:s21], [sflag:$0x3] =	stream.indirect_vreg.gather [hbm4b:s18+s3], $0x80, v23, vm1, $0xb8;
	[tilespmem:$0x19300] =	vst v63  }
0x41e: {  	s21 =	simm.s32 $0x18B00  }
0x41f: {  	[tilespmem:s21], [sflag:$0x3] =	stream.indirect_vreg.gather [hbm4b:s19+s3], $0x80, v23, vm1, $0xb8;
	[tilespmem:$0x19300] =	vst v63  }
0x420: {  	_ =	swait.ge [sflag:s26], $0x8000  }
0x421: {  	[sflag:s26] =	ssyncset.done $0x0  }
0x422: {  	s21 =	rddreg [dreg:$0x19];
	[sflag:s26] =	ssyncadd.s32 $0xFFFF8000  }
0x423: {  	[hbm4b:s21+s3] =	stream.linear.scatter [tilespmem:s30], [sflag:$0x4], $0x8000, $0x38;
	[tilespmem:$0x19300] =	vst v63  }
0x424: {  	v34 =	vld [tilespmem:$0x190];
	_ =	sdelay $0x4  }
0x425: {  	v35 =	vshll.u32 v34, $0x3  }
0x426: {  	v23 =	vand.u32 $0x7F, v34;
	v24 =	vand.u32 $0x7C00, v35  }
0x427: {  	v23 =	vor.u32 v24, v23  }
0x428: {  	v23 =	vor.u32 v2, v23;
	_ =	sdelay $0x4  }
0x429: {  	v23 =	vld.idx.msk [tilespmem:v23+s30+$0x0], $0xff;
	_ =	swait.ge [sflag:s28], $0x8000  }
0x42a: {  	[sflag:s28] =	ssyncset.done $0x0  }
0x42b: {  	[sflag:s28] =	ssyncadd.s32 $0xFFFF8000  }
0x42c: {  	v36 =	vld.msk [tilespmem:$0xA8], $0xff;
	_ =	sdelay $0x4  }
0x42d: {  	v25 =	vshll.u32 v36, $0x5  }
0x42e: {  	v24 =	vand.u32 $0x7, v36;
	v25 =	vand.u32 $0xFFFFFF00, v25  }
0x42f: {  	v24 =	vor.u32 v24, v25  }
0x430: {  	v24 =	vperm.xlane v24, v0;
	_ =	sdelay $0x1  }
0x431: {  	v24 =	vadd.s32 v1, v24;
	_ =	sdelay $0x4  }
0x432: {  	[tilespmem:s30], [sflag:$0x1] =	stream.indirect_vreg.gather [hbm4b:s4+s3], $0x80, v24, vm1, $0xb8;
	[tilespmem:$0x19300] =	vst v63  }
0x433: {  	s21 =	simm.s32 $0x1B00  }
0x434: {  	[tilespmem:s21], [sflag:$0x1] =	stream.indirect_vreg.gather [hbm4b:s5+s3], $0x80, v24, vm1, $0xb8;
	[tilespmem:$0x19300] =	vst v63  }
0x435: {  	s21 =	simm.s32 $0x2300  }
0x436: {  	[tilespmem:s21], [sflag:$0x1] =	stream.indirect_vreg.gather [hbm4b:s6+s3], $0x80, v24, vm1, $0xb8;
	[tilespmem:$0x19300] =	vst v63  }
0x437: {  	s21 =	simm.s32 $0x2B00  }
0x438: {  	[tilespmem:s21], [sflag:$0x1] =	stream.indirect_vreg.gather [hbm4b:s7+s3], $0x80, v24, vm1, $0xb8;
	[tilespmem:$0x19300] =	vst v63  }
0x439: {  	s21 =	simm.s32 $0x3300  }
0x43a: {  	[tilespmem:s21], [sflag:$0x1] =	stream.indirect_vreg.gather [hbm4b:s8+s3], $0x80, v24, vm1, $0xb8;
	[tilespmem:$0x19300] =	vst v63  }
0x43b: {  	s21 =	simm.s32 $0x3B00  }
0x43c: {  	[tilespmem:s21], [sflag:$0x1] =	stream.indirect_vreg.gather [hbm4b:s9+s3], $0x80, v24, vm1, $0xb8;
	[tilespmem:$0x19300] =	vst v63  }
0x43d: {  	s21 =	simm.s32 $0x4300  }
0x43e: {  	[tilespmem:s21], [sflag:$0x1] =	stream.indirect_vreg.gather [hbm4b:s10+s3], $0x80, v24, vm1, $0xb8;
	[tilespmem:$0x19300] =	vst v63  }
0x43f: {  	s21 =	simm.s32 $0x4B00  }
0x440: {  	[tilespmem:s21], [sflag:$0x1] =	stream.indirect_vreg.gather [hbm4b:s11+s3], $0x80, v24, vm1, $0xb8;
	[tilespmem:$0x19300] =	vst v63  }
0x441: {  	s21 =	simm.s32 $0x5300  }
0x442: {  	[tilespmem:s21], [sflag:$0x1] =	stream.indirect_vreg.gather [hbm4b:s12+s3], $0x80, v24, vm1, $0xb8;
	[tilespmem:$0x19300] =	vst v63  }
0x443: {  	s21 =	simm.s32 $0x5B00  }
0x444: {  	[tilespmem:s21], [sflag:$0x1] =	stream.indirect_vreg.gather [hbm4b:s13+s3], $0x80, v24, vm1, $0xb8;
	[tilespmem:$0x19300] =	vst v63  }
0x445: {  	s21 =	simm.s32 $0x6300  }
0x446: {  	[tilespmem:s21], [sflag:$0x1] =	stream.indirect_vreg.gather [hbm4b:s14+s3], $0x80, v24, vm1, $0xb8;
	[tilespmem:$0x19300] =	vst v63  }
0x447: {  	s21 =	simm.s32 $0x6B00  }
0x448: {  	[tilespmem:s21], [sflag:$0x1] =	stream.indirect_vreg.gather [hbm4b:s15+s3], $0x80, v24, vm1, $0xb8;
	[tilespmem:$0x19300] =	vst v63  }
0x449: {  	s21 =	simm.s32 $0x7300  }
0x44a: {  	[tilespmem:s21], [sflag:$0x1] =	stream.indirect_vreg.gather [hbm4b:s16+s3], $0x80, v24, vm1, $0xb8;
	[tilespmem:$0x19300] =	vst v63  }
0x44b: {  	s21 =	simm.s32 $0x7B00  }
0x44c: {  	[tilespmem:s21], [sflag:$0x1] =	stream.indirect_vreg.gather [hbm4b:s17+s3], $0x80, v24, vm1, $0xb8;
	[tilespmem:$0x19300] =	vst v63  }
0x44d: {  	s21 =	simm.s32 $0x8300  }
0x44e: {  	[tilespmem:s21], [sflag:$0x1] =	stream.indirect_vreg.gather [hbm4b:s18+s3], $0x80, v24, vm1, $0xb8;
	[tilespmem:$0x19300] =	vst v63  }
0x44f: {  	s21 =	simm.s32 $0x8B00  }
0x450: {  	[tilespmem:s21], [sflag:$0x1] =	stream.indirect_vreg.gather [hbm4b:s19+s3], $0x80, v24, vm1, $0xb8;
	[tilespmem:$0x19300] =	vst v63  }
0x451: {  	_ =	swait.ge [sflag:s29], $0x8000  }
0x452: {  	[sflag:s29] =	ssyncset.done $0x0  }
0x453: {  	s21 =	rddreg [dreg:$0x1a];
	[sflag:s29] =	ssyncadd.s32 $0xFFFF8000  }
0x454: {  	[hbm4b:s21+s3] =	stream.linear.scatter [tilespmem:s25], [sflag:$0x5], $0x8000, $0x38;
	[tilespmem:$0x19300] =	vst v63  }
0x455: {  	v37 =	vld [tilespmem:$0x198];
	_ =	sdelay $0x4  }
0x456: {  	v38 =	vshll.u32 v37, $0x3  }
0x457: {  	v24 =	vand.u32 $0x7F, v37;
	v25 =	vand.u32 $0x7C00, v38  }
0x458: {  	v24 =	vor.u32 v25, v24  }
0x459: {  	v24 =	vor.u32 v2, v24;
	_ =	sdelay $0x4  }
0x45a: {  	v24 =	vld.idx.msk [tilespmem:v24+s25+$0x0], $0xff;
	_ =	swait.ge [sflag:s0], $0x8000  }
0x45b: {  	[sflag:s0] =	ssyncset.done $0x0  }
0x45c: {  	[sflag:s0] =	ssyncadd.s32 $0xFFFF8000  }
0x45d: {  	v39 =	vld.msk [tilespmem:$0xB0], $0xff;
	_ =	sdelay $0x4  }
0x45e: {  	v26 =	vshll.u32 v39, $0x5  }
0x45f: {  	v25 =	vand.u32 $0x7, v39;
	v26 =	vand.u32 $0xFFFFFF00, v26  }
0x460: {  	v25 =	vor.u32 v25, v26  }
0x461: {  	v25 =	vperm.xlane v25, v0;
	_ =	sdelay $0x1  }
0x462: {  	v25 =	vadd.s32 v1, v25;
	_ =	sdelay $0x4  }
0x463: {  	[tilespmem:s25], [sflag:$0x2] =	stream.indirect_vreg.gather [hbm4b:s4+s3], $0x80, v25, vm1, $0xb8;
	[tilespmem:$0x19300] =	vst v63  }
0x464: {  	s21 =	simm.s32 $0x9B00  }
0x465: {  	[tilespmem:s21], [sflag:$0x2] =	stream.indirect_vreg.gather [hbm4b:s5+s3], $0x80, v25, vm1, $0xb8;
	[tilespmem:$0x19300] =	vst v63  }
0x466: {  	s21 =	simm.s32 $0xA300  }
0x467: {  	[tilespmem:s21], [sflag:$0x2] =	stream.indirect_vreg.gather [hbm4b:s6+s3], $0x80, v25, vm1, $0xb8;
	[tilespmem:$0x19300] =	vst v63  }
0x468: {  	s21 =	simm.s32 $0xAB00  }
0x469: {  	[tilespmem:s21], [sflag:$0x2] =	stream.indirect_vreg.gather [hbm4b:s7+s3], $0x80, v25, vm1, $0xb8;
	[tilespmem:$0x19300] =	vst v63  }
0x46a: {  	s21 =	simm.s32 $0xB300  }
0x46b: {  	[tilespmem:s21], [sflag:$0x2] =	stream.indirect_vreg.gather [hbm4b:s8+s3], $0x80, v25, vm1, $0xb8;
	[tilespmem:$0x19300] =	vst v63  }
0x46c: {  	s21 =	simm.s32 $0xBB00  }
0x46d: {  	[tilespmem:s21], [sflag:$0x2] =	stream.indirect_vreg.gather [hbm4b:s9+s3], $0x80, v25, vm1, $0xb8;
	[tilespmem:$0x19300] =	vst v63  }
0x46e: {  	s21 =	simm.s32 $0xC300  }
0x46f: {  	[tilespmem:s21], [sflag:$0x2] =	stream.indirect_vreg.gather [hbm4b:s10+s3], $0x80, v25, vm1, $0xb8;
	[tilespmem:$0x19300] =	vst v63  }
0x470: {  	s21 =	simm.s32 $0xCB00  }
0x471: {  	[tilespmem:s21], [sflag:$0x2] =	stream.indirect_vreg.gather [hbm4b:s11+s3], $0x80, v25, vm1, $0xb8;
	[tilespmem:$0x19300] =	vst v63  }
0x472: {  	s21 =	simm.s32 $0xD300  }
0x473: {  	[tilespmem:s21], [sflag:$0x2] =	stream.indirect_vreg.gather [hbm4b:s12+s3], $0x80, v25, vm1, $0xb8;
	[tilespmem:$0x19300] =	vst v63  }
0x474: {  	s21 =	simm.s32 $0xDB00  }
0x475: {  	[tilespmem:s21], [sflag:$0x2] =	stream.indirect_vreg.gather [hbm4b:s13+s3], $0x80, v25, vm1, $0xb8;
	[tilespmem:$0x19300] =	vst v63  }
0x476: {  	s21 =	simm.s32 $0xE300  }
0x477: {  	[tilespmem:s21], [sflag:$0x2] =	stream.indirect_vreg.gather [hbm4b:s14+s3], $0x80, v25, vm1, $0xb8;
	[tilespmem:$0x19300] =	vst v63  }
0x478: {  	s21 =	simm.s32 $0xEB00  }
0x479: {  	[tilespmem:s21], [sflag:$0x2] =	stream.indirect_vreg.gather [hbm4b:s15+s3], $0x80, v25, vm1, $0xb8;
	[tilespmem:$0x19300] =	vst v63  }
0x47a: {  	s21 =	simm.s32 $0xF300  }
0x47b: {  	[tilespmem:s21], [sflag:$0x2] =	stream.indirect_vreg.gather [hbm4b:s16+s3], $0x80, v25, vm1, $0xb8;
	[tilespmem:$0x19300] =	vst v63  }
0x47c: {  	s21 =	simm.s32 $0xFB00  }
0x47d: {  	[tilespmem:s21], [sflag:$0x2] =	stream.indirect_vreg.gather [hbm4b:s17+s3], $0x80, v25, vm1, $0xb8;
	[tilespmem:$0x19300] =	vst v63  }
0x47e: {  	s21 =	simm.s32 $0x10300  }
0x47f: {  	[tilespmem:s21], [sflag:$0x2] =	stream.indirect_vreg.gather [hbm4b:s18+s3], $0x80, v25, vm1, $0xb8;
	[tilespmem:$0x19300] =	vst v63  }
0x480: {  	s21 =	simm.s32 $0x10B00  }
0x481: {  	[tilespmem:s21], [sflag:$0x2] =	stream.indirect_vreg.gather [hbm4b:s19+s3], $0x80, v25, vm1, $0xb8;
	[tilespmem:$0x19300] =	vst v63  }
0x482: {  	_ =	swait.ge [sflag:s1], $0x8000  }
0x483: {  	[sflag:s1] =	ssyncset.done $0x0  }
0x484: {  	s21 =	rddreg [dreg:$0x1b];
	[sflag:s1] =	ssyncadd.s32 $0xFFFF8000  }
0x485: {  	[hbm4b:s21+s3] =	stream.linear.scatter [tilespmem:s31], [sflag:$0x6], $0x8000, $0x38;
	[tilespmem:$0x19300] =	vst v63  }
0x486: {  	v40 =	vld [tilespmem:$0x1A0];
	_ =	sdelay $0x4  }
0x487: {  	v41 =	vshll.u32 v40, $0x3  }
0x488: {  	v25 =	vand.u32 $0x7F, v40;
	v26 =	vand.u32 $0x7C00, v41  }
0x489: {  	v25 =	vor.u32 v26, v25  }
0x48a: {  	v25 =	vor.u32 v2, v25;
	_ =	sdelay $0x4  }
0x48b: {  	v25 =	vld.idx.msk [tilespmem:v25+s31+$0x0], $0xff;
	_ =	swait.ge [sflag:s2], $0x8000  }
0x48c: {  	[sflag:s2] =	ssyncset.done $0x0  }
0x48d: {  	[sflag:s2] =	ssyncadd.s32 $0xFFFF8000  }
0x48e: {  	v42 =	vld.msk [tilespmem:$0xB8], $0xff;
	_ =	sdelay $0x4  }
0x48f: {  	v27 =	vshll.u32 v42, $0x5  }
0x490: {  	v26 =	vand.u32 $0x7, v42;
	v27 =	vand.u32 $0xFFFFFF00, v27  }
0x491: {  	v26 =	vor.u32 v26, v27  }
0x492: {  	v26 =	vperm.xlane v26, v0;
	_ =	sdelay $0x1  }
0x493: {  	v26 =	vadd.s32 v1, v26;
	_ =	sdelay $0x4  }
0x494: {  	[tilespmem:s31], [sflag:$0x3] =	stream.indirect_vreg.gather [hbm4b:s4+s3], $0x80, v26, vm1, $0xb8;
	[tilespmem:$0x19300] =	vst v63  }
0x495: {  	s21 =	simm.s32 $0x11B00  }
0x496: {  	[tilespmem:s21], [sflag:$0x3] =	stream.indirect_vreg.gather [hbm4b:s5+s3], $0x80, v26, vm1, $0xb8;
	[tilespmem:$0x19300] =	vst v63  }
0x497: {  	s20 =	simm.s32 $0x12300  }
0x498: {  	[tilespmem:s20], [sflag:$0x3] =	stream.indirect_vreg.gather [hbm4b:s6+s3], $0x80, v26, vm1, $0xb8;
	[tilespmem:$0x19300] =	vst v63  }
0x499: {  	s23 =	simm.s32 $0x12B00  }
0x49a: {  	[tilespmem:s23], [sflag:$0x3] =	stream.indirect_vreg.gather [hbm4b:s7+s3], $0x80, v26, vm1, $0xb8;
	[tilespmem:$0x19300] =	vst v63  }
0x49b: {  	s24 =	simm.s32 $0x13300  }
0x49c: {  	[tilespmem:s24], [sflag:$0x3] =	stream.indirect_vreg.gather [hbm4b:s8+s3], $0x80, v26, vm1, $0xb8;
	[tilespmem:$0x19300] =	vst v63  }
0x49d: {  	s22 =	simm.s32 $0x13B00  }
0x49e: {  	[tilespmem:s22], [sflag:$0x3] =	stream.indirect_vreg.gather [hbm4b:s9+s3], $0x80, v26, vm1, $0xb8;
	[tilespmem:$0x19300] =	vst v63  }
0x49f: {  	s21 =	simm.s32 $0x14300  }
0x4a0: {  	[tilespmem:s21], [sflag:$0x3] =	stream.indirect_vreg.gather [hbm4b:s10+s3], $0x80, v26, vm1, $0xb8;
	[tilespmem:$0x19300] =	vst v63  }
0x4a1: {  	s22 =	simm.s32 $0x14B00  }
0x4a2: {  	[tilespmem:s22], [sflag:$0x3] =	stream.indirect_vreg.gather [hbm4b:s11+s3], $0x80, v26, vm1, $0xb8;
	[tilespmem:$0x19300] =	vst v63  }
0x4a3: {  	s21 =	simm.s32 $0x15300  }
0x4a4: {  	[tilespmem:s21], [sflag:$0x3] =	stream.indirect_vreg.gather [hbm4b:s12+s3], $0x80, v26, vm1, $0xb8;
	[tilespmem:$0x19300] =	vst v63  }
0x4a5: {  	s22 =	simm.s32 $0x15B00  }
0x4a6: {  	[tilespmem:s22], [sflag:$0x3] =	stream.indirect_vreg.gather [hbm4b:s13+s3], $0x80, v26, vm1, $0xb8;
	[tilespmem:$0x19300] =	vst v63  }
0x4a7: {  	s21 =	simm.s32 $0x16300  }
0x4a8: {  	[tilespmem:s21], [sflag:$0x3] =	stream.indirect_vreg.gather [hbm4b:s14+s3], $0x80, v26, vm1, $0xb8;
	[tilespmem:$0x19300] =	vst v63  }
0x4a9: {  	s22 =	simm.s32 $0x16B00  }
0x4aa: {  	[tilespmem:s22], [sflag:$0x3] =	stream.indirect_vreg.gather [hbm4b:s15+s3], $0x80, v26, vm1, $0xb8;
	[tilespmem:$0x19300] =	vst v63  }
0x4ab: {  	s21 =	simm.s32 $0x17300  }
0x4ac: {  	[tilespmem:s21], [sflag:$0x3] =	stream.indirect_vreg.gather [hbm4b:s16+s3], $0x80, v26, vm1, $0xb8;
	[tilespmem:$0x19300] =	vst v63  }
0x4ad: {  	s22 =	simm.s32 $0x17B00  }
0x4ae: {  	[tilespmem:s22], [sflag:$0x3] =	stream.indirect_vreg.gather [hbm4b:s17+s3], $0x80, v26, vm1, $0xb8;
	[tilespmem:$0x19300] =	vst v63  }
0x4af: {  	s21 =	simm.s32 $0x18300  }
0x4b0: {  	[tilespmem:s21], [sflag:$0x3] =	stream.indirect_vreg.gather [hbm4b:s18+s3], $0x80, v26, vm1, $0xb8;
	[tilespmem:$0x19300] =	vst v63  }
0x4b1: {  	s22 =	simm.s32 $0x18B00  }
0x4b2: {  	[tilespmem:s22], [sflag:$0x3] =	stream.indirect_vreg.gather [hbm4b:s19+s3], $0x80, v26, vm1, $0xb8;
	[tilespmem:$0x19300] =	vst v63  }
0x4b3: {  	_ =	swait.ge [sflag:s26], $0x8000  }
0x4b4: {  	[sflag:s26] =	ssyncset.done $0x0  }
0x4b5: {  	s20 =	rddreg [dreg:$0x1c];
	[sflag:s26] =	ssyncadd.s32 $0xFFFF8000  }
0x4b6: {  	[hbm4b:s20+s3] =	stream.linear.scatter [tilespmem:s30], [sflag:$0x4], $0x8000, $0x38;
	[tilespmem:$0x19300] =	vst v63  }
0x4b7: {  	v43 =	vld [tilespmem:$0x1A8];
	_ =	sdelay $0x4  }
0x4b8: {  	v44 =	vshll.u32 v43, $0x3  }
0x4b9: {  	v26 =	vand.u32 $0x7F, v43;
	v27 =	vand.u32 $0x7C00, v44  }
0x4ba: {  	v26 =	vor.u32 v27, v26  }
0x4bb: {  	v26 =	vor.u32 v2, v26;
	_ =	sdelay $0x4  }
0x4bc: {  	v26 =	vld.idx.msk [tilespmem:v26+s30+$0x0], $0xff;
	_ =	swait.ge [sflag:s28], $0x8000  }
0x4bd: {  	[sflag:s28] =	ssyncset.done $0x0  }
0x4be: {  	[sflag:s28] =	ssyncadd.s32 $0xFFFF8000  }
0x4bf: {  	v45 =	vld.msk [tilespmem:$0xC0], $0xff;
	_ =	sdelay $0x4  }
0x4c0: {  	v28 =	vshll.u32 v45, $0x5  }
0x4c1: {  	v27 =	vand.u32 $0x7, v45;
	v28 =	vand.u32 $0xFFFFFF00, v28  }
0x4c2: {  	v27 =	vor.u32 v27, v28  }
0x4c3: {  	v27 =	vperm.xlane v27, v0;
	_ =	sdelay $0x1  }
0x4c4: {  	v27 =	vadd.s32 v1, v27;
	_ =	sdelay $0x4  }
0x4c5: {  	[tilespmem:s30], [sflag:$0x1] =	stream.indirect_vreg.gather [hbm4b:s4+s3], $0x80, v27, vm1, $0xb8;
	[tilespmem:$0x19300] =	vst v63  }
0x4c6: {  	s22 =	simm.s32 $0x1B00  }
0x4c7: {  	[tilespmem:s22], [sflag:$0x1] =	stream.indirect_vreg.gather [hbm4b:s5+s3], $0x80, v27, vm1, $0xb8;
	[tilespmem:$0x19300] =	vst v63  }
0x4c8: {  	s21 =	simm.s32 $0x2300  }
0x4c9: {  	[tilespmem:s21], [sflag:$0x1] =	stream.indirect_vreg.gather [hbm4b:s6+s3], $0x80, v27, vm1, $0xb8;
	[tilespmem:$0x19300] =	vst v63  }
0x4ca: {  	s22 =	simm.s32 $0x2B00  }
0x4cb: {  	[tilespmem:s22], [sflag:$0x1] =	stream.indirect_vreg.gather [hbm4b:s7+s3], $0x80, v27, vm1, $0xb8;
	[tilespmem:$0x19300] =	vst v63  }
0x4cc: {  	s21 =	simm.s32 $0x3300  }
0x4cd: {  	[tilespmem:s21], [sflag:$0x1] =	stream.indirect_vreg.gather [hbm4b:s8+s3], $0x80, v27, vm1, $0xb8;
	[tilespmem:$0x19300] =	vst v63  }
0x4ce: {  	s22 =	simm.s32 $0x3B00  }
0x4cf: {  	[tilespmem:s22], [sflag:$0x1] =	stream.indirect_vreg.gather [hbm4b:s9+s3], $0x80, v27, vm1, $0xb8;
	[tilespmem:$0x19300] =	vst v63  }
0x4d0: {  	s21 =	simm.s32 $0x4300  }
0x4d1: {  	[tilespmem:s21], [sflag:$0x1] =	stream.indirect_vreg.gather [hbm4b:s10+s3], $0x80, v27, vm1, $0xb8;
	[tilespmem:$0x19300] =	vst v63  }
0x4d2: {  	s22 =	simm.s32 $0x4B00  }
0x4d3: {  	[tilespmem:s22], [sflag:$0x1] =	stream.indirect_vreg.gather [hbm4b:s11+s3], $0x80, v27, vm1, $0xb8;
	[tilespmem:$0x19300] =	vst v63  }
0x4d4: {  	s21 =	simm.s32 $0x5300  }
0x4d5: {  	[tilespmem:s21], [sflag:$0x1] =	stream.indirect_vreg.gather [hbm4b:s12+s3], $0x80, v27, vm1, $0xb8;
	[tilespmem:$0x19300] =	vst v63  }
0x4d6: {  	s22 =	simm.s32 $0x5B00  }
0x4d7: {  	[tilespmem:s22], [sflag:$0x1] =	stream.indirect_vreg.gather [hbm4b:s13+s3], $0x80, v27, vm1, $0xb8;
	[tilespmem:$0x19300] =	vst v63  }
0x4d8: {  	s21 =	simm.s32 $0x6300  }
0x4d9: {  	[tilespmem:s21], [sflag:$0x1] =	stream.indirect_vreg.gather [hbm4b:s14+s3], $0x80, v27, vm1, $0xb8;
	[tilespmem:$0x19300] =	vst v63  }
0x4da: {  	s22 =	simm.s32 $0x6B00  }
0x4db: {  	[tilespmem:s22], [sflag:$0x1] =	stream.indirect_vreg.gather [hbm4b:s15+s3], $0x80, v27, vm1, $0xb8;
	[tilespmem:$0x19300] =	vst v63  }
0x4dc: {  	s21 =	simm.s32 $0x7300  }
0x4dd: {  	[tilespmem:s21], [sflag:$0x1] =	stream.indirect_vreg.gather [hbm4b:s16+s3], $0x80, v27, vm1, $0xb8;
	[tilespmem:$0x19300] =	vst v63  }
0x4de: {  	s22 =	simm.s32 $0x7B00  }
0x4df: {  	[tilespmem:s22], [sflag:$0x1] =	stream.indirect_vreg.gather [hbm4b:s17+s3], $0x80, v27, vm1, $0xb8;
	[tilespmem:$0x19300] =	vst v63  }
0x4e0: {  	s21 =	simm.s32 $0x8300  }
0x4e1: {  	[tilespmem:s21], [sflag:$0x1] =	stream.indirect_vreg.gather [hbm4b:s18+s3], $0x80, v27, vm1, $0xb8;
	[tilespmem:$0x19300] =	vst v63  }
0x4e2: {  	s22 =	simm.s32 $0x8B00  }
0x4e3: {  	[tilespmem:s22], [sflag:$0x1] =	stream.indirect_vreg.gather [hbm4b:s19+s3], $0x80, v27, vm1, $0xb8;
	[tilespmem:$0x19300] =	vst v63  }
0x4e4: {  	_ =	swait.ge [sflag:s29], $0x8000  }
0x4e5: {  	[sflag:s29] =	ssyncset.done $0x0  }
0x4e6: {  	s20 =	rddreg [dreg:$0x1d];
	[sflag:s29] =	ssyncadd.s32 $0xFFFF8000  }
0x4e7: {  	[hbm4b:s20+s3] =	stream.linear.scatter [tilespmem:s25], [sflag:$0x5], $0x8000, $0x38;
	[tilespmem:$0x19300] =	vst v63  }
0x4e8: {  	v46 =	vld [tilespmem:$0x1B0];
	_ =	sdelay $0x4  }
0x4e9: {  	v47 =	vshll.u32 v46, $0x3  }
0x4ea: {  	v27 =	vand.u32 $0x7F, v46;
	v28 =	vand.u32 $0x7C00, v47  }
0x4eb: {  	v27 =	vor.u32 v28, v27  }
0x4ec: {  	v27 =	vor.u32 v2, v27;
	_ =	sdelay $0x4  }
0x4ed: {  	v27 =	vld.idx.msk [tilespmem:v27+s25+$0x0], $0xff;
	_ =	swait.ge [sflag:s0], $0x8000  }
0x4ee: {  	[sflag:s0] =	ssyncset.done $0x0  }
0x4ef: {  	[sflag:s0] =	ssyncadd.s32 $0xFFFF8000  }
0x4f0: {  	v48 =	vld.msk [tilespmem:$0xC8], $0xff;
	_ =	sdelay $0x4  }
0x4f1: {  	v29 =	vshll.u32 v48, $0x5  }
0x4f2: {  	v28 =	vand.u32 $0x7, v48;
	v29 =	vand.u32 $0xFFFFFF00, v29  }
0x4f3: {  	v28 =	vor.u32 v28, v29  }
0x4f4: {  	v28 =	vperm.xlane v28, v0;
	_ =	sdelay $0x1  }
0x4f5: {  	v28 =	vadd.s32 v1, v28;
	_ =	sdelay $0x4  }
0x4f6: {  	[tilespmem:s25], [sflag:$0x2] =	stream.indirect_vreg.gather [hbm4b:s4+s3], $0x80, v28, vm1, $0xb8;
	[tilespmem:$0x19300] =	vst v63  }
0x4f7: {  	s22 =	simm.s32 $0x9B00  }
0x4f8: {  	[tilespmem:s22], [sflag:$0x2] =	stream.indirect_vreg.gather [hbm4b:s5+s3], $0x80, v28, vm1, $0xb8;
	[tilespmem:$0x19300] =	vst v63  }
0x4f9: {  	s21 =	simm.s32 $0xA300  }
0x4fa: {  	[tilespmem:s21], [sflag:$0x2] =	stream.indirect_vreg.gather [hbm4b:s6+s3], $0x80, v28, vm1, $0xb8;
	[tilespmem:$0x19300] =	vst v63  }
0x4fb: {  	s22 =	simm.s32 $0xAB00  }
0x4fc: {  	[tilespmem:s22], [sflag:$0x2] =	stream.indirect_vreg.gather [hbm4b:s7+s3], $0x80, v28, vm1, $0xb8;
	[tilespmem:$0x19300] =	vst v63  }
0x4fd: {  	s21 =	simm.s32 $0xB300  }
0x4fe: {  	[tilespmem:s21], [sflag:$0x2] =	stream.indirect_vreg.gather [hbm4b:s8+s3], $0x80, v28, vm1, $0xb8;
	[tilespmem:$0x19300] =	vst v63  }
0x4ff: {  	s22 =	simm.s32 $0xBB00  }
0x500: {  	[tilespmem:s22], [sflag:$0x2] =	stream.indirect_vreg.gather [hbm4b:s9+s3], $0x80, v28, vm1, $0xb8;
	[tilespmem:$0x19300] =	vst v63  }
0x501: {  	s21 =	simm.s32 $0xC300  }
0x502: {  	[tilespmem:s21], [sflag:$0x2] =	stream.indirect_vreg.gather [hbm4b:s10+s3], $0x80, v28, vm1, $0xb8;
	[tilespmem:$0x19300] =	vst v63  }
0x503: {  	s22 =	simm.s32 $0xCB00  }
0x504: {  	[tilespmem:s22], [sflag:$0x2] =	stream.indirect_vreg.gather [hbm4b:s11+s3], $0x80, v28, vm1, $0xb8;
	[tilespmem:$0x19300] =	vst v63  }
0x505: {  	s21 =	simm.s32 $0xD300  }
0x506: {  	[tilespmem:s21], [sflag:$0x2] =	stream.indirect_vreg.gather [hbm4b:s12+s3], $0x80, v28, vm1, $0xb8;
	[tilespmem:$0x19300] =	vst v63  }
0x507: {  	s22 =	simm.s32 $0xDB00  }
0x508: {  	[tilespmem:s22], [sflag:$0x2] =	stream.indirect_vreg.gather [hbm4b:s13+s3], $0x80, v28, vm1, $0xb8;
	[tilespmem:$0x19300] =	vst v63  }
0x509: {  	s21 =	simm.s32 $0xE300  }
0x50a: {  	[tilespmem:s21], [sflag:$0x2] =	stream.indirect_vreg.gather [hbm4b:s14+s3], $0x80, v28, vm1, $0xb8;
	[tilespmem:$0x19300] =	vst v63  }
0x50b: {  	s22 =	simm.s32 $0xEB00  }
0x50c: {  	[tilespmem:s22], [sflag:$0x2] =	stream.indirect_vreg.gather [hbm4b:s15+s3], $0x80, v28, vm1, $0xb8;
	[tilespmem:$0x19300] =	vst v63  }
0x50d: {  	s21 =	simm.s32 $0xF300  }
0x50e: {  	[tilespmem:s21], [sflag:$0x2] =	stream.indirect_vreg.gather [hbm4b:s16+s3], $0x80, v28, vm1, $0xb8;
	[tilespmem:$0x19300] =	vst v63  }
0x50f: {  	s22 =	simm.s32 $0xFB00  }
0x510: {  	[tilespmem:s22], [sflag:$0x2] =	stream.indirect_vreg.gather [hbm4b:s17+s3], $0x80, v28, vm1, $0xb8;
	[tilespmem:$0x19300] =	vst v63  }
0x511: {  	s21 =	simm.s32 $0x10300  }
0x512: {  	[tilespmem:s21], [sflag:$0x2] =	stream.indirect_vreg.gather [hbm4b:s18+s3], $0x80, v28, vm1, $0xb8;
	[tilespmem:$0x19300] =	vst v63  }
0x513: {  	s22 =	simm.s32 $0x10B00  }
0x514: {  	[tilespmem:s22], [sflag:$0x2] =	stream.indirect_vreg.gather [hbm4b:s19+s3], $0x80, v28, vm1, $0xb8;
	[tilespmem:$0x19300] =	vst v63  }
0x515: {  	_ =	swait.ge [sflag:s1], $0x8000  }
0x516: {  	[sflag:s1] =	ssyncset.done $0x0  }
0x517: {  	s20 =	rddreg [dreg:$0x1e];
	[sflag:s1] =	ssyncadd.s32 $0xFFFF8000  }
0x518: {  	[hbm4b:s20+s3] =	stream.linear.scatter [tilespmem:s31], [sflag:$0x6], $0x8000, $0x38;
	[tilespmem:$0x19300] =	vst v63  }
0x519: {  	v49 =	vld [tilespmem:$0x1B8];
	_ =	sdelay $0x4  }
0x51a: {  	v50 =	vshll.u32 v49, $0x3  }
0x51b: {  	v28 =	vand.u32 $0x7F, v49;
	v29 =	vand.u32 $0x7C00, v50  }
0x51c: {  	v28 =	vor.u32 v29, v28  }
0x51d: {  	v28 =	vor.u32 v2, v28;
	_ =	sdelay $0x4  }
0x51e: {  	v28 =	vld.idx.msk [tilespmem:v28+s31+$0x0], $0xff;
	_ =	swait.ge [sflag:s2], $0x8000  }
0x51f: {  	[sflag:s2] =	ssyncset.done $0x0  }
0x520: {  	[sflag:s2] =	ssyncadd.s32 $0xFFFF8000  }
0x521: {  	v51 =	vld.msk [tilespmem:$0xD0], $0xff;
	_ =	sdelay $0x4  }
0x522: {  	v30 =	vshll.u32 v51, $0x5  }
0x523: {  	v29 =	vand.u32 $0x7, v51;
	v30 =	vand.u32 $0xFFFFFF00, v30  }
0x524: {  	v29 =	vor.u32 v29, v30  }
0x525: {  	v29 =	vperm.xlane v29, v0;
	_ =	sdelay $0x1  }
0x526: {  	v29 =	vadd.s32 v1, v29;
	_ =	sdelay $0x4  }
0x527: {  	[tilespmem:s31], [sflag:$0x3] =	stream.indirect_vreg.gather [hbm4b:s4+s3], $0x80, v29, vm1, $0xb8;
	[tilespmem:$0x19300] =	vst v63  }
0x528: {  	s21 =	simm.s32 $0x11B00  }
0x529: {  	[tilespmem:s21], [sflag:$0x3] =	stream.indirect_vreg.gather [hbm4b:s5+s3], $0x80, v29, vm1, $0xb8;
	[tilespmem:$0x19300] =	vst v63  }
0x52a: {  	s22 =	simm.s32 $0x12300  }
0x52b: {  	[tilespmem:s22], [sflag:$0x3] =	stream.indirect_vreg.gather [hbm4b:s6+s3], $0x80, v29, vm1, $0xb8;
	[tilespmem:$0x19300] =	vst v63  }
0x52c: {  	s23 =	simm.s32 $0x12B00  }
0x52d: {  	[tilespmem:s23], [sflag:$0x3] =	stream.indirect_vreg.gather [hbm4b:s7+s3], $0x80, v29, vm1, $0xb8;
	[tilespmem:$0x19300] =	vst v63  }
0x52e: {  	s24 =	simm.s32 $0x13300  }
0x52f: {  	[tilespmem:s24], [sflag:$0x3] =	stream.indirect_vreg.gather [hbm4b:s8+s3], $0x80, v29, vm1, $0xb8;
	[tilespmem:$0x19300] =	vst v63  }
0x530: {  	s21 =	simm.s32 $0x13B00  }
0x531: {  	[tilespmem:s21], [sflag:$0x3] =	stream.indirect_vreg.gather [hbm4b:s9+s3], $0x80, v29, vm1, $0xb8;
	[tilespmem:$0x19300] =	vst v63  }
0x532: {  	s21 =	simm.s32 $0x14300  }
0x533: {  	[tilespmem:s21], [sflag:$0x3] =	stream.indirect_vreg.gather [hbm4b:s10+s3], $0x80, v29, vm1, $0xb8;
	[tilespmem:$0x19300] =	vst v63  }
0x534: {  	s21 =	simm.s32 $0x14B00  }
0x535: {  	[tilespmem:s21], [sflag:$0x3] =	stream.indirect_vreg.gather [hbm4b:s11+s3], $0x80, v29, vm1, $0xb8;
	[tilespmem:$0x19300] =	vst v63  }
0x536: {  	s21 =	simm.s32 $0x15300  }
0x537: {  	[tilespmem:s21], [sflag:$0x3] =	stream.indirect_vreg.gather [hbm4b:s12+s3], $0x80, v29, vm1, $0xb8;
	[tilespmem:$0x19300] =	vst v63  }
0x538: {  	s21 =	simm.s32 $0x15B00  }
0x539: {  	[tilespmem:s21], [sflag:$0x3] =	stream.indirect_vreg.gather [hbm4b:s13+s3], $0x80, v29, vm1, $0xb8;
	[tilespmem:$0x19300] =	vst v63  }
0x53a: {  	s21 =	simm.s32 $0x16300  }
0x53b: {  	[tilespmem:s21], [sflag:$0x3] =	stream.indirect_vreg.gather [hbm4b:s14+s3], $0x80, v29, vm1, $0xb8;
	[tilespmem:$0x19300] =	vst v63  }
0x53c: {  	s21 =	simm.s32 $0x16B00  }
0x53d: {  	[tilespmem:s21], [sflag:$0x3] =	stream.indirect_vreg.gather [hbm4b:s15+s3], $0x80, v29, vm1, $0xb8;
	[tilespmem:$0x19300] =	vst v63  }
0x53e: {  	s21 =	simm.s32 $0x17300  }
0x53f: {  	[tilespmem:s21], [sflag:$0x3] =	stream.indirect_vreg.gather [hbm4b:s16+s3], $0x80, v29, vm1, $0xb8;
	[tilespmem:$0x19300] =	vst v63  }
0x540: {  	s21 =	simm.s32 $0x17B00  }
0x541: {  	[tilespmem:s21], [sflag:$0x3] =	stream.indirect_vreg.gather [hbm4b:s17+s3], $0x80, v29, vm1, $0xb8;
	[tilespmem:$0x19300] =	vst v63  }
0x542: {  	s21 =	simm.s32 $0x18300  }
0x543: {  	[tilespmem:s21], [sflag:$0x3] =	stream.indirect_vreg.gather [hbm4b:s18+s3], $0x80, v29, vm1, $0xb8;
	[tilespmem:$0x19300] =	vst v63  }
0x544: {  	s21 =	simm.s32 $0x18B00  }
0x545: {  	[tilespmem:s21], [sflag:$0x3] =	stream.indirect_vreg.gather [hbm4b:s19+s3], $0x80, v29, vm1, $0xb8;
	[tilespmem:$0x19300] =	vst v63  }
0x546: {  	_ =	swait.ge [sflag:s26], $0x8000  }
0x547: {  	[sflag:s26] =	ssyncset.done $0x0  }
0x548: {  	s21 =	rddreg [dreg:$0x1f];
	[sflag:s26] =	ssyncadd.s32 $0xFFFF8000  }
0x549: {  	[hbm4b:s21+s3] =	stream.linear.scatter [tilespmem:s30], [sflag:$0x4], $0x8000, $0x38;
	[tilespmem:$0x19300] =	vst v63  }
0x54a: {  	v52 =	vld [tilespmem:$0x1C0];
	_ =	sdelay $0x4  }
0x54b: {  	v53 =	vshll.u32 v52, $0x3  }
0x54c: {  	v29 =	vand.u32 $0x7F, v52;
	v30 =	vand.u32 $0x7C00, v53  }
0x54d: {  	v29 =	vor.u32 v30, v29  }
0x54e: {  	v29 =	vor.u32 v2, v29;
	_ =	sdelay $0x4  }
0x54f: {  	v29 =	vld.idx.msk [tilespmem:v29+s30+$0x0], $0xff;
	_ =	swait.ge [sflag:s28], $0x8000  }
0x550: {  	[sflag:s28] =	ssyncset.done $0x0  }
0x551: {  	[sflag:s28] =	ssyncadd.s32 $0xFFFF8000  }
0x552: {  	v54 =	vld.msk [tilespmem:$0xD8], $0xff;
	_ =	sdelay $0x4  }
0x553: {  	v31 =	vshll.u32 v54, $0x5  }
0x554: {  	v30 =	vand.u32 $0x7, v54;
	v31 =	vand.u32 $0xFFFFFF00, v31  }
0x555: {  	v30 =	vor.u32 v30, v31  }
0x556: {  	v30 =	vperm.xlane v30, v0;
	_ =	sdelay $0x1  }
0x557: {  	v30 =	vadd.s32 v1, v30;
	_ =	sdelay $0x4  }
0x558: {  	[tilespmem:s30], [sflag:$0x1] =	stream.indirect_vreg.gather [hbm4b:s4+s3], $0x80, v30, vm1, $0xb8;
	[tilespmem:$0x19300] =	vst v63  }
0x559: {  	s21 =	simm.s32 $0x1B00  }
0x55a: {  	[tilespmem:s21], [sflag:$0x1] =	stream.indirect_vreg.gather [hbm4b:s5+s3], $0x80, v30, vm1, $0xb8;
	[tilespmem:$0x19300] =	vst v63  }
0x55b: {  	s21 =	simm.s32 $0x2300  }
0x55c: {  	[tilespmem:s21], [sflag:$0x1] =	stream.indirect_vreg.gather [hbm4b:s6+s3], $0x80, v30, vm1, $0xb8;
	[tilespmem:$0x19300] =	vst v63  }
0x55d: {  	s21 =	simm.s32 $0x2B00  }
0x55e: {  	[tilespmem:s21], [sflag:$0x1] =	stream.indirect_vreg.gather [hbm4b:s7+s3], $0x80, v30, vm1, $0xb8;
	[tilespmem:$0x19300] =	vst v63  }
0x55f: {  	s21 =	simm.s32 $0x3300  }
0x560: {  	[tilespmem:s21], [sflag:$0x1] =	stream.indirect_vreg.gather [hbm4b:s8+s3], $0x80, v30, vm1, $0xb8;
	[tilespmem:$0x19300] =	vst v63  }
0x561: {  	s21 =	simm.s32 $0x3B00  }
0x562: {  	[tilespmem:s21], [sflag:$0x1] =	stream.indirect_vreg.gather [hbm4b:s9+s3], $0x80, v30, vm1, $0xb8;
	[tilespmem:$0x19300] =	vst v63  }
0x563: {  	s21 =	simm.s32 $0x4300  }
0x564: {  	[tilespmem:s21], [sflag:$0x1] =	stream.indirect_vreg.gather [hbm4b:s10+s3], $0x80, v30, vm1, $0xb8;
	[tilespmem:$0x19300] =	vst v63  }
0x565: {  	s21 =	simm.s32 $0x4B00  }
0x566: {  	[tilespmem:s21], [sflag:$0x1] =	stream.indirect_vreg.gather [hbm4b:s11+s3], $0x80, v30, vm1, $0xb8;
	[tilespmem:$0x19300] =	vst v63  }
0x567: {  	s21 =	simm.s32 $0x5300  }
0x568: {  	[tilespmem:s21], [sflag:$0x1] =	stream.indirect_vreg.gather [hbm4b:s12+s3], $0x80, v30, vm1, $0xb8;
	[tilespmem:$0x19300] =	vst v63  }
0x569: {  	s21 =	simm.s32 $0x5B00  }
0x56a: {  	[tilespmem:s21], [sflag:$0x1] =	stream.indirect_vreg.gather [hbm4b:s13+s3], $0x80, v30, vm1, $0xb8;
	[tilespmem:$0x19300] =	vst v63  }
0x56b: {  	s21 =	simm.s32 $0x6300  }
0x56c: {  	[tilespmem:s21], [sflag:$0x1] =	stream.indirect_vreg.gather [hbm4b:s14+s3], $0x80, v30, vm1, $0xb8;
	[tilespmem:$0x19300] =	vst v63  }
0x56d: {  	s21 =	simm.s32 $0x6B00  }
0x56e: {  	[tilespmem:s21], [sflag:$0x1] =	stream.indirect_vreg.gather [hbm4b:s15+s3], $0x80, v30, vm1, $0xb8;
	[tilespmem:$0x19300] =	vst v63  }
0x56f: {  	s21 =	simm.s32 $0x7300  }
0x570: {  	[tilespmem:s21], [sflag:$0x1] =	stream.indirect_vreg.gather [hbm4b:s16+s3], $0x80, v30, vm1, $0xb8;
	[tilespmem:$0x19300] =	vst v63  }
0x571: {  	s21 =	simm.s32 $0x7B00  }
0x572: {  	[tilespmem:s21], [sflag:$0x1] =	stream.indirect_vreg.gather [hbm4b:s17+s3], $0x80, v30, vm1, $0xb8;
	[tilespmem:$0x19300] =	vst v63  }
0x573: {  	s21 =	simm.s32 $0x8300  }
0x574: {  	[tilespmem:s21], [sflag:$0x1] =	stream.indirect_vreg.gather [hbm4b:s18+s3], $0x80, v30, vm1, $0xb8;
	[tilespmem:$0x19300] =	vst v63  }
0x575: {  	s21 =	simm.s32 $0x8B00  }
0x576: {  	[tilespmem:s21], [sflag:$0x1] =	stream.indirect_vreg.gather [hbm4b:s19+s3], $0x80, v30, vm1, $0xb8;
	[tilespmem:$0x19300] =	vst v63  }
0x577: {  	_ =	swait.ge [sflag:s29], $0x8000  }
0x578: {  	s21 =	sld [smem:$0x7F1]  }
0x579: {  	[sflag:s29] =	ssyncset.done $0x0  }
0x57a: {  	[sflag:s29] =	ssyncadd.s32 $0xFFFF8000  }
0x57b: {  	[hbm4b:s21+s3] =	stream.linear.scatter [tilespmem:s25], [sflag:$0x5], $0x8000, $0x38;
	[tilespmem:$0x19300] =	vst v63  }
0x57c: {  	v55 =	vld [tilespmem:$0x1C8];
	_ =	sdelay $0x4  }
0x57d: {  	v56 =	vshll.u32 v55, $0x3  }
0x57e: {  	v30 =	vand.u32 $0x7F, v55;
	v31 =	vand.u32 $0x7C00, v56  }
0x57f: {  	v30 =	vor.u32 v31, v30  }
0x580: {  	v30 =	vor.u32 v2, v30;
	_ =	sdelay $0x4  }
0x581: {  	v30 =	vld.idx.msk [tilespmem:v30+s25+$0x0], $0xff;
	_ =	swait.ge [sflag:s0], $0x8000  }
0x582: {  	[sflag:s0] =	ssyncset.done $0x0  }
0x583: {  	[sflag:s0] =	ssyncadd.s32 $0xFFFF8000  }
0x584: {  	v57 =	vld.msk [tilespmem:$0xE0], $0xff;
	_ =	sdelay $0x4  }
0x585: {  	v32 =	vshll.u32 v57, $0x5  }
0x586: {  	v31 =	vand.u32 $0x7, v57;
	v32 =	vand.u32 $0xFFFFFF00, v32  }
0x587: {  	v31 =	vor.u32 v31, v32  }
0x588: {  	v31 =	vperm.xlane v31, v0;
	_ =	sdelay $0x1  }
0x589: {  	v31 =	vadd.s32 v1, v31;
	_ =	sdelay $0x4  }
0x58a: {  	[tilespmem:s25], [sflag:$0x2] =	stream.indirect_vreg.gather [hbm4b:s4+s3], $0x80, v31, vm1, $0xb8;
	[tilespmem:$0x19300] =	vst v63  }
0x58b: {  	s21 =	simm.s32 $0x9B00  }
0x58c: {  	[tilespmem:s21], [sflag:$0x2] =	stream.indirect_vreg.gather [hbm4b:s5+s3], $0x80, v31, vm1, $0xb8;
	[tilespmem:$0x19300] =	vst v63  }
0x58d: {  	s21 =	simm.s32 $0xA300  }
0x58e: {  	[tilespmem:s21], [sflag:$0x2] =	stream.indirect_vreg.gather [hbm4b:s6+s3], $0x80, v31, vm1, $0xb8;
	[tilespmem:$0x19300] =	vst v63  }
0x58f: {  	s21 =	simm.s32 $0xAB00  }
0x590: {  	[tilespmem:s21], [sflag:$0x2] =	stream.indirect_vreg.gather [hbm4b:s7+s3], $0x80, v31, vm1, $0xb8;
	[tilespmem:$0x19300] =	vst v63  }
0x591: {  	s21 =	simm.s32 $0xB300  }
0x592: {  	[tilespmem:s21], [sflag:$0x2] =	stream.indirect_vreg.gather [hbm4b:s8+s3], $0x80, v31, vm1, $0xb8;
	[tilespmem:$0x19300] =	vst v63  }
0x593: {  	s21 =	simm.s32 $0xBB00  }
0x594: {  	[tilespmem:s21], [sflag:$0x2] =	stream.indirect_vreg.gather [hbm4b:s9+s3], $0x80, v31, vm1, $0xb8;
	[tilespmem:$0x19300] =	vst v63  }
0x595: {  	s21 =	simm.s32 $0xC300  }
0x596: {  	[tilespmem:s21], [sflag:$0x2] =	stream.indirect_vreg.gather [hbm4b:s10+s3], $0x80, v31, vm1, $0xb8;
	[tilespmem:$0x19300] =	vst v63  }
0x597: {  	s21 =	simm.s32 $0xCB00  }
0x598: {  	[tilespmem:s21], [sflag:$0x2] =	stream.indirect_vreg.gather [hbm4b:s11+s3], $0x80, v31, vm1, $0xb8;
	[tilespmem:$0x19300] =	vst v63  }
0x599: {  	s21 =	simm.s32 $0xD300  }
0x59a: {  	[tilespmem:s21], [sflag:$0x2] =	stream.indirect_vreg.gather [hbm4b:s12+s3], $0x80, v31, vm1, $0xb8;
	[tilespmem:$0x19300] =	vst v63  }
0x59b: {  	s21 =	simm.s32 $0xDB00  }
0x59c: {  	[tilespmem:s21], [sflag:$0x2] =	stream.indirect_vreg.gather [hbm4b:s13+s3], $0x80, v31, vm1, $0xb8;
	[tilespmem:$0x19300] =	vst v63  }
0x59d: {  	s21 =	simm.s32 $0xE300  }
0x59e: {  	[tilespmem:s21], [sflag:$0x2] =	stream.indirect_vreg.gather [hbm4b:s14+s3], $0x80, v31, vm1, $0xb8;
	[tilespmem:$0x19300] =	vst v63  }
0x59f: {  	s21 =	simm.s32 $0xEB00  }
0x5a0: {  	[tilespmem:s21], [sflag:$0x2] =	stream.indirect_vreg.gather [hbm4b:s15+s3], $0x80, v31, vm1, $0xb8;
	[tilespmem:$0x19300] =	vst v63  }
0x5a1: {  	s21 =	simm.s32 $0xF300  }
0x5a2: {  	[tilespmem:s21], [sflag:$0x2] =	stream.indirect_vreg.gather [hbm4b:s16+s3], $0x80, v31, vm1, $0xb8;
	[tilespmem:$0x19300] =	vst v63  }
0x5a3: {  	s21 =	simm.s32 $0xFB00  }
0x5a4: {  	[tilespmem:s21], [sflag:$0x2] =	stream.indirect_vreg.gather [hbm4b:s17+s3], $0x80, v31, vm1, $0xb8;
	[tilespmem:$0x19300] =	vst v63  }
0x5a5: {  	s21 =	simm.s32 $0x10300  }
0x5a6: {  	[tilespmem:s21], [sflag:$0x2] =	stream.indirect_vreg.gather [hbm4b:s18+s3], $0x80, v31, vm1, $0xb8;
	[tilespmem:$0x19300] =	vst v63  }
0x5a7: {  	s21 =	simm.s32 $0x10B00  }
0x5a8: {  	[tilespmem:s21], [sflag:$0x2] =	stream.indirect_vreg.gather [hbm4b:s19+s3], $0x80, v31, vm1, $0xb8;
	[tilespmem:$0x19300] =	vst v63  }
0x5a9: {  	_ =	swait.ge [sflag:s1], $0x8000  }
0x5aa: {  	s21 =	sld [smem:$0x7F2]  }
0x5ab: {  	[sflag:s1] =	ssyncset.done $0x0  }
0x5ac: {  	[sflag:s1] =	ssyncadd.s32 $0xFFFF8000  }
0x5ad: {  	[hbm4b:s21+s3] =	stream.linear.scatter [tilespmem:s31], [sflag:$0x6], $0x8000, $0x38;
	[tilespmem:$0x19300] =	vst v63  }
0x5ae: {  	v58 =	vld [tilespmem:$0x1D0];
	_ =	sdelay $0x4  }
0x5af: {  	v59 =	vshll.u32 v58, $0x3  }
0x5b0: {  	v31 =	vand.u32 $0x7F, v58;
	v32 =	vand.u32 $0x7C00, v59  }
0x5b1: {  	v31 =	vor.u32 v32, v31  }
0x5b2: {  	v31 =	vor.u32 v2, v31;
	_ =	sdelay $0x4  }
0x5b3: {  	v31 =	vld.idx.msk [tilespmem:v31+s31+$0x0], $0xff;
	_ =	swait.ge [sflag:s2], $0x8000  }
0x5b4: {  	[sflag:s2] =	ssyncset.done $0x0  }
0x5b5: {  	[sflag:s2] =	ssyncadd.s32 $0xFFFF8000  }
0x5b6: {  	v60 =	vld.msk [tilespmem:$0xE8], $0xff;
	_ =	sdelay $0x4  }
0x5b7: {  	v33 =	vshll.u32 v60, $0x5  }
0x5b8: {  	v32 =	vand.u32 $0x7, v60;
	v33 =	vand.u32 $0xFFFFFF00, v33  }
0x5b9: {  	v32 =	vor.u32 v32, v33  }
0x5ba: {  	v32 =	vperm.xlane v32, v0;
	_ =	sdelay $0x1  }
0x5bb: {  	v32 =	vadd.s32 v1, v32;
	_ =	sdelay $0x4  }
0x5bc: {  	[tilespmem:s31], [sflag:$0x3] =	stream.indirect_vreg.gather [hbm4b:s4+s3], $0x80, v32, vm1, $0xb8;
	[tilespmem:$0x19300] =	vst v63  }
0x5bd: {  	s20 =	simm.s32 $0x11B00  }
0x5be: {  	[tilespmem:s20], [sflag:$0x3] =	stream.indirect_vreg.gather [hbm4b:s5+s3], $0x80, v32, vm1, $0xb8;
	[tilespmem:$0x19300] =	vst v63  }
0x5bf: {  	s22 =	simm.s32 $0x12300  }
0x5c0: {  	[tilespmem:s22], [sflag:$0x3] =	stream.indirect_vreg.gather [hbm4b:s6+s3], $0x80, v32, vm1, $0xb8;
	[tilespmem:$0x19300] =	vst v63  }
0x5c1: {  	s23 =	simm.s32 $0x12B00  }
0x5c2: {  	[tilespmem:s23], [sflag:$0x3] =	stream.indirect_vreg.gather [hbm4b:s7+s3], $0x80, v32, vm1, $0xb8;
	[tilespmem:$0x19300] =	vst v63  }
0x5c3: {  	s24 =	simm.s32 $0x13300  }
0x5c4: {  	[tilespmem:s24], [sflag:$0x3] =	stream.indirect_vreg.gather [hbm4b:s8+s3], $0x80, v32, vm1, $0xb8;
	[tilespmem:$0x19300] =	vst v63  }
0x5c5: {  	s23 =	simm.s32 $0x13B00  }
0x5c6: {  	[tilespmem:s23], [sflag:$0x3] =	stream.indirect_vreg.gather [hbm4b:s9+s3], $0x80, v32, vm1, $0xb8;
	[tilespmem:$0x19300] =	vst v63  }
0x5c7: {  	s24 =	simm.s32 $0x14300  }
0x5c8: {  	[tilespmem:s24], [sflag:$0x3] =	stream.indirect_vreg.gather [hbm4b:s10+s3], $0x80, v32, vm1, $0xb8;
	[tilespmem:$0x19300] =	vst v63  }
0x5c9: {  	s21 =	simm.s32 $0x14B00  }
0x5ca: {  	[tilespmem:s21], [sflag:$0x3] =	stream.indirect_vreg.gather [hbm4b:s11+s3], $0x80, v32, vm1, $0xb8;
	[tilespmem:$0x19300] =	vst v63  }
0x5cb: {  	s22 =	simm.s32 $0x15300  }
0x5cc: {  	[tilespmem:s22], [sflag:$0x3] =	stream.indirect_vreg.gather [hbm4b:s12+s3], $0x80, v32, vm1, $0xb8;
	[tilespmem:$0x19300] =	vst v63  }
0x5cd: {  	s23 =	simm.s32 $0x15B00  }
0x5ce: {  	[tilespmem:s23], [sflag:$0x3] =	stream.indirect_vreg.gather [hbm4b:s13+s3], $0x80, v32, vm1, $0xb8;
	[tilespmem:$0x19300] =	vst v63  }
0x5cf: {  	s24 =	simm.s32 $0x16300  }
0x5d0: {  	[tilespmem:s24], [sflag:$0x3] =	stream.indirect_vreg.gather [hbm4b:s14+s3], $0x80, v32, vm1, $0xb8;
	[tilespmem:$0x19300] =	vst v63  }
0x5d1: {  	s21 =	simm.s32 $0x16B00  }
0x5d2: {  	[tilespmem:s21], [sflag:$0x3] =	stream.indirect_vreg.gather [hbm4b:s15+s3], $0x80, v32, vm1, $0xb8;
	[tilespmem:$0x19300] =	vst v63  }
0x5d3: {  	s22 =	simm.s32 $0x17300  }
0x5d4: {  	[tilespmem:s22], [sflag:$0x3] =	stream.indirect_vreg.gather [hbm4b:s16+s3], $0x80, v32, vm1, $0xb8;
	[tilespmem:$0x19300] =	vst v63  }
0x5d5: {  	s23 =	simm.s32 $0x17B00  }
0x5d6: {  	[tilespmem:s23], [sflag:$0x3] =	stream.indirect_vreg.gather [hbm4b:s17+s3], $0x80, v32, vm1, $0xb8;
	[tilespmem:$0x19300] =	vst v63  }
0x5d7: {  	s24 =	simm.s32 $0x18300  }
0x5d8: {  	[tilespmem:s24], [sflag:$0x3] =	stream.indirect_vreg.gather [hbm4b:s18+s3], $0x80, v32, vm1, $0xb8;
	[tilespmem:$0x19300] =	vst v63  }
0x5d9: {  	s21 =	simm.s32 $0x18B00  }
0x5da: {  	[tilespmem:s21], [sflag:$0x3] =	stream.indirect_vreg.gather [hbm4b:s19+s3], $0x80, v32, vm1, $0xb8;
	[tilespmem:$0x19300] =	vst v63  }
0x5db: {  	_ =	swait.ge [sflag:s26], $0x8000  }
0x5dc: {  	s22 =	sld [smem:$0x7F3]  }
0x5dd: {  	[sflag:s26] =	ssyncset.done $0x0  }
0x5de: {  	[sflag:s26] =	ssyncadd.s32 $0xFFFF8000  }
0x5df: {  	[hbm4b:s22+s3] =	stream.linear.scatter [tilespmem:s30], [sflag:$0x4], $0x8000, $0x38;
	[tilespmem:$0x19300] =	vst v63  }
0x5e0: {  	v61 =	vld [tilespmem:$0x1D8];
	_ =	sdelay $0x4  }
0x5e1: {  	v62 =	vshll.u32 v61, $0x3  }
0x5e2: {  	v32 =	vand.u32 $0x7F, v61;
	v33 =	vand.u32 $0x7C00, v62  }
0x5e3: {  	v32 =	vor.u32 v33, v32  }
0x5e4: {  	v32 =	vor.u32 v2, v32;
	_ =	sdelay $0x4  }
0x5e5: {  	v32 =	vld.idx.msk [tilespmem:v32+s30+$0x0], $0xff;
	_ =	swait.ge [sflag:s28], $0x8000  }
0x5e6: {  	[sflag:s28] =	ssyncset.done $0x0  }
0x5e7: {  	[sflag:s28] =	ssyncadd.s32 $0xFFFF8000  }
0x5e8: {  	v63 =	vld.msk [tilespmem:$0xF0], $0xff;
	_ =	sdelay $0x4  }
0x5e9: {  	v34 =	vshll.u32 v63, $0x5  }
0x5ea: {  	v33 =	vand.u32 $0x7, v63;
	v34 =	vand.u32 $0xFFFFFF00, v34  }
0x5eb: {  	v33 =	vor.u32 v33, v34  }
0x5ec: {  	v33 =	vperm.xlane v33, v0;
	_ =	sdelay $0x1  }
0x5ed: {  	v33 =	vadd.s32 v1, v33;
	_ =	sdelay $0x4  }
0x5ee: {  	[tilespmem:s30], [sflag:$0x1] =	stream.indirect_vreg.gather [hbm4b:s4+s3], $0x80, v33, vm1, $0xb8;
	[tilespmem:$0x19300] =	vst v63  }
0x5ef: {  	s23 =	simm.s32 $0x1B00  }
0x5f0: {  	[tilespmem:s23], [sflag:$0x1] =	stream.indirect_vreg.gather [hbm4b:s5+s3], $0x80, v33, vm1, $0xb8;
	[tilespmem:$0x19300] =	vst v63  }
0x5f1: {  	s24 =	simm.s32 $0x2300  }
0x5f2: {  	[tilespmem:s24], [sflag:$0x1] =	stream.indirect_vreg.gather [hbm4b:s6+s3], $0x80, v33, vm1, $0xb8;
	[tilespmem:$0x19300] =	vst v63  }
0x5f3: {  	s21 =	simm.s32 $0x2B00  }
0x5f4: {  	[tilespmem:s21], [sflag:$0x1] =	stream.indirect_vreg.gather [hbm4b:s7+s3], $0x80, v33, vm1, $0xb8;
	[tilespmem:$0x19300] =	vst v63  }
0x5f5: {  	s22 =	simm.s32 $0x3300  }
0x5f6: {  	[tilespmem:s22], [sflag:$0x1] =	stream.indirect_vreg.gather [hbm4b:s8+s3], $0x80, v33, vm1, $0xb8;
	[tilespmem:$0x19300] =	vst v63  }
0x5f7: {  	s23 =	simm.s32 $0x3B00  }
0x5f8: {  	[tilespmem:s23], [sflag:$0x1] =	stream.indirect_vreg.gather [hbm4b:s9+s3], $0x80, v33, vm1, $0xb8;
	[tilespmem:$0x19300] =	vst v63  }
0x5f9: {  	s24 =	simm.s32 $0x4300  }
0x5fa: {  	[tilespmem:s24], [sflag:$0x1] =	stream.indirect_vreg.gather [hbm4b:s10+s3], $0x80, v33, vm1, $0xb8;
	[tilespmem:$0x19300] =	vst v63  }
0x5fb: {  	s22 =	simm.s32 $0x4B00  }
0x5fc: {  	[tilespmem:s22], [sflag:$0x1] =	stream.indirect_vreg.gather [hbm4b:s11+s3], $0x80, v33, vm1, $0xb8;
	[tilespmem:$0x19300] =	vst v63  }
0x5fd: {  	s23 =	simm.s32 $0x5300  }
0x5fe: {  	[tilespmem:s23], [sflag:$0x1] =	stream.indirect_vreg.gather [hbm4b:s12+s3], $0x80, v33, vm1, $0xb8;
	[tilespmem:$0x19300] =	vst v63  }
0x5ff: {  	s24 =	simm.s32 $0x5B00  }
0x600: {  	[tilespmem:s24], [sflag:$0x1] =	stream.indirect_vreg.gather [hbm4b:s13+s3], $0x80, v33, vm1, $0xb8;
	[tilespmem:$0x19300] =	vst v63  }
0x601: {  	s22 =	simm.s32 $0x6300  }
0x602: {  	[tilespmem:s22], [sflag:$0x1] =	stream.indirect_vreg.gather [hbm4b:s14+s3], $0x80, v33, vm1, $0xb8;
	[tilespmem:$0x19300] =	vst v63  }
0x603: {  	s23 =	simm.s32 $0x6B00  }
0x604: {  	[tilespmem:s23], [sflag:$0x1] =	stream.indirect_vreg.gather [hbm4b:s15+s3], $0x80, v33, vm1, $0xb8;
	[tilespmem:$0x19300] =	vst v63  }
0x605: {  	s24 =	simm.s32 $0x7300  }
0x606: {  	[tilespmem:s24], [sflag:$0x1] =	stream.indirect_vreg.gather [hbm4b:s16+s3], $0x80, v33, vm1, $0xb8;
	[tilespmem:$0x19300] =	vst v63  }
0x607: {  	s22 =	simm.s32 $0x7B00  }
0x608: {  	[tilespmem:s22], [sflag:$0x1] =	stream.indirect_vreg.gather [hbm4b:s17+s3], $0x80, v33, vm1, $0xb8;
	[tilespmem:$0x19300] =	vst v63  }
0x609: {  	s23 =	simm.s32 $0x8300  }
0x60a: {  	[tilespmem:s23], [sflag:$0x1] =	stream.indirect_vreg.gather [hbm4b:s18+s3], $0x80, v33, vm1, $0xb8;
	[tilespmem:$0x19300] =	vst v63  }
0x60b: {  	s24 =	simm.s32 $0x8B00  }
0x60c: {  	[tilespmem:s24], [sflag:$0x1] =	stream.indirect_vreg.gather [hbm4b:s19+s3], $0x80, v33, vm1, $0xb8;
	[tilespmem:$0x19300] =	vst v63  }
0x60d: {  	s20 =	sld [smem:$0x7F0];
	_ =	swait.ge [sflag:s29], $0x8000  }
0x60e: {  	s22 =	sld [smem:$0x7F4]  }
0x60f: {  	[sflag:s29] =	ssyncset.done $0x0  }
0x610: {  	[sflag:s29] =	ssyncadd.s32 $0xFFFF8000  }
0x611: {  	[hbm4b:s22+s3] =	stream.linear.scatter [tilespmem:s25], [sflag:$0x5], $0x8000, $0x38;
	[tilespmem:$0x19300] =	vst v63  }
0x612: {  	v36 =	vld [tilespmem:$0x1E0];
	_ =	sdelay $0x4  }
0x613: {  	v37 =	vshll.u32 v36, $0x3  }
0x614: {  	v33 =	vand.u32 $0x7F, v36;
	v34 =	vand.u32 $0x7C00, v37  }
0x615: {  	v33 =	vor.u32 v34, v33  }
0x616: {  	v33 =	vor.u32 v2, v33;
	_ =	sdelay $0x4  }
0x617: {  	v33 =	vld.idx.msk [tilespmem:v33+s25+$0x0], $0xff;
	_ =	swait.ge [sflag:s0], $0x8000  }
0x618: {  	[sflag:s0] =	ssyncset.done $0x0  }
0x619: {  	[sflag:s0] =	ssyncadd.s32 $0xFFFF8000  }
0x61a: {  	v38 =	vld.msk [tilespmem:$0xF8], $0xff;
	_ =	sdelay $0x4  }
0x61b: {  	v35 =	vshll.u32 v38, $0x5  }
0x61c: {  	v34 =	vand.u32 $0x7, v38;
	v35 =	vand.u32 $0xFFFFFF00, v35  }
0x61d: {  	v34 =	vor.u32 v34, v35  }
0x61e: {  	v34 =	vperm.xlane v34, v0;
	_ =	sdelay $0x1  }
0x61f: {  	v34 =	vadd.s32 v1, v34;
	_ =	sdelay $0x4  }
0x620: {  	[tilespmem:s25], [sflag:$0x2] =	stream.indirect_vreg.gather [hbm4b:s4+s3], $0x80, v34, vm1, $0xb8;
	[tilespmem:$0x19300] =	vst v63  }
0x621: {  	s23 =	simm.s32 $0x9B00  }
0x622: {  	[tilespmem:s23], [sflag:$0x2] =	stream.indirect_vreg.gather [hbm4b:s5+s3], $0x80, v34, vm1, $0xb8;
	[tilespmem:$0x19300] =	vst v63  }
0x623: {  	s24 =	simm.s32 $0xA300  }
0x624: {  	[tilespmem:s24], [sflag:$0x2] =	stream.indirect_vreg.gather [hbm4b:s6+s3], $0x80, v34, vm1, $0xb8;
	[tilespmem:$0x19300] =	vst v63  }
0x625: {  	s21 =	simm.s32 $0xAB00  }
0x626: {  	[tilespmem:s21], [sflag:$0x2] =	stream.indirect_vreg.gather [hbm4b:s7+s3], $0x80, v34, vm1, $0xb8;
	[tilespmem:$0x19300] =	vst v63  }
0x627: {  	s22 =	simm.s32 $0xB300  }
0x628: {  	[tilespmem:s22], [sflag:$0x2] =	stream.indirect_vreg.gather [hbm4b:s8+s3], $0x80, v34, vm1, $0xb8;
	[tilespmem:$0x19300] =	vst v63  }
0x629: {  	s23 =	simm.s32 $0xBB00  }
0x62a: {  	[tilespmem:s23], [sflag:$0x2] =	stream.indirect_vreg.gather [hbm4b:s9+s3], $0x80, v34, vm1, $0xb8;
	[tilespmem:$0x19300] =	vst v63  }
0x62b: {  	s24 =	simm.s32 $0xC300  }
0x62c: {  	[tilespmem:s24], [sflag:$0x2] =	stream.indirect_vreg.gather [hbm4b:s10+s3], $0x80, v34, vm1, $0xb8;
	[tilespmem:$0x19300] =	vst v63  }
0x62d: {  	s21 =	simm.s32 $0xCB00  }
0x62e: {  	[tilespmem:s21], [sflag:$0x2] =	stream.indirect_vreg.gather [hbm4b:s11+s3], $0x80, v34, vm1, $0xb8;
	[tilespmem:$0x19300] =	vst v63  }
0x62f: {  	s22 =	simm.s32 $0xD300  }
0x630: {  	[tilespmem:s22], [sflag:$0x2] =	stream.indirect_vreg.gather [hbm4b:s12+s3], $0x80, v34, vm1, $0xb8;
	[tilespmem:$0x19300] =	vst v63  }
0x631: {  	s23 =	simm.s32 $0xDB00  }
0x632: {  	[tilespmem:s23], [sflag:$0x2] =	stream.indirect_vreg.gather [hbm4b:s13+s3], $0x80, v34, vm1, $0xb8;
	[tilespmem:$0x19300] =	vst v63  }
0x633: {  	s24 =	simm.s32 $0xE300  }
0x634: {  	[tilespmem:s24], [sflag:$0x2] =	stream.indirect_vreg.gather [hbm4b:s14+s3], $0x80, v34, vm1, $0xb8;
	[tilespmem:$0x19300] =	vst v63  }
0x635: {  	s21 =	simm.s32 $0xEB00  }
0x636: {  	[tilespmem:s21], [sflag:$0x2] =	stream.indirect_vreg.gather [hbm4b:s15+s3], $0x80, v34, vm1, $0xb8;
	[tilespmem:$0x19300] =	vst v63  }
0x637: {  	s22 =	simm.s32 $0xF300  }
0x638: {  	[tilespmem:s22], [sflag:$0x2] =	stream.indirect_vreg.gather [hbm4b:s16+s3], $0x80, v34, vm1, $0xb8;
	[tilespmem:$0x19300] =	vst v63  }
0x639: {  	s23 =	simm.s32 $0xFB00  }
0x63a: {  	[tilespmem:s23], [sflag:$0x2] =	stream.indirect_vreg.gather [hbm4b:s17+s3], $0x80, v34, vm1, $0xb8;
	[tilespmem:$0x19300] =	vst v63  }
0x63b: {  	s24 =	simm.s32 $0x10300  }
0x63c: {  	[tilespmem:s24], [sflag:$0x2] =	stream.indirect_vreg.gather [hbm4b:s18+s3], $0x80, v34, vm1, $0xb8;
	[tilespmem:$0x19300] =	vst v63  }
0x63d: {  	s21 =	simm.s32 $0x10B00  }
0x63e: {  	v5 =	vnsel vm0, $0x0, v5;
	[tilespmem:s21], [sflag:$0x2] =	stream.indirect_vreg.gather [hbm4b:s19+s3], $0x80, v34, vm1, $0xb8;
	[tilespmem:$0x19300] =	vst v63  }
0x63f: {  	v5 =	vadd.f32 $0.0e+00, v5;
	_ =	swait.ge [sflag:s1], $0x8000  }
0x640: {  	v6 =	vnsel vm0, $0x0, v6;
	s22 =	sld [smem:$0x7F5]  }
0x641: {  	v5 =	vadd.f32 v6, v5;
	[sflag:s1] =	ssyncset.done $0x0  }
0x642: {  	v6 =	vnsel vm0, $0x0, v7;
	[sflag:s1] =	ssyncadd.s32 $0xFFFF8000  }
0x643: {  	v5 =	vadd.f32 v6, v5;
	[hbm4b:s22+s3] =	stream.linear.scatter [tilespmem:s31], [sflag:$0x6], $0x8000, $0x38;
	[tilespmem:$0x19300] =	vst v63  }
0x644: {  	v6 =	vnsel vm0, $0x0, v8;
	v39 =	vld [tilespmem:$0x1E8]  }
0x645: {  	v5 =	vadd.f32 v6, v5  }
0x646: {  	v7 =	vnsel vm0, $0x0, v9  }
0x647: {  	v5 =	vadd.f32 v7, v5  }
0x648: {  	v7 =	vnsel vm0, $0x0, v10  }
0x649: {  	v5 =	vadd.f32 v7, v5;
	v6 =	vshll.u32 v39, $0x3  }
0x64a: {  	v7 =	vnsel vm0, $0x0, v11;
	v40 =	vand.u32 $0x7F, v39;
	v6 =	vand.u32 $0x7C00, v6  }
0x64b: {  	v5 =	vadd.f32 v7, v5;
	v6 =	vor.u32 v6, v40  }
0x64c: {  	v7 =	vnsel vm0, $0x0, v12;
	v6 =	vor.u32 v2, v6  }
0x64d: {  	v5 =	vadd.f32 v7, v5  }
0x64e: {  	v7 =	vnsel vm0, $0x0, v13  }
0x64f: {  	v5 =	vadd.f32 v7, v5  }
0x650: {  	v7 =	vnsel vm0, $0x0, v14  }
0x651: {  	v5 =	vadd.f32 v7, v5;
	v6 =	vld.idx.msk [tilespmem:v6+s31+$0x0], $0xff;
	_ =	swait.ge [sflag:s26], $0x8000  }
0x652: {  	v7 =	vnsel vm0, $0x0, v15;
	s23 =	sld [smem:$0x7F6]  }
0x653: {  	v5 =	vadd.f32 v7, v5;
	[sflag:s26] =	ssyncset.done $0x0  }
0x654: {  	v41 =	vnsel vm0, $0x0, v16;
	[sflag:s26] =	ssyncadd.s32 $0xFFFF8000  }
0x655: {  	v5 =	vadd.f32 v41, v5;
	[hbm4b:s23+s3] =	stream.linear.scatter [tilespmem:s30], [sflag:$0x4], $0x8000, $0x38;
	[tilespmem:$0x19300] =	vst v63  }
0x656: {  	v42 =	vnsel vm0, $0x0, v17;
	v7 =	vld [tilespmem:$0x1F0]  }
0x657: {  	v5 =	vadd.f32 v42, v5  }
0x658: {  	v43 =	vnsel vm0, $0x0, v18  }
0x659: {  	v5 =	vadd.f32 v43, v5  }
0x65a: {  	v46 =	vnsel vm0, $0x0, v19  }
0x65b: {  	v5 =	vadd.f32 v46, v5;
	v44 =	vshll.u32 v7, $0x3  }
0x65c: {  	v47 =	vnsel vm0, $0x0, v20;
	v7 =	vand.u32 $0x7F, v7;
	v45 =	vand.u32 $0x7C00, v44  }
0x65d: {  	v5 =	vadd.f32 v47, v5;
	v7 =	vor.u32 v45, v7  }
0x65e: {  	v48 =	vnsel vm0, $0x0, v21;
	v7 =	vor.u32 v2, v7  }
0x65f: {  	v5 =	vadd.f32 v48, v5  }
0x660: {  	v49 =	vnsel vm0, $0x0, v22  }
0x661: {  	v5 =	vadd.f32 v49, v5  }
0x662: {  	v50 =	vnsel vm0, $0x0, v23  }
0x663: {  	v5 =	vadd.f32 v50, v5;
	v7 =	vld.idx.msk [tilespmem:v7+s30+$0x0], $0xff;
	_ =	swait.ge [sflag:s29], $0x8000  }
0x664: {  	v51 =	vnsel vm0, $0x0, v24;
	s24 =	sld [smem:$0x7F8]  }
0x665: {  	v5 =	vadd.f32 v51, v5;
	[sflag:s29] =	ssyncset.done $0x0  }
0x666: {  	v52 =	vnsel vm0, $0x0, v25;
	[sflag:s29] =	ssyncadd.s32 $0xFFFF8000  }
0x667: {  	v5 =	vadd.f32 v52, v5;
	[hbm4b:s24+s3] =	stream.linear.scatter [tilespmem:s25], [sflag:$0x5], $0x8000, $0x38;
	[tilespmem:$0x19300] =	vst v63  }
0x668: {  	v54 =	vnsel vm0, $0x0, v26;
	v53 =	vld [tilespmem:$0x1F8]  }
0x669: {  	v5 =	vadd.f32 v54, v5  }
0x66a: {  	v55 =	vnsel vm0, $0x0, v27  }
0x66b: {  	v5 =	vadd.f32 v55, v5  }
0x66c: {  	v56 =	vnsel vm0, $0x0, v28  }
0x66d: {  	v5 =	vadd.f32 v56, v5;
	v57 =	vshll.u32 v53, $0x3  }
0x66e: {  	v59 =	vnsel vm0, $0x0, v29;
	v8 =	vand.u32 $0x7F, v53;
	v58 =	vand.u32 $0x7C00, v57  }
0x66f: {  	v5 =	vadd.f32 v59, v5;
	v8 =	vor.u32 v58, v8  }
0x670: {  	v60 =	vnsel vm0, $0x0, v30;
	v8 =	vor.u32 v2, v8  }
0x671: {  	v5 =	vadd.f32 v60, v5  }
0x672: {  	v61 =	vnsel vm0, $0x0, v31  }
0x673: {  	v5 =	vadd.f32 v61, v5  }
0x674: {  	v62 =	vnsel vm0, $0x0, v32  }
0x675: {  	v5 =	vadd.f32 v62, v5;
	v8 =	vld.idx.msk [tilespmem:v8+s25+$0x0], $0xff;
	_ =	swait.ge [sflag:s28], $0x8000  }
0x676: {  	v63 =	vnsel vm0, $0x0, v33;
	[sflag:s28] =	ssyncset.done $0x0  }
0x677: {  	v5 =	vadd.f32 v63, v5;
	[sflag:s28] =	ssyncadd.s32 $0xFFFF8000  }
0x678: {  	v6 =	vnsel vm0, $0x0, v6;
	_ =	swait.ge [sflag:s0], $0x8000  }
0x679: {  	v5 =	vadd.f32 v6, v5;
	[sflag:s0] =	ssyncset.done $0x0  }
0x67a: {  	v6 =	vnsel vm0, $0x0, v7;
	[sflag:s0] =	ssyncadd.s32 $0xFFFF8000  }
0x67b: {  	v5 =	vadd.f32 v6, v5;
	_ =	swait.ge [sflag:s2], $0x8000  }
0x67c: {  	v6 =	vnsel vm0, $0x0, v8;
	s0 =	sld [smem:$0x7F9]  }
0x67d: {  	v5 =	vadd.f32 v6, v5;
	[sflag:s2] =	ssyncset.done $0x0;
	s1 =	sld [smem:$0x7FC]  }
0x67e: {  	[sflag:s2] =	ssyncadd.s32 $0xFFFF8000  }
0x67f: {  	s2 =	simm.s32 $0x7;
	[tilespmem:$0x280] =	vst v5  }
0x680: {  	[hbm4b:s0+s3] =	stream.linear.scatter [tilespmem:s1], [sflag:$0x7], $0x10, $0x38;
	[tilespmem:$0x19300] =	vst v63  }
0x681: {  	_ =	swait.ge [sflag:s2], $0x10  }
0x682: {  	[sflag:s2] =	ssyncset.done $0x0  }
0x683: {  	[sflag:s2] =	ssyncadd.s32 $0xFFFFFFF0  }
0x684: {  	[tilespmem:$0x300] =	vst v3  }
0x685: {  	[tilespmem:$0x310] =	vst v3  }
0x686: {  	[tilespmem:$0x320] =	vst v3  }
0x687: {  	[tilespmem:$0x330] =	vst v3  }
0x688: {  	[tilespmem:$0x340] =	vst v3  }
0x689: {  	[tilespmem:$0x350] =	vst v3  }
0x68a: {  	[tilespmem:$0x360] =	vst v3  }
0x68b: {  	[tilespmem:$0x370] =	vst v3  }
0x68c: {  	[tilespmem:$0x380] =	vst v3  }
0x68d: {  	[tilespmem:$0x390] =	vst v3  }
0x68e: {  	[tilespmem:$0x3A0] =	vst v3  }
0x68f: {  	[tilespmem:$0x3B0] =	vst v3  }
0x690: {  	[tilespmem:$0x3C0] =	vst v3  }
0x691: {  	[tilespmem:$0x3D0] =	vst v3  }
0x692: {  	[tilespmem:$0x3E0] =	vst v3  }
0x693: {  	[tilespmem:$0x3F0] =	vst v3  }
0x694: {  	[tilespmem:$0x400] =	vst v3  }
0x695: {  	[tilespmem:$0x410] =	vst v3  }
0x696: {  	[tilespmem:$0x420] =	vst v3  }
0x697: {  	[tilespmem:$0x430] =	vst v3  }
0x698: {  	[tilespmem:$0x440] =	vst v3  }
0x699: {  	[tilespmem:$0x450] =	vst v3  }
0x69a: {  	[tilespmem:$0x460] =	vst v3  }
0x69b: {  	[tilespmem:$0x470] =	vst v3  }
0x69c: {  	[tilespmem:$0x480] =	vst v3  }
0x69d: {  	[tilespmem:$0x490] =	vst v3  }
0x69e: {  	[tilespmem:$0x4A0] =	vst v3  }
0x69f: {  	[tilespmem:$0x4B0] =	vst v3  }
0x6a0: {  	[tilespmem:$0x4C0] =	vst v3  }
0x6a1: {  	[tilespmem:$0x4D0] =	vst v3  }
0x6a2: {  	[tilespmem:$0x4E0] =	vst v3  }
0x6a3: {  	[tilespmem:$0x4F0] =	vst v3  }
0x6a4: {  	[tilespmem:$0x500] =	vst v3  }
0x6a5: {  	[tilespmem:$0x510] =	vst v3  }
0x6a6: {  	[tilespmem:$0x520] =	vst v3  }
0x6a7: {  	[tilespmem:$0x530] =	vst v3  }
0x6a8: {  	[tilespmem:$0x540] =	vst v3  }
0x6a9: {  	[tilespmem:$0x550] =	vst v3  }
0x6aa: {  	[tilespmem:$0x560] =	vst v3  }
0x6ab: {  	[tilespmem:$0x570] =	vst v3  }
0x6ac: {  	[tilespmem:$0x580] =	vst v3  }
0x6ad: {  	[tilespmem:$0x590] =	vst v3  }
0x6ae: {  	[tilespmem:$0x5A0] =	vst v3  }
0x6af: {  	[tilespmem:$0x5B0] =	vst v3  }
0x6b0: {  	[tilespmem:$0x5C0] =	vst v3  }
0x6b1: {  	[tilespmem:$0x5D0] =	vst v3  }
0x6b2: {  	[tilespmem:$0x5E0] =	vst v3  }
0x6b3: {  	[tilespmem:$0x5F0] =	vst v3  }
0x6b4: {  	[tilespmem:$0x600] =	vst v3  }
0x6b5: {  	[tilespmem:$0x610] =	vst v3  }
0x6b6: {  	[tilespmem:$0x620] =	vst v3  }
0x6b7: {  	[tilespmem:$0x630] =	vst v3  }
0x6b8: {  	[tilespmem:$0x640] =	vst v3  }
0x6b9: {  	[tilespmem:$0x650] =	vst v3  }
0x6ba: {  	[tilespmem:$0x660] =	vst v3  }
0x6bb: {  	[tilespmem:$0x670] =	vst v3  }
0x6bc: {  	[tilespmem:$0x680] =	vst v3  }
0x6bd: {  	[tilespmem:$0x690] =	vst v3  }
0x6be: {  	[tilespmem:$0x6A0] =	vst v3  }
0x6bf: {  	[tilespmem:$0x6B0] =	vst v3  }
0x6c0: {  	[tilespmem:$0x6C0] =	vst v3  }
0x6c1: {  	[tilespmem:$0x6D0] =	vst v3  }
0x6c2: {  	[tilespmem:$0x6E0] =	vst v3  }
0x6c3: {  	[tilespmem:$0x6F0] =	vst v3  }
0x6c4: {  	[tilespmem:$0x700] =	vst v3  }
0x6c5: {  	[tilespmem:$0x710] =	vst v3  }
0x6c6: {  	[tilespmem:$0x720] =	vst v3  }
0x6c7: {  	[tilespmem:$0x730] =	vst v3  }
0x6c8: {  	[tilespmem:$0x740] =	vst v3  }
0x6c9: {  	[tilespmem:$0x750] =	vst v3  }
0x6ca: {  	[tilespmem:$0x760] =	vst v3  }
0x6cb: {  	[tilespmem:$0x770] =	vst v3  }
0x6cc: {  	[tilespmem:$0x780] =	vst v3  }
0x6cd: {  	[tilespmem:$0x790] =	vst v3  }
0x6ce: {  	[tilespmem:$0x7A0] =	vst v3  }
0x6cf: {  	[tilespmem:$0x7B0] =	vst v3  }
0x6d0: {  	[tilespmem:$0x7C0] =	vst v3  }
0x6d1: {  	[tilespmem:$0x7D0] =	vst v3  }
0x6d2: {  	[tilespmem:$0x7E0] =	vst v3  }
0x6d3: {  	[tilespmem:$0x7F0] =	vst v3  }
0x6d4: {  	[tilespmem:$0x800] =	vst v3  }
0x6d5: {  	[tilespmem:$0x810] =	vst v3  }
0x6d6: {  	[tilespmem:$0x820] =	vst v3  }
0x6d7: {  	[tilespmem:$0x830] =	vst v3  }
0x6d8: {  	[tilespmem:$0x840] =	vst v3  }
0x6d9: {  	[tilespmem:$0x850] =	vst v3  }
0x6da: {  	[tilespmem:$0x860] =	vst v3  }
0x6db: {  	[tilespmem:$0x870] =	vst v3  }
0x6dc: {  	[tilespmem:$0x880] =	vst v3  }
0x6dd: {  	[tilespmem:$0x890] =	vst v3  }
0x6de: {  	[tilespmem:$0x8A0] =	vst v3  }
0x6df: {  	[tilespmem:$0x8B0] =	vst v3  }
0x6e0: {  	[tilespmem:$0x8C0] =	vst v3  }
0x6e1: {  	[tilespmem:$0x8D0] =	vst v3  }
0x6e2: {  	[tilespmem:$0x8E0] =	vst v3  }
0x6e3: {  	[tilespmem:$0x8F0] =	vst v3  }
0x6e4: {  	[tilespmem:$0x900] =	vst v3  }
0x6e5: {  	[tilespmem:$0x910] =	vst v3  }
0x6e6: {  	[tilespmem:$0x920] =	vst v3  }
0x6e7: {  	[tilespmem:$0x930] =	vst v3  }
0x6e8: {  	[tilespmem:$0x940] =	vst v3  }
0x6e9: {  	[tilespmem:$0x950] =	vst v3  }
0x6ea: {  	[tilespmem:$0x960] =	vst v3  }
0x6eb: {  	[tilespmem:$0x970] =	vst v3  }
0x6ec: {  	[tilespmem:$0x980] =	vst v3  }
0x6ed: {  	[tilespmem:$0x990] =	vst v3  }
0x6ee: {  	[tilespmem:$0x9A0] =	vst v3  }
0x6ef: {  	[tilespmem:$0x9B0] =	vst v3  }
0x6f0: {  	[tilespmem:$0x9C0] =	vst v3  }
0x6f1: {  	[tilespmem:$0x9D0] =	vst v3  }
0x6f2: {  	[tilespmem:$0x9E0] =	vst v3  }
0x6f3: {  	[tilespmem:$0x9F0] =	vst v3  }
0x6f4: {  	[tilespmem:$0xA00] =	vst v3  }
0x6f5: {  	[tilespmem:$0xA10] =	vst v3  }
0x6f6: {  	[tilespmem:$0xA20] =	vst v3  }
0x6f7: {  	[tilespmem:$0xA30] =	vst v3  }
0x6f8: {  	[tilespmem:$0xA40] =	vst v3  }
0x6f9: {  	[tilespmem:$0xA50] =	vst v3  }
0x6fa: {  	[tilespmem:$0xA60] =	vst v3  }
0x6fb: {  	[tilespmem:$0xA70] =	vst v3  }
0x6fc: {  	[tilespmem:$0xA80] =	vst v3  }
0x6fd: {  	[tilespmem:$0xA90] =	vst v3  }
0x6fe: {  	[tilespmem:$0xAA0] =	vst v3  }
0x6ff: {  	[tilespmem:$0xAB0] =	vst v3  }
0x700: {  	[tilespmem:$0xAC0] =	vst v3  }
0x701: {  	[tilespmem:$0xAD0] =	vst v3  }
0x702: {  	[tilespmem:$0xAE0] =	vst v3  }
0x703: {  	[tilespmem:$0xAF0] =	vst v3  }
0x704: {  	[tilespmem:$0xB00] =	vst v3  }
0x705: {  	[tilespmem:$0xB10] =	vst v3  }
0x706: {  	[tilespmem:$0xB20] =	vst v3  }
0x707: {  	[tilespmem:$0xB30] =	vst v3  }
0x708: {  	[tilespmem:$0xB40] =	vst v3  }
0x709: {  	[tilespmem:$0xB50] =	vst v3  }
0x70a: {  	[tilespmem:$0xB60] =	vst v3  }
0x70b: {  	[tilespmem:$0xB70] =	vst v3  }
0x70c: {  	[tilespmem:$0xB80] =	vst v3  }
0x70d: {  	[tilespmem:$0xB90] =	vst v3  }
0x70e: {  	[tilespmem:$0xBA0] =	vst v3  }
0x70f: {  	[tilespmem:$0xBB0] =	vst v3  }
0x710: {  	[tilespmem:$0xBC0] =	vst v3  }
0x711: {  	[tilespmem:$0xBD0] =	vst v3  }
0x712: {  	[tilespmem:$0xBE0] =	vst v3  }
0x713: {  	[tilespmem:$0xBF0] =	vst v3  }
0x714: {  	[tilespmem:$0xC00] =	vst v3  }
0x715: {  	[tilespmem:$0xC10] =	vst v3  }
0x716: {  	[tilespmem:$0xC20] =	vst v3  }
0x717: {  	[tilespmem:$0xC30] =	vst v3  }
0x718: {  	[tilespmem:$0xC40] =	vst v3  }
0x719: {  	[tilespmem:$0xC50] =	vst v3  }
0x71a: {  	[tilespmem:$0xC60] =	vst v3  }
0x71b: {  	[tilespmem:$0xC70] =	vst v3  }
0x71c: {  	[tilespmem:$0xC80] =	vst v3  }
0x71d: {  	[tilespmem:$0xC90] =	vst v3  }
0x71e: {  	[tilespmem:$0xCA0] =	vst v3  }
0x71f: {  	[tilespmem:$0xCB0] =	vst v3  }
0x720: {  	[tilespmem:$0xCC0] =	vst v3  }
0x721: {  	[tilespmem:$0xCD0] =	vst v3  }
0x722: {  	[tilespmem:$0xCE0] =	vst v3  }
0x723: {  	[tilespmem:$0xCF0] =	vst v3  }
0x724: {  	[tilespmem:$0xD00] =	vst v3  }
0x725: {  	[tilespmem:$0xD10] =	vst v3  }
0x726: {  	[tilespmem:$0xD20] =	vst v3  }
0x727: {  	[tilespmem:$0xD30] =	vst v3  }
0x728: {  	[tilespmem:$0xD40] =	vst v3  }
0x729: {  	[tilespmem:$0xD50] =	vst v3  }
0x72a: {  	[tilespmem:$0xD60] =	vst v3  }
0x72b: {  	[tilespmem:$0xD70] =	vst v3  }
0x72c: {  	[tilespmem:$0xD80] =	vst v3  }
0x72d: {  	[tilespmem:$0xD90] =	vst v3  }
0x72e: {  	[tilespmem:$0xDA0] =	vst v3  }
0x72f: {  	[tilespmem:$0xDB0] =	vst v3  }
0x730: {  	[tilespmem:$0xDC0] =	vst v3  }
0x731: {  	[tilespmem:$0xDD0] =	vst v3  }
0x732: {  	[tilespmem:$0xDE0] =	vst v3  }
0x733: {  	[tilespmem:$0xDF0] =	vst v3  }
0x734: {  	[tilespmem:$0xE00] =	vst v3  }
0x735: {  	[tilespmem:$0xE10] =	vst v3  }
0x736: {  	[tilespmem:$0xE20] =	vst v3  }
0x737: {  	[tilespmem:$0xE30] =	vst v3  }
0x738: {  	[tilespmem:$0xE40] =	vst v3  }
0x739: {  	[tilespmem:$0xE50] =	vst v3  }
0x73a: {  	[tilespmem:$0xE60] =	vst v3  }
0x73b: {  	[tilespmem:$0xE70] =	vst v3  }
0x73c: {  	[tilespmem:$0xE80] =	vst v3  }
0x73d: {  	[tilespmem:$0xE90] =	vst v3  }
0x73e: {  	[tilespmem:$0xEA0] =	vst v3  }
0x73f: {  	[tilespmem:$0xEB0] =	vst v3  }
0x740: {  	[tilespmem:$0xEC0] =	vst v3  }
0x741: {  	[tilespmem:$0xED0] =	vst v3  }
0x742: {  	[tilespmem:$0xEE0] =	vst v3  }
0x743: {  	[tilespmem:$0xEF0] =	vst v3  }
0x744: {  	[tilespmem:$0xF00] =	vst v3  }
0x745: {  	[tilespmem:$0xF10] =	vst v3  }
0x746: {  	[tilespmem:$0xF20] =	vst v3  }
0x747: {  	[tilespmem:$0xF30] =	vst v3  }
0x748: {  	[tilespmem:$0xF40] =	vst v3  }
0x749: {  	[tilespmem:$0xF50] =	vst v3  }
0x74a: {  	[tilespmem:$0xF60] =	vst v3  }
0x74b: {  	[tilespmem:$0xF70] =	vst v3  }
0x74c: {  	[tilespmem:$0xF80] =	vst v3  }
0x74d: {  	[tilespmem:$0xF90] =	vst v3  }
0x74e: {  	[tilespmem:$0xFA0] =	vst v3  }
0x74f: {  	[tilespmem:$0xFB0] =	vst v3  }
0x750: {  	[tilespmem:$0xFC0] =	vst v3  }
0x751: {  	[tilespmem:$0xFD0] =	vst v3  }
0x752: {  	[tilespmem:$0xFE0] =	vst v3  }
0x753: {  	[tilespmem:$0xFF0] =	vst v3  }
0x754: {  	[tilespmem:$0x1000] =	vst v3  }
0x755: {  	[tilespmem:$0x1010] =	vst v3  }
0x756: {  	[tilespmem:$0x1020] =	vst v3  }
0x757: {  	[tilespmem:$0x1030] =	vst v3  }
0x758: {  	[tilespmem:$0x1040] =	vst v3  }
0x759: {  	[tilespmem:$0x1050] =	vst v3  }
0x75a: {  	[tilespmem:$0x1060] =	vst v3  }
0x75b: {  	[tilespmem:$0x1070] =	vst v3  }
0x75c: {  	[tilespmem:$0x1080] =	vst v3  }
0x75d: {  	[tilespmem:$0x1090] =	vst v3  }
0x75e: {  	[tilespmem:$0x10A0] =	vst v3  }
0x75f: {  	[tilespmem:$0x10B0] =	vst v3  }
0x760: {  	[tilespmem:$0x10C0] =	vst v3  }
0x761: {  	[tilespmem:$0x10D0] =	vst v3  }
0x762: {  	[tilespmem:$0x10E0] =	vst v3  }
0x763: {  	[tilespmem:$0x10F0] =	vst v3  }
0x764: {  	[tilespmem:$0x1100] =	vst v3  }
0x765: {  	[tilespmem:$0x1110] =	vst v3  }
0x766: {  	[tilespmem:$0x1120] =	vst v3  }
0x767: {  	[tilespmem:$0x1130] =	vst v3  }
0x768: {  	[tilespmem:$0x1140] =	vst v3  }
0x769: {  	[tilespmem:$0x1150] =	vst v3  }
0x76a: {  	[tilespmem:$0x1160] =	vst v3  }
0x76b: {  	[tilespmem:$0x1170] =	vst v3  }
0x76c: {  	[tilespmem:$0x1180] =	vst v3  }
0x76d: {  	[tilespmem:$0x1190] =	vst v3  }
0x76e: {  	[tilespmem:$0x11A0] =	vst v3  }
0x76f: {  	[tilespmem:$0x11B0] =	vst v3  }
0x770: {  	[tilespmem:$0x11C0] =	vst v3  }
0x771: {  	[tilespmem:$0x11D0] =	vst v3  }
0x772: {  	[tilespmem:$0x11E0] =	vst v3  }
0x773: {  	[tilespmem:$0x11F0] =	vst v3  }
0x774: {  	[tilespmem:$0x1200] =	vst v3  }
0x775: {  	[tilespmem:$0x1210] =	vst v3  }
0x776: {  	[tilespmem:$0x1220] =	vst v3  }
0x777: {  	[tilespmem:$0x1230] =	vst v3  }
0x778: {  	[tilespmem:$0x1240] =	vst v3  }
0x779: {  	[tilespmem:$0x1250] =	vst v3  }
0x77a: {  	[tilespmem:$0x1260] =	vst v3  }
0x77b: {  	[tilespmem:$0x1270] =	vst v3  }
0x77c: {  	[tilespmem:$0x1280] =	vst v3;
	v5 =	vld [tilespmem:$0x0]  }
0x77d: {  	[tilespmem:$0x1290] =	vst v3  }
0x77e: {  	[tilespmem:$0x12A0] =	vst v3  }
0x77f: {  	[tilespmem:$0x12B0] =	vst v3  }
0x780: {  	[tilespmem:$0x12C0] =	vst v3  }
0x781: {  	[tilespmem:$0x12D0] =	vst v3  }
0x782: {  	[tilespmem:$0x12E0] =	vst v3  }
0x783: {  	s22 =	simm.s32 $0x300;
	[tilespmem:$0x12F0] =	vst v3  }
0x784: {  	[tilespmem:v5+s22+$0x0] =	vst.idx.add.f32.msk $0xffff, v4  }
0x785: {  	v5 =	vld [tilespmem:$0x10];
	_ =	sdelay $0x7  }
0x786: {  	[tilespmem:v5+s22+$0x0] =	vst.idx.add.f32.msk $0xffff, v4  }
0x787: {  	v5 =	vld [tilespmem:$0x20];
	_ =	sdelay $0x7  }
0x788: {  	[tilespmem:v5+s22+$0x0] =	vst.idx.add.f32.msk $0xffff, v4  }
0x789: {  	v5 =	vld [tilespmem:$0x30];
	_ =	sdelay $0x7  }
0x78a: {  	[tilespmem:v5+s22+$0x0] =	vst.idx.add.f32.msk $0xffff, v4  }
0x78b: {  	v5 =	vld [tilespmem:$0x40];
	_ =	sdelay $0x7  }
0x78c: {  	[tilespmem:v5+s22+$0x0] =	vst.idx.add.f32.msk $0xffff, v4  }
0x78d: {  	v5 =	vld [tilespmem:$0x50];
	_ =	sdelay $0x7  }
0x78e: {  	[tilespmem:v5+s22+$0x0] =	vst.idx.add.f32.msk $0xffff, v4  }
0x78f: {  	v5 =	vld [tilespmem:$0x60];
	_ =	sdelay $0x7  }
0x790: {  	[tilespmem:v5+s22+$0x0] =	vst.idx.add.f32.msk $0xffff, v4  }
0x791: {  	v5 =	vld [tilespmem:$0x70];
	_ =	sdelay $0x7  }
0x792: {  	[tilespmem:v5+s22+$0x0] =	vst.idx.add.f32.msk $0xffff, v4  }
0x793: {  	v5 =	vld [tilespmem:$0x80];
	_ =	sdelay $0x7  }
0x794: {  	[tilespmem:v5+s22+$0x0] =	vst.idx.add.f32.msk $0xffff, v4  }
0x795: {  	v5 =	vld [tilespmem:$0x90];
	_ =	sdelay $0x7  }
0x796: {  	[tilespmem:v5+s22+$0x0] =	vst.idx.add.f32.msk $0xffff, v4  }
0x797: {  	v5 =	vld [tilespmem:$0xA0];
	_ =	sdelay $0x7  }
0x798: {  	[tilespmem:v5+s22+$0x0] =	vst.idx.add.f32.msk $0xffff, v4  }
0x799: {  	v5 =	vld [tilespmem:$0xB0];
	_ =	sdelay $0x7  }
0x79a: {  	[tilespmem:v5+s22+$0x0] =	vst.idx.add.f32.msk $0xffff, v4  }
0x79b: {  	v5 =	vld [tilespmem:$0xC0];
	_ =	sdelay $0x7  }
0x79c: {  	[tilespmem:v5+s22+$0x0] =	vst.idx.add.f32.msk $0xffff, v4  }
0x79d: {  	v5 =	vld [tilespmem:$0xD0];
	_ =	sdelay $0x7  }
0x79e: {  	[tilespmem:v5+s22+$0x0] =	vst.idx.add.f32.msk $0xffff, v4  }
0x79f: {  	v5 =	vld [tilespmem:$0xE0];
	_ =	sdelay $0x7  }
0x7a0: {  	[tilespmem:v5+s22+$0x0] =	vst.idx.add.f32.msk $0xffff, v4  }
0x7a1: {  	v5 =	vld [tilespmem:$0xF0];
	_ =	sdelay $0x4  }
0x7a2: {  	s23 =	sld [smem:$0x7FA]  }
0x7a3: {  	s24 =	sld [smem:$0x7FD]  }
0x7a4: {  	p0 =	sne.s32 s20, $0x1  }
.Ltmp0:
0x7a5: {  	s4 =	simm.s32 $0x7;
	s29 =	simm.s32 $0x80;
	[tilespmem:v5+s22+$0x0] =	vst.idx.add.f32.msk $0xffff, v4;
	(pc) =	sbr.rel @p0 .LBB2_1-.Ltmp0, $4  }
0x7a6: {  	[hbm4b:s23+s29] =	stream.strided.scatter [tilespmem:s22], [sflag:$0x7], $0x1000, s24, s29, $0x38;
	[tilespmem:$0x19300] =	vst v63  }
0x7a7: {  	_ =	swait.ge [sflag:s4], $0x1000  }
0x7a8: {  	[sflag:s4] =	ssyncset.done $0x0  }
0x7a9: {  	s20 =	sadd.s32 $0xFFFFFFFF, s20;
	[sflag:s4] =	ssyncadd.s32 $0xFFFFF000  }
0x7aa: {  	_ =	sfence.sel $0x180000  }
0x7ab: {  	[bflag:$0x0] =	sbarrier.arrive $0xFFFF  }
0x7ac: {  	_ =	strace $0x90000047  }
0x7ad: {  	s0 =	stileid.u32;
	[bflag:$0x2] =	sbarrier.arrive $0xFFFF  }
0x7ae: {  	p0 =	sne.s32 s0, $0x0;
	s0 =	rddreg [dreg:$0x5]  }
0x7af: {  	s0 =	sadd.s32 @!p0 $0x100000, s0  }
0x7b0: {  	[sflag:s0] =	ssyncadd.tile.s32 @!p0 $0x1;
	_ =	shalt  }
.Lfunc_end2:
_tile_overlayer_lowered:
.L_overlay_start_2:
0x7b1: {  	(tag) =	ssettag $0x2  }
0x7b2: {  	s0 =	rddreg [dreg:$0x0];
	s2 =	stileid.u32  }
0x7b3: {  	s1 =	rddreg [dreg:$0x1];
	p0 =	sne.s32 s2, $0x0  }
0x7b4: {  	s3 =	rddreg [dreg:$0x2];
	[bflag:$0x3] =	sbarrier.arrive $0xFFFF;
	s2 =	simm.s32 @!p0 $0x1C07  }
0x7b5: {  	[timem:s3], [sflag:s2] =	dma.local @!p0 [hbm:s0], s1  }
0x7b6: {  	s0 =	simm.s32 @!p0 $0x7  }
0x7b7: {  	_ =	swait.ge @!p0 [sflag:s0], s1  }
0x7b8: {  	s1 =	ssub.s32 @!p0 $0x0, s1;
	[sflag:s0] =	ssyncset.done @!p0 $0x0  }
0x7b9: {  	[sflag:s0] =	ssyncadd.s32 @!p0 s1  }
0x7ba: {  	[bflag:$0x3] =	sbarrier.arrive $0xFFFF  }
0x7bb: {  	_ =	shalt  }

</sc_bundles>
